<compile_context>
chip_gen: v7x
topology: tpu7x:2x2x1
jax: 0.10.2.dev20260603
libtpu: 0.0.44.dev20260713+nightly
codegen_flags: <defaults>
</compile_context>

<pallas_src>
import jax
import jax.numpy as jnp
from jax import lax
from jax.experimental import pallas as pl
from jax.experimental.pallas import tpu as pltpu
from jax.experimental.pallas import tpu_sc as plsc

_B = 32
_NODE = 714
_NPAD = 768
_EPG = 11424
_POI = 5099
_CAT = 400
_GC = 128
_CH = 96
_NCH = _NPAD // _CH
_EIT = _EPG // 32
_GCH = 128
_NGCH = _NPAD // _GCH

_f32 = jnp.float32
_bf16 = jnp.bfloat16


def _lrelu(x):
  return jnp.where(x >= 0, x, 0.01 * x)


def _split_dot(a_bf, u):
  u_hi = u.astype(_bf16)
  r1 = u - u_hi.astype(_f32)
  u_md = r1.astype(_bf16)
  u_lo = (r1 - u_md.astype(_f32)).astype(_bf16)
  return (jnp.dot(a_bf, u_hi, preferred_element_type=_f32)
          + jnp.dot(a_bf, u_md, preferred_element_type=_f32)
          + jnp.dot(a_bf, u_lo, preferred_element_type=_f32))


def _dot3(x, w):
  return jnp.dot(x.astype(_bf16), w.astype(_bf16),
                 preferred_element_type=_f32)


def _proj_body(poi_ref, wp_ref, cat_ref, wc_ref, p_ref, c_ref):
  p_ref[...] = _dot3(poi_ref[...], wp_ref[...])
  c_ref[...] = _dot3(cat_ref[...], wc_ref[...])


def _project_tables(poi_table, wp, cat_table, wc):
  return pl.pallas_call(
      _proj_body,
      out_shape=[jax.ShapeDtypeStruct((_POI, _GC), _f32),
                 jax.ShapeDtypeStruct((_CAT, _GC), _f32)],
  )(poi_table, wp, cat_table, wc)


def _adj_body(edges_hbm, acnt_hbm, src_v, dst_v, achunk):
  g = lax.axis_index("s") * 2 + lax.axis_index("c")
  pltpu.sync_copy(edges_hbm.at[g, 0], src_v)
  pltpu.sync_copy(edges_hbm.at[g, 1], dst_v)

  zeros16 = jnp.zeros((16,), _f32)
  ones16 = jnp.ones((16,), _f32)

  def zbody(i, _):
    r = i * 2
    for q in range(2):
      for k in range(_NPAD // 16):
        achunk[r + q, pl.ds(k * 16, 16)] = zeros16
    return 0
  lax.fori_loop(0, _CH // 2, zbody, 0)

  for c in range(_NCH):
    lo = c * _CH

    def ebody(i, _):
      for q in range(2):
        sl = pl.ds(i * 32 + q * 16, 16)
        sv = src_v[sl]
        rel = dst_v[sl] - lo
        msk = (rel >= 0) & (rel < _CH)
        rel = jnp.where(msk, rel, 0)
        plsc.addupdate_scatter(achunk, [rel, sv], ones16, mask=msk)
      return 0
    lax.fori_loop(0, _EIT, ebody, 0)

    pltpu.sync_copy(achunk, acnt_hbm.at[g, pl.ds(lo, _CH)])

    if c + 1 < _NCH:
      def rbody(i, _):
        for q in range(2):
          sl = pl.ds(i * 32 + q * 16, 16)
          sv = src_v[sl]
          rel = dst_v[sl] - lo
          msk = (rel >= 0) & (rel < _CH)
          rel = jnp.where(msk, rel, 0)
          plsc.store_scatter(achunk, [rel, sv], zeros16, mask=msk)
        return 0
      lax.fori_loop(0, _EIT, rbody, 0)


def _build_adjacency(edges_i32):
  mesh = plsc.VectorSubcoreMesh(core_axis_name="c", subcore_axis_name="s",
                                num_cores=2, num_subcores=16)
  k = pl.kernel(
      _adj_body,
      out_type=jax.ShapeDtypeStruct((_B, _NPAD, _NPAD), _f32),
      mesh=mesh,
      scratch_types=[
          pltpu.VMEM((_EPG,), jnp.int32),
          pltpu.VMEM((_EPG,), jnp.int32),
          pltpu.VMEM((_CH, _NPAD), _f32),
      ],
      compiler_params=pltpu.CompilerParams(needs_layout_passes=False),
  )
  return k(edges_i32)


def _gath_body(p_hbm, c_hbm, ip_hbm, ic_hbm, xw_hbm, ipv, icv, buf_a, buf_b,
               sem_a, sem_b):
  g = lax.axis_index("s") * 2 + lax.axis_index("c")
  pltpu.sync_copy(ip_hbm.at[g], ipv)
  pltpu.sync_copy(ic_hbm.at[g], icv)
  nb = 2
  cps = {}
  for j in range(nb):
    cps[j] = (pltpu.async_copy(p_hbm.at[ipv.at[j]], buf_a.at[j],
                               sem_a.at[j]),
              pltpu.async_copy(c_hbm.at[icv.at[j]], buf_b.at[j],
                               sem_b.at[j]))
  for j in range(_NGCH):
    s_ = j % nb
    cps[j][0].wait()
    cps[j][1].wait()

    def abody(r, _):
      for k in range(_GC // 16):
        sl = pl.ds(k * 16, 16)
        buf_a[s_, r, sl] = buf_a[s_, r, sl] + buf_b[s_, r, sl]
      return 0
    lax.fori_loop(0, _GCH, abody, 0)
    pltpu.sync_copy(buf_a.at[s_], xw_hbm.at[g, pl.ds(j * _GCH, _GCH)])
    if j + nb < _NGCH:
      cps[j + nb] = (
          pltpu.async_copy(p_hbm.at[ipv.at[j + nb]], buf_a.at[s_],
                           sem_a.at[s_]),
          pltpu.async_copy(c_hbm.at[icv.at[j + nb]], buf_b.at[s_],
                           sem_b.at[s_]))


def _gather_embeddings(p_tab, c_tab, ip, ic):
  mesh = plsc.VectorSubcoreMesh(core_axis_name="c", subcore_axis_name="s",
                                num_cores=2, num_subcores=16)
  k = pl.kernel(
      _gath_body,
      out_type=jax.ShapeDtypeStruct((_B, _NPAD, _GC), _f32),
      mesh=mesh,
      scratch_types=[
          pltpu.VMEM((_NGCH, _GCH), jnp.int32),
          pltpu.VMEM((_NGCH, _GCH), jnp.int32),
          pltpu.VMEM((2, _GCH, _GC), _f32),
          pltpu.VMEM((2, _GCH, _GC), _f32),
          pltpu.SemaphoreType.DMA((2,)),
          pltpu.SemaphoreType.DMA((2,)),
      ],
      compiler_params=pltpu.CompilerParams(needs_layout_passes=False),
  )
  return k(p_tab, c_tab, ip, ic)


def _conv_body(acnt_ref, xw_ref, rest_ref, wr_ref, bin_ref, wg_ref, bg_ref,
               wo_ref, bo_ref, f1w_ref, f1b_ref, f2w_ref, f2b_ref, out_ref,
               hbuf):
  g = pl.program_id(0)
  a = acnt_ref[...]
  a_bf = a.astype(_bf16)
  deg = jnp.sum(a, axis=1) + 1.0
  dinv = lax.rsqrt(deg)
  dcol = dinv[:, None]

  def conv(t):
    u = t * dcol
    return (_split_dot(a_bf, u) + u) * dcol

  t = xw_ref[...] + _dot3(rest_ref[...], wr_ref[...])
  h = _lrelu(conv(t) + bin_ref[...])
  for i in range(3):
    hw = _dot3(h, wg_ref[i])
    ti = conv(hw) + bg_ref[i][None, :]
    h = _lrelu(ti) + ti
  v = jnp.sum(h * wo_ref[...], axis=1)
  uv = v * dinv
  sv = jnp.sum(a * uv[None, :], axis=1) + uv
  bscal = jnp.sum(bo_ref[...])
  hv = _lrelu(sv * dinv + bscal)
  hbuf[pl.ds(g, 1), :] = hv[None, :]

  @pl.when(g == _B - 1)
  def _():
    hh = hbuf[...]
    z = jnp.maximum(_dot3(hh, f1w_ref[...]) + f1b_ref[...], 0.0)
    out_ref[...] = jnp.maximum(_dot3(z, f2w_ref[...]) + f2b_ref[...], 0.0)


def _conv_stack(acnt, xw0, rest, wr, b_in, Wg, bg, wo_row, bo_row, f1w, f1b,
                f2w, f2b):
  def c2(g): return (0, 0)
  def c3(g): return (0, 0, 0)
  return pl.pallas_call(
      _conv_body,
      grid=(_B,),
      in_specs=[
          pl.BlockSpec((None, _NPAD, _NPAD), lambda g: (g, 0, 0)),
          pl.BlockSpec((None, _NPAD, _GC), lambda g: (g, 0, 0)),
          pl.BlockSpec((None, _NPAD, 8), lambda g: (g, 0, 0)),
          pl.BlockSpec((8, _GC), c2),
          pl.BlockSpec((1, _GC), c2),
          pl.BlockSpec((3, _GC, _GC), c3),
          pl.BlockSpec((3, _GC), c2),
          pl.BlockSpec((1, _GC), c2),
          pl.BlockSpec((1, _GC), c2),
          pl.BlockSpec((_NPAD, _GC), c2),
          pl.BlockSpec((1, _GC), c2),
          pl.BlockSpec((_GC, _POI), c2),
          pl.BlockSpec((1, _POI), c2),
      ],
      out_specs=pl.BlockSpec((_B, _POI), c2),
      out_shape=jax.ShapeDtypeStruct((_B, _POI), _f32),
      scratch_shapes=[pltpu.VMEM((_B, _NPAD), _f32)],
  )(acnt, xw0, rest, wr, b_in, Wg, bg, wo_row, bo_row, f1w, f1b, f2w, f2b)


def kernel(feature, edges, poi_table, cat_table, W_in, b_in, Wg, bg, W_out,
           b_out, fc1_W, fc1_b, fc2_W, fc2_b):
  pad_n = _NPAD - _NODE
  poi_i = feature[:, :, 0].astype(jnp.int32)
  cat_i = feature[:, :, 1].astype(jnp.int32)
  ip = jnp.pad(poi_i, ((0, 0), (0, pad_n))).reshape(_B, _NGCH, _GCH)
  ic = jnp.pad(cat_i, ((0, 0), (0, pad_n))).reshape(_B, _NGCH, _GCH)
  rest = jnp.pad(feature[:, :, 2:5], ((0, 0), (0, pad_n), (0, 5)))
  e32 = edges.astype(jnp.int32)

  wp = W_in[:300]
  wc = W_in[300:400]
  wr = jnp.pad(W_in[400:403], ((0, 5), (0, 0)))

  p_tab, c_tab = _project_tables(poi_table, wp, cat_table, wc)
  acnt = _build_adjacency(e32)
  xw0 = _gather_embeddings(p_tab, c_tab, ip, ic)

  wo_row = W_out.reshape(1, _GC)
  bo_row = jnp.pad(b_out[None, :], ((0, 0), (0, _GC - 1)))
  f1w = jnp.pad(fc1_W, ((0, pad_n), (0, 0)))

  return _conv_stack(acnt, xw0, rest, wr, b_in[None, :], Wg, bg, wo_row,
                     bo_row, f1w, fc1_b[None, :], fc2_W, fc2_b[None, :])

# --- scband reference (transcript-rebuilt; emitter-appended) ---
"""Pipeline reference for scband-user-graph-net-30915174596977 (READ-ONLY COPY).

The authoritative reference and input builder live on the scoring server;
editing this copy changes nothing except your own understanding.
"""

import jax, jax.numpy as jnp
import numpy as np

B = 32
NODE = 714
EPG = 11424
POI = 5099
CAT = 400
PDIM = 300
CDIM = 100
GC = 128
LAYERS = 3
IN_DIM = PDIM + CDIM + 3


def _gcn_conv(x, src, dst, W, b, N):
    # torch_geometric GCNConv: add self loops, symmetric normalization, linear, scatter-add
    x = x @ W
    loop = jnp.arange(N, dtype=src.dtype)
    s = jnp.concatenate([src, loop])
    d = jnp.concatenate([dst, loop])
    deg = jnp.zeros((N,), x.dtype).at[d].add(1.0)
    dinv = jnp.where(deg > 0, deg ** -0.5, 0.0)
    norm = dinv[s] * dinv[d]
    msg = x[s] * norm[:, None]
    out = jnp.zeros((N, x.shape[1]), x.dtype).at[d].add(msg)
    return out + b


def setup_inputs(seed: int = 0):
    key = jax.random.key(seed)
    ks = jax.random.split(key, 20)
    poi_idx = jax.random.randint(ks[0], (B, NODE, 1), 0, POI).astype(jnp.float32)
    cat_idx = jax.random.randint(ks[1], (B, NODE, 1), 0, CAT).astype(jnp.float32)
    rest = jax.random.normal(ks[2], (B, NODE, 3), dtype=jnp.float32)
    feature = jnp.concatenate([poi_idx, cat_idx, rest], axis=2)
    edges = jax.random.randint(ks[3], (B, 2, EPG), 0, NODE)
    inp = {
        'feature': feature,
        'edges': edges,
        'poi_table': jax.random.normal(ks[4], (POI, PDIM), dtype=jnp.float32) * 0.02,
        'cat_table': jax.random.normal(ks[5], (CAT, CDIM), dtype=jnp.float32) * 0.02,
        'W_in': jax.random.normal(ks[6], (IN_DIM, GC), dtype=jnp.float32) * (1.0 / np.sqrt(IN_DIM)),
        'b_in': jnp.zeros((GC,), jnp.float32),
        'Wg': jax.random.normal(ks[7], (LAYERS, GC, GC), dtype=jnp.float32) * (1.0 / np.sqrt(GC)),
        'bg': jnp.zeros((LAYERS, GC), jnp.float32),
        'W_out': jax.random.normal(ks[8], (GC, 1), dtype=jnp.float32) * (1.0 / np.sqrt(GC)),
        'b_out': jnp.zeros((1,), jnp.float32),
        'fc1_W': jax.random.normal(ks[9], (NODE, 128), dtype=jnp.float32) * (1.0 / np.sqrt(NODE)),
        'fc1_b': jnp.zeros((128,), jnp.float32),
        'fc2_W': jax.random.normal(ks[10], (128, POI), dtype=jnp.float32) * (1.0 / np.sqrt(128)),
        'fc2_b': jnp.zeros((POI,), jnp.float32),
    }
    return inp


def reference(feature, edges, poi_table, cat_table, W_in, b_in, Wg, bg, W_out, b_out, fc1_W, fc1_b, fc2_W, fc2_b):
    Bsz = feature.shape[0]
    N = Bsz * NODE
    poi_i = jax.lax.stop_gradient(feature[:, :, 0]).astype(jnp.int32)
    cat_i = jax.lax.stop_gradient(feature[:, :, 1]).astype(jnp.int32)
    poi_f = poi_table[poi_i]
    cat_f = cat_table[cat_i]
    x = jnp.concatenate([poi_f, cat_f, feature[:, :, 2:5]], axis=2)
    x = x.reshape(N, IN_DIM)
    # batch disjoint graphs with node offsets (torch_geometric DataLoader batching)
    offsets = (jnp.arange(Bsz, dtype=edges.dtype) * NODE)[:, None, None]
    e = jnp.transpose(edges + offsets, (1, 0, 2)).reshape(2, -1)
    src, dst = e[0], e[1]
    h = jax.nn.leaky_relu(_gcn_conv(x, src, dst, W_in, b_in, N), 0.01)
    for i in range(LAYERS):
        temp = _gcn_conv(h, src, dst, Wg[i], bg[i], N)
        h = jax.nn.leaky_relu(temp, 0.01) + temp
    h = jax.nn.leaky_relu(_gcn_conv(h, src, dst, W_out, b_out, N), 0.01)
    h = h.reshape(Bsz, NODE)
    h = jax.nn.relu(h @ fc1_W + fc1_b)
    out = jax.nn.relu(h @ fc2_W + fc2_b)
    return out

if __name__ == "__main__":
    import jax
    _d = setup_inputs()
    print(jax.jit(kernel)(*tuple(_d.values())))

</pallas_src>

<mosaic_0001>
#map = affine_map<(d0, d1) -> (0, 0, 0)>
module attributes {stable_mosaic.version = 14 : i64} {
  func.func @_adj_body(%arg0: i32, %arg1: i32, %arg2: memref<32x2x11424xi32, #tpu.memory_space<hbm>>, %arg3: memref<32x768x768xf32, #tpu.memory_space<hbm>>, %arg4: memref<11424xi32, #tpu.memory_space<vmem>>, %arg5: memref<11424xi32, #tpu.memory_space<vmem>>, %arg6: memref<96x768xf32, #tpu.memory_space<vmem>>) attributes {dimension_semantics = [#tpu.dimension_semantics<core_parallel>, #tpu.dimension_semantics<subcore_parallel>], iteration_bounds = array<i64: 2, 16>, scalar_prefetch = 0 : i64, scratch_operands = 3 : i64, tpu.core_type = #tpu.core_type<sc_vector_subcore>, window_params = [{transform_indices = #map}, {transform_indices = #map}]} {
    %mul3A = arith.constant 2 : i32
    %mul3A_0 = arith.muli %arg1, %mul3A : i32
    %add3A = arith.addi %mul3A_0, %arg0 : i32
    %run_scoped3A = arith.constant 0 : i32
    "tpu.region"() ({
      %run_scoped3A_116 = tpu.sem_alloc : memref<!tpu.dma_semaphore, #tpu.memory_space<semaphore_mem>>
      %dma_start3A = arith.constant 0 : i32
      %dma_start3A_117 = tpu.memref_slice %arg2[%add3A, %run_scoped3A, %dma_start3A] : memref<32x2x11424xi32, #tpu.memory_space<hbm>> -> memref<1x1x11424xi32, #tpu.memory_space<hbm>>
      %dma_start3A_118 = tpu.memref_squeeze %dma_start3A_117 : memref<1x1x11424xi32, #tpu.memory_space<hbm>> -> memref<11424xi32, #tpu.memory_space<hbm>>
      %dma_start3A_119 = arith.constant 0 : i32
      %dma_start3A_120 = tpu.memref_slice %arg2[%add3A, %run_scoped3A, %dma_start3A_119] : memref<32x2x11424xi32, #tpu.memory_space<hbm>> -> memref<1x1x11424xi32, #tpu.memory_space<hbm>>
      %dma_start3A_121 = tpu.memref_squeeze %dma_start3A_120 : memref<1x1x11424xi32, #tpu.memory_space<hbm>> -> memref<11424xi32, #tpu.memory_space<hbm>>
      tpu.enqueue_dma source(%dma_start3A_121 : memref<11424xi32, #tpu.memory_space<hbm>>) target(%arg4 : memref<11424xi32, #tpu.memory_space<vmem>>) target_semaphore(%run_scoped3A_116 : memref<!tpu.dma_semaphore, #tpu.memory_space<semaphore_mem>>)
      %dma_wait3A = arith.constant 0 : i32
      %dma_wait3A_122 = tpu.memref_slice %arg2[%add3A, %run_scoped3A, %dma_wait3A] : memref<32x2x11424xi32, #tpu.memory_space<hbm>> -> memref<1x1x11424xi32, #tpu.memory_space<hbm>>
      %dma_wait3A_123 = tpu.memref_squeeze %dma_wait3A_122 : memref<1x1x11424xi32, #tpu.memory_space<hbm>> -> memref<11424xi32, #tpu.memory_space<hbm>>
      %dma_wait3A_124 = arith.constant 0 : i32
      %dma_wait3A_125 = tpu.memref_slice %arg2[%add3A, %run_scoped3A, %dma_wait3A_124] : memref<32x2x11424xi32, #tpu.memory_space<hbm>> -> memref<1x1x11424xi32, #tpu.memory_space<hbm>>
      %dma_wait3A_126 = tpu.memref_squeeze %dma_wait3A_125 : memref<1x1x11424xi32, #tpu.memory_space<hbm>> -> memref<11424xi32, #tpu.memory_space<hbm>>
      tpu.wait_dma2 semaphore(%run_scoped3A_116 : memref<!tpu.dma_semaphore, #tpu.memory_space<semaphore_mem>>) src(%dma_wait3A_126 : memref<11424xi32, #tpu.memory_space<hbm>>) dst(%arg4 : memref<11424xi32, #tpu.memory_space<vmem>>)
      tpu.yield
    }) : () -> ()
    %run_scoped3A_1 = arith.constant 1 : i32
    "tpu.region"() ({
      %run_scoped3A_116 = tpu.sem_alloc : memref<!tpu.dma_semaphore, #tpu.memory_space<semaphore_mem>>
      %dma_start3A = arith.constant 0 : i32
      %dma_start3A_117 = tpu.memref_slice %arg2[%add3A, %run_scoped3A_1, %dma_start3A] : memref<32x2x11424xi32, #tpu.memory_space<hbm>> -> memref<1x1x11424xi32, #tpu.memory_space<hbm>>
      %dma_start3A_118 = tpu.memref_squeeze %dma_start3A_117 : memref<1x1x11424xi32, #tpu.memory_space<hbm>> -> memref<11424xi32, #tpu.memory_space<hbm>>
      %dma_start3A_119 = arith.constant 0 : i32
      %dma_start3A_120 = tpu.memref_slice %arg2[%add3A, %run_scoped3A_1, %dma_start3A_119] : memref<32x2x11424xi32, #tpu.memory_space<hbm>> -> memref<1x1x11424xi32, #tpu.memory_space<hbm>>
      %dma_start3A_121 = tpu.memref_squeeze %dma_start3A_120 : memref<1x1x11424xi32, #tpu.memory_space<hbm>> -> memref<11424xi32, #tpu.memory_space<hbm>>
      tpu.enqueue_dma source(%dma_start3A_121 : memref<11424xi32, #tpu.memory_space<hbm>>) target(%arg5 : memref<11424xi32, #tpu.memory_space<vmem>>) target_semaphore(%run_scoped3A_116 : memref<!tpu.dma_semaphore, #tpu.memory_space<semaphore_mem>>)
      %dma_wait3A = arith.constant 0 : i32
      %dma_wait3A_122 = tpu.memref_slice %arg2[%add3A, %run_scoped3A_1, %dma_wait3A] : memref<32x2x11424xi32, #tpu.memory_space<hbm>> -> memref<1x1x11424xi32, #tpu.memory_space<hbm>>
      %dma_wait3A_123 = tpu.memref_squeeze %dma_wait3A_122 : memref<1x1x11424xi32, #tpu.memory_space<hbm>> -> memref<11424xi32, #tpu.memory_space<hbm>>
      %dma_wait3A_124 = arith.constant 0 : i32
      %dma_wait3A_125 = tpu.memref_slice %arg2[%add3A, %run_scoped3A_1, %dma_wait3A_124] : memref<32x2x11424xi32, #tpu.memory_space<hbm>> -> memref<1x1x11424xi32, #tpu.memory_space<hbm>>
      %dma_wait3A_126 = tpu.memref_squeeze %dma_wait3A_125 : memref<1x1x11424xi32, #tpu.memory_space<hbm>> -> memref<11424xi32, #tpu.memory_space<hbm>>
      tpu.wait_dma2 semaphore(%run_scoped3A_116 : memref<!tpu.dma_semaphore, #tpu.memory_space<semaphore_mem>>) src(%dma_wait3A_126 : memref<11424xi32, #tpu.memory_space<hbm>>) dst(%arg5 : memref<11424xi32, #tpu.memory_space<vmem>>)
      tpu.yield
    }) : () -> ()
    %broadcast_in_dim3A = arith.constant 0.000000e+00 : f32
    %broadcast_in_dim3A_2 = vector.broadcast %broadcast_in_dim3A : f32 to vector<16xf32>
    %broadcast_in_dim3A_3 = arith.constant 1.000000e+00 : f32
    %broadcast_in_dim3A_4 = vector.broadcast %broadcast_in_dim3A_3 : f32 to vector<16xf32>
    %scan3A = arith.constant 0 : i32
    %scan3A_5 = arith.constant 0 : i32
    %scan3A_6 = arith.constant 48 : i32
    %scan3A_7 = arith.addi %scan3A_5, %scan3A_6 : i32
    %scan3A_8 = arith.constant 1 : i32
    %scan3A_9 = scf.for %scan3A_116 = %scan3A_5 to %scan3A_7 step %scan3A_8 iter_args(%scan3A_117 = %scan3A) -> (i32)  : i32 {
      %mul3A_118 = arith.constant 2 : i32
      %mul3A_119 = arith.muli %scan3A_116, %mul3A_118 : i32
      %add3A_120 = arith.constant 0 : i32
      %add3A_121 = arith.addi %mul3A_119, %add3A_120 : i32
      %swap3A = arith.index_cast %add3A_121 : i32 to index
      %swap3A_122 = arith.constant 0 : index
      %swap3A_123 = tpu.vector_load %arg6[%swap3A, %swap3A_122] {strides = array<i32>} : memref<96x768xf32, #tpu.memory_space<vmem>>, vector<16xf32>,
      tpu.vector_store %arg6[%swap3A, %swap3A_122], %broadcast_in_dim3A_2 {strides = array<i32>} : memref<96x768xf32, #tpu.memory_space<vmem>>, vector<16xf32>,
      %add3A_124 = arith.constant 0 : i32
      %add3A_125 = arith.addi %mul3A_119, %add3A_124 : i32
      %swap3A_126 = arith.index_cast %add3A_125 : i32 to index
      %swap3A_127 = arith.constant 16 : index
      %swap3A_128 = tpu.vector_load %arg6[%swap3A_126, %swap3A_127] {strides = array<i32>} : memref<96x768xf32, #tpu.memory_space<vmem>>, vector<16xf32>,
      tpu.vector_store %arg6[%swap3A_126, %swap3A_127], %broadcast_in_dim3A_2 {strides = array<i32>} : memref<96x768xf32, #tpu.memory_space<vmem>>, vector<16xf32>,
      %add3A_129 = arith.constant 0 : i32
      %add3A_130 = arith.addi %mul3A_119, %add3A_129 : i32
      %swap3A_131 = arith.index_cast %add3A_130 : i32 to index
      %swap3A_132 = arith.constant 32 : index
      %swap3A_133 = tpu.vector_load %arg6[%swap3A_131, %swap3A_132] {strides = array<i32>} : memref<96x768xf32, #tpu.memory_space<vmem>>, vector<16xf32>,
      tpu.vector_store %arg6[%swap3A_131, %swap3A_132], %broadcast_in_dim3A_2 {strides = array<i32>} : memref<96x768xf32, #tpu.memory_space<vmem>>, vector<16xf32>,
      %add3A_134 = arith.constant 0 : i32
      %add3A_135 = arith.addi %mul3A_119, %add3A_134 : i32
      %swap3A_136 = arith.index_cast %add3A_135 : i32 to index
      %swap3A_137 = arith.constant 48 : index
      %swap3A_138 = tpu.vector_load %arg6[%swap3A_136, %swap3A_137] {strides = array<i32>} : memref<96x768xf32, #tpu.memory_space<vmem>>, vector<16xf32>,
      tpu.vector_store %arg6[%swap3A_136, %swap3A_137], %broadcast_in_dim3A_2 {strides = array<i32>} : memref<96x768xf32, #tpu.memory_space<vmem>>, vector<16xf32>,
      %add3A_139 = arith.constant 0 : i32
      %add3A_140 = arith.addi %mul3A_119, %add3A_139 : i32
      %swap3A_141 = arith.index_cast %add3A_140 : i32 to index
      %swap3A_142 = arith.constant 64 : index
      %swap3A_143 = tpu.vector_load %arg6[%swap3A_141, %swap3A_142] {strides = array<i32>} : memref<96x768xf32, #tpu.memory_space<vmem>>, vector<16xf32>,
      tpu.vector_store %arg6[%swap3A_141, %swap3A_142], %broadcast_in_dim3A_2 {strides = array<i32>} : memref<96x768xf32, #tpu.memory_space<vmem>>, vector<16xf32>,
      %add3A_144 = arith.constant 0 : i32
      %add3A_145 = arith.addi %mul3A_119, %add3A_144 : i32
      %swap3A_146 = arith.index_cast %add3A_145 : i32 to index
      %swap3A_147 = arith.constant 80 : index
      %swap3A_148 = tpu.vector_load %arg6[%swap3A_146, %swap3A_147] {strides = array<i32>} : memref<96x768xf32, #tpu.memory_space<vmem>>, vector<16xf32>,
      tpu.vector_store %arg6[%swap3A_146, %swap3A_147], %broadcast_in_dim3A_2 {strides = array<i32>} : memref<96x768xf32, #tpu.memory_space<vmem>>, vector<16xf32>,
      %add3A_149 = arith.constant 0 : i32
      %add3A_150 = arith.addi %mul3A_119, %add3A_149 : i32
      %swap3A_151 = arith.index_cast %add3A_150 : i32 to index
      %swap3A_152 = arith.constant 96 : index
      %swap3A_153 = tpu.vector_load %arg6[%swap3A_151, %swap3A_152] {strides = array<i32>} : memref<96x768xf32, #tpu.memory_space<vmem>>, vector<16xf32>,
      tpu.vector_store %arg6[%swap3A_151, %swap3A_152], %broadcast_in_dim3A_2 {strides = array<i32>} : memref<96x768xf32, #tpu.memory_space<vmem>>, vector<16xf32>,
      %add3A_154 = arith.constant 0 : i32
      %add3A_155 = arith.addi %mul3A_119, %add3A_154 : i32
      %swap3A_156 = arith.index_cast %add3A_155 : i32 to index
      %swap3A_157 = arith.constant 112 : index
      %swap3A_158 = tpu.vector_load %arg6[%swap3A_156, %swap3A_157] {strides = array<i32>} : memref<96x768xf32, #tpu.memory_space<vmem>>, vector<16xf32>,
      tpu.vector_store %arg6[%swap3A_156, %swap3A_157], %broadcast_in_dim3A_2 {strides = array<i32>} : memref<96x768xf32, #tpu.memory_space<vmem>>, vector<16xf32>,
      %add3A_159 = arith.constant 0 : i32
      %add3A_160 = arith.addi %mul3A_119, %add3A_159 : i32
      %swap3A_161 = arith.index_cast %add3A_160 : i32 to index
      %swap3A_162 = arith.constant 128 : index
      %swap3A_163 = tpu.vector_load %arg6[%swap3A_161, %swap3A_162] {strides = array<i32>} : memref<96x768xf32, #tpu.memory_space<vmem>>, vector<16xf32>,
      tpu.vector_store %arg6[%swap3A_161, %swap3A_162], %broadcast_in_dim3A_2 {strides = array<i32>} : memref<96x768xf32, #tpu.memory_space<vmem>>, vector<16xf32>,
      %add3A_164 = arith.constant 0 : i32
      %add3A_165 = arith.addi %mul3A_119, %add3A_164 : i32
      %swap3A_166 = arith.index_cast %add3A_165 : i32 to index
      %swap3A_167 = arith.constant 144 : index
      %swap3A_168 = tpu.vector_load %arg6[%swap3A_166, %swap3A_167] {strides = array<i32>} : memref<96x768xf32, #tpu.memory_space<vmem>>, vector<16xf32>,
      tpu.vector_store %arg6[%swap3A_166, %swap3A_167], %broadcast_in_dim3A_2 {strides = array<i32>} : memref<96x768xf32, #tpu.memory_space<vmem>>, vector<16xf32>,
      %add3A_169 = arith.constant 0 : i32
      %add3A_170 = arith.addi %mul3A_119, %add3A_169 : i32
      %swap3A_171 = arith.index_cast %add3A_170 : i32 to index
      %swap3A_172 = arith.constant 160 : index
      %swap3A_173 = tpu.vector_load %arg6[%swap3A_171, %swap3A_172] {strides = array<i32>} : memref<96x768xf32, #tpu.memory_space<vmem>>, vector<16xf32>,
      tpu.vector_store %arg6[%swap3A_171, %swap3A_172], %broadcast_in_dim3A_2 {strides = array<i32>} : memref<96x768xf32, #tpu.memory_space<vmem>>, vector<16xf32>,
      %add3A_174 = arith.constant 0 : i32
      %add3A_175 = arith.addi %mul3A_119, %add3A_174 : i32
      %swap3A_176 = arith.index_cast %add3A_175 : i32 to index
      %swap3A_177 = arith.constant 176 : index
      %swap3A_178 = tpu.vector_load %arg6[%swap3A_176, %swap3A_177] {strides = array<i32>} : memref<96x768xf32, #tpu.memory_space<vmem>>, vector<16xf32>,
      tpu.vector_store %arg6[%swap3A_176, %swap3A_177], %broadcast_in_dim3A_2 {strides = array<i32>} : memref<96x768xf32, #tpu.memory_space<vmem>>, vector<16xf32>,
      %add3A_179 = arith.constant 0 : i32
      %add3A_180 = arith.addi %mul3A_119, %add3A_179 : i32
      %swap3A_181 = arith.index_cast %add3A_180 : i32 to index
      %swap3A_182 = arith.constant 192 : index
      %swap3A_183 = tpu.vector_load %arg6[%swap3A_181, %swap3A_182] {strides = array<i32>} : memref<96x768xf32, #tpu.memory_space<vmem>>, vector<16xf32>,
      tpu.vector_store %arg6[%swap3A_181, %swap3A_182], %broadcast_in_dim3A_2 {strides = array<i32>} : memref<96x768xf32, #tpu.memory_space<vmem>>, vector<16xf32>,
      %add3A_184 = arith.constant 0 : i32
      %add3A_185 = arith.addi %mul3A_119, %add3A_184 : i32
      %swap3A_186 = arith.index_cast %add3A_185 : i32 to index
      %swap3A_187 = arith.constant 208 : index
      %swap3A_188 = tpu.vector_load %arg6[%swap3A_186, %swap3A_187] {strides = array<i32>} : memref<96x768xf32, #tpu.memory_space<vmem>>, vector<16xf32>,
      tpu.vector_store %arg6[%swap3A_186, %swap3A_187], %broadcast_in_dim3A_2 {strides = array<i32>} : memref<96x768xf32, #tpu.memory_space<vmem>>, vector<16xf32>,
      %add3A_189 = arith.constant 0 : i32
      %add3A_190 = arith.addi %mul3A_119, %add3A_189 : i32
      %swap3A_191 = arith.index_cast %add3A_190 : i32 to index
      %swap3A_192 = arith.constant 224 : index
      %swap3A_193 = tpu.vector_load %arg6[%swap3A_191, %swap3A_192] {strides = array<i32>} : memref<96x768xf32, #tpu.memory_space<vmem>>, vector<16xf32>,
      tpu.vector_store %arg6[%swap3A_191, %swap3A_192], %broadcast_in_dim3A_2 {strides = array<i32>} : memref<96x768xf32, #tpu.memory_space<vmem>>, vector<16xf32>,
      %add3A_194 = arith.constant 0 : i32
      %add3A_195 = arith.addi %mul3A_119, %add3A_194 : i32
      %swap3A_196 = arith.index_cast %add3A_195 : i32 to index
      %swap3A_197 = arith.constant 240 : index
      %swap3A_198 = tpu.vector_load %arg6[%swap3A_196, %swap3A_197] {strides = array<i32>} : memref<96x768xf32, #tpu.memory_space<vmem>>, vector<16xf32>,
      tpu.vector_store %arg6[%swap3A_196, %swap3A_197], %broadcast_in_dim3A_2 {strides = array<i32>} : memref<96x768xf32, #tpu.memory_space<vmem>>, vector<16xf32>,
      %add3A_199 = arith.constant 0 : i32
      %add3A_200 = arith.addi %mul3A_119, %add3A_199 : i32
      %swap3A_201 = arith.index_cast %add3A_200 : i32 to index
      %swap3A_202 = arith.constant 256 : index
      %swap3A_203 = tpu.vector_load %arg6[%swap3A_201, %swap3A_202] {strides = array<i32>} : memref<96x768xf32, #tpu.memory_space<vmem>>, vector<16xf32>,
      tpu.vector_store %arg6[%swap3A_201, %swap3A_202], %broadcast_in_dim3A_2 {strides = array<i32>} : memref<96x768xf32, #tpu.memory_space<vmem>>, vector<16xf32>,
      %add3A_204 = arith.constant 0 : i32
      %add3A_205 = arith.addi %mul3A_119, %add3A_204 : i32
      %swap3A_206 = arith.index_cast %add3A_205 : i32 to index
      %swap3A_207 = arith.constant 272 : index
      %swap3A_208 = tpu.vector_load %arg6[%swap3A_206, %swap3A_207] {strides = array<i32>} : memref<96x768xf32, #tpu.memory_space<vmem>>, vector<16xf32>,
      tpu.vector_store %arg6[%swap3A_206, %swap3A_207], %broadcast_in_dim3A_2 {strides = array<i32>} : memref<96x768xf32, #tpu.memory_space<vmem>>, vector<16xf32>,
      %add3A_209 = arith.constant 0 : i32
      %add3A_210 = arith.addi %mul3A_119, %add3A_209 : i32
      %swap3A_211 = arith.index_cast %add3A_210 : i32 to index
      %swap3A_212 = arith.constant 288 : index
      %swap3A_213 = tpu.vector_load %arg6[%swap3A_211, %swap3A_212] {strides = array<i32>} : memref<96x768xf32, #tpu.memory_space<vmem>>, vector<16xf32>,
      tpu.vector_store %arg6[%swap3A_211, %swap3A_212], %broadcast_in_dim3A_2 {strides = array<i32>} : memref<96x768xf32, #tpu.memory_space<vmem>>, vector<16xf32>,
      %add3A_214 = arith.constant 0 : i32
      %add3A_215 = arith.addi %mul3A_119, %add3A_214 : i32
      %swap3A_216 = arith.index_cast %add3A_215 : i32 to index
      %swap3A_217 = arith.constant 304 : index
      %swap3A_218 = tpu.vector_load %arg6[%swap3A_216, %swap3A_217] {strides = array<i32>} : memref<96x768xf32, #tpu.memory_space<vmem>>, vector<16xf32>,
      tpu.vector_store %arg6[%swap3A_216, %swap3A_217], %broadcast_in_dim3A_2 {strides = array<i32>} : memref<96x768xf32, #tpu.memory_space<vmem>>, vector<16xf32>,
      %add3A_219 = arith.constant 0 : i32
      %add3A_220 = arith.addi %mul3A_119, %add3A_219 : i32
      %swap3A_221 = arith.index_cast %add3A_220 : i32 to index
      %swap3A_222 = arith.constant 320 : index
      %swap3A_223 = tpu.vector_load %arg6[%swap3A_221, %swap3A_222] {strides = array<i32>} : memref<96x768xf32, #tpu.memory_space<vmem>>, vector<16xf32>,
      tpu.vector_store %arg6[%swap3A_221, %swap3A_222], %broadcast_in_dim3A_2 {strides = array<i32>} : memref<96x768xf32, #tpu.memory_space<vmem>>, vector<16xf32>,
      %add3A_224 = arith.constant 0 : i32
      %add3A_225 = arith.addi %mul3A_119, %add3A_224 : i32
      %swap3A_226 = arith.index_cast %add3A_225 : i32 to index
      %swap3A_227 = arith.constant 336 : index
      %swap3A_228 = tpu.vector_load %arg6[%swap3A_226, %swap3A_227] {strides = array<i32>} : memref<96x768xf32, #tpu.memory_space<vmem>>, vector<16xf32>,
      tpu.vector_store %arg6[%swap3A_226, %swap3A_227], %broadcast_in_dim3A_2 {strides = array<i32>} : memref<96x768xf32, #tpu.memory_space<vmem>>, vector<16xf32>,
      %add3A_229 = arith.constant 0 : i32
      %add3A_230 = arith.addi %mul3A_119, %add3A_229 : i32
      %swap3A_231 = arith.index_cast %add3A_230 : i32 to index
      %swap3A_232 = arith.constant 352 : index
      %swap3A_233 = tpu.vector_load %arg6[%swap3A_231, %swap3A_232] {strides = array<i32>} : memref<96x768xf32, #tpu.memory_space<vmem>>, vector<16xf32>,
      tpu.vector_store %arg6[%swap3A_231, %swap3A_232], %broadcast_in_dim3A_2 {strides = array<i32>} : memref<96x768xf32, #tpu.memory_space<vmem>>, vector<16xf32>,
      %add3A_234 = arith.constant 0 : i32
      %add3A_235 = arith.addi %mul3A_119, %add3A_234 : i32
      %swap3A_236 = arith.index_cast %add3A_235 : i32 to index
      %swap3A_237 = arith.constant 368 : index
      %swap3A_238 = tpu.vector_load %arg6[%swap3A_236, %swap3A_237] {strides = array<i32>} : memref<96x768xf32, #tpu.memory_space<vmem>>, vector<16xf32>,
      tpu.vector_store %arg6[%swap3A_236, %swap3A_237], %broadcast_in_dim3A_2 {strides = array<i32>} : memref<96x768xf32, #tpu.memory_space<vmem>>, vector<16xf32>,
      %add3A_239 = arith.constant 0 : i32
      %add3A_240 = arith.addi %mul3A_119, %add3A_239 : i32
      %swap3A_241 = arith.index_cast %add3A_240 : i32 to index
      %swap3A_242 = arith.constant 384 : index
      %swap3A_243 = tpu.vector_load %arg6[%swap3A_241, %swap3A_242] {strides = array<i32>} : memref<96x768xf32, #tpu.memory_space<vmem>>, vector<16xf32>,
      tpu.vector_store %arg6[%swap3A_241, %swap3A_242], %broadcast_in_dim3A_2 {strides = array<i32>} : memref<96x768xf32, #tpu.memory_space<vmem>>, vector<16xf32>,
      %add3A_244 = arith.constant 0 : i32
      %add3A_245 = arith.addi %mul3A_119, %add3A_244 : i32
      %swap3A_246 = arith.index_cast %add3A_245 : i32 to index
      %swap3A_247 = arith.constant 400 : index
      %swap3A_248 = tpu.vector_load %arg6[%swap3A_246, %swap3A_247] {strides = array<i32>} : memref<96x768xf32, #tpu.memory_space<vmem>>, vector<16xf32>,
      tpu.vector_store %arg6[%swap3A_246, %swap3A_247], %broadcast_in_dim3A_2 {strides = array<i32>} : memref<96x768xf32, #tpu.memory_space<vmem>>, vector<16xf32>,
      %add3A_249 = arith.constant 0 : i32
      %add3A_250 = arith.addi %mul3A_119, %add3A_249 : i32
      %swap3A_251 = arith.index_cast %add3A_250 : i32 to index
      %swap3A_252 = arith.constant 416 : index
      %swap3A_253 = tpu.vector_load %arg6[%swap3A_251, %swap3A_252] {strides = array<i32>} : memref<96x768xf32, #tpu.memory_space<vmem>>, vector<16xf32>,
      tpu.vector_store %arg6[%swap3A_251, %swap3A_252], %broadcast_in_dim3A_2 {strides = array<i32>} : memref<96x768xf32, #tpu.memory_space<vmem>>, vector<16xf32>,
      %add3A_254 = arith.constant 0 : i32
      %add3A_255 = arith.addi %mul3A_119, %add3A_254 : i32
      %swap3A_256 = arith.index_cast %add3A_255 : i32 to index
      %swap3A_257 = arith.constant 432 : index
      %swap3A_258 = tpu.vector_load %arg6[%swap3A_256, %swap3A_257] {strides = array<i32>} : memref<96x768xf32, #tpu.memory_space<vmem>>, vector<16xf32>,
      tpu.vector_store %arg6[%swap3A_256, %swap3A_257], %broadcast_in_dim3A_2 {strides = array<i32>} : memref<96x768xf32, #tpu.memory_space<vmem>>, vector<16xf32>,
      %add3A_259 = arith.constant 0 : i32
      %add3A_260 = arith.addi %mul3A_119, %add3A_259 : i32
      %swap3A_261 = arith.index_cast %add3A_260 : i32 to index
      %swap3A_262 = arith.constant 448 : index
      %swap3A_263 = tpu.vector_load %arg6[%swap3A_261, %swap3A_262] {strides = array<i32>} : memref<96x768xf32, #tpu.memory_space<vmem>>, vector<16xf32>,
      tpu.vector_store %arg6[%swap3A_261, %swap3A_262], %broadcast_in_dim3A_2 {strides = array<i32>} : memref<96x768xf32, #tpu.memory_space<vmem>>, vector<16xf32>,
      %add3A_264 = arith.constant 0 : i32
      %add3A_265 = arith.addi %mul3A_119, %add3A_264 : i32
      %swap3A_266 = arith.index_cast %add3A_265 : i32 to index
      %swap3A_267 = arith.constant 464 : index
      %swap3A_268 = tpu.vector_load %arg6[%swap3A_266, %swap3A_267] {strides = array<i32>} : memref<96x768xf32, #tpu.memory_space<vmem>>, vector<16xf32>,
      tpu.vector_store %arg6[%swap3A_266, %swap3A_267], %broadcast_in_dim3A_2 {strides = array<i32>} : memref<96x768xf32, #tpu.memory_space<vmem>>, vector<16xf32>,
      %add3A_269 = arith.constant 0 : i32
      %add3A_270 = arith.addi %mul3A_119, %add3A_269 : i32
      %swap3A_271 = arith.index_cast %add3A_270 : i32 to index
      %swap3A_272 = arith.constant 480 : index
      %swap3A_273 = tpu.vector_load %arg6[%swap3A_271, %swap3A_272] {strides = array<i32>} : memref<96x768xf32, #tpu.memory_space<vmem>>, vector<16xf32>,
      tpu.vector_store %arg6[%swap3A_271, %swap3A_272], %broadcast_in_dim3A_2 {strides = array<i32>} : memref<96x768xf32, #tpu.memory_space<vmem>>, vector<16xf32>,
      %add3A_274 = arith.constant 0 : i32
      %add3A_275 = arith.addi %mul3A_119, %add3A_274 : i32
      %swap3A_276 = arith.index_cast %add3A_275 : i32 to index
      %swap3A_277 = arith.constant 496 : index
      %swap3A_278 = tpu.vector_load %arg6[%swap3A_276, %swap3A_277] {strides = array<i32>} : memref<96x768xf32, #tpu.memory_space<vmem>>, vector<16xf32>,
      tpu.vector_store %arg6[%swap3A_276, %swap3A_277], %broadcast_in_dim3A_2 {strides = array<i32>} : memref<96x768xf32, #tpu.memory_space<vmem>>, vector<16xf32>,
      %add3A_279 = arith.constant 0 : i32
      %add3A_280 = arith.addi %mul3A_119, %add3A_279 : i32
      %swap3A_281 = arith.index_cast %add3A_280 : i32 to index
      %swap3A_282 = arith.constant 512 : index
      %swap3A_283 = tpu.vector_load %arg6[%swap3A_281, %swap3A_282] {strides = array<i32>} : memref<96x768xf32, #tpu.memory_space<vmem>>, vector<16xf32>,
      tpu.vector_store %arg6[%swap3A_281, %swap3A_282], %broadcast_in_dim3A_2 {strides = array<i32>} : memref<96x768xf32, #tpu.memory_space<vmem>>, vector<16xf32>,
      %add3A_284 = arith.constant 0 : i32
      %add3A_285 = arith.addi %mul3A_119, %add3A_284 : i32
      %swap3A_286 = arith.index_cast %add3A_285 : i32 to index
      %swap3A_287 = arith.constant 528 : index
      %swap3A_288 = tpu.vector_load %arg6[%swap3A_286, %swap3A_287] {strides = array<i32>} : memref<96x768xf32, #tpu.memory_space<vmem>>, vector<16xf32>,
      tpu.vector_store %arg6[%swap3A_286, %swap3A_287], %broadcast_in_dim3A_2 {strides = array<i32>} : memref<96x768xf32, #tpu.memory_space<vmem>>, vector<16xf32>,
      %add3A_289 = arith.constant 0 : i32
      %add3A_290 = arith.addi %mul3A_119, %add3A_289 : i32
      %swap3A_291 = arith.index_cast %add3A_290 : i32 to index
      %swap3A_292 = arith.constant 544 : index
      %swap3A_293 = tpu.vector_load %arg6[%swap3A_291, %swap3A_292] {strides = array<i32>} : memref<96x768xf32, #tpu.memory_space<vmem>>, vector<16xf32>,
      tpu.vector_store %arg6[%swap3A_291, %swap3A_292], %broadcast_in_dim3A_2 {strides = array<i32>} : memref<96x768xf32, #tpu.memory_space<vmem>>, vector<16xf32>,
      %add3A_294 = arith.constant 0 : i32
      %add3A_295 = arith.addi %mul3A_119, %add3A_294 : i32
      %swap3A_296 = arith.index_cast %add3A_295 : i32 to index
      %swap3A_297 = arith.constant 560 : index
      %swap3A_298 = tpu.vector_load %arg6[%swap3A_296, %swap3A_297] {strides = array<i32>} : memref<96x768xf32, #tpu.memory_space<vmem>>, vector<16xf32>,
      tpu.vector_store %arg6[%swap3A_296, %swap3A_297], %broadcast_in_dim3A_2 {strides = array<i32>} : memref<96x768xf32, #tpu.memory_space<vmem>>, vector<16xf32>,
      %add3A_299 = arith.constant 0 : i32
      %add3A_300 = arith.addi %mul3A_119, %add3A_299 : i32
      %swap3A_301 = arith.index_cast %add3A_300 : i32 to index
      %swap3A_302 = arith.constant 576 : index
      %swap3A_303 = tpu.vector_load %arg6[%swap3A_301, %swap3A_302] {strides = array<i32>} : memref<96x768xf32, #tpu.memory_space<vmem>>, vector<16xf32>,
      tpu.vector_store %arg6[%swap3A_301, %swap3A_302], %broadcast_in_dim3A_2 {strides = array<i32>} : memref<96x768xf32, #tpu.memory_space<vmem>>, vector<16xf32>,
      %add3A_304 = arith.constant 0 : i32
      %add3A_305 = arith.addi %mul3A_119, %add3A_304 : i32
      %swap3A_306 = arith.index_cast %add3A_305 : i32 to index
      %swap3A_307 = arith.constant 592 : index
      %swap3A_308 = tpu.vector_load %arg6[%swap3A_306, %swap3A_307] {strides = array<i32>} : memref<96x768xf32, #tpu.memory_space<vmem>>, vector<16xf32>,
      tpu.vector_store %arg6[%swap3A_306, %swap3A_307], %broadcast_in_dim3A_2 {strides = array<i32>} : memref<96x768xf32, #tpu.memory_space<vmem>>, vector<16xf32>,
      %add3A_309 = arith.constant 0 : i32
      %add3A_310 = arith.addi %mul3A_119, %add3A_309 : i32
      %swap3A_311 = arith.index_cast %add3A_310 : i32 to index
      %swap3A_312 = arith.constant 608 : index
      %swap3A_313 = tpu.vector_load %arg6[%swap3A_311, %swap3A_312] {strides = array<i32>} : memref<96x768xf32, #tpu.memory_space<vmem>>, vector<16xf32>,
      tpu.vector_store %arg6[%swap3A_311, %swap3A_312], %broadcast_in_dim3A_2 {strides = array<i32>} : memref<96x768xf32, #tpu.memory_space<vmem>>, vector<16xf32>,
      %add3A_314 = arith.constant 0 : i32
      %add3A_315 = arith.addi %mul3A_119, %add3A_314 : i32
      %swap3A_316 = arith.index_cast %add3A_315 : i32 to index
      %swap3A_317 = arith.constant 624 : index
      %swap3A_318 = tpu.vector_load %arg6[%swap3A_316, %swap3A_317] {strides = array<i32>} : memref<96x768xf32, #tpu.memory_space<vmem>>, vector<16xf32>,
      tpu.vector_store %arg6[%swap3A_316, %swap3A_317], %broadcast_in_dim3A_2 {strides = array<i32>} : memref<96x768xf32, #tpu.memory_space<vmem>>, vector<16xf32>,
      %add3A_319 = arith.constant 0 : i32
      %add3A_320 = arith.addi %mul3A_119, %add3A_319 : i32
      %swap3A_321 = arith.index_cast %add3A_320 : i32 to index
      %swap3A_322 = arith.constant 640 : index
      %swap3A_323 = tpu.vector_load %arg6[%swap3A_321, %swap3A_322] {strides = array<i32>} : memref<96x768xf32, #tpu.memory_space<vmem>>, vector<16xf32>,
      tpu.vector_store %arg6[%swap3A_321, %swap3A_322], %broadcast_in_dim3A_2 {strides = array<i32>} : memref<96x768xf32, #tpu.memory_space<vmem>>, vector<16xf32>,
      %add3A_324 = arith.constant 0 : i32
      %add3A_325 = arith.addi %mul3A_119, %add3A_324 : i32
      %swap3A_326 = arith.index_cast %add3A_325 : i32 to index
      %swap3A_327 = arith.constant 656 : index
      %swap3A_328 = tpu.vector_load %arg6[%swap3A_326, %swap3A_327] {strides = array<i32>} : memref<96x768xf32, #tpu.memory_space<vmem>>, vector<16xf32>,
      tpu.vector_store %arg6[%swap3A_326, %swap3A_327], %broadcast_in_dim3A_2 {strides = array<i32>} : memref<96x768xf32, #tpu.memory_space<vmem>>, vector<16xf32>,
      %add3A_329 = arith.constant 0 : i32
      %add3A_330 = arith.addi %mul3A_119, %add3A_329 : i32
      %swap3A_331 = arith.index_cast %add3A_330 : i32 to index
      %swap3A_332 = arith.constant 672 : index
      %swap3A_333 = tpu.vector_load %arg6[%swap3A_331, %swap3A_332] {strides = array<i32>} : memref<96x768xf32, #tpu.memory_space<vmem>>, vector<16xf32>,
      tpu.vector_store %arg6[%swap3A_331, %swap3A_332], %broadcast_in_dim3A_2 {strides = array<i32>} : memref<96x768xf32, #tpu.memory_space<vmem>>, vector<16xf32>,
      %add3A_334 = arith.constant 0 : i32
      %add3A_335 = arith.addi %mul3A_119, %add3A_334 : i32
      %swap3A_336 = arith.index_cast %add3A_335 : i32 to index
      %swap3A_337 = arith.constant 688 : index
      %swap3A_338 = tpu.vector_load %arg6[%swap3A_336, %swap3A_337] {strides = array<i32>} : memref<96x768xf32, #tpu.memory_space<vmem>>, vector<16xf32>,
      tpu.vector_store %arg6[%swap3A_336, %swap3A_337], %broadcast_in_dim3A_2 {strides = array<i32>} : memref<96x768xf32, #tpu.memory_space<vmem>>, vector<16xf32>,
      %add3A_339 = arith.constant 0 : i32
      %add3A_340 = arith.addi %mul3A_119, %add3A_339 : i32
      %swap3A_341 = arith.index_cast %add3A_340 : i32 to index
      %swap3A_342 = arith.constant 704 : index
      %swap3A_343 = tpu.vector_load %arg6[%swap3A_341, %swap3A_342] {strides = array<i32>} : memref<96x768xf32, #tpu.memory_space<vmem>>, vector<16xf32>,
      tpu.vector_store %arg6[%swap3A_341, %swap3A_342], %broadcast_in_dim3A_2 {strides = array<i32>} : memref<96x768xf32, #tpu.memory_space<vmem>>, vector<16xf32>,
      %add3A_344 = arith.constant 0 : i32
      %add3A_345 = arith.addi %mul3A_119, %add3A_344 : i32
      %swap3A_346 = arith.index_cast %add3A_345 : i32 to index
      %swap3A_347 = arith.constant 720 : index
      %swap3A_348 = tpu.vector_load %arg6[%swap3A_346, %swap3A_347] {strides = array<i32>} : memref<96x768xf32, #tpu.memory_space<vmem>>, vector<16xf32>,
      tpu.vector_store %arg6[%swap3A_346, %swap3A_347], %broadcast_in_dim3A_2 {strides = array<i32>} : memref<96x768xf32, #tpu.memory_space<vmem>>, vector<16xf32>,
      %add3A_349 = arith.constant 0 : i32
      %add3A_350 = arith.addi %mul3A_119, %add3A_349 : i32
      %swap3A_351 = arith.index_cast %add3A_350 : i32 to index
      %swap3A_352 = arith.constant 736 : index
      %swap3A_353 = tpu.vector_load %arg6[%swap3A_351, %swap3A_352] {strides = array<i32>} : memref<96x768xf32, #tpu.memory_space<vmem>>, vector<16xf32>,
      tpu.vector_store %arg6[%swap3A_351, %swap3A_352], %broadcast_in_dim3A_2 {strides = array<i32>} : memref<96x768xf32, #tpu.memory_space<vmem>>, vector<16xf32>,
      %add3A_354 = arith.constant 0 : i32
      %add3A_355 = arith.addi %mul3A_119, %add3A_354 : i32
      %swap3A_356 = arith.index_cast %add3A_355 : i32 to index
      %swap3A_357 = arith.constant 752 : index
      %swap3A_358 = tpu.vector_load %arg6[%swap3A_356, %swap3A_357] {strides = array<i32>} : memref<96x768xf32, #tpu.memory_space<vmem>>, vector<16xf32>,
      tpu.vector_store %arg6[%swap3A_356, %swap3A_357], %broadcast_in_dim3A_2 {strides = array<i32>} : memref<96x768xf32, #tpu.memory_space<vmem>>, vector<16xf32>,
      %add3A_359 = arith.constant 1 : i32
      %add3A_360 = arith.addi %mul3A_119, %add3A_359 : i32
      %swap3A_361 = arith.index_cast %add3A_360 : i32 to index
      %swap3A_362 = arith.constant 0 : index
      %swap3A_363 = tpu.vector_load %arg6[%swap3A_361, %swap3A_362] {strides = array<i32>} : memref<96x768xf32, #tpu.memory_space<vmem>>, vector<16xf32>,
      tpu.vector_store %arg6[%swap3A_361, %swap3A_362], %broadcast_in_dim3A_2 {strides = array<i32>} : memref<96x768xf32, #tpu.memory_space<vmem>>, vector<16xf32>,
      %add3A_364 = arith.constant 1 : i32
      %add3A_365 = arith.addi %mul3A_119, %add3A_364 : i32
      %swap3A_366 = arith.index_cast %add3A_365 : i32 to index
      %swap3A_367 = arith.constant 16 : index
      %swap3A_368 = tpu.vector_load %arg6[%swap3A_366, %swap3A_367] {strides = array<i32>} : memref<96x768xf32, #tpu.memory_space<vmem>>, vector<16xf32>,
      tpu.vector_store %arg6[%swap3A_366, %swap3A_367], %broadcast_in_dim3A_2 {strides = array<i32>} : memref<96x768xf32, #tpu.memory_space<vmem>>, vector<16xf32>,
      %add3A_369 = arith.constant 1 : i32
      %add3A_370 = arith.addi %mul3A_119, %add3A_369 : i32
      %swap3A_371 = arith.index_cast %add3A_370 : i32 to index
      %swap3A_372 = arith.constant 32 : index
      %swap3A_373 = tpu.vector_load %arg6[%swap3A_371, %swap3A_372] {strides = array<i32>} : memref<96x768xf32, #tpu.memory_space<vmem>>, vector<16xf32>,
      tpu.vector_store %arg6[%swap3A_371, %swap3A_372], %broadcast_in_dim3A_2 {strides = array<i32>} : memref<96x768xf32, #tpu.memory_space<vmem>>, vector<16xf32>,
      %add3A_374 = arith.constant 1 : i32
      %add3A_375 = arith.addi %mul3A_119, %add3A_374 : i32
      %swap3A_376 = arith.index_cast %add3A_375 : i32 to index
      %swap3A_377 = arith.constant 48 : index
      %swap3A_378 = tpu.vector_load %arg6[%swap3A_376, %swap3A_377] {strides = array<i32>} : memref<96x768xf32, #tpu.memory_space<vmem>>, vector<16xf32>,
      tpu.vector_store %arg6[%swap3A_376, %swap3A_377], %broadcast_in_dim3A_2 {strides = array<i32>} : memref<96x768xf32, #tpu.memory_space<vmem>>, vector<16xf32>,
      %add3A_379 = arith.constant 1 : i32
      %add3A_380 = arith.addi %mul3A_119, %add3A_379 : i32
      %swap3A_381 = arith.index_cast %add3A_380 : i32 to index
      %swap3A_382 = arith.constant 64 : index
      %swap3A_383 = tpu.vector_load %arg6[%swap3A_381, %swap3A_382] {strides = array<i32>} : memref<96x768xf32, #tpu.memory_space<vmem>>, vector<16xf32>,
      tpu.vector_store %arg6[%swap3A_381, %swap3A_382], %broadcast_in_dim3A_2 {strides = array<i32>} : memref<96x768xf32, #tpu.memory_space<vmem>>, vector<16xf32>,
      %add3A_384 = arith.constant 1 : i32
      %add3A_385 = arith.addi %mul3A_119, %add3A_384 : i32
      %swap3A_386 = arith.index_cast %add3A_385 : i32 to index
      %swap3A_387 = arith.constant 80 : index
      %swap3A_388 = tpu.vector_load %arg6[%swap3A_386, %swap3A_387] {strides = array<i32>} : memref<96x768xf32, #tpu.memory_space<vmem>>, vector<16xf32>,
      tpu.vector_store %arg6[%swap3A_386, %swap3A_387], %broadcast_in_dim3A_2 {strides = array<i32>} : memref<96x768xf32, #tpu.memory_space<vmem>>, vector<16xf32>,
      %add3A_389 = arith.constant 1 : i32
      %add3A_390 = arith.addi %mul3A_119, %add3A_389 : i32
      %swap3A_391 = arith.index_cast %add3A_390 : i32 to index
      %swap3A_392 = arith.constant 96 : index
      %swap3A_393 = tpu.vector_load %arg6[%swap3A_391, %swap3A_392] {strides = array<i32>} : memref<96x768xf32, #tpu.memory_space<vmem>>, vector<16xf32>,
      tpu.vector_store %arg6[%swap3A_391, %swap3A_392], %broadcast_in_dim3A_2 {strides = array<i32>} : memref<96x768xf32, #tpu.memory_space<vmem>>, vector<16xf32>,
      %add3A_394 = arith.constant 1 : i32
      %add3A_395 = arith.addi %mul3A_119, %add3A_394 : i32
      %swap3A_396 = arith.index_cast %add3A_395 : i32 to index
      %swap3A_397 = arith.constant 112 : index
      %swap3A_398 = tpu.vector_load %arg6[%swap3A_396, %swap3A_397] {strides = array<i32>} : memref<96x768xf32, #tpu.memory_space<vmem>>, vector<16xf32>,
      tpu.vector_store %arg6[%swap3A_396, %swap3A_397], %broadcast_in_dim3A_2 {strides = array<i32>} : memref<96x768xf32, #tpu.memory_space<vmem>>, vector<16xf32>,
      %add3A_399 = arith.constant 1 : i32
      %add3A_400 = arith.addi %mul3A_119, %add3A_399 : i32
      %swap3A_401 = arith.index_cast %add3A_400 : i32 to index
      %swap3A_402 = arith.constant 128 : index
      %swap3A_403 = tpu.vector_load %arg6[%swap3A_401, %swap3A_402] {strides = array<i32>} : memref<96x768xf32, #tpu.memory_space<vmem>>, vector<16xf32>,
      tpu.vector_store %arg6[%swap3A_401, %swap3A_402], %broadcast_in_dim3A_2 {strides = array<i32>} : memref<96x768xf32, #tpu.memory_space<vmem>>, vector<16xf32>,
      %add3A_404 = arith.constant 1 : i32
      %add3A_405 = arith.addi %mul3A_119, %add3A_404 : i32
      %swap3A_406 = arith.index_cast %add3A_405 : i32 to index
      %swap3A_407 = arith.constant 144 : index
      %swap3A_408 = tpu.vector_load %arg6[%swap3A_406, %swap3A_407] {strides = array<i32>} : memref<96x768xf32, #tpu.memory_space<vmem>>, vector<16xf32>,
      tpu.vector_store %arg6[%swap3A_406, %swap3A_407], %broadcast_in_dim3A_2 {strides = array<i32>} : memref<96x768xf32, #tpu.memory_space<vmem>>, vector<16xf32>,
      %add3A_409 = arith.constant 1 : i32
      %add3A_410 = arith.addi %mul3A_119, %add3A_409 : i32
      %swap3A_411 = arith.index_cast %add3A_410 : i32 to index
      %swap3A_412 = arith.constant 160 : index
      %swap3A_413 = tpu.vector_load %arg6[%swap3A_411, %swap3A_412] {strides = array<i32>} : memref<96x768xf32, #tpu.memory_space<vmem>>, vector<16xf32>,
      tpu.vector_store %arg6[%swap3A_411, %swap3A_412], %broadcast_in_dim3A_2 {strides = array<i32>} : memref<96x768xf32, #tpu.memory_space<vmem>>, vector<16xf32>,
      %add3A_414 = arith.constant 1 : i32
      %add3A_415 = arith.addi %mul3A_119, %add3A_414 : i32
      %swap3A_416 = arith.index_cast %add3A_415 : i32 to index
      %swap3A_417 = arith.constant 176 : index
      %swap3A_418 = tpu.vector_load %arg6[%swap3A_416, %swap3A_417] {strides = array<i32>} : memref<96x768xf32, #tpu.memory_space<vmem>>, vector<16xf32>,
      tpu.vector_store %arg6[%swap3A_416, %swap3A_417], %broadcast_in_dim3A_2 {strides = array<i32>} : memref<96x768xf32, #tpu.memory_space<vmem>>, vector<16xf32>,
      %add3A_419 = arith.constant 1 : i32
      %add3A_420 = arith.addi %mul3A_119, %add3A_419 : i32
      %swap3A_421 = arith.index_cast %add3A_420 : i32 to index
      %swap3A_422 = arith.constant 192 : index
      %swap3A_423 = tpu.vector_load %arg6[%swap3A_421, %swap3A_422] {strides = array<i32>} : memref<96x768xf32, #tpu.memory_space<vmem>>, vector<16xf32>,
      tpu.vector_store %arg6[%swap3A_421, %swap3A_422], %broadcast_in_dim3A_2 {strides = array<i32>} : memref<96x768xf32, #tpu.memory_space<vmem>>, vector<16xf32>,
      %add3A_424 = arith.constant 1 : i32
      %add3A_425 = arith.addi %mul3A_119, %add3A_424 : i32
      %swap3A_426 = arith.index_cast %add3A_425 : i32 to index
      %swap3A_427 = arith.constant 208 : index
      %swap3A_428 = tpu.vector_load %arg6[%swap3A_426, %swap3A_427] {strides = array<i32>} : memref<96x768xf32, #tpu.memory_space<vmem>>, vector<16xf32>,
      tpu.vector_store %arg6[%swap3A_426, %swap3A_427], %broadcast_in_dim3A_2 {strides = array<i32>} : memref<96x768xf32, #tpu.memory_space<vmem>>, vector<16xf32>,
      %add3A_429 = arith.constant 1 : i32
      %add3A_430 = arith.addi %mul3A_119, %add3A_429 : i32
      %swap3A_431 = arith.index_cast %add3A_430 : i32 to index
      %swap3A_432 = arith.constant 224 : index
      %swap3A_433 = tpu.vector_load %arg6[%swap3A_431, %swap3A_432] {strides = array<i32>} : memref<96x768xf32, #tpu.memory_space<vmem>>, vector<16xf32>,
      tpu.vector_store %arg6[%swap3A_431, %swap3A_432], %broadcast_in_dim3A_2 {strides = array<i32>} : memref<96x768xf32, #tpu.memory_space<vmem>>, vector<16xf32>,
      %add3A_434 = arith.constant 1 : i32
      %add3A_435 = arith.addi %mul3A_119, %add3A_434 : i32
      %swap3A_436 = arith.index_cast %add3A_435 : i32 to index
      %swap3A_437 = arith.constant 240 : index
      %swap3A_438 = tpu.vector_load %arg6[%swap3A_436, %swap3A_437] {strides = array<i32>} : memref<96x768xf32, #tpu.memory_space<vmem>>, vector<16xf32>,
      tpu.vector_store %arg6[%swap3A_436, %swap3A_437], %broadcast_in_dim3A_2 {strides = array<i32>} : memref<96x768xf32, #tpu.memory_space<vmem>>, vector<16xf32>,
      %add3A_439 = arith.constant 1 : i32
      %add3A_440 = arith.addi %mul3A_119, %add3A_439 : i32
      %swap3A_441 = arith.index_cast %add3A_440 : i32 to index
      %swap3A_442 = arith.constant 256 : index
      %swap3A_443 = tpu.vector_load %arg6[%swap3A_441, %swap3A_442] {strides = array<i32>} : memref<96x768xf32, #tpu.memory_space<vmem>>, vector<16xf32>,
      tpu.vector_store %arg6[%swap3A_441, %swap3A_442], %broadcast_in_dim3A_2 {strides = array<i32>} : memref<96x768xf32, #tpu.memory_space<vmem>>, vector<16xf32>,
      %add3A_444 = arith.constant 1 : i32
      %add3A_445 = arith.addi %mul3A_119, %add3A_444 : i32
      %swap3A_446 = arith.index_cast %add3A_445 : i32 to index
      %swap3A_447 = arith.constant 272 : index
      %swap3A_448 = tpu.vector_load %arg6[%swap3A_446, %swap3A_447] {strides = array<i32>} : memref<96x768xf32, #tpu.memory_space<vmem>>, vector<16xf32>,
      tpu.vector_store %arg6[%swap3A_446, %swap3A_447], %broadcast_in_dim3A_2 {strides = array<i32>} : memref<96x768xf32, #tpu.memory_space<vmem>>, vector<16xf32>,
      %add3A_449 = arith.constant 1 : i32
      %add3A_450 = arith.addi %mul3A_119, %add3A_449 : i32
      %swap3A_451 = arith.index_cast %add3A_450 : i32 to index
      %swap3A_452 = arith.constant 288 : index
      %swap3A_453 = tpu.vector_load %arg6[%swap3A_451, %swap3A_452] {strides = array<i32>} : memref<96x768xf32, #tpu.memory_space<vmem>>, vector<16xf32>,
      tpu.vector_store %arg6[%swap3A_451, %swap3A_452], %broadcast_in_dim3A_2 {strides = array<i32>} : memref<96x768xf32, #tpu.memory_space<vmem>>, vector<16xf32>,
      %add3A_454 = arith.constant 1 : i32
      %add3A_455 = arith.addi %mul3A_119, %add3A_454 : i32
      %swap3A_456 = arith.index_cast %add3A_455 : i32 to index
      %swap3A_457 = arith.constant 304 : index
      %swap3A_458 = tpu.vector_load %arg6[%swap3A_456, %swap3A_457] {strides = array<i32>} : memref<96x768xf32, #tpu.memory_space<vmem>>, vector<16xf32>,
      tpu.vector_store %arg6[%swap3A_456, %swap3A_457], %broadcast_in_dim3A_2 {strides = array<i32>} : memref<96x768xf32, #tpu.memory_space<vmem>>, vector<16xf32>,
      %add3A_459 = arith.constant 1 : i32
      %add3A_460 = arith.addi %mul3A_119, %add3A_459 : i32
      %swap3A_461 = arith.index_cast %add3A_460 : i32 to index
      %swap3A_462 = arith.constant 320 : index
      %swap3A_463 = tpu.vector_load %arg6[%swap3A_461, %swap3A_462] {strides = array<i32>} : memref<96x768xf32, #tpu.memory_space<vmem>>, vector<16xf32>,
      tpu.vector_store %arg6[%swap3A_461, %swap3A_462], %broadcast_in_dim3A_2 {strides = array<i32>} : memref<96x768xf32, #tpu.memory_space<vmem>>, vector<16xf32>,
      %add3A_464 = arith.constant 1 : i32
      %add3A_465 = arith.addi %mul3A_119, %add3A_464 : i32
      %swap3A_466 = arith.index_cast %add3A_465 : i32 to index
      %swap3A_467 = arith.constant 336 : index
      %swap3A_468 = tpu.vector_load %arg6[%swap3A_466, %swap3A_467] {strides = array<i32>} : memref<96x768xf32, #tpu.memory_space<vmem>>, vector<16xf32>,
      tpu.vector_store %arg6[%swap3A_466, %swap3A_467], %broadcast_in_dim3A_2 {strides = array<i32>} : memref<96x768xf32, #tpu.memory_space<vmem>>, vector<16xf32>,
      %add3A_469 = arith.constant 1 : i32
      %add3A_470 = arith.addi %mul3A_119, %add3A_469 : i32
      %swap3A_471 = arith.index_cast %add3A_470 : i32 to index
      %swap3A_472 = arith.constant 352 : index
      %swap3A_473 = tpu.vector_load %arg6[%swap3A_471, %swap3A_472] {strides = array<i32>} : memref<96x768xf32, #tpu.memory_space<vmem>>, vector<16xf32>,
      tpu.vector_store %arg6[%swap3A_471, %swap3A_472], %broadcast_in_dim3A_2 {strides = array<i32>} : memref<96x768xf32, #tpu.memory_space<vmem>>, vector<16xf32>,
      %add3A_474 = arith.constant 1 : i32
      %add3A_475 = arith.addi %mul3A_119, %add3A_474 : i32
      %swap3A_476 = arith.index_cast %add3A_475 : i32 to index
      %swap3A_477 = arith.constant 368 : index
      %swap3A_478 = tpu.vector_load %arg6[%swap3A_476, %swap3A_477] {strides = array<i32>} : memref<96x768xf32, #tpu.memory_space<vmem>>, vector<16xf32>,
      tpu.vector_store %arg6[%swap3A_476, %swap3A_477], %broadcast_in_dim3A_2 {strides = array<i32>} : memref<96x768xf32, #tpu.memory_space<vmem>>, vector<16xf32>,
      %add3A_479 = arith.constant 1 : i32
      %add3A_480 = arith.addi %mul3A_119, %add3A_479 : i32
      %swap3A_481 = arith.index_cast %add3A_480 : i32 to index
      %swap3A_482 = arith.constant 384 : index
      %swap3A_483 = tpu.vector_load %arg6[%swap3A_481, %swap3A_482] {strides = array<i32>} : memref<96x768xf32, #tpu.memory_space<vmem>>, vector<16xf32>,
      tpu.vector_store %arg6[%swap3A_481, %swap3A_482], %broadcast_in_dim3A_2 {strides = array<i32>} : memref<96x768xf32, #tpu.memory_space<vmem>>, vector<16xf32>,
      %add3A_484 = arith.constant 1 : i32
      %add3A_485 = arith.addi %mul3A_119, %add3A_484 : i32
      %swap3A_486 = arith.index_cast %add3A_485 : i32 to index
      %swap3A_487 = arith.constant 400 : index
      %swap3A_488 = tpu.vector_load %arg6[%swap3A_486, %swap3A_487] {strides = array<i32>} : memref<96x768xf32, #tpu.memory_space<vmem>>, vector<16xf32>,
      tpu.vector_store %arg6[%swap3A_486, %swap3A_487], %broadcast_in_dim3A_2 {strides = array<i32>} : memref<96x768xf32, #tpu.memory_space<vmem>>, vector<16xf32>,
      %add3A_489 = arith.constant 1 : i32
      %add3A_490 = arith.addi %mul3A_119, %add3A_489 : i32
      %swap3A_491 = arith.index_cast %add3A_490 : i32 to index
      %swap3A_492 = arith.constant 416 : index
      %swap3A_493 = tpu.vector_load %arg6[%swap3A_491, %swap3A_492] {strides = array<i32>} : memref<96x768xf32, #tpu.memory_space<vmem>>, vector<16xf32>,
      tpu.vector_store %arg6[%swap3A_491, %swap3A_492], %broadcast_in_dim3A_2 {strides = array<i32>} : memref<96x768xf32, #tpu.memory_space<vmem>>, vector<16xf32>,
      %add3A_494 = arith.constant 1 : i32
      %add3A_495 = arith.addi %mul3A_119, %add3A_494 : i32
      %swap3A_496 = arith.index_cast %add3A_495 : i32 to index
      %swap3A_497 = arith.constant 432 : index
      %swap3A_498 = tpu.vector_load %arg6[%swap3A_496, %swap3A_497] {strides = array<i32>} : memref<96x768xf32, #tpu.memory_space<vmem>>, vector<16xf32>,
      tpu.vector_store %arg6[%swap3A_496, %swap3A_497], %broadcast_in_dim3A_2 {strides = array<i32>} : memref<96x768xf32, #tpu.memory_space<vmem>>, vector<16xf32>,
      %add3A_499 = arith.constant 1 : i32
      %add3A_500 = arith.addi %mul3A_119, %add3A_499 : i32
      %swap3A_501 = arith.index_cast %add3A_500 : i32 to index
      %swap3A_502 = arith.constant 448 : index
      %swap3A_503 = tpu.vector_load %arg6[%swap3A_501, %swap3A_502] {strides = array<i32>} : memref<96x768xf32, #tpu.memory_space<vmem>>, vector<16xf32>,
      tpu.vector_store %arg6[%swap3A_501, %swap3A_502], %broadcast_in_dim3A_2 {strides = array<i32>} : memref<96x768xf32, #tpu.memory_space<vmem>>, vector<16xf32>,
      %add3A_504 = arith.constant 1 : i32
      %add3A_505 = arith.addi %mul3A_119, %add3A_504 : i32
      %swap3A_506 = arith.index_cast %add3A_505 : i32 to index
      %swap3A_507 = arith.constant 464 : index
      %swap3A_508 = tpu.vector_load %arg6[%swap3A_506, %swap3A_507] {strides = array<i32>} : memref<96x768xf32, #tpu.memory_space<vmem>>, vector<16xf32>,
      tpu.vector_store %arg6[%swap3A_506, %swap3A_507], %broadcast_in_dim3A_2 {strides = array<i32>} : memref<96x768xf32, #tpu.memory_space<vmem>>, vector<16xf32>,
      %add3A_509 = arith.constant 1 : i32
      %add3A_510 = arith.addi %mul3A_119, %add3A_509 : i32
      %swap3A_511 = arith.index_cast %add3A_510 : i32 to index
      %swap3A_512 = arith.constant 480 : index
      %swap3A_513 = tpu.vector_load %arg6[%swap3A_511, %swap3A_512] {strides = array<i32>} : memref<96x768xf32, #tpu.memory_space<vmem>>, vector<16xf32>,
      tpu.vector_store %arg6[%swap3A_511, %swap3A_512], %broadcast_in_dim3A_2 {strides = array<i32>} : memref<96x768xf32, #tpu.memory_space<vmem>>, vector<16xf32>,
      %add3A_514 = arith.constant 1 : i32
      %add3A_515 = arith.addi %mul3A_119, %add3A_514 : i32
      %swap3A_516 = arith.index_cast %add3A_515 : i32 to index
      %swap3A_517 = arith.constant 496 : index
      %swap3A_518 = tpu.vector_load %arg6[%swap3A_516, %swap3A_517] {strides = array<i32>} : memref<96x768xf32, #tpu.memory_space<vmem>>, vector<16xf32>,
      tpu.vector_store %arg6[%swap3A_516, %swap3A_517], %broadcast_in_dim3A_2 {strides = array<i32>} : memref<96x768xf32, #tpu.memory_space<vmem>>, vector<16xf32>,
      %add3A_519 = arith.constant 1 : i32
      %add3A_520 = arith.addi %mul3A_119, %add3A_519 : i32
      %swap3A_521 = arith.index_cast %add3A_520 : i32 to index
      %swap3A_522 = arith.constant 512 : index
      %swap3A_523 = tpu.vector_load %arg6[%swap3A_521, %swap3A_522] {strides = array<i32>} : memref<96x768xf32, #tpu.memory_space<vmem>>, vector<16xf32>,
      tpu.vector_store %arg6[%swap3A_521, %swap3A_522], %broadcast_in_dim3A_2 {strides = array<i32>} : memref<96x768xf32, #tpu.memory_space<vmem>>, vector<16xf32>,
      %add3A_524 = arith.constant 1 : i32
      %add3A_525 = arith.addi %mul3A_119, %add3A_524 : i32
      %swap3A_526 = arith.index_cast %add3A_525 : i32 to index
      %swap3A_527 = arith.constant 528 : index
      %swap3A_528 = tpu.vector_load %arg6[%swap3A_526, %swap3A_527] {strides = array<i32>} : memref<96x768xf32, #tpu.memory_space<vmem>>, vector<16xf32>,
      tpu.vector_store %arg6[%swap3A_526, %swap3A_527], %broadcast_in_dim3A_2 {strides = array<i32>} : memref<96x768xf32, #tpu.memory_space<vmem>>, vector<16xf32>,
      %add3A_529 = arith.constant 1 : i32
      %add3A_530 = arith.addi %mul3A_119, %add3A_529 : i32
      %swap3A_531 = arith.index_cast %add3A_530 : i32 to index
      %swap3A_532 = arith.constant 544 : index
      %swap3A_533 = tpu.vector_load %arg6[%swap3A_531, %swap3A_532] {strides = array<i32>} : memref<96x768xf32, #tpu.memory_space<vmem>>, vector<16xf32>,
      tpu.vector_store %arg6[%swap3A_531, %swap3A_532], %broadcast_in_dim3A_2 {strides = array<i32>} : memref<96x768xf32, #tpu.memory_space<vmem>>, vector<16xf32>,
      %add3A_534 = arith.constant 1 : i32
      %add3A_535 = arith.addi %mul3A_119, %add3A_534 : i32
      %swap3A_536 = arith.index_cast %add3A_535 : i32 to index
      %swap3A_537 = arith.constant 560 : index
      %swap3A_538 = tpu.vector_load %arg6[%swap3A_536, %swap3A_537] {strides = array<i32>} : memref<96x768xf32, #tpu.memory_space<vmem>>, vector<16xf32>,
      tpu.vector_store %arg6[%swap3A_536, %swap3A_537], %broadcast_in_dim3A_2 {strides = array<i32>} : memref<96x768xf32, #tpu.memory_space<vmem>>, vector<16xf32>,
      %add3A_539 = arith.constant 1 : i32
      %add3A_540 = arith.addi %mul3A_119, %add3A_539 : i32
      %swap3A_541 = arith.index_cast %add3A_540 : i32 to index
      %swap3A_542 = arith.constant 576 : index
      %swap3A_543 = tpu.vector_load %arg6[%swap3A_541, %swap3A_542] {strides = array<i32>} : memref<96x768xf32, #tpu.memory_space<vmem>>, vector<16xf32>,
      tpu.vector_store %arg6[%swap3A_541, %swap3A_542], %broadcast_in_dim3A_2 {strides = array<i32>} : memref<96x768xf32, #tpu.memory_space<vmem>>, vector<16xf32>,
      %add3A_544 = arith.constant 1 : i32
      %add3A_545 = arith.addi %mul3A_119, %add3A_544 : i32
      %swap3A_546 = arith.index_cast %add3A_545 : i32 to index
      %swap3A_547 = arith.constant 592 : index
      %swap3A_548 = tpu.vector_load %arg6[%swap3A_546, %swap3A_547] {strides = array<i32>} : memref<96x768xf32, #tpu.memory_space<vmem>>, vector<16xf32>,
      tpu.vector_store %arg6[%swap3A_546, %swap3A_547], %broadcast_in_dim3A_2 {strides = array<i32>} : memref<96x768xf32, #tpu.memory_space<vmem>>, vector<16xf32>,
      %add3A_549 = arith.constant 1 : i32
      %add3A_550 = arith.addi %mul3A_119, %add3A_549 : i32
      %swap3A_551 = arith.index_cast %add3A_550 : i32 to index
      %swap3A_552 = arith.constant 608 : index
      %swap3A_553 = tpu.vector_load %arg6[%swap3A_551, %swap3A_552] {strides = array<i32>} : memref<96x768xf32, #tpu.memory_space<vmem>>, vector<16xf32>,
      tpu.vector_store %arg6[%swap3A_551, %swap3A_552], %broadcast_in_dim3A_2 {strides = array<i32>} : memref<96x768xf32, #tpu.memory_space<vmem>>, vector<16xf32>,
      %add3A_554 = arith.constant 1 : i32
      %add3A_555 = arith.addi %mul3A_119, %add3A_554 : i32
      %swap3A_556 = arith.index_cast %add3A_555 : i32 to index
      %swap3A_557 = arith.constant 624 : index
      %swap3A_558 = tpu.vector_load %arg6[%swap3A_556, %swap3A_557] {strides = array<i32>} : memref<96x768xf32, #tpu.memory_space<vmem>>, vector<16xf32>,
      tpu.vector_store %arg6[%swap3A_556, %swap3A_557], %broadcast_in_dim3A_2 {strides = array<i32>} : memref<96x768xf32, #tpu.memory_space<vmem>>, vector<16xf32>,
      %add3A_559 = arith.constant 1 : i32
      %add3A_560 = arith.addi %mul3A_119, %add3A_559 : i32
      %swap3A_561 = arith.index_cast %add3A_560 : i32 to index
      %swap3A_562 = arith.constant 640 : index
      %swap3A_563 = tpu.vector_load %arg6[%swap3A_561, %swap3A_562] {strides = array<i32>} : memref<96x768xf32, #tpu.memory_space<vmem>>, vector<16xf32>,
      tpu.vector_store %arg6[%swap3A_561, %swap3A_562], %broadcast_in_dim3A_2 {strides = array<i32>} : memref<96x768xf32, #tpu.memory_space<vmem>>, vector<16xf32>,
      %add3A_564 = arith.constant 1 : i32
      %add3A_565 = arith.addi %mul3A_119, %add3A_564 : i32
      %swap3A_566 = arith.index_cast %add3A_565 : i32 to index
      %swap3A_567 = arith.constant 656 : index
      %swap3A_568 = tpu.vector_load %arg6[%swap3A_566, %swap3A_567] {strides = array<i32>} : memref<96x768xf32, #tpu.memory_space<vmem>>, vector<16xf32>,
      tpu.vector_store %arg6[%swap3A_566, %swap3A_567], %broadcast_in_dim3A_2 {strides = array<i32>} : memref<96x768xf32, #tpu.memory_space<vmem>>, vector<16xf32>,
      %add3A_569 = arith.constant 1 : i32
      %add3A_570 = arith.addi %mul3A_119, %add3A_569 : i32
      %swap3A_571 = arith.index_cast %add3A_570 : i32 to index
      %swap3A_572 = arith.constant 672 : index
      %swap3A_573 = tpu.vector_load %arg6[%swap3A_571, %swap3A_572] {strides = array<i32>} : memref<96x768xf32, #tpu.memory_space<vmem>>, vector<16xf32>,
      tpu.vector_store %arg6[%swap3A_571, %swap3A_572], %broadcast_in_dim3A_2 {strides = array<i32>} : memref<96x768xf32, #tpu.memory_space<vmem>>, vector<16xf32>,
      %add3A_574 = arith.constant 1 : i32
      %add3A_575 = arith.addi %mul3A_119, %add3A_574 : i32
      %swap3A_576 = arith.index_cast %add3A_575 : i32 to index
      %swap3A_577 = arith.constant 688 : index
      %swap3A_578 = tpu.vector_load %arg6[%swap3A_576, %swap3A_577] {strides = array<i32>} : memref<96x768xf32, #tpu.memory_space<vmem>>, vector<16xf32>,
      tpu.vector_store %arg6[%swap3A_576, %swap3A_577], %broadcast_in_dim3A_2 {strides = array<i32>} : memref<96x768xf32, #tpu.memory_space<vmem>>, vector<16xf32>,
      %add3A_579 = arith.constant 1 : i32
      %add3A_580 = arith.addi %mul3A_119, %add3A_579 : i32
      %swap3A_581 = arith.index_cast %add3A_580 : i32 to index
      %swap3A_582 = arith.constant 704 : index
      %swap3A_583 = tpu.vector_load %arg6[%swap3A_581, %swap3A_582] {strides = array<i32>} : memref<96x768xf32, #tpu.memory_space<vmem>>, vector<16xf32>,
      tpu.vector_store %arg6[%swap3A_581, %swap3A_582], %broadcast_in_dim3A_2 {strides = array<i32>} : memref<96x768xf32, #tpu.memory_space<vmem>>, vector<16xf32>,
      %add3A_584 = arith.constant 1 : i32
      %add3A_585 = arith.addi %mul3A_119, %add3A_584 : i32
      %swap3A_586 = arith.index_cast %add3A_585 : i32 to index
      %swap3A_587 = arith.constant 720 : index
      %swap3A_588 = tpu.vector_load %arg6[%swap3A_586, %swap3A_587] {strides = array<i32>} : memref<96x768xf32, #tpu.memory_space<vmem>>, vector<16xf32>,
      tpu.vector_store %arg6[%swap3A_586, %swap3A_587], %broadcast_in_dim3A_2 {strides = array<i32>} : memref<96x768xf32, #tpu.memory_space<vmem>>, vector<16xf32>,
      %add3A_589 = arith.constant 1 : i32
      %add3A_590 = arith.addi %mul3A_119, %add3A_589 : i32
      %swap3A_591 = arith.index_cast %add3A_590 : i32 to index
      %swap3A_592 = arith.constant 736 : index
      %swap3A_593 = tpu.vector_load %arg6[%swap3A_591, %swap3A_592] {strides = array<i32>} : memref<96x768xf32, #tpu.memory_space<vmem>>, vector<16xf32>,
      tpu.vector_store %arg6[%swap3A_591, %swap3A_592], %broadcast_in_dim3A_2 {strides = array<i32>} : memref<96x768xf32, #tpu.memory_space<vmem>>, vector<16xf32>,
      %add3A_594 = arith.constant 1 : i32
      %add3A_595 = arith.addi %mul3A_119, %add3A_594 : i32
      %swap3A_596 = arith.index_cast %add3A_595 : i32 to index
      %swap3A_597 = arith.constant 752 : index
      %swap3A_598 = tpu.vector_load %arg6[%swap3A_596, %swap3A_597] {strides = array<i32>} : memref<96x768xf32, #tpu.memory_space<vmem>>, vector<16xf32>,
      tpu.vector_store %arg6[%swap3A_596, %swap3A_597], %broadcast_in_dim3A_2 {strides = array<i32>} : memref<96x768xf32, #tpu.memory_space<vmem>>, vector<16xf32>,
      %scan3A_599 = arith.constant 0 : i32
      scf.yield %scan3A_599 : i32
    }
    %scan3A_10 = arith.constant 48 : i32
    %scan3A_11 = arith.constant 0 : i32
    %scan3A_12 = arith.constant 0 : i32
    %scan3A_13 = arith.constant 357 : i32
    %scan3A_14 = arith.addi %scan3A_12, %scan3A_13 : i32
    %scan3A_15 = arith.constant 1 : i32
    %scan3A_16 = scf.for %scan3A_116 = %scan3A_12 to %scan3A_14 step %scan3A_15 iter_args(%scan3A_117 = %scan3A_11) -> (i32)  : i32 {
      %mul3A_118 = arith.constant 32 : i32
      %mul3A_119 = arith.muli %scan3A_116, %mul3A_118 : i32
      %add3A_120 = arith.constant 0 : i32
      %add3A_121 = arith.addi %mul3A_119, %add3A_120 : i32
      %get3A = arith.index_cast %add3A_121 : i32 to index
      %get3A_122 = tpu.vector_load %arg4[%get3A] {strides = array<i32>} : memref<11424xi32, #tpu.memory_space<vmem>>, vector<16xi32>,
      %get3A_123 = arith.index_cast %add3A_121 : i32 to index
      %get3A_124 = tpu.vector_load %arg5[%get3A_123] {strides = array<i32>} : memref<11424xi32, #tpu.memory_space<vmem>>, vector<16xi32>,
      %sub3A = arith.constant 0 : i32
      %sub3A_125 = vector.broadcast %sub3A : i32 to vector<16xi32>
      %sub3A_126 = arith.subi %get3A_124, %sub3A_125 : vector<16xi32>
      %ge3A = arith.constant 0 : i32
      %ge3A_127 = vector.broadcast %ge3A : i32 to vector<16xi32>
      %ge3A_128 = arith.cmpi sge, %sub3A_126, %ge3A_127 : vector<16xi32>
      %lt3A = arith.constant 96 : i32
      %lt3A_129 = vector.broadcast %lt3A : i32 to vector<16xi32>
      %lt3A_130 = arith.cmpi slt, %sub3A_126, %lt3A_129 : vector<16xi32>
      %and3A = arith.andi %ge3A_128, %lt3A_130 : vector<16xi1>
      %jit3A = arith.constant 0 : i32
      %broadcast_in_dim3A_131 = vector.broadcast %jit3A : i32 to vector<16xi32>
      %select_n3A = arith.select %and3A, %sub3A_126, %broadcast_in_dim3A_131 : vector<16xi1>, vector<16xi32>
      tpu.vector_store_idx %arg6[%select_n3A, %get3A_122], %broadcast_in_dim3A_4 masked %and3A {add = true} : memref<96x768xf32, #tpu.memory_space<vmem>>[vector<16xi32>, vector<16xi32>], vector<16xf32>, vector<16xi1>
      %mul3A_132 = arith.constant 32 : i32
      %mul3A_133 = arith.muli %scan3A_116, %mul3A_132 : i32
      %add3A_134 = arith.constant 16 : i32
      %add3A_135 = arith.addi %mul3A_133, %add3A_134 : i32
      %get3A_136 = arith.index_cast %add3A_135 : i32 to index
      %get3A_137 = tpu.vector_load %arg4[%get3A_136] {strides = array<i32>} : memref<11424xi32, #tpu.memory_space<vmem>>, vector<16xi32>,
      %get3A_138 = arith.index_cast %add3A_135 : i32 to index
      %get3A_139 = tpu.vector_load %arg5[%get3A_138] {strides = array<i32>} : memref<11424xi32, #tpu.memory_space<vmem>>, vector<16xi32>,
      %sub3A_140 = arith.constant 0 : i32
      %sub3A_141 = vector.broadcast %sub3A_140 : i32 to vector<16xi32>
      %sub3A_142 = arith.subi %get3A_139, %sub3A_141 : vector<16xi32>
      %ge3A_143 = arith.constant 0 : i32
      %ge3A_144 = vector.broadcast %ge3A_143 : i32 to vector<16xi32>
      %ge3A_145 = arith.cmpi sge, %sub3A_142, %ge3A_144 : vector<16xi32>
      %lt3A_146 = arith.constant 96 : i32
      %lt3A_147 = vector.broadcast %lt3A_146 : i32 to vector<16xi32>
      %lt3A_148 = arith.cmpi slt, %sub3A_142, %lt3A_147 : vector<16xi32>
      %and3A_149 = arith.andi %ge3A_145, %lt3A_148 : vector<16xi1>
      %jit3A_150 = arith.constant 0 : i32
      %broadcast_in_dim3A_151 = vector.broadcast %jit3A_150 : i32 to vector<16xi32>
      %select_n3A_152 = arith.select %and3A_149, %sub3A_142, %broadcast_in_dim3A_151 : vector<16xi1>, vector<16xi32>
      tpu.vector_store_idx %arg6[%select_n3A_152, %get3A_137], %broadcast_in_dim3A_4 masked %and3A_149 {add = true} : memref<96x768xf32, #tpu.memory_space<vmem>>[vector<16xi32>, vector<16xi32>], vector<16xf32>, vector<16xi1>
      %scan3A_153 = arith.constant 0 : i32
      scf.yield %scan3A_153 : i32
    }
    %scan3A_17 = arith.constant 357 : i32
    "tpu.region"() ({
      %run_scoped3A_116 = tpu.sem_alloc : memref<!tpu.dma_semaphore, #tpu.memory_space<semaphore_mem>>
      %dma_start3A = arith.constant 0 : i32
      %dma_start3A_117 = arith.constant 0 : i32
      %dma_start3A_118 = tpu.memref_slice %arg3[%add3A, %dma_start3A, %dma_start3A_117] : memref<32x768x768xf32, #tpu.memory_space<hbm>> -> memref<1x96x768xf32, #tpu.memory_space<hbm>>
      %dma_start3A_119 = tpu.memref_squeeze %dma_start3A_118 : memref<1x96x768xf32, #tpu.memory_space<hbm>> -> memref<96x768xf32, #tpu.memory_space<hbm>>
      %dma_start3A_120 = arith.constant 0 : i32
      %dma_start3A_121 = arith.constant 0 : i32
      %dma_start3A_122 = tpu.memref_slice %arg3[%add3A, %dma_start3A_120, %dma_start3A_121] : memref<32x768x768xf32, #tpu.memory_space<hbm>> -> memref<1x96x768xf32, #tpu.memory_space<hbm>>
      %dma_start3A_123 = tpu.memref_squeeze %dma_start3A_122 : memref<1x96x768xf32, #tpu.memory_space<hbm>> -> memref<96x768xf32, #tpu.memory_space<hbm>>
      tpu.enqueue_dma source(%arg6 : memref<96x768xf32, #tpu.memory_space<vmem>>) target(%dma_start3A_123 : memref<96x768xf32, #tpu.memory_space<hbm>>) target_semaphore(%run_scoped3A_116 : memref<!tpu.dma_semaphore, #tpu.memory_space<semaphore_mem>>)
      %dma_wait3A = arith.constant 0 : i32
      %dma_wait3A_124 = arith.constant 0 : i32
      %dma_wait3A_125 = tpu.memref_slice %arg3[%add3A, %dma_wait3A, %dma_wait3A_124] : memref<32x768x768xf32, #tpu.memory_space<hbm>> -> memref<1x96x768xf32, #tpu.memory_space<hbm>>
      %dma_wait3A_126 = tpu.memref_squeeze %dma_wait3A_125 : memref<1x96x768xf32, #tpu.memory_space<hbm>> -> memref<96x768xf32, #tpu.memory_space<hbm>>
      %dma_wait3A_127 = arith.constant 0 : i32
      %dma_wait3A_128 = arith.constant 0 : i32
      %dma_wait3A_129 = tpu.memref_slice %arg3[%add3A, %dma_wait3A_127, %dma_wait3A_128] : memref<32x768x768xf32, #tpu.memory_space<hbm>> -> memref<1x96x768xf32, #tpu.memory_space<hbm>>
      %dma_wait3A_130 = tpu.memref_squeeze %dma_wait3A_129 : memref<1x96x768xf32, #tpu.memory_space<hbm>> -> memref<96x768xf32, #tpu.memory_space<hbm>>
      tpu.wait_dma2 semaphore(%run_scoped3A_116 : memref<!tpu.dma_semaphore, #tpu.memory_space<semaphore_mem>>) src(%arg6 : memref<96x768xf32, #tpu.memory_space<vmem>>) dst(%dma_wait3A_130 : memref<96x768xf32, #tpu.memory_space<hbm>>)
      tpu.yield
    }) : () -> ()
    %scan3A_18 = arith.constant 0 : i32
    %scan3A_19 = arith.constant 0 : i32
    %scan3A_20 = arith.constant 357 : i32
    %scan3A_21 = arith.addi %scan3A_19, %scan3A_20 : i32
    %scan3A_22 = arith.constant 1 : i32
    %scan3A_23 = scf.for %scan3A_116 = %scan3A_19 to %scan3A_21 step %scan3A_22 iter_args(%scan3A_117 = %scan3A_18) -> (i32)  : i32 {
      %mul3A_118 = arith.constant 32 : i32
      %mul3A_119 = arith.muli %scan3A_116, %mul3A_118 : i32
      %add3A_120 = arith.constant 0 : i32
      %add3A_121 = arith.addi %mul3A_119, %add3A_120 : i32
      %get3A = arith.index_cast %add3A_121 : i32 to index
      %get3A_122 = tpu.vector_load %arg4[%get3A] {strides = array<i32>} : memref<11424xi32, #tpu.memory_space<vmem>>, vector<16xi32>,
      %get3A_123 = arith.index_cast %add3A_121 : i32 to index
      %get3A_124 = tpu.vector_load %arg5[%get3A_123] {strides = array<i32>} : memref<11424xi32, #tpu.memory_space<vmem>>, vector<16xi32>,
      %sub3A = arith.constant 0 : i32
      %sub3A_125 = vector.broadcast %sub3A : i32 to vector<16xi32>
      %sub3A_126 = arith.subi %get3A_124, %sub3A_125 : vector<16xi32>
      %ge3A = arith.constant 0 : i32
      %ge3A_127 = vector.broadcast %ge3A : i32 to vector<16xi32>
      %ge3A_128 = arith.cmpi sge, %sub3A_126, %ge3A_127 : vector<16xi32>
      %lt3A = arith.constant 96 : i32
      %lt3A_129 = vector.broadcast %lt3A : i32 to vector<16xi32>
      %lt3A_130 = arith.cmpi slt, %sub3A_126, %lt3A_129 : vector<16xi32>
      %and3A = arith.andi %ge3A_128, %lt3A_130 : vector<16xi1>
      %jit3A = arith.constant 0 : i32
      %broadcast_in_dim3A_131 = vector.broadcast %jit3A : i32 to vector<16xi32>
      %select_n3A = arith.select %and3A, %sub3A_126, %broadcast_in_dim3A_131 : vector<16xi1>, vector<16xi32>
      tpu.vector_store_idx %arg6[%select_n3A, %get3A_122], %broadcast_in_dim3A_2 masked %and3A : memref<96x768xf32, #tpu.memory_space<vmem>>[vector<16xi32>, vector<16xi32>], vector<16xf32>, vector<16xi1>
      %mul3A_132 = arith.constant 32 : i32
      %mul3A_133 = arith.muli %scan3A_116, %mul3A_132 : i32
      %add3A_134 = arith.constant 16 : i32
      %add3A_135 = arith.addi %mul3A_133, %add3A_134 : i32
      %get3A_136 = arith.index_cast %add3A_135 : i32 to index
      %get3A_137 = tpu.vector_load %arg4[%get3A_136] {strides = array<i32>} : memref<11424xi32, #tpu.memory_space<vmem>>, vector<16xi32>,
      %get3A_138 = arith.index_cast %add3A_135 : i32 to index
      %get3A_139 = tpu.vector_load %arg5[%get3A_138] {strides = array<i32>} : memref<11424xi32, #tpu.memory_space<vmem>>, vector<16xi32>,
      %sub3A_140 = arith.constant 0 : i32
      %sub3A_141 = vector.broadcast %sub3A_140 : i32 to vector<16xi32>
      %sub3A_142 = arith.subi %get3A_139, %sub3A_141 : vector<16xi32>
      %ge3A_143 = arith.constant 0 : i32
      %ge3A_144 = vector.broadcast %ge3A_143 : i32 to vector<16xi32>
      %ge3A_145 = arith.cmpi sge, %sub3A_142, %ge3A_144 : vector<16xi32>
      %lt3A_146 = arith.constant 96 : i32
      %lt3A_147 = vector.broadcast %lt3A_146 : i32 to vector<16xi32>
      %lt3A_148 = arith.cmpi slt, %sub3A_142, %lt3A_147 : vector<16xi32>
      %and3A_149 = arith.andi %ge3A_145, %lt3A_148 : vector<16xi1>
      %jit3A_150 = arith.constant 0 : i32
      %broadcast_in_dim3A_151 = vector.broadcast %jit3A_150 : i32 to vector<16xi32>
      %select_n3A_152 = arith.select %and3A_149, %sub3A_142, %broadcast_in_dim3A_151 : vector<16xi1>, vector<16xi32>
      tpu.vector_store_idx %arg6[%select_n3A_152, %get3A_137], %broadcast_in_dim3A_2 masked %and3A_149 : memref<96x768xf32, #tpu.memory_space<vmem>>[vector<16xi32>, vector<16xi32>], vector<16xf32>, vector<16xi1>
      %scan3A_153 = arith.constant 0 : i32
      scf.yield %scan3A_153 : i32
    }
    %scan3A_24 = arith.constant 357 : i32
    %scan3A_25 = arith.constant 0 : i32
    %scan3A_26 = arith.constant 0 : i32
    %scan3A_27 = arith.constant 357 : i32
    %scan3A_28 = arith.addi %scan3A_26, %scan3A_27 : i32
    %scan3A_29 = arith.constant 1 : i32
    %scan3A_30 = scf.for %scan3A_116 = %scan3A_26 to %scan3A_28 step %scan3A_29 iter_args(%scan3A_117 = %scan3A_25) -> (i32)  : i32 {
      %mul3A_118 = arith.constant 32 : i32
      %mul3A_119 = arith.muli %scan3A_116, %mul3A_118 : i32
      %add3A_120 = arith.constant 0 : i32
      %add3A_121 = arith.addi %mul3A_119, %add3A_120 : i32
      %get3A = arith.index_cast %add3A_121 : i32 to index
      %get3A_122 = tpu.vector_load %arg4[%get3A] {strides = array<i32>} : memref<11424xi32, #tpu.memory_space<vmem>>, vector<16xi32>,
      %get3A_123 = arith.index_cast %add3A_121 : i32 to index
      %get3A_124 = tpu.vector_load %arg5[%get3A_123] {strides = array<i32>} : memref<11424xi32, #tpu.memory_space<vmem>>, vector<16xi32>,
      %sub3A = arith.constant 96 : i32
      %sub3A_125 = vector.broadcast %sub3A : i32 to vector<16xi32>
      %sub3A_126 = arith.subi %get3A_124, %sub3A_125 : vector<16xi32>
      %ge3A = arith.constant 0 : i32
      %ge3A_127 = vector.broadcast %ge3A : i32 to vector<16xi32>
      %ge3A_128 = arith.cmpi sge, %sub3A_126, %ge3A_127 : vector<16xi32>
      %lt3A = arith.constant 96 : i32
      %lt3A_129 = vector.broadcast %lt3A : i32 to vector<16xi32>
      %lt3A_130 = arith.cmpi slt, %sub3A_126, %lt3A_129 : vector<16xi32>
      %and3A = arith.andi %ge3A_128, %lt3A_130 : vector<16xi1>
      %jit3A = arith.constant 0 : i32
      %broadcast_in_dim3A_131 = vector.broadcast %jit3A : i32 to vector<16xi32>
      %select_n3A = arith.select %and3A, %sub3A_126, %broadcast_in_dim3A_131 : vector<16xi1>, vector<16xi32>
      tpu.vector_store_idx %arg6[%select_n3A, %get3A_122], %broadcast_in_dim3A_4 masked %and3A {add = true} : memref<96x768xf32, #tpu.memory_space<vmem>>[vector<16xi32>, vector<16xi32>], vector<16xf32>, vector<16xi1>
      %mul3A_132 = arith.constant 32 : i32
      %mul3A_133 = arith.muli %scan3A_116, %mul3A_132 : i32
      %add3A_134 = arith.constant 16 : i32
      %add3A_135 = arith.addi %mul3A_133, %add3A_134 : i32
      %get3A_136 = arith.index_cast %add3A_135 : i32 to index
      %get3A_137 = tpu.vector_load %arg4[%get3A_136] {strides = array<i32>} : memref<11424xi32, #tpu.memory_space<vmem>>, vector<16xi32>,
      %get3A_138 = arith.index_cast %add3A_135 : i32 to index
      %get3A_139 = tpu.vector_load %arg5[%get3A_138] {strides = array<i32>} : memref<11424xi32, #tpu.memory_space<vmem>>, vector<16xi32>,
      %sub3A_140 = arith.constant 96 : i32
      %sub3A_141 = vector.broadcast %sub3A_140 : i32 to vector<16xi32>
      %sub3A_142 = arith.subi %get3A_139, %sub3A_141 : vector<16xi32>
      %ge3A_143 = arith.constant 0 : i32
      %ge3A_144 = vector.broadcast %ge3A_143 : i32 to vector<16xi32>
      %ge3A_145 = arith.cmpi sge, %sub3A_142, %ge3A_144 : vector<16xi32>
      %lt3A_146 = arith.constant 96 : i32
      %lt3A_147 = vector.broadcast %lt3A_146 : i32 to vector<16xi32>
      %lt3A_148 = arith.cmpi slt, %sub3A_142, %lt3A_147 : vector<16xi32>
      %and3A_149 = arith.andi %ge3A_145, %lt3A_148 : vector<16xi1>
      %jit3A_150 = arith.constant 0 : i32
      %broadcast_in_dim3A_151 = vector.broadcast %jit3A_150 : i32 to vector<16xi32>
      %select_n3A_152 = arith.select %and3A_149, %sub3A_142, %broadcast_in_dim3A_151 : vector<16xi1>, vector<16xi32>
      tpu.vector_store_idx %arg6[%select_n3A_152, %get3A_137], %broadcast_in_dim3A_4 masked %and3A_149 {add = true} : memref<96x768xf32, #tpu.memory_space<vmem>>[vector<16xi32>, vector<16xi32>], vector<16xf32>, vector<16xi1>
      %scan3A_153 = arith.constant 0 : i32
      scf.yield %scan3A_153 : i32
    }
    %scan3A_31 = arith.constant 357 : i32
    "tpu.region"() ({
      %run_scoped3A_116 = tpu.sem_alloc : memref<!tpu.dma_semaphore, #tpu.memory_space<semaphore_mem>>
      %dma_start3A = arith.constant 96 : i32
      %dma_start3A_117 = arith.constant 0 : i32
      %dma_start3A_118 = tpu.memref_slice %arg3[%add3A, %dma_start3A, %dma_start3A_117] : memref<32x768x768xf32, #tpu.memory_space<hbm>> -> memref<1x96x768xf32, #tpu.memory_space<hbm>>
      %dma_start3A_119 = tpu.memref_squeeze %dma_start3A_118 : memref<1x96x768xf32, #tpu.memory_space<hbm>> -> memref<96x768xf32, #tpu.memory_space<hbm>>
      %dma_start3A_120 = arith.constant 96 : i32
      %dma_start3A_121 = arith.constant 0 : i32
      %dma_start3A_122 = tpu.memref_slice %arg3[%add3A, %dma_start3A_120, %dma_start3A_121] : memref<32x768x768xf32, #tpu.memory_space<hbm>> -> memref<1x96x768xf32, #tpu.memory_space<hbm>>
      %dma_start3A_123 = tpu.memref_squeeze %dma_start3A_122 : memref<1x96x768xf32, #tpu.memory_space<hbm>> -> memref<96x768xf32, #tpu.memory_space<hbm>>
      tpu.enqueue_dma source(%arg6 : memref<96x768xf32, #tpu.memory_space<vmem>>) target(%dma_start3A_123 : memref<96x768xf32, #tpu.memory_space<hbm>>) target_semaphore(%run_scoped3A_116 : memref<!tpu.dma_semaphore, #tpu.memory_space<semaphore_mem>>)
      %dma_wait3A = arith.constant 96 : i32
      %dma_wait3A_124 = arith.constant 0 : i32
      %dma_wait3A_125 = tpu.memref_slice %arg3[%add3A, %dma_wait3A, %dma_wait3A_124] : memref<32x768x768xf32, #tpu.memory_space<hbm>> -> memref<1x96x768xf32, #tpu.memory_space<hbm>>
      %dma_wait3A_126 = tpu.memref_squeeze %dma_wait3A_125 : memref<1x96x768xf32, #tpu.memory_space<hbm>> -> memref<96x768xf32, #tpu.memory_space<hbm>>
      %dma_wait3A_127 = arith.constant 96 : i32
      %dma_wait3A_128 = arith.constant 0 : i32
      %dma_wait3A_129 = tpu.memref_slice %arg3[%add3A, %dma_wait3A_127, %dma_wait3A_128] : memref<32x768x768xf32, #tpu.memory_space<hbm>> -> memref<1x96x768xf32, #tpu.memory_space<hbm>>
      %dma_wait3A_130 = tpu.memref_squeeze %dma_wait3A_129 : memref<1x96x768xf32, #tpu.memory_space<hbm>> -> memref<96x768xf32, #tpu.memory_space<hbm>>
      tpu.wait_dma2 semaphore(%run_scoped3A_116 : memref<!tpu.dma_semaphore, #tpu.memory_space<semaphore_mem>>) src(%arg6 : memref<96x768xf32, #tpu.memory_space<vmem>>) dst(%dma_wait3A_130 : memref<96x768xf32, #tpu.memory_space<hbm>>)
      tpu.yield
    }) : () -> ()
    %scan3A_32 = arith.constant 0 : i32
    %scan3A_33 = arith.constant 0 : i32
    %scan3A_34 = arith.constant 357 : i32
    %scan3A_35 = arith.addi %scan3A_33, %scan3A_34 : i32
    %scan3A_36 = arith.constant 1 : i32
    %scan3A_37 = scf.for %scan3A_116 = %scan3A_33 to %scan3A_35 step %scan3A_36 iter_args(%scan3A_117 = %scan3A_32) -> (i32)  : i32 {
      %mul3A_118 = arith.constant 32 : i32
      %mul3A_119 = arith.muli %scan3A_116, %mul3A_118 : i32
      %add3A_120 = arith.constant 0 : i32
      %add3A_121 = arith.addi %mul3A_119, %add3A_120 : i32
      %get3A = arith.index_cast %add3A_121 : i32 to index
      %get3A_122 = tpu.vector_load %arg4[%get3A] {strides = array<i32>} : memref<11424xi32, #tpu.memory_space<vmem>>, vector<16xi32>,
      %get3A_123 = arith.index_cast %add3A_121 : i32 to index
      %get3A_124 = tpu.vector_load %arg5[%get3A_123] {strides = array<i32>} : memref<11424xi32, #tpu.memory_space<vmem>>, vector<16xi32>,
      %sub3A = arith.constant 96 : i32
      %sub3A_125 = vector.broadcast %sub3A : i32 to vector<16xi32>
      %sub3A_126 = arith.subi %get3A_124, %sub3A_125 : vector<16xi32>
      %ge3A = arith.constant 0 : i32
      %ge3A_127 = vector.broadcast %ge3A : i32 to vector<16xi32>
      %ge3A_128 = arith.cmpi sge, %sub3A_126, %ge3A_127 : vector<16xi32>
      %lt3A = arith.constant 96 : i32
      %lt3A_129 = vector.broadcast %lt3A : i32 to vector<16xi32>
      %lt3A_130 = arith.cmpi slt, %sub3A_126, %lt3A_129 : vector<16xi32>
      %and3A = arith.andi %ge3A_128, %lt3A_130 : vector<16xi1>
      %jit3A = arith.constant 0 : i32
      %broadcast_in_dim3A_131 = vector.broadcast %jit3A : i32 to vector<16xi32>
      %select_n3A = arith.select %and3A, %sub3A_126, %broadcast_in_dim3A_131 : vector<16xi1>, vector<16xi32>
      tpu.vector_store_idx %arg6[%select_n3A, %get3A_122], %broadcast_in_dim3A_2 masked %and3A : memref<96x768xf32, #tpu.memory_space<vmem>>[vector<16xi32>, vector<16xi32>], vector<16xf32>, vector<16xi1>
      %mul3A_132 = arith.constant 32 : i32
      %mul3A_133 = arith.muli %scan3A_116, %mul3A_132 : i32
      %add3A_134 = arith.constant 16 : i32
      %add3A_135 = arith.addi %mul3A_133, %add3A_134 : i32
      %get3A_136 = arith.index_cast %add3A_135 : i32 to index
      %get3A_137 = tpu.vector_load %arg4[%get3A_136] {strides = array<i32>} : memref<11424xi32, #tpu.memory_space<vmem>>, vector<16xi32>,
      %get3A_138 = arith.index_cast %add3A_135 : i32 to index
      %get3A_139 = tpu.vector_load %arg5[%get3A_138] {strides = array<i32>} : memref<11424xi32, #tpu.memory_space<vmem>>, vector<16xi32>,
      %sub3A_140 = arith.constant 96 : i32
      %sub3A_141 = vector.broadcast %sub3A_140 : i32 to vector<16xi32>
      %sub3A_142 = arith.subi %get3A_139, %sub3A_141 : vector<16xi32>
      %ge3A_143 = arith.constant 0 : i32
      %ge3A_144 = vector.broadcast %ge3A_143 : i32 to vector<16xi32>
      %ge3A_145 = arith.cmpi sge, %sub3A_142, %ge3A_144 : vector<16xi32>
      %lt3A_146 = arith.constant 96 : i32
      %lt3A_147 = vector.broadcast %lt3A_146 : i32 to vector<16xi32>
      %lt3A_148 = arith.cmpi slt, %sub3A_142, %lt3A_147 : vector<16xi32>
      %and3A_149 = arith.andi %ge3A_145, %lt3A_148 : vector<16xi1>
      %jit3A_150 = arith.constant 0 : i32
      %broadcast_in_dim3A_151 = vector.broadcast %jit3A_150 : i32 to vector<16xi32>
      %select_n3A_152 = arith.select %and3A_149, %sub3A_142, %broadcast_in_dim3A_151 : vector<16xi1>, vector<16xi32>
      tpu.vector_store_idx %arg6[%select_n3A_152, %get3A_137], %broadcast_in_dim3A_2 masked %and3A_149 : memref<96x768xf32, #tpu.memory_space<vmem>>[vector<16xi32>, vector<16xi32>], vector<16xf32>, vector<16xi1>
      %scan3A_153 = arith.constant 0 : i32
      scf.yield %scan3A_153 : i32
    }
    %scan3A_38 = arith.constant 357 : i32
    %scan3A_39 = arith.constant 0 : i32
    %scan3A_40 = arith.constant 0 : i32
    %scan3A_41 = arith.constant 357 : i32
    %scan3A_42 = arith.addi %scan3A_40, %scan3A_41 : i32
    %scan3A_43 = arith.constant 1 : i32
    %scan3A_44 = scf.for %scan3A_116 = %scan3A_40 to %scan3A_42 step %scan3A_43 iter_args(%scan3A_117 = %scan3A_39) -> (i32)  : i32 {
      %mul3A_118 = arith.constant 32 : i32
      %mul3A_119 = arith.muli %scan3A_116, %mul3A_118 : i32
      %add3A_120 = arith.constant 0 : i32
      %add3A_121 = arith.addi %mul3A_119, %add3A_120 : i32
      %get3A = arith.index_cast %add3A_121 : i32 to index
      %get3A_122 = tpu.vector_load %arg4[%get3A] {strides = array<i32>} : memref<11424xi32, #tpu.memory_space<vmem>>, vector<16xi32>,
      %get3A_123 = arith.index_cast %add3A_121 : i32 to index
      %get3A_124 = tpu.vector_load %arg5[%get3A_123] {strides = array<i32>} : memref<11424xi32, #tpu.memory_space<vmem>>, vector<16xi32>,
      %sub3A = arith.constant 192 : i32
      %sub3A_125 = vector.broadcast %sub3A : i32 to vector<16xi32>
      %sub3A_126 = arith.subi %get3A_124, %sub3A_125 : vector<16xi32>
      %ge3A = arith.constant 0 : i32
      %ge3A_127 = vector.broadcast %ge3A : i32 to vector<16xi32>
      %ge3A_128 = arith.cmpi sge, %sub3A_126, %ge3A_127 : vector<16xi32>
      %lt3A = arith.constant 96 : i32
      %lt3A_129 = vector.broadcast %lt3A : i32 to vector<16xi32>
      %lt3A_130 = arith.cmpi slt, %sub3A_126, %lt3A_129 : vector<16xi32>
      %and3A = arith.andi %ge3A_128, %lt3A_130 : vector<16xi1>
      %jit3A = arith.constant 0 : i32
      %broadcast_in_dim3A_131 = vector.broadcast %jit3A : i32 to vector<16xi32>
      %select_n3A = arith.select %and3A, %sub3A_126, %broadcast_in_dim3A_131 : vector<16xi1>, vector<16xi32>
      tpu.vector_store_idx %arg6[%select_n3A, %get3A_122], %broadcast_in_dim3A_4 masked %and3A {add = true} : memref<96x768xf32, #tpu.memory_space<vmem>>[vector<16xi32>, vector<16xi32>], vector<16xf32>, vector<16xi1>
      %mul3A_132 = arith.constant 32 : i32
      %mul3A_133 = arith.muli %scan3A_116, %mul3A_132 : i32
      %add3A_134 = arith.constant 16 : i32
      %add3A_135 = arith.addi %mul3A_133, %add3A_134 : i32
      %get3A_136 = arith.index_cast %add3A_135 : i32 to index
      %get3A_137 = tpu.vector_load %arg4[%get3A_136] {strides = array<i32>} : memref<11424xi32, #tpu.memory_space<vmem>>, vector<16xi32>,
      %get3A_138 = arith.index_cast %add3A_135 : i32 to index
      %get3A_139 = tpu.vector_load %arg5[%get3A_138] {strides = array<i32>} : memref<11424xi32, #tpu.memory_space<vmem>>, vector<16xi32>,
      %sub3A_140 = arith.constant 192 : i32
      %sub3A_141 = vector.broadcast %sub3A_140 : i32 to vector<16xi32>
      %sub3A_142 = arith.subi %get3A_139, %sub3A_141 : vector<16xi32>
      %ge3A_143 = arith.constant 0 : i32
      %ge3A_144 = vector.broadcast %ge3A_143 : i32 to vector<16xi32>
      %ge3A_145 = arith.cmpi sge, %sub3A_142, %ge3A_144 : vector<16xi32>
      %lt3A_146 = arith.constant 96 : i32
      %lt3A_147 = vector.broadcast %lt3A_146 : i32 to vector<16xi32>
      %lt3A_148 = arith.cmpi slt, %sub3A_142, %lt3A_147 : vector<16xi32>
      %and3A_149 = arith.andi %ge3A_145, %lt3A_148 : vector<16xi1>
      %jit3A_150 = arith.constant 0 : i32
      %broadcast_in_dim3A_151 = vector.broadcast %jit3A_150 : i32 to vector<16xi32>
      %select_n3A_152 = arith.select %and3A_149, %sub3A_142, %broadcast_in_dim3A_151 : vector<16xi1>, vector<16xi32>
      tpu.vector_store_idx %arg6[%select_n3A_152, %get3A_137], %broadcast_in_dim3A_4 masked %and3A_149 {add = true} : memref<96x768xf32, #tpu.memory_space<vmem>>[vector<16xi32>, vector<16xi32>], vector<16xf32>, vector<16xi1>
      %scan3A_153 = arith.constant 0 : i32
      scf.yield %scan3A_153 : i32
    }
    %scan3A_45 = arith.constant 357 : i32
    "tpu.region"() ({
      %run_scoped3A_116 = tpu.sem_alloc : memref<!tpu.dma_semaphore, #tpu.memory_space<semaphore_mem>>
      %dma_start3A = arith.constant 192 : i32
      %dma_start3A_117 = arith.constant 0 : i32
      %dma_start3A_118 = tpu.memref_slice %arg3[%add3A, %dma_start3A, %dma_start3A_117] : memref<32x768x768xf32, #tpu.memory_space<hbm>> -> memref<1x96x768xf32, #tpu.memory_space<hbm>>
      %dma_start3A_119 = tpu.memref_squeeze %dma_start3A_118 : memref<1x96x768xf32, #tpu.memory_space<hbm>> -> memref<96x768xf32, #tpu.memory_space<hbm>>
      %dma_start3A_120 = arith.constant 192 : i32
      %dma_start3A_121 = arith.constant 0 : i32
      %dma_start3A_122 = tpu.memref_slice %arg3[%add3A, %dma_start3A_120, %dma_start3A_121] : memref<32x768x768xf32, #tpu.memory_space<hbm>> -> memref<1x96x768xf32, #tpu.memory_space<hbm>>
      %dma_start3A_123 = tpu.memref_squeeze %dma_start3A_122 : memref<1x96x768xf32, #tpu.memory_space<hbm>> -> memref<96x768xf32, #tpu.memory_space<hbm>>
      tpu.enqueue_dma source(%arg6 : memref<96x768xf32, #tpu.memory_space<vmem>>) target(%dma_start3A_123 : memref<96x768xf32, #tpu.memory_space<hbm>>) target_semaphore(%run_scoped3A_116 : memref<!tpu.dma_semaphore, #tpu.memory_space<semaphore_mem>>)
      %dma_wait3A = arith.constant 192 : i32
      %dma_wait3A_124 = arith.constant 0 : i32
      %dma_wait3A_125 = tpu.memref_slice %arg3[%add3A, %dma_wait3A, %dma_wait3A_124] : memref<32x768x768xf32, #tpu.memory_space<hbm>> -> memref<1x96x768xf32, #tpu.memory_space<hbm>>
      %dma_wait3A_126 = tpu.memref_squeeze %dma_wait3A_125 : memref<1x96x768xf32, #tpu.memory_space<hbm>> -> memref<96x768xf32, #tpu.memory_space<hbm>>
      %dma_wait3A_127 = arith.constant 192 : i32
      %dma_wait3A_128 = arith.constant 0 : i32
      %dma_wait3A_129 = tpu.memref_slice %arg3[%add3A, %dma_wait3A_127, %dma_wait3A_128] : memref<32x768x768xf32, #tpu.memory_space<hbm>> -> memref<1x96x768xf32, #tpu.memory_space<hbm>>
      %dma_wait3A_130 = tpu.memref_squeeze %dma_wait3A_129 : memref<1x96x768xf32, #tpu.memory_space<hbm>> -> memref<96x768xf32, #tpu.memory_space<hbm>>
      tpu.wait_dma2 semaphore(%run_scoped3A_116 : memref<!tpu.dma_semaphore, #tpu.memory_space<semaphore_mem>>) src(%arg6 : memref<96x768xf32, #tpu.memory_space<vmem>>) dst(%dma_wait3A_130 : memref<96x768xf32, #tpu.memory_space<hbm>>)
      tpu.yield
    }) : () -> ()
    %scan3A_46 = arith.constant 0 : i32
    %scan3A_47 = arith.constant 0 : i32
    %scan3A_48 = arith.constant 357 : i32
    %scan3A_49 = arith.addi %scan3A_47, %scan3A_48 : i32
    %scan3A_50 = arith.constant 1 : i32
    %scan3A_51 = scf.for %scan3A_116 = %scan3A_47 to %scan3A_49 step %scan3A_50 iter_args(%scan3A_117 = %scan3A_46) -> (i32)  : i32 {
      %mul3A_118 = arith.constant 32 : i32
      %mul3A_119 = arith.muli %scan3A_116, %mul3A_118 : i32
      %add3A_120 = arith.constant 0 : i32
      %add3A_121 = arith.addi %mul3A_119, %add3A_120 : i32
      %get3A = arith.index_cast %add3A_121 : i32 to index
      %get3A_122 = tpu.vector_load %arg4[%get3A] {strides = array<i32>} : memref<11424xi32, #tpu.memory_space<vmem>>, vector<16xi32>,
      %get3A_123 = arith.index_cast %add3A_121 : i32 to index
      %get3A_124 = tpu.vector_load %arg5[%get3A_123] {strides = array<i32>} : memref<11424xi32, #tpu.memory_space<vmem>>, vector<16xi32>,
      %sub3A = arith.constant 192 : i32
      %sub3A_125 = vector.broadcast %sub3A : i32 to vector<16xi32>
      %sub3A_126 = arith.subi %get3A_124, %sub3A_125 : vector<16xi32>
      %ge3A = arith.constant 0 : i32
      %ge3A_127 = vector.broadcast %ge3A : i32 to vector<16xi32>
      %ge3A_128 = arith.cmpi sge, %sub3A_126, %ge3A_127 : vector<16xi32>
      %lt3A = arith.constant 96 : i32
      %lt3A_129 = vector.broadcast %lt3A : i32 to vector<16xi32>
      %lt3A_130 = arith.cmpi slt, %sub3A_126, %lt3A_129 : vector<16xi32>
      %and3A = arith.andi %ge3A_128, %lt3A_130 : vector<16xi1>
      %jit3A = arith.constant 0 : i32
      %broadcast_in_dim3A_131 = vector.broadcast %jit3A : i32 to vector<16xi32>
      %select_n3A = arith.select %and3A, %sub3A_126, %broadcast_in_dim3A_131 : vector<16xi1>, vector<16xi32>
      tpu.vector_store_idx %arg6[%select_n3A, %get3A_122], %broadcast_in_dim3A_2 masked %and3A : memref<96x768xf32, #tpu.memory_space<vmem>>[vector<16xi32>, vector<16xi32>], vector<16xf32>, vector<16xi1>
      %mul3A_132 = arith.constant 32 : i32
      %mul3A_133 = arith.muli %scan3A_116, %mul3A_132 : i32
      %add3A_134 = arith.constant 16 : i32
      %add3A_135 = arith.addi %mul3A_133, %add3A_134 : i32
      %get3A_136 = arith.index_cast %add3A_135 : i32 to index
      %get3A_137 = tpu.vector_load %arg4[%get3A_136] {strides = array<i32>} : memref<11424xi32, #tpu.memory_space<vmem>>, vector<16xi32>,
      %get3A_138 = arith.index_cast %add3A_135 : i32 to index
      %get3A_139 = tpu.vector_load %arg5[%get3A_138] {strides = array<i32>} : memref<11424xi32, #tpu.memory_space<vmem>>, vector<16xi32>,
      %sub3A_140 = arith.constant 192 : i32
      %sub3A_141 = vector.broadcast %sub3A_140 : i32 to vector<16xi32>
      %sub3A_142 = arith.subi %get3A_139, %sub3A_141 : vector<16xi32>
      %ge3A_143 = arith.constant 0 : i32
      %ge3A_144 = vector.broadcast %ge3A_143 : i32 to vector<16xi32>
      %ge3A_145 = arith.cmpi sge, %sub3A_142, %ge3A_144 : vector<16xi32>
      %lt3A_146 = arith.constant 96 : i32
      %lt3A_147 = vector.broadcast %lt3A_146 : i32 to vector<16xi32>
      %lt3A_148 = arith.cmpi slt, %sub3A_142, %lt3A_147 : vector<16xi32>
      %and3A_149 = arith.andi %ge3A_145, %lt3A_148 : vector<16xi1>
      %jit3A_150 = arith.constant 0 : i32
      %broadcast_in_dim3A_151 = vector.broadcast %jit3A_150 : i32 to vector<16xi32>
      %select_n3A_152 = arith.select %and3A_149, %sub3A_142, %broadcast_in_dim3A_151 : vector<16xi1>, vector<16xi32>
      tpu.vector_store_idx %arg6[%select_n3A_152, %get3A_137], %broadcast_in_dim3A_2 masked %and3A_149 : memref<96x768xf32, #tpu.memory_space<vmem>>[vector<16xi32>, vector<16xi32>], vector<16xf32>, vector<16xi1>
      %scan3A_153 = arith.constant 0 : i32
      scf.yield %scan3A_153 : i32
    }
    %scan3A_52 = arith.constant 357 : i32
    %scan3A_53 = arith.constant 0 : i32
    %scan3A_54 = arith.constant 0 : i32
    %scan3A_55 = arith.constant 357 : i32
    %scan3A_56 = arith.addi %scan3A_54, %scan3A_55 : i32
    %scan3A_57 = arith.constant 1 : i32
    %scan3A_58 = scf.for %scan3A_116 = %scan3A_54 to %scan3A_56 step %scan3A_57 iter_args(%scan3A_117 = %scan3A_53) -> (i32)  : i32 {
      %mul3A_118 = arith.constant 32 : i32
      %mul3A_119 = arith.muli %scan3A_116, %mul3A_118 : i32
      %add3A_120 = arith.constant 0 : i32
      %add3A_121 = arith.addi %mul3A_119, %add3A_120 : i32
      %get3A = arith.index_cast %add3A_121 : i32 to index
      %get3A_122 = tpu.vector_load %arg4[%get3A] {strides = array<i32>} : memref<11424xi32, #tpu.memory_space<vmem>>, vector<16xi32>,
      %get3A_123 = arith.index_cast %add3A_121 : i32 to index
      %get3A_124 = tpu.vector_load %arg5[%get3A_123] {strides = array<i32>} : memref<11424xi32, #tpu.memory_space<vmem>>, vector<16xi32>,
      %sub3A = arith.constant 288 : i32
      %sub3A_125 = vector.broadcast %sub3A : i32 to vector<16xi32>
      %sub3A_126 = arith.subi %get3A_124, %sub3A_125 : vector<16xi32>
      %ge3A = arith.constant 0 : i32
      %ge3A_127 = vector.broadcast %ge3A : i32 to vector<16xi32>
      %ge3A_128 = arith.cmpi sge, %sub3A_126, %ge3A_127 : vector<16xi32>
      %lt3A = arith.constant 96 : i32
      %lt3A_129 = vector.broadcast %lt3A : i32 to vector<16xi32>
      %lt3A_130 = arith.cmpi slt, %sub3A_126, %lt3A_129 : vector<16xi32>
      %and3A = arith.andi %ge3A_128, %lt3A_130 : vector<16xi1>
      %jit3A = arith.constant 0 : i32
      %broadcast_in_dim3A_131 = vector.broadcast %jit3A : i32 to vector<16xi32>
      %select_n3A = arith.select %and3A, %sub3A_126, %broadcast_in_dim3A_131 : vector<16xi1>, vector<16xi32>
      tpu.vector_store_idx %arg6[%select_n3A, %get3A_122], %broadcast_in_dim3A_4 masked %and3A {add = true} : memref<96x768xf32, #tpu.memory_space<vmem>>[vector<16xi32>, vector<16xi32>], vector<16xf32>, vector<16xi1>
      %mul3A_132 = arith.constant 32 : i32
      %mul3A_133 = arith.muli %scan3A_116, %mul3A_132 : i32
      %add3A_134 = arith.constant 16 : i32
      %add3A_135 = arith.addi %mul3A_133, %add3A_134 : i32
      %get3A_136 = arith.index_cast %add3A_135 : i32 to index
      %get3A_137 = tpu.vector_load %arg4[%get3A_136] {strides = array<i32>} : memref<11424xi32, #tpu.memory_space<vmem>>, vector<16xi32>,
      %get3A_138 = arith.index_cast %add3A_135 : i32 to index
      %get3A_139 = tpu.vector_load %arg5[%get3A_138] {strides = array<i32>} : memref<11424xi32, #tpu.memory_space<vmem>>, vector<16xi32>,
      %sub3A_140 = arith.constant 288 : i32
      %sub3A_141 = vector.broadcast %sub3A_140 : i32 to vector<16xi32>
      %sub3A_142 = arith.subi %get3A_139, %sub3A_141 : vector<16xi32>
      %ge3A_143 = arith.constant 0 : i32
      %ge3A_144 = vector.broadcast %ge3A_143 : i32 to vector<16xi32>
      %ge3A_145 = arith.cmpi sge, %sub3A_142, %ge3A_144 : vector<16xi32>
      %lt3A_146 = arith.constant 96 : i32
      %lt3A_147 = vector.broadcast %lt3A_146 : i32 to vector<16xi32>
      %lt3A_148 = arith.cmpi slt, %sub3A_142, %lt3A_147 : vector<16xi32>
      %and3A_149 = arith.andi %ge3A_145, %lt3A_148 : vector<16xi1>
      %jit3A_150 = arith.constant 0 : i32
      %broadcast_in_dim3A_151 = vector.broadcast %jit3A_150 : i32 to vector<16xi32>
      %select_n3A_152 = arith.select %and3A_149, %sub3A_142, %broadcast_in_dim3A_151 : vector<16xi1>, vector<16xi32>
      tpu.vector_store_idx %arg6[%select_n3A_152, %get3A_137], %broadcast_in_dim3A_4 masked %and3A_149 {add = true} : memref<96x768xf32, #tpu.memory_space<vmem>>[vector<16xi32>, vector<16xi32>], vector<16xf32>, vector<16xi1>
      %scan3A_153 = arith.constant 0 : i32
      scf.yield %scan3A_153 : i32
    }
    %scan3A_59 = arith.constant 357 : i32
    "tpu.region"() ({
      %run_scoped3A_116 = tpu.sem_alloc : memref<!tpu.dma_semaphore, #tpu.memory_space<semaphore_mem>>
      %dma_start3A = arith.constant 288 : i32
      %dma_start3A_117 = arith.constant 0 : i32
      %dma_start3A_118 = tpu.memref_slice %arg3[%add3A, %dma_start3A, %dma_start3A_117] : memref<32x768x768xf32, #tpu.memory_space<hbm>> -> memref<1x96x768xf32, #tpu.memory_space<hbm>>
      %dma_start3A_119 = tpu.memref_squeeze %dma_start3A_118 : memref<1x96x768xf32, #tpu.memory_space<hbm>> -> memref<96x768xf32, #tpu.memory_space<hbm>>
      %dma_start3A_120 = arith.constant 288 : i32
      %dma_start3A_121 = arith.constant 0 : i32
      %dma_start3A_122 = tpu.memref_slice %arg3[%add3A, %dma_start3A_120, %dma_start3A_121] : memref<32x768x768xf32, #tpu.memory_space<hbm>> -> memref<1x96x768xf32, #tpu.memory_space<hbm>>
      %dma_start3A_123 = tpu.memref_squeeze %dma_start3A_122 : memref<1x96x768xf32, #tpu.memory_space<hbm>> -> memref<96x768xf32, #tpu.memory_space<hbm>>
      tpu.enqueue_dma source(%arg6 : memref<96x768xf32, #tpu.memory_space<vmem>>) target(%dma_start3A_123 : memref<96x768xf32, #tpu.memory_space<hbm>>) target_semaphore(%run_scoped3A_116 : memref<!tpu.dma_semaphore, #tpu.memory_space<semaphore_mem>>)
      %dma_wait3A = arith.constant 288 : i32
      %dma_wait3A_124 = arith.constant 0 : i32
      %dma_wait3A_125 = tpu.memref_slice %arg3[%add3A, %dma_wait3A, %dma_wait3A_124] : memref<32x768x768xf32, #tpu.memory_space<hbm>> -> memref<1x96x768xf32, #tpu.memory_space<hbm>>
      %dma_wait3A_126 = tpu.memref_squeeze %dma_wait3A_125 : memref<1x96x768xf32, #tpu.memory_space<hbm>> -> memref<96x768xf32, #tpu.memory_space<hbm>>
      %dma_wait3A_127 = arith.constant 288 : i32
      %dma_wait3A_128 = arith.constant 0 : i32
      %dma_wait3A_129 = tpu.memref_slice %arg3[%add3A, %dma_wait3A_127, %dma_wait3A_128] : memref<32x768x768xf32, #tpu.memory_space<hbm>> -> memref<1x96x768xf32, #tpu.memory_space<hbm>>
      %dma_wait3A_130 = tpu.memref_squeeze %dma_wait3A_129 : memref<1x96x768xf32, #tpu.memory_space<hbm>> -> memref<96x768xf32, #tpu.memory_space<hbm>>
      tpu.wait_dma2 semaphore(%run_scoped3A_116 : memref<!tpu.dma_semaphore, #tpu.memory_space<semaphore_mem>>) src(%arg6 : memref<96x768xf32, #tpu.memory_space<vmem>>) dst(%dma_wait3A_130 : memref<96x768xf32, #tpu.memory_space<hbm>>)
      tpu.yield
    }) : () -> ()
    %scan3A_60 = arith.constant 0 : i32
    %scan3A_61 = arith.constant 0 : i32
    %scan3A_62 = arith.constant 357 : i32
    %scan3A_63 = arith.addi %scan3A_61, %scan3A_62 : i32
    %scan3A_64 = arith.constant 1 : i32
    %scan3A_65 = scf.for %scan3A_116 = %scan3A_61 to %scan3A_63 step %scan3A_64 iter_args(%scan3A_117 = %scan3A_60) -> (i32)  : i32 {
      %mul3A_118 = arith.constant 32 : i32
      %mul3A_119 = arith.muli %scan3A_116, %mul3A_118 : i32
      %add3A_120 = arith.constant 0 : i32
      %add3A_121 = arith.addi %mul3A_119, %add3A_120 : i32
      %get3A = arith.index_cast %add3A_121 : i32 to index
      %get3A_122 = tpu.vector_load %arg4[%get3A] {strides = array<i32>} : memref<11424xi32, #tpu.memory_space<vmem>>, vector<16xi32>,
      %get3A_123 = arith.index_cast %add3A_121 : i32 to index
      %get3A_124 = tpu.vector_load %arg5[%get3A_123] {strides = array<i32>} : memref<11424xi32, #tpu.memory_space<vmem>>, vector<16xi32>,
      %sub3A = arith.constant 288 : i32
      %sub3A_125 = vector.broadcast %sub3A : i32 to vector<16xi32>
      %sub3A_126 = arith.subi %get3A_124, %sub3A_125 : vector<16xi32>
      %ge3A = arith.constant 0 : i32
      %ge3A_127 = vector.broadcast %ge3A : i32 to vector<16xi32>
      %ge3A_128 = arith.cmpi sge, %sub3A_126, %ge3A_127 : vector<16xi32>
      %lt3A = arith.constant 96 : i32
      %lt3A_129 = vector.broadcast %lt3A : i32 to vector<16xi32>
      %lt3A_130 = arith.cmpi slt, %sub3A_126, %lt3A_129 : vector<16xi32>
      %and3A = arith.andi %ge3A_128, %lt3A_130 : vector<16xi1>
      %jit3A = arith.constant 0 : i32
      %broadcast_in_dim3A_131 = vector.broadcast %jit3A : i32 to vector<16xi32>
      %select_n3A = arith.select %and3A, %sub3A_126, %broadcast_in_dim3A_131 : vector<16xi1>, vector<16xi32>
      tpu.vector_store_idx %arg6[%select_n3A, %get3A_122], %broadcast_in_dim3A_2 masked %and3A : memref<96x768xf32, #tpu.memory_space<vmem>>[vector<16xi32>, vector<16xi32>], vector<16xf32>, vector<16xi1>
      %mul3A_132 = arith.constant 32 : i32
      %mul3A_133 = arith.muli %scan3A_116, %mul3A_132 : i32
      %add3A_134 = arith.constant 16 : i32
      %add3A_135 = arith.addi %mul3A_133, %add3A_134 : i32
      %get3A_136 = arith.index_cast %add3A_135 : i32 to index
      %get3A_137 = tpu.vector_load %arg4[%get3A_136] {strides = array<i32>} : memref<11424xi32, #tpu.memory_space<vmem>>, vector<16xi32>,
      %get3A_138 = arith.index_cast %add3A_135 : i32 to index
      %get3A_139 = tpu.vector_load %arg5[%get3A_138] {strides = array<i32>} : memref<11424xi32, #tpu.memory_space<vmem>>, vector<16xi32>,
      %sub3A_140 = arith.constant 288 : i32
      %sub3A_141 = vector.broadcast %sub3A_140 : i32 to vector<16xi32>
      %sub3A_142 = arith.subi %get3A_139, %sub3A_141 : vector<16xi32>
      %ge3A_143 = arith.constant 0 : i32
      %ge3A_144 = vector.broadcast %ge3A_143 : i32 to vector<16xi32>
      %ge3A_145 = arith.cmpi sge, %sub3A_142, %ge3A_144 : vector<16xi32>
      %lt3A_146 = arith.constant 96 : i32
      %lt3A_147 = vector.broadcast %lt3A_146 : i32 to vector<16xi32>
      %lt3A_148 = arith.cmpi slt, %sub3A_142, %lt3A_147 : vector<16xi32>
      %and3A_149 = arith.andi %ge3A_145, %lt3A_148 : vector<16xi1>
      %jit3A_150 = arith.constant 0 : i32
      %broadcast_in_dim3A_151 = vector.broadcast %jit3A_150 : i32 to vector<16xi32>
      %select_n3A_152 = arith.select %and3A_149, %sub3A_142, %broadcast_in_dim3A_151 : vector<16xi1>, vector<16xi32>
      tpu.vector_store_idx %arg6[%select_n3A_152, %get3A_137], %broadcast_in_dim3A_2 masked %and3A_149 : memref<96x768xf32, #tpu.memory_space<vmem>>[vector<16xi32>, vector<16xi32>], vector<16xf32>, vector<16xi1>
      %scan3A_153 = arith.constant 0 : i32
      scf.yield %scan3A_153 : i32
    }
    %scan3A_66 = arith.constant 357 : i32
    %scan3A_67 = arith.constant 0 : i32
    %scan3A_68 = arith.constant 0 : i32
    %scan3A_69 = arith.constant 357 : i32
    %scan3A_70 = arith.addi %scan3A_68, %scan3A_69 : i32
    %scan3A_71 = arith.constant 1 : i32
    %scan3A_72 = scf.for %scan3A_116 = %scan3A_68 to %scan3A_70 step %scan3A_71 iter_args(%scan3A_117 = %scan3A_67) -> (i32)  : i32 {
      %mul3A_118 = arith.constant 32 : i32
      %mul3A_119 = arith.muli %scan3A_116, %mul3A_118 : i32
      %add3A_120 = arith.constant 0 : i32
      %add3A_121 = arith.addi %mul3A_119, %add3A_120 : i32
      %get3A = arith.index_cast %add3A_121 : i32 to index
      %get3A_122 = tpu.vector_load %arg4[%get3A] {strides = array<i32>} : memref<11424xi32, #tpu.memory_space<vmem>>, vector<16xi32>,
      %get3A_123 = arith.index_cast %add3A_121 : i32 to index
      %get3A_124 = tpu.vector_load %arg5[%get3A_123] {strides = array<i32>} : memref<11424xi32, #tpu.memory_space<vmem>>, vector<16xi32>,
      %sub3A = arith.constant 384 : i32
      %sub3A_125 = vector.broadcast %sub3A : i32 to vector<16xi32>
      %sub3A_126 = arith.subi %get3A_124, %sub3A_125 : vector<16xi32>
      %ge3A = arith.constant 0 : i32
      %ge3A_127 = vector.broadcast %ge3A : i32 to vector<16xi32>
      %ge3A_128 = arith.cmpi sge, %sub3A_126, %ge3A_127 : vector<16xi32>
      %lt3A = arith.constant 96 : i32
      %lt3A_129 = vector.broadcast %lt3A : i32 to vector<16xi32>
      %lt3A_130 = arith.cmpi slt, %sub3A_126, %lt3A_129 : vector<16xi32>
      %and3A = arith.andi %ge3A_128, %lt3A_130 : vector<16xi1>
      %jit3A = arith.constant 0 : i32
      %broadcast_in_dim3A_131 = vector.broadcast %jit3A : i32 to vector<16xi32>
      %select_n3A = arith.select %and3A, %sub3A_126, %broadcast_in_dim3A_131 : vector<16xi1>, vector<16xi32>
      tpu.vector_store_idx %arg6[%select_n3A, %get3A_122], %broadcast_in_dim3A_4 masked %and3A {add = true} : memref<96x768xf32, #tpu.memory_space<vmem>>[vector<16xi32>, vector<16xi32>], vector<16xf32>, vector<16xi1>
      %mul3A_132 = arith.constant 32 : i32
      %mul3A_133 = arith.muli %scan3A_116, %mul3A_132 : i32
      %add3A_134 = arith.constant 16 : i32
      %add3A_135 = arith.addi %mul3A_133, %add3A_134 : i32
      %get3A_136 = arith.index_cast %add3A_135 : i32 to index
      %get3A_137 = tpu.vector_load %arg4[%get3A_136] {strides = array<i32>} : memref<11424xi32, #tpu.memory_space<vmem>>, vector<16xi32>,
      %get3A_138 = arith.index_cast %add3A_135 : i32 to index
      %get3A_139 = tpu.vector_load %arg5[%get3A_138] {strides = array<i32>} : memref<11424xi32, #tpu.memory_space<vmem>>, vector<16xi32>,
      %sub3A_140 = arith.constant 384 : i32
      %sub3A_141 = vector.broadcast %sub3A_140 : i32 to vector<16xi32>
      %sub3A_142 = arith.subi %get3A_139, %sub3A_141 : vector<16xi32>
      %ge3A_143 = arith.constant 0 : i32
      %ge3A_144 = vector.broadcast %ge3A_143 : i32 to vector<16xi32>
      %ge3A_145 = arith.cmpi sge, %sub3A_142, %ge3A_144 : vector<16xi32>
      %lt3A_146 = arith.constant 96 : i32
      %lt3A_147 = vector.broadcast %lt3A_146 : i32 to vector<16xi32>
      %lt3A_148 = arith.cmpi slt, %sub3A_142, %lt3A_147 : vector<16xi32>
      %and3A_149 = arith.andi %ge3A_145, %lt3A_148 : vector<16xi1>
      %jit3A_150 = arith.constant 0 : i32
      %broadcast_in_dim3A_151 = vector.broadcast %jit3A_150 : i32 to vector<16xi32>
      %select_n3A_152 = arith.select %and3A_149, %sub3A_142, %broadcast_in_dim3A_151 : vector<16xi1>, vector<16xi32>
      tpu.vector_store_idx %arg6[%select_n3A_152, %get3A_137], %broadcast_in_dim3A_4 masked %and3A_149 {add = true} : memref<96x768xf32, #tpu.memory_space<vmem>>[vector<16xi32>, vector<16xi32>], vector<16xf32>, vector<16xi1>
      %scan3A_153 = arith.constant 0 : i32
      scf.yield %scan3A_153 : i32
    }
    %scan3A_73 = arith.constant 357 : i32
    "tpu.region"() ({
      %run_scoped3A_116 = tpu.sem_alloc : memref<!tpu.dma_semaphore, #tpu.memory_space<semaphore_mem>>
      %dma_start3A = arith.constant 384 : i32
      %dma_start3A_117 = arith.constant 0 : i32
      %dma_start3A_118 = tpu.memref_slice %arg3[%add3A, %dma_start3A, %dma_start3A_117] : memref<32x768x768xf32, #tpu.memory_space<hbm>> -> memref<1x96x768xf32, #tpu.memory_space<hbm>>
      %dma_start3A_119 = tpu.memref_squeeze %dma_start3A_118 : memref<1x96x768xf32, #tpu.memory_space<hbm>> -> memref<96x768xf32, #tpu.memory_space<hbm>>
      %dma_start3A_120 = arith.constant 384 : i32
      %dma_start3A_121 = arith.constant 0 : i32
      %dma_start3A_122 = tpu.memref_slice %arg3[%add3A, %dma_start3A_120, %dma_start3A_121] : memref<32x768x768xf32, #tpu.memory_space<hbm>> -> memref<1x96x768xf32, #tpu.memory_space<hbm>>
      %dma_start3A_123 = tpu.memref_squeeze %dma_start3A_122 : memref<1x96x768xf32, #tpu.memory_space<hbm>> -> memref<96x768xf32, #tpu.memory_space<hbm>>
      tpu.enqueue_dma source(%arg6 : memref<96x768xf32, #tpu.memory_space<vmem>>) target(%dma_start3A_123 : memref<96x768xf32, #tpu.memory_space<hbm>>) target_semaphore(%run_scoped3A_116 : memref<!tpu.dma_semaphore, #tpu.memory_space<semaphore_mem>>)
      %dma_wait3A = arith.constant 384 : i32
      %dma_wait3A_124 = arith.constant 0 : i32
      %dma_wait3A_125 = tpu.memref_slice %arg3[%add3A, %dma_wait3A, %dma_wait3A_124] : memref<32x768x768xf32, #tpu.memory_space<hbm>> -> memref<1x96x768xf32, #tpu.memory_space<hbm>>
      %dma_wait3A_126 = tpu.memref_squeeze %dma_wait3A_125 : memref<1x96x768xf32, #tpu.memory_space<hbm>> -> memref<96x768xf32, #tpu.memory_space<hbm>>
      %dma_wait3A_127 = arith.constant 384 : i32
      %dma_wait3A_128 = arith.constant 0 : i32
      %dma_wait3A_129 = tpu.memref_slice %arg3[%add3A, %dma_wait3A_127, %dma_wait3A_128] : memref<32x768x768xf32, #tpu.memory_space<hbm>> -> memref<1x96x768xf32, #tpu.memory_space<hbm>>
      %dma_wait3A_130 = tpu.memref_squeeze %dma_wait3A_129 : memref<1x96x768xf32, #tpu.memory_space<hbm>> -> memref<96x768xf32, #tpu.memory_space<hbm>>
      tpu.wait_dma2 semaphore(%run_scoped3A_116 : memref<!tpu.dma_semaphore, #tpu.memory_space<semaphore_mem>>) src(%arg6 : memref<96x768xf32, #tpu.memory_space<vmem>>) dst(%dma_wait3A_130 : memref<96x768xf32, #tpu.memory_space<hbm>>)
      tpu.yield
    }) : () -> ()
    %scan3A_74 = arith.constant 0 : i32
    %scan3A_75 = arith.constant 0 : i32
    %scan3A_76 = arith.constant 357 : i32
    %scan3A_77 = arith.addi %scan3A_75, %scan3A_76 : i32
    %scan3A_78 = arith.constant 1 : i32
    %scan3A_79 = scf.for %scan3A_116 = %scan3A_75 to %scan3A_77 step %scan3A_78 iter_args(%scan3A_117 = %scan3A_74) -> (i32)  : i32 {
      %mul3A_118 = arith.constant 32 : i32
      %mul3A_119 = arith.muli %scan3A_116, %mul3A_118 : i32
      %add3A_120 = arith.constant 0 : i32
      %add3A_121 = arith.addi %mul3A_119, %add3A_120 : i32
      %get3A = arith.index_cast %add3A_121 : i32 to index
      %get3A_122 = tpu.vector_load %arg4[%get3A] {strides = array<i32>} : memref<11424xi32, #tpu.memory_space<vmem>>, vector<16xi32>,
      %get3A_123 = arith.index_cast %add3A_121 : i32 to index
      %get3A_124 = tpu.vector_load %arg5[%get3A_123] {strides = array<i32>} : memref<11424xi32, #tpu.memory_space<vmem>>, vector<16xi32>,
      %sub3A = arith.constant 384 : i32
      %sub3A_125 = vector.broadcast %sub3A : i32 to vector<16xi32>
      %sub3A_126 = arith.subi %get3A_124, %sub3A_125 : vector<16xi32>
      %ge3A = arith.constant 0 : i32
      %ge3A_127 = vector.broadcast %ge3A : i32 to vector<16xi32>
      %ge3A_128 = arith.cmpi sge, %sub3A_126, %ge3A_127 : vector<16xi32>
      %lt3A = arith.constant 96 : i32
      %lt3A_129 = vector.broadcast %lt3A : i32 to vector<16xi32>
      %lt3A_130 = arith.cmpi slt, %sub3A_126, %lt3A_129 : vector<16xi32>
      %and3A = arith.andi %ge3A_128, %lt3A_130 : vector<16xi1>
      %jit3A = arith.constant 0 : i32
      %broadcast_in_dim3A_131 = vector.broadcast %jit3A : i32 to vector<16xi32>
      %select_n3A = arith.select %and3A, %sub3A_126, %broadcast_in_dim3A_131 : vector<16xi1>, vector<16xi32>
      tpu.vector_store_idx %arg6[%select_n3A, %get3A_122], %broadcast_in_dim3A_2 masked %and3A : memref<96x768xf32, #tpu.memory_space<vmem>>[vector<16xi32>, vector<16xi32>], vector<16xf32>, vector<16xi1>
      %mul3A_132 = arith.constant 32 : i32
      %mul3A_133 = arith.muli %scan3A_116, %mul3A_132 : i32
      %add3A_134 = arith.constant 16 : i32
      %add3A_135 = arith.addi %mul3A_133, %add3A_134 : i32
      %get3A_136 = arith.index_cast %add3A_135 : i32 to index
      %get3A_137 = tpu.vector_load %arg4[%get3A_136] {strides = array<i32>} : memref<11424xi32, #tpu.memory_space<vmem>>, vector<16xi32>,
      %get3A_138 = arith.index_cast %add3A_135 : i32 to index
      %get3A_139 = tpu.vector_load %arg5[%get3A_138] {strides = array<i32>} : memref<11424xi32, #tpu.memory_space<vmem>>, vector<16xi32>,
      %sub3A_140 = arith.constant 384 : i32
      %sub3A_141 = vector.broadcast %sub3A_140 : i32 to vector<16xi32>
      %sub3A_142 = arith.subi %get3A_139, %sub3A_141 : vector<16xi32>
      %ge3A_143 = arith.constant 0 : i32
      %ge3A_144 = vector.broadcast %ge3A_143 : i32 to vector<16xi32>
      %ge3A_145 = arith.cmpi sge, %sub3A_142, %ge3A_144 : vector<16xi32>
      %lt3A_146 = arith.constant 96 : i32
      %lt3A_147 = vector.broadcast %lt3A_146 : i32 to vector<16xi32>
      %lt3A_148 = arith.cmpi slt, %sub3A_142, %lt3A_147 : vector<16xi32>
      %and3A_149 = arith.andi %ge3A_145, %lt3A_148 : vector<16xi1>
      %jit3A_150 = arith.constant 0 : i32
      %broadcast_in_dim3A_151 = vector.broadcast %jit3A_150 : i32 to vector<16xi32>
      %select_n3A_152 = arith.select %and3A_149, %sub3A_142, %broadcast_in_dim3A_151 : vector<16xi1>, vector<16xi32>
      tpu.vector_store_idx %arg6[%select_n3A_152, %get3A_137], %broadcast_in_dim3A_2 masked %and3A_149 : memref<96x768xf32, #tpu.memory_space<vmem>>[vector<16xi32>, vector<16xi32>], vector<16xf32>, vector<16xi1>
      %scan3A_153 = arith.constant 0 : i32
      scf.yield %scan3A_153 : i32
    }
    %scan3A_80 = arith.constant 357 : i32
    %scan3A_81 = arith.constant 0 : i32
    %scan3A_82 = arith.constant 0 : i32
    %scan3A_83 = arith.constant 357 : i32
    %scan3A_84 = arith.addi %scan3A_82, %scan3A_83 : i32
    %scan3A_85 = arith.constant 1 : i32
    %scan3A_86 = scf.for %scan3A_116 = %scan3A_82 to %scan3A_84 step %scan3A_85 iter_args(%scan3A_117 = %scan3A_81) -> (i32)  : i32 {
      %mul3A_118 = arith.constant 32 : i32
      %mul3A_119 = arith.muli %scan3A_116, %mul3A_118 : i32
      %add3A_120 = arith.constant 0 : i32
      %add3A_121 = arith.addi %mul3A_119, %add3A_120 : i32
      %get3A = arith.index_cast %add3A_121 : i32 to index
      %get3A_122 = tpu.vector_load %arg4[%get3A] {strides = array<i32>} : memref<11424xi32, #tpu.memory_space<vmem>>, vector<16xi32>,
      %get3A_123 = arith.index_cast %add3A_121 : i32 to index
      %get3A_124 = tpu.vector_load %arg5[%get3A_123] {strides = array<i32>} : memref<11424xi32, #tpu.memory_space<vmem>>, vector<16xi32>,
      %sub3A = arith.constant 480 : i32
      %sub3A_125 = vector.broadcast %sub3A : i32 to vector<16xi32>
      %sub3A_126 = arith.subi %get3A_124, %sub3A_125 : vector<16xi32>
      %ge3A = arith.constant 0 : i32
      %ge3A_127 = vector.broadcast %ge3A : i32 to vector<16xi32>
      %ge3A_128 = arith.cmpi sge, %sub3A_126, %ge3A_127 : vector<16xi32>
      %lt3A = arith.constant 96 : i32
      %lt3A_129 = vector.broadcast %lt3A : i32 to vector<16xi32>
      %lt3A_130 = arith.cmpi slt, %sub3A_126, %lt3A_129 : vector<16xi32>
      %and3A = arith.andi %ge3A_128, %lt3A_130 : vector<16xi1>
      %jit3A = arith.constant 0 : i32
      %broadcast_in_dim3A_131 = vector.broadcast %jit3A : i32 to vector<16xi32>
      %select_n3A = arith.select %and3A, %sub3A_126, %broadcast_in_dim3A_131 : vector<16xi1>, vector<16xi32>
      tpu.vector_store_idx %arg6[%select_n3A, %get3A_122], %broadcast_in_dim3A_4 masked %and3A {add = true} : memref<96x768xf32, #tpu.memory_space<vmem>>[vector<16xi32>, vector<16xi32>], vector<16xf32>, vector<16xi1>
      %mul3A_132 = arith.constant 32 : i32
      %mul3A_133 = arith.muli %scan3A_116, %mul3A_132 : i32
      %add3A_134 = arith.constant 16 : i32
      %add3A_135 = arith.addi %mul3A_133, %add3A_134 : i32
      %get3A_136 = arith.index_cast %add3A_135 : i32 to index
      %get3A_137 = tpu.vector_load %arg4[%get3A_136] {strides = array<i32>} : memref<11424xi32, #tpu.memory_space<vmem>>, vector<16xi32>,
      %get3A_138 = arith.index_cast %add3A_135 : i32 to index
      %get3A_139 = tpu.vector_load %arg5[%get3A_138] {strides = array<i32>} : memref<11424xi32, #tpu.memory_space<vmem>>, vector<16xi32>,
      %sub3A_140 = arith.constant 480 : i32
      %sub3A_141 = vector.broadcast %sub3A_140 : i32 to vector<16xi32>
      %sub3A_142 = arith.subi %get3A_139, %sub3A_141 : vector<16xi32>
      %ge3A_143 = arith.constant 0 : i32
      %ge3A_144 = vector.broadcast %ge3A_143 : i32 to vector<16xi32>
      %ge3A_145 = arith.cmpi sge, %sub3A_142, %ge3A_144 : vector<16xi32>
      %lt3A_146 = arith.constant 96 : i32
      %lt3A_147 = vector.broadcast %lt3A_146 : i32 to vector<16xi32>
      %lt3A_148 = arith.cmpi slt, %sub3A_142, %lt3A_147 : vector<16xi32>
      %and3A_149 = arith.andi %ge3A_145, %lt3A_148 : vector<16xi1>
      %jit3A_150 = arith.constant 0 : i32
      %broadcast_in_dim3A_151 = vector.broadcast %jit3A_150 : i32 to vector<16xi32>
      %select_n3A_152 = arith.select %and3A_149, %sub3A_142, %broadcast_in_dim3A_151 : vector<16xi1>, vector<16xi32>
      tpu.vector_store_idx %arg6[%select_n3A_152, %get3A_137], %broadcast_in_dim3A_4 masked %and3A_149 {add = true} : memref<96x768xf32, #tpu.memory_space<vmem>>[vector<16xi32>, vector<16xi32>], vector<16xf32>, vector<16xi1>
      %scan3A_153 = arith.constant 0 : i32
      scf.yield %scan3A_153 : i32
    }
    %scan3A_87 = arith.constant 357 : i32
    "tpu.region"() ({
      %run_scoped3A_116 = tpu.sem_alloc : memref<!tpu.dma_semaphore, #tpu.memory_space<semaphore_mem>>
      %dma_start3A = arith.constant 480 : i32
      %dma_start3A_117 = arith.constant 0 : i32
      %dma_start3A_118 = tpu.memref_slice %arg3[%add3A, %dma_start3A, %dma_start3A_117] : memref<32x768x768xf32, #tpu.memory_space<hbm>> -> memref<1x96x768xf32, #tpu.memory_space<hbm>>
      %dma_start3A_119 = tpu.memref_squeeze %dma_start3A_118 : memref<1x96x768xf32, #tpu.memory_space<hbm>> -> memref<96x768xf32, #tpu.memory_space<hbm>>
      %dma_start3A_120 = arith.constant 480 : i32
      %dma_start3A_121 = arith.constant 0 : i32
      %dma_start3A_122 = tpu.memref_slice %arg3[%add3A, %dma_start3A_120, %dma_start3A_121] : memref<32x768x768xf32, #tpu.memory_space<hbm>> -> memref<1x96x768xf32, #tpu.memory_space<hbm>>
      %dma_start3A_123 = tpu.memref_squeeze %dma_start3A_122 : memref<1x96x768xf32, #tpu.memory_space<hbm>> -> memref<96x768xf32, #tpu.memory_space<hbm>>
      tpu.enqueue_dma source(%arg6 : memref<96x768xf32, #tpu.memory_space<vmem>>) target(%dma_start3A_123 : memref<96x768xf32, #tpu.memory_space<hbm>>) target_semaphore(%run_scoped3A_116 : memref<!tpu.dma_semaphore, #tpu.memory_space<semaphore_mem>>)
      %dma_wait3A = arith.constant 480 : i32
      %dma_wait3A_124 = arith.constant 0 : i32
      %dma_wait3A_125 = tpu.memref_slice %arg3[%add3A, %dma_wait3A, %dma_wait3A_124] : memref<32x768x768xf32, #tpu.memory_space<hbm>> -> memref<1x96x768xf32, #tpu.memory_space<hbm>>
      %dma_wait3A_126 = tpu.memref_squeeze %dma_wait3A_125 : memref<1x96x768xf32, #tpu.memory_space<hbm>> -> memref<96x768xf32, #tpu.memory_space<hbm>>
      %dma_wait3A_127 = arith.constant 480 : i32
      %dma_wait3A_128 = arith.constant 0 : i32
      %dma_wait3A_129 = tpu.memref_slice %arg3[%add3A, %dma_wait3A_127, %dma_wait3A_128] : memref<32x768x768xf32, #tpu.memory_space<hbm>> -> memref<1x96x768xf32, #tpu.memory_space<hbm>>
      %dma_wait3A_130 = tpu.memref_squeeze %dma_wait3A_129 : memref<1x96x768xf32, #tpu.memory_space<hbm>> -> memref<96x768xf32, #tpu.memory_space<hbm>>
      tpu.wait_dma2 semaphore(%run_scoped3A_116 : memref<!tpu.dma_semaphore, #tpu.memory_space<semaphore_mem>>) src(%arg6 : memref<96x768xf32, #tpu.memory_space<vmem>>) dst(%dma_wait3A_130 : memref<96x768xf32, #tpu.memory_space<hbm>>)
      tpu.yield
    }) : () -> ()
    %scan3A_88 = arith.constant 0 : i32
    %scan3A_89 = arith.constant 0 : i32
    %scan3A_90 = arith.constant 357 : i32
    %scan3A_91 = arith.addi %scan3A_89, %scan3A_90 : i32
    %scan3A_92 = arith.constant 1 : i32
    %scan3A_93 = scf.for %scan3A_116 = %scan3A_89 to %scan3A_91 step %scan3A_92 iter_args(%scan3A_117 = %scan3A_88) -> (i32)  : i32 {
      %mul3A_118 = arith.constant 32 : i32
      %mul3A_119 = arith.muli %scan3A_116, %mul3A_118 : i32
      %add3A_120 = arith.constant 0 : i32
      %add3A_121 = arith.addi %mul3A_119, %add3A_120 : i32
      %get3A = arith.index_cast %add3A_121 : i32 to index
      %get3A_122 = tpu.vector_load %arg4[%get3A] {strides = array<i32>} : memref<11424xi32, #tpu.memory_space<vmem>>, vector<16xi32>,
      %get3A_123 = arith.index_cast %add3A_121 : i32 to index
      %get3A_124 = tpu.vector_load %arg5[%get3A_123] {strides = array<i32>} : memref<11424xi32, #tpu.memory_space<vmem>>, vector<16xi32>,
      %sub3A = arith.constant 480 : i32
      %sub3A_125 = vector.broadcast %sub3A : i32 to vector<16xi32>
      %sub3A_126 = arith.subi %get3A_124, %sub3A_125 : vector<16xi32>
      %ge3A = arith.constant 0 : i32
      %ge3A_127 = vector.broadcast %ge3A : i32 to vector<16xi32>
      %ge3A_128 = arith.cmpi sge, %sub3A_126, %ge3A_127 : vector<16xi32>
      %lt3A = arith.constant 96 : i32
      %lt3A_129 = vector.broadcast %lt3A : i32 to vector<16xi32>
      %lt3A_130 = arith.cmpi slt, %sub3A_126, %lt3A_129 : vector<16xi32>
      %and3A = arith.andi %ge3A_128, %lt3A_130 : vector<16xi1>
      %jit3A = arith.constant 0 : i32
      %broadcast_in_dim3A_131 = vector.broadcast %jit3A : i32 to vector<16xi32>
      %select_n3A = arith.select %and3A, %sub3A_126, %broadcast_in_dim3A_131 : vector<16xi1>, vector<16xi32>
      tpu.vector_store_idx %arg6[%select_n3A, %get3A_122], %broadcast_in_dim3A_2 masked %and3A : memref<96x768xf32, #tpu.memory_space<vmem>>[vector<16xi32>, vector<16xi32>], vector<16xf32>, vector<16xi1>
      %mul3A_132 = arith.constant 32 : i32
      %mul3A_133 = arith.muli %scan3A_116, %mul3A_132 : i32
      %add3A_134 = arith.constant 16 : i32
      %add3A_135 = arith.addi %mul3A_133, %add3A_134 : i32
      %get3A_136 = arith.index_cast %add3A_135 : i32 to index
      %get3A_137 = tpu.vector_load %arg4[%get3A_136] {strides = array<i32>} : memref<11424xi32, #tpu.memory_space<vmem>>, vector<16xi32>,
      %get3A_138 = arith.index_cast %add3A_135 : i32 to index
      %get3A_139 = tpu.vector_load %arg5[%get3A_138] {strides = array<i32>} : memref<11424xi32, #tpu.memory_space<vmem>>, vector<16xi32>,
      %sub3A_140 = arith.constant 480 : i32
      %sub3A_141 = vector.broadcast %sub3A_140 : i32 to vector<16xi32>
      %sub3A_142 = arith.subi %get3A_139, %sub3A_141 : vector<16xi32>
      %ge3A_143 = arith.constant 0 : i32
      %ge3A_144 = vector.broadcast %ge3A_143 : i32 to vector<16xi32>
      %ge3A_145 = arith.cmpi sge, %sub3A_142, %ge3A_144 : vector<16xi32>
      %lt3A_146 = arith.constant 96 : i32
      %lt3A_147 = vector.broadcast %lt3A_146 : i32 to vector<16xi32>
      %lt3A_148 = arith.cmpi slt, %sub3A_142, %lt3A_147 : vector<16xi32>
      %and3A_149 = arith.andi %ge3A_145, %lt3A_148 : vector<16xi1>
      %jit3A_150 = arith.constant 0 : i32
      %broadcast_in_dim3A_151 = vector.broadcast %jit3A_150 : i32 to vector<16xi32>
      %select_n3A_152 = arith.select %and3A_149, %sub3A_142, %broadcast_in_dim3A_151 : vector<16xi1>, vector<16xi32>
      tpu.vector_store_idx %arg6[%select_n3A_152, %get3A_137], %broadcast_in_dim3A_2 masked %and3A_149 : memref<96x768xf32, #tpu.memory_space<vmem>>[vector<16xi32>, vector<16xi32>], vector<16xf32>, vector<16xi1>
      %scan3A_153 = arith.constant 0 : i32
      scf.yield %scan3A_153 : i32
    }
    %scan3A_94 = arith.constant 357 : i32
    %scan3A_95 = arith.constant 0 : i32
    %scan3A_96 = arith.constant 0 : i32
    %scan3A_97 = arith.constant 357 : i32
    %scan3A_98 = arith.addi %scan3A_96, %scan3A_97 : i32
    %scan3A_99 = arith.constant 1 : i32
    %scan3A_100 = scf.for %scan3A_116 = %scan3A_96 to %scan3A_98 step %scan3A_99 iter_args(%scan3A_117 = %scan3A_95) -> (i32)  : i32 {
      %mul3A_118 = arith.constant 32 : i32
      %mul3A_119 = arith.muli %scan3A_116, %mul3A_118 : i32
      %add3A_120 = arith.constant 0 : i32
      %add3A_121 = arith.addi %mul3A_119, %add3A_120 : i32
      %get3A = arith.index_cast %add3A_121 : i32 to index
      %get3A_122 = tpu.vector_load %arg4[%get3A] {strides = array<i32>} : memref<11424xi32, #tpu.memory_space<vmem>>, vector<16xi32>,
      %get3A_123 = arith.index_cast %add3A_121 : i32 to index
      %get3A_124 = tpu.vector_load %arg5[%get3A_123] {strides = array<i32>} : memref<11424xi32, #tpu.memory_space<vmem>>, vector<16xi32>,
      %sub3A = arith.constant 576 : i32
      %sub3A_125 = vector.broadcast %sub3A : i32 to vector<16xi32>
      %sub3A_126 = arith.subi %get3A_124, %sub3A_125 : vector<16xi32>
      %ge3A = arith.constant 0 : i32
      %ge3A_127 = vector.broadcast %ge3A : i32 to vector<16xi32>
      %ge3A_128 = arith.cmpi sge, %sub3A_126, %ge3A_127 : vector<16xi32>
      %lt3A = arith.constant 96 : i32
      %lt3A_129 = vector.broadcast %lt3A : i32 to vector<16xi32>
      %lt3A_130 = arith.cmpi slt, %sub3A_126, %lt3A_129 : vector<16xi32>
      %and3A = arith.andi %ge3A_128, %lt3A_130 : vector<16xi1>
      %jit3A = arith.constant 0 : i32
      %broadcast_in_dim3A_131 = vector.broadcast %jit3A : i32 to vector<16xi32>
      %select_n3A = arith.select %and3A, %sub3A_126, %broadcast_in_dim3A_131 : vector<16xi1>, vector<16xi32>
      tpu.vector_store_idx %arg6[%select_n3A, %get3A_122], %broadcast_in_dim3A_4 masked %and3A {add = true} : memref<96x768xf32, #tpu.memory_space<vmem>>[vector<16xi32>, vector<16xi32>], vector<16xf32>, vector<16xi1>
      %mul3A_132 = arith.constant 32 : i32
      %mul3A_133 = arith.muli %scan3A_116, %mul3A_132 : i32
      %add3A_134 = arith.constant 16 : i32
      %add3A_135 = arith.addi %mul3A_133, %add3A_134 : i32
      %get3A_136 = arith.index_cast %add3A_135 : i32 to index
      %get3A_137 = tpu.vector_load %arg4[%get3A_136] {strides = array<i32>} : memref<11424xi32, #tpu.memory_space<vmem>>, vector<16xi32>,
      %get3A_138 = arith.index_cast %add3A_135 : i32 to index
      %get3A_139 = tpu.vector_load %arg5[%get3A_138] {strides = array<i32>} : memref<11424xi32, #tpu.memory_space<vmem>>, vector<16xi32>,
      %sub3A_140 = arith.constant 576 : i32
      %sub3A_141 = vector.broadcast %sub3A_140 : i32 to vector<16xi32>
      %sub3A_142 = arith.subi %get3A_139, %sub3A_141 : vector<16xi32>
      %ge3A_143 = arith.constant 0 : i32
      %ge3A_144 = vector.broadcast %ge3A_143 : i32 to vector<16xi32>
      %ge3A_145 = arith.cmpi sge, %sub3A_142, %ge3A_144 : vector<16xi32>
      %lt3A_146 = arith.constant 96 : i32
      %lt3A_147 = vector.broadcast %lt3A_146 : i32 to vector<16xi32>
      %lt3A_148 = arith.cmpi slt, %sub3A_142, %lt3A_147 : vector<16xi32>
      %and3A_149 = arith.andi %ge3A_145, %lt3A_148 : vector<16xi1>
      %jit3A_150 = arith.constant 0 : i32
      %broadcast_in_dim3A_151 = vector.broadcast %jit3A_150 : i32 to vector<16xi32>
      %select_n3A_152 = arith.select %and3A_149, %sub3A_142, %broadcast_in_dim3A_151 : vector<16xi1>, vector<16xi32>
      tpu.vector_store_idx %arg6[%select_n3A_152, %get3A_137], %broadcast_in_dim3A_4 masked %and3A_149 {add = true} : memref<96x768xf32, #tpu.memory_space<vmem>>[vector<16xi32>, vector<16xi32>], vector<16xf32>, vector<16xi1>
      %scan3A_153 = arith.constant 0 : i32
      scf.yield %scan3A_153 : i32
    }
    %scan3A_101 = arith.constant 357 : i32
    "tpu.region"() ({
      %run_scoped3A_116 = tpu.sem_alloc : memref<!tpu.dma_semaphore, #tpu.memory_space<semaphore_mem>>
      %dma_start3A = arith.constant 576 : i32
      %dma_start3A_117 = arith.constant 0 : i32
      %dma_start3A_118 = tpu.memref_slice %arg3[%add3A, %dma_start3A, %dma_start3A_117] : memref<32x768x768xf32, #tpu.memory_space<hbm>> -> memref<1x96x768xf32, #tpu.memory_space<hbm>>
      %dma_start3A_119 = tpu.memref_squeeze %dma_start3A_118 : memref<1x96x768xf32, #tpu.memory_space<hbm>> -> memref<96x768xf32, #tpu.memory_space<hbm>>
      %dma_start3A_120 = arith.constant 576 : i32
      %dma_start3A_121 = arith.constant 0 : i32
      %dma_start3A_122 = tpu.memref_slice %arg3[%add3A, %dma_start3A_120, %dma_start3A_121] : memref<32x768x768xf32, #tpu.memory_space<hbm>> -> memref<1x96x768xf32, #tpu.memory_space<hbm>>
      %dma_start3A_123 = tpu.memref_squeeze %dma_start3A_122 : memref<1x96x768xf32, #tpu.memory_space<hbm>> -> memref<96x768xf32, #tpu.memory_space<hbm>>
      tpu.enqueue_dma source(%arg6 : memref<96x768xf32, #tpu.memory_space<vmem>>) target(%dma_start3A_123 : memref<96x768xf32, #tpu.memory_space<hbm>>) target_semaphore(%run_scoped3A_116 : memref<!tpu.dma_semaphore, #tpu.memory_space<semaphore_mem>>)
      %dma_wait3A = arith.constant 576 : i32
      %dma_wait3A_124 = arith.constant 0 : i32
      %dma_wait3A_125 = tpu.memref_slice %arg3[%add3A, %dma_wait3A, %dma_wait3A_124] : memref<32x768x768xf32, #tpu.memory_space<hbm>> -> memref<1x96x768xf32, #tpu.memory_space<hbm>>
      %dma_wait3A_126 = tpu.memref_squeeze %dma_wait3A_125 : memref<1x96x768xf32, #tpu.memory_space<hbm>> -> memref<96x768xf32, #tpu.memory_space<hbm>>
      %dma_wait3A_127 = arith.constant 576 : i32
      %dma_wait3A_128 = arith.constant 0 : i32
      %dma_wait3A_129 = tpu.memref_slice %arg3[%add3A, %dma_wait3A_127, %dma_wait3A_128] : memref<32x768x768xf32, #tpu.memory_space<hbm>> -> memref<1x96x768xf32, #tpu.memory_space<hbm>>
      %dma_wait3A_130 = tpu.memref_squeeze %dma_wait3A_129 : memref<1x96x768xf32, #tpu.memory_space<hbm>> -> memref<96x768xf32, #tpu.memory_space<hbm>>
      tpu.wait_dma2 semaphore(%run_scoped3A_116 : memref<!tpu.dma_semaphore, #tpu.memory_space<semaphore_mem>>) src(%arg6 : memref<96x768xf32, #tpu.memory_space<vmem>>) dst(%dma_wait3A_130 : memref<96x768xf32, #tpu.memory_space<hbm>>)
      tpu.yield
    }) : () -> ()
    %scan3A_102 = arith.constant 0 : i32
    %scan3A_103 = arith.constant 0 : i32
    %scan3A_104 = arith.constant 357 : i32
    %scan3A_105 = arith.addi %scan3A_103, %scan3A_104 : i32
    %scan3A_106 = arith.constant 1 : i32
    %scan3A_107 = scf.for %scan3A_116 = %scan3A_103 to %scan3A_105 step %scan3A_106 iter_args(%scan3A_117 = %scan3A_102) -> (i32)  : i32 {
      %mul3A_118 = arith.constant 32 : i32
      %mul3A_119 = arith.muli %scan3A_116, %mul3A_118 : i32
      %add3A_120 = arith.constant 0 : i32
      %add3A_121 = arith.addi %mul3A_119, %add3A_120 : i32
      %get3A = arith.index_cast %add3A_121 : i32 to index
      %get3A_122 = tpu.vector_load %arg4[%get3A] {strides = array<i32>} : memref<11424xi32, #tpu.memory_space<vmem>>, vector<16xi32>,
      %get3A_123 = arith.index_cast %add3A_121 : i32 to index
      %get3A_124 = tpu.vector_load %arg5[%get3A_123] {strides = array<i32>} : memref<11424xi32, #tpu.memory_space<vmem>>, vector<16xi32>,
      %sub3A = arith.constant 576 : i32
      %sub3A_125 = vector.broadcast %sub3A : i32 to vector<16xi32>
      %sub3A_126 = arith.subi %get3A_124, %sub3A_125 : vector<16xi32>
      %ge3A = arith.constant 0 : i32
      %ge3A_127 = vector.broadcast %ge3A : i32 to vector<16xi32>
      %ge3A_128 = arith.cmpi sge, %sub3A_126, %ge3A_127 : vector<16xi32>
      %lt3A = arith.constant 96 : i32
      %lt3A_129 = vector.broadcast %lt3A : i32 to vector<16xi32>
      %lt3A_130 = arith.cmpi slt, %sub3A_126, %lt3A_129 : vector<16xi32>
      %and3A = arith.andi %ge3A_128, %lt3A_130 : vector<16xi1>
      %jit3A = arith.constant 0 : i32
      %broadcast_in_dim3A_131 = vector.broadcast %jit3A : i32 to vector<16xi32>
      %select_n3A = arith.select %and3A, %sub3A_126, %broadcast_in_dim3A_131 : vector<16xi1>, vector<16xi32>
      tpu.vector_store_idx %arg6[%select_n3A, %get3A_122], %broadcast_in_dim3A_2 masked %and3A : memref<96x768xf32, #tpu.memory_space<vmem>>[vector<16xi32>, vector<16xi32>], vector<16xf32>, vector<16xi1>
      %mul3A_132 = arith.constant 32 : i32
      %mul3A_133 = arith.muli %scan3A_116, %mul3A_132 : i32
      %add3A_134 = arith.constant 16 : i32
      %add3A_135 = arith.addi %mul3A_133, %add3A_134 : i32
      %get3A_136 = arith.index_cast %add3A_135 : i32 to index
      %get3A_137 = tpu.vector_load %arg4[%get3A_136] {strides = array<i32>} : memref<11424xi32, #tpu.memory_space<vmem>>, vector<16xi32>,
      %get3A_138 = arith.index_cast %add3A_135 : i32 to index
      %get3A_139 = tpu.vector_load %arg5[%get3A_138] {strides = array<i32>} : memref<11424xi32, #tpu.memory_space<vmem>>, vector<16xi32>,
      %sub3A_140 = arith.constant 576 : i32
      %sub3A_141 = vector.broadcast %sub3A_140 : i32 to vector<16xi32>
      %sub3A_142 = arith.subi %get3A_139, %sub3A_141 : vector<16xi32>
      %ge3A_143 = arith.constant 0 : i32
      %ge3A_144 = vector.broadcast %ge3A_143 : i32 to vector<16xi32>
      %ge3A_145 = arith.cmpi sge, %sub3A_142, %ge3A_144 : vector<16xi32>
      %lt3A_146 = arith.constant 96 : i32
      %lt3A_147 = vector.broadcast %lt3A_146 : i32 to vector<16xi32>
      %lt3A_148 = arith.cmpi slt, %sub3A_142, %lt3A_147 : vector<16xi32>
      %and3A_149 = arith.andi %ge3A_145, %lt3A_148 : vector<16xi1>
      %jit3A_150 = arith.constant 0 : i32
      %broadcast_in_dim3A_151 = vector.broadcast %jit3A_150 : i32 to vector<16xi32>
      %select_n3A_152 = arith.select %and3A_149, %sub3A_142, %broadcast_in_dim3A_151 : vector<16xi1>, vector<16xi32>
      tpu.vector_store_idx %arg6[%select_n3A_152, %get3A_137], %broadcast_in_dim3A_2 masked %and3A_149 : memref<96x768xf32, #tpu.memory_space<vmem>>[vector<16xi32>, vector<16xi32>], vector<16xf32>, vector<16xi1>
      %scan3A_153 = arith.constant 0 : i32
      scf.yield %scan3A_153 : i32
    }
    %scan3A_108 = arith.constant 357 : i32
    %scan3A_109 = arith.constant 0 : i32
    %scan3A_110 = arith.constant 0 : i32
    %scan3A_111 = arith.constant 357 : i32
    %scan3A_112 = arith.addi %scan3A_110, %scan3A_111 : i32
    %scan3A_113 = arith.constant 1 : i32
    %scan3A_114 = scf.for %scan3A_116 = %scan3A_110 to %scan3A_112 step %scan3A_113 iter_args(%scan3A_117 = %scan3A_109) -> (i32)  : i32 {
      %mul3A_118 = arith.constant 32 : i32
      %mul3A_119 = arith.muli %scan3A_116, %mul3A_118 : i32
      %add3A_120 = arith.constant 0 : i32
      %add3A_121 = arith.addi %mul3A_119, %add3A_120 : i32
      %get3A = arith.index_cast %add3A_121 : i32 to index
      %get3A_122 = tpu.vector_load %arg4[%get3A] {strides = array<i32>} : memref<11424xi32, #tpu.memory_space<vmem>>, vector<16xi32>,
      %get3A_123 = arith.index_cast %add3A_121 : i32 to index
      %get3A_124 = tpu.vector_load %arg5[%get3A_123] {strides = array<i32>} : memref<11424xi32, #tpu.memory_space<vmem>>, vector<16xi32>,
      %sub3A = arith.constant 672 : i32
      %sub3A_125 = vector.broadcast %sub3A : i32 to vector<16xi32>
      %sub3A_126 = arith.subi %get3A_124, %sub3A_125 : vector<16xi32>
      %ge3A = arith.constant 0 : i32
      %ge3A_127 = vector.broadcast %ge3A : i32 to vector<16xi32>
      %ge3A_128 = arith.cmpi sge, %sub3A_126, %ge3A_127 : vector<16xi32>
      %lt3A = arith.constant 96 : i32
      %lt3A_129 = vector.broadcast %lt3A : i32 to vector<16xi32>
      %lt3A_130 = arith.cmpi slt, %sub3A_126, %lt3A_129 : vector<16xi32>
      %and3A = arith.andi %ge3A_128, %lt3A_130 : vector<16xi1>
      %jit3A = arith.constant 0 : i32
      %broadcast_in_dim3A_131 = vector.broadcast %jit3A : i32 to vector<16xi32>
      %select_n3A = arith.select %and3A, %sub3A_126, %broadcast_in_dim3A_131 : vector<16xi1>, vector<16xi32>
      tpu.vector_store_idx %arg6[%select_n3A, %get3A_122], %broadcast_in_dim3A_4 masked %and3A {add = true} : memref<96x768xf32, #tpu.memory_space<vmem>>[vector<16xi32>, vector<16xi32>], vector<16xf32>, vector<16xi1>
      %mul3A_132 = arith.constant 32 : i32
      %mul3A_133 = arith.muli %scan3A_116, %mul3A_132 : i32
      %add3A_134 = arith.constant 16 : i32
      %add3A_135 = arith.addi %mul3A_133, %add3A_134 : i32
      %get3A_136 = arith.index_cast %add3A_135 : i32 to index
      %get3A_137 = tpu.vector_load %arg4[%get3A_136] {strides = array<i32>} : memref<11424xi32, #tpu.memory_space<vmem>>, vector<16xi32>,
      %get3A_138 = arith.index_cast %add3A_135 : i32 to index
      %get3A_139 = tpu.vector_load %arg5[%get3A_138] {strides = array<i32>} : memref<11424xi32, #tpu.memory_space<vmem>>, vector<16xi32>,
      %sub3A_140 = arith.constant 672 : i32
      %sub3A_141 = vector.broadcast %sub3A_140 : i32 to vector<16xi32>
      %sub3A_142 = arith.subi %get3A_139, %sub3A_141 : vector<16xi32>
      %ge3A_143 = arith.constant 0 : i32
      %ge3A_144 = vector.broadcast %ge3A_143 : i32 to vector<16xi32>
      %ge3A_145 = arith.cmpi sge, %sub3A_142, %ge3A_144 : vector<16xi32>
      %lt3A_146 = arith.constant 96 : i32
      %lt3A_147 = vector.broadcast %lt3A_146 : i32 to vector<16xi32>
      %lt3A_148 = arith.cmpi slt, %sub3A_142, %lt3A_147 : vector<16xi32>
      %and3A_149 = arith.andi %ge3A_145, %lt3A_148 : vector<16xi1>
      %jit3A_150 = arith.constant 0 : i32
      %broadcast_in_dim3A_151 = vector.broadcast %jit3A_150 : i32 to vector<16xi32>
      %select_n3A_152 = arith.select %and3A_149, %sub3A_142, %broadcast_in_dim3A_151 : vector<16xi1>, vector<16xi32>
      tpu.vector_store_idx %arg6[%select_n3A_152, %get3A_137], %broadcast_in_dim3A_4 masked %and3A_149 {add = true} : memref<96x768xf32, #tpu.memory_space<vmem>>[vector<16xi32>, vector<16xi32>], vector<16xf32>, vector<16xi1>
      %scan3A_153 = arith.constant 0 : i32
      scf.yield %scan3A_153 : i32
    }
    %scan3A_115 = arith.constant 357 : i32
    "tpu.region"() ({
      %run_scoped3A_116 = tpu.sem_alloc : memref<!tpu.dma_semaphore, #tpu.memory_space<semaphore_mem>>
      %dma_start3A = arith.constant 672 : i32
      %dma_start3A_117 = arith.constant 0 : i32
      %dma_start3A_118 = tpu.memref_slice %arg3[%add3A, %dma_start3A, %dma_start3A_117] : memref<32x768x768xf32, #tpu.memory_space<hbm>> -> memref<1x96x768xf32, #tpu.memory_space<hbm>>
      %dma_start3A_119 = tpu.memref_squeeze %dma_start3A_118 : memref<1x96x768xf32, #tpu.memory_space<hbm>> -> memref<96x768xf32, #tpu.memory_space<hbm>>
      %dma_start3A_120 = arith.constant 672 : i32
      %dma_start3A_121 = arith.constant 0 : i32
      %dma_start3A_122 = tpu.memref_slice %arg3[%add3A, %dma_start3A_120, %dma_start3A_121] : memref<32x768x768xf32, #tpu.memory_space<hbm>> -> memref<1x96x768xf32, #tpu.memory_space<hbm>>
      %dma_start3A_123 = tpu.memref_squeeze %dma_start3A_122 : memref<1x96x768xf32, #tpu.memory_space<hbm>> -> memref<96x768xf32, #tpu.memory_space<hbm>>
      tpu.enqueue_dma source(%arg6 : memref<96x768xf32, #tpu.memory_space<vmem>>) target(%dma_start3A_123 : memref<96x768xf32, #tpu.memory_space<hbm>>) target_semaphore(%run_scoped3A_116 : memref<!tpu.dma_semaphore, #tpu.memory_space<semaphore_mem>>)
      %dma_wait3A = arith.constant 672 : i32
      %dma_wait3A_124 = arith.constant 0 : i32
      %dma_wait3A_125 = tpu.memref_slice %arg3[%add3A, %dma_wait3A, %dma_wait3A_124] : memref<32x768x768xf32, #tpu.memory_space<hbm>> -> memref<1x96x768xf32, #tpu.memory_space<hbm>>
      %dma_wait3A_126 = tpu.memref_squeeze %dma_wait3A_125 : memref<1x96x768xf32, #tpu.memory_space<hbm>> -> memref<96x768xf32, #tpu.memory_space<hbm>>
      %dma_wait3A_127 = arith.constant 672 : i32
      %dma_wait3A_128 = arith.constant 0 : i32
      %dma_wait3A_129 = tpu.memref_slice %arg3[%add3A, %dma_wait3A_127, %dma_wait3A_128] : memref<32x768x768xf32, #tpu.memory_space<hbm>> -> memref<1x96x768xf32, #tpu.memory_space<hbm>>
      %dma_wait3A_130 = tpu.memref_squeeze %dma_wait3A_129 : memref<1x96x768xf32, #tpu.memory_space<hbm>> -> memref<96x768xf32, #tpu.memory_space<hbm>>
      tpu.wait_dma2 semaphore(%run_scoped3A_116 : memref<!tpu.dma_semaphore, #tpu.memory_space<semaphore_mem>>) src(%arg6 : memref<96x768xf32, #tpu.memory_space<vmem>>) dst(%dma_wait3A_130 : memref<96x768xf32, #tpu.memory_space<hbm>>)
      tpu.yield
    }) : () -> ()
    return
  }
}

#map = affine_map<(d0, d1) -> (0, 0)>
#map1 = affine_map<(d0, d1) -> (0, 0, 0)>
module attributes {stable_mosaic.version = 14 : i64} {
  func.func @_gath_body(%arg0: i32, %arg1: i32, %arg2: memref<5099x128xf32, #tpu.memory_space<hbm>>, %arg3: memref<400x128xf32, #tpu.memory_space<hbm>>, %arg4: memref<32x6x128xi32, #tpu.memory_space<hbm>>, %arg5: memref<32x6x128xi32, #tpu.memory_space<hbm>>, %arg6: memref<32x768x128xf32, #tpu.memory_space<hbm>>, %arg7: memref<6x128xi32, #tpu.memory_space<vmem>>, %arg8: memref<6x128xi32, #tpu.memory_space<vmem>>, %arg9: memref<2x128x128xf32, #tpu.memory_space<vmem>>, %arg10: memref<2x128x128xf32, #tpu.memory_space<vmem>>, %arg11: memref<2x!tpu.dma_semaphore, #tpu.memory_space<semaphore_mem>>, %arg12: memref<2x!tpu.dma_semaphore, #tpu.memory_space<semaphore_mem>>) attributes {dimension_semantics = [#tpu.dimension_semantics<core_parallel>, #tpu.dimension_semantics<subcore_parallel>], iteration_bounds = array<i64: 2, 16>, scalar_prefetch = 0 : i64, scratch_operands = 6 : i64, tpu.core_type = #tpu.core_type<sc_vector_subcore>, window_params = [{transform_indices = #map}, {transform_indices = #map}, {transform_indices = #map1}, {transform_indices = #map1}, {transform_indices = #map1}]} {
    %mul3A = arith.constant 2 : i32
    %mul3A_0 = arith.muli %arg1, %mul3A : i32
    %add3A = arith.addi %mul3A_0, %arg0 : i32
    "tpu.region"() ({
      %run_scoped3A_405 = tpu.sem_alloc : memref<!tpu.dma_semaphore, #tpu.memory_space<semaphore_mem>>
      %dma_start3A_406 = arith.constant 0 : i32
      %dma_start3A_407 = arith.constant 0 : i32
      %dma_start3A_408 = tpu.memref_slice %arg4[%add3A, %dma_start3A_406, %dma_start3A_407] : memref<32x6x128xi32, #tpu.memory_space<hbm>> -> memref<1x6x128xi32, #tpu.memory_space<hbm>>
      %dma_start3A_409 = tpu.memref_squeeze %dma_start3A_408 : memref<1x6x128xi32, #tpu.memory_space<hbm>> -> memref<6x128xi32, #tpu.memory_space<hbm>>
      %dma_start3A_410 = arith.constant 0 : i32
      %dma_start3A_411 = arith.constant 0 : i32
      %dma_start3A_412 = tpu.memref_slice %arg4[%add3A, %dma_start3A_410, %dma_start3A_411] : memref<32x6x128xi32, #tpu.memory_space<hbm>> -> memref<1x6x128xi32, #tpu.memory_space<hbm>>
      %dma_start3A_413 = tpu.memref_squeeze %dma_start3A_412 : memref<1x6x128xi32, #tpu.memory_space<hbm>> -> memref<6x128xi32, #tpu.memory_space<hbm>>
      tpu.enqueue_dma source(%dma_start3A_413 : memref<6x128xi32, #tpu.memory_space<hbm>>) target(%arg7 : memref<6x128xi32, #tpu.memory_space<vmem>>) target_semaphore(%run_scoped3A_405 : memref<!tpu.dma_semaphore, #tpu.memory_space<semaphore_mem>>)
      %dma_wait3A_414 = arith.constant 0 : i32
      %dma_wait3A_415 = arith.constant 0 : i32
      %dma_wait3A_416 = tpu.memref_slice %arg4[%add3A, %dma_wait3A_414, %dma_wait3A_415] : memref<32x6x128xi32, #tpu.memory_space<hbm>> -> memref<1x6x128xi32, #tpu.memory_space<hbm>>
      %dma_wait3A_417 = tpu.memref_squeeze %dma_wait3A_416 : memref<1x6x128xi32, #tpu.memory_space<hbm>> -> memref<6x128xi32, #tpu.memory_space<hbm>>
      %dma_wait3A_418 = arith.constant 0 : i32
      %dma_wait3A_419 = arith.constant 0 : i32
      %dma_wait3A_420 = tpu.memref_slice %arg4[%add3A, %dma_wait3A_418, %dma_wait3A_419] : memref<32x6x128xi32, #tpu.memory_space<hbm>> -> memref<1x6x128xi32, #tpu.memory_space<hbm>>
      %dma_wait3A_421 = tpu.memref_squeeze %dma_wait3A_420 : memref<1x6x128xi32, #tpu.memory_space<hbm>> -> memref<6x128xi32, #tpu.memory_space<hbm>>
      tpu.wait_dma2 semaphore(%run_scoped3A_405 : memref<!tpu.dma_semaphore, #tpu.memory_space<semaphore_mem>>) src(%dma_wait3A_421 : memref<6x128xi32, #tpu.memory_space<hbm>>) dst(%arg7 : memref<6x128xi32, #tpu.memory_space<vmem>>)
      tpu.yield
    }) : () -> ()
    "tpu.region"() ({
      %run_scoped3A_405 = tpu.sem_alloc : memref<!tpu.dma_semaphore, #tpu.memory_space<semaphore_mem>>
      %dma_start3A_406 = arith.constant 0 : i32
      %dma_start3A_407 = arith.constant 0 : i32
      %dma_start3A_408 = tpu.memref_slice %arg5[%add3A, %dma_start3A_406, %dma_start3A_407] : memref<32x6x128xi32, #tpu.memory_space<hbm>> -> memref<1x6x128xi32, #tpu.memory_space<hbm>>
      %dma_start3A_409 = tpu.memref_squeeze %dma_start3A_408 : memref<1x6x128xi32, #tpu.memory_space<hbm>> -> memref<6x128xi32, #tpu.memory_space<hbm>>
      %dma_start3A_410 = arith.constant 0 : i32
      %dma_start3A_411 = arith.constant 0 : i32
      %dma_start3A_412 = tpu.memref_slice %arg5[%add3A, %dma_start3A_410, %dma_start3A_411] : memref<32x6x128xi32, #tpu.memory_space<hbm>> -> memref<1x6x128xi32, #tpu.memory_space<hbm>>
      %dma_start3A_413 = tpu.memref_squeeze %dma_start3A_412 : memref<1x6x128xi32, #tpu.memory_space<hbm>> -> memref<6x128xi32, #tpu.memory_space<hbm>>
      tpu.enqueue_dma source(%dma_start3A_413 : memref<6x128xi32, #tpu.memory_space<hbm>>) target(%arg8 : memref<6x128xi32, #tpu.memory_space<vmem>>) target_semaphore(%run_scoped3A_405 : memref<!tpu.dma_semaphore, #tpu.memory_space<semaphore_mem>>)
      %dma_wait3A_414 = arith.constant 0 : i32
      %dma_wait3A_415 = arith.constant 0 : i32
      %dma_wait3A_416 = tpu.memref_slice %arg5[%add3A, %dma_wait3A_414, %dma_wait3A_415] : memref<32x6x128xi32, #tpu.memory_space<hbm>> -> memref<1x6x128xi32, #tpu.memory_space<hbm>>
      %dma_wait3A_417 = tpu.memref_squeeze %dma_wait3A_416 : memref<1x6x128xi32, #tpu.memory_space<hbm>> -> memref<6x128xi32, #tpu.memory_space<hbm>>
      %dma_wait3A_418 = arith.constant 0 : i32
      %dma_wait3A_419 = arith.constant 0 : i32
      %dma_wait3A_420 = tpu.memref_slice %arg5[%add3A, %dma_wait3A_418, %dma_wait3A_419] : memref<32x6x128xi32, #tpu.memory_space<hbm>> -> memref<1x6x128xi32, #tpu.memory_space<hbm>>
      %dma_wait3A_421 = tpu.memref_squeeze %dma_wait3A_420 : memref<1x6x128xi32, #tpu.memory_space<hbm>> -> memref<6x128xi32, #tpu.memory_space<hbm>>
      tpu.wait_dma2 semaphore(%run_scoped3A_405 : memref<!tpu.dma_semaphore, #tpu.memory_space<semaphore_mem>>) src(%dma_wait3A_421 : memref<6x128xi32, #tpu.memory_space<hbm>>) dst(%arg8 : memref<6x128xi32, #tpu.memory_space<vmem>>)
      tpu.yield
    }) : () -> ()
    %dma_start3A = arith.constant 0 : i32
    %dma_start3A_1 = arith.constant 0 : i32
    %dma_start3A_2 = arith.constant 0 : i32
    %dma_start3A_3 = arith.constant 0 : i32
    %dma_start3A_4 = arith.constant 0 : i32
    %dma_start3A_5 = tpu.memref_slice %arg9[%dma_start3A_1, %dma_start3A_3, %dma_start3A_4] : memref<2x128x128xf32, #tpu.memory_space<vmem>> -> memref<1x128x128xf32, #tpu.memory_space<vmem>>
    %dma_start3A_6 = tpu.memref_squeeze %dma_start3A_5 : memref<1x128x128xf32, #tpu.memory_space<vmem>> -> memref<128x128xf32, #tpu.memory_space<vmem>>
    %dma_start3A_7 = arith.constant 0 : i32
    %dma_start3A_8 = tpu.memref_slice %arg7[%dma_start3A, %dma_start3A_7] : memref<6x128xi32, #tpu.memory_space<vmem>> -> memref<1x128xi32, #tpu.memory_space<vmem>>
    %dma_start3A_9 = tpu.memref_squeeze %dma_start3A_8 : memref<1x128xi32, #tpu.memory_space<vmem>> -> memref<128xi32, #tpu.memory_space<vmem>>
    %dma_start3A_10 = arith.constant 0 : i32
    %dma_start3A_11 = arith.constant 0 : i32
    %dma_start3A_12 = tpu.memref_slice %arg2[%dma_start3A_10, %dma_start3A_11] : memref<5099x128xf32, #tpu.memory_space<hbm>> -> memref<5099x128xf32, #tpu.memory_space<hbm>>
    %dma_start3A_13 = tpu.memref_slice %arg11[%dma_start3A_2] : memref<2x!tpu.dma_semaphore, #tpu.memory_space<semaphore_mem>> -> memref<1x!tpu.dma_semaphore, #tpu.memory_space<semaphore_mem>>
    %dma_start3A_14 = tpu.memref_squeeze %dma_start3A_13 : memref<1x!tpu.dma_semaphore, #tpu.memory_space<semaphore_mem>> -> memref<!tpu.dma_semaphore, #tpu.memory_space<semaphore_mem>>
    tpu.enqueue_indirect_dma source(%dma_start3A_12 : memref<5099x128xf32, #tpu.memory_space<hbm>>) target(%dma_start3A_6 : memref<128x128xf32, #tpu.memory_space<vmem>>) offsets(%dma_start3A_9 : memref<128xi32, #tpu.memory_space<vmem>>) semaphore(%dma_start3A_14 : memref<!tpu.dma_semaphore, #tpu.memory_space<semaphore_mem>>)
    %dma_start3A_15 = arith.constant 0 : i32
    %dma_start3A_16 = arith.constant 0 : i32
    %dma_start3A_17 = arith.constant 0 : i32
    %dma_start3A_18 = arith.constant 0 : i32
    %dma_start3A_19 = arith.constant 0 : i32
    %dma_start3A_20 = tpu.memref_slice %arg10[%dma_start3A_16, %dma_start3A_18, %dma_start3A_19] : memref<2x128x128xf32, #tpu.memory_space<vmem>> -> memref<1x128x128xf32, #tpu.memory_space<vmem>>
    %dma_start3A_21 = tpu.memref_squeeze %dma_start3A_20 : memref<1x128x128xf32, #tpu.memory_space<vmem>> -> memref<128x128xf32, #tpu.memory_space<vmem>>
    %dma_start3A_22 = arith.constant 0 : i32
    %dma_start3A_23 = tpu.memref_slice %arg8[%dma_start3A_15, %dma_start3A_22] : memref<6x128xi32, #tpu.memory_space<vmem>> -> memref<1x128xi32, #tpu.memory_space<vmem>>
    %dma_start3A_24 = tpu.memref_squeeze %dma_start3A_23 : memref<1x128xi32, #tpu.memory_space<vmem>> -> memref<128xi32, #tpu.memory_space<vmem>>
    %dma_start3A_25 = arith.constant 0 : i32
    %dma_start3A_26 = arith.constant 0 : i32
    %dma_start3A_27 = tpu.memref_slice %arg3[%dma_start3A_25, %dma_start3A_26] : memref<400x128xf32, #tpu.memory_space<hbm>> -> memref<400x128xf32, #tpu.memory_space<hbm>>
    %dma_start3A_28 = tpu.memref_slice %arg12[%dma_start3A_17] : memref<2x!tpu.dma_semaphore, #tpu.memory_space<semaphore_mem>> -> memref<1x!tpu.dma_semaphore, #tpu.memory_space<semaphore_mem>>
    %dma_start3A_29 = tpu.memref_squeeze %dma_start3A_28 : memref<1x!tpu.dma_semaphore, #tpu.memory_space<semaphore_mem>> -> memref<!tpu.dma_semaphore, #tpu.memory_space<semaphore_mem>>
    tpu.enqueue_indirect_dma source(%dma_start3A_27 : memref<400x128xf32, #tpu.memory_space<hbm>>) target(%dma_start3A_21 : memref<128x128xf32, #tpu.memory_space<vmem>>) offsets(%dma_start3A_24 : memref<128xi32, #tpu.memory_space<vmem>>) semaphore(%dma_start3A_29 : memref<!tpu.dma_semaphore, #tpu.memory_space<semaphore_mem>>)
    %dma_start3A_30 = arith.constant 1 : i32
    %dma_start3A_31 = arith.constant 1 : i32
    %dma_start3A_32 = arith.constant 1 : i32
    %dma_start3A_33 = arith.constant 0 : i32
    %dma_start3A_34 = arith.constant 0 : i32
    %dma_start3A_35 = tpu.memref_slice %arg9[%dma_start3A_31, %dma_start3A_33, %dma_start3A_34] : memref<2x128x128xf32, #tpu.memory_space<vmem>> -> memref<1x128x128xf32, #tpu.memory_space<vmem>>
    %dma_start3A_36 = tpu.memref_squeeze %dma_start3A_35 : memref<1x128x128xf32, #tpu.memory_space<vmem>> -> memref<128x128xf32, #tpu.memory_space<vmem>>
    %dma_start3A_37 = arith.constant 0 : i32
    %dma_start3A_38 = tpu.memref_slice %arg7[%dma_start3A_30, %dma_start3A_37] : memref<6x128xi32, #tpu.memory_space<vmem>> -> memref<1x128xi32, #tpu.memory_space<vmem>>
    %dma_start3A_39 = tpu.memref_squeeze %dma_start3A_38 : memref<1x128xi32, #tpu.memory_space<vmem>> -> memref<128xi32, #tpu.memory_space<vmem>>
    %dma_start3A_40 = arith.constant 0 : i32
    %dma_start3A_41 = arith.constant 0 : i32
    %dma_start3A_42 = tpu.memref_slice %arg2[%dma_start3A_40, %dma_start3A_41] : memref<5099x128xf32, #tpu.memory_space<hbm>> -> memref<5099x128xf32, #tpu.memory_space<hbm>>
    %dma_start3A_43 = tpu.memref_slice %arg11[%dma_start3A_32] : memref<2x!tpu.dma_semaphore, #tpu.memory_space<semaphore_mem>> -> memref<1x!tpu.dma_semaphore, #tpu.memory_space<semaphore_mem>>
    %dma_start3A_44 = tpu.memref_squeeze %dma_start3A_43 : memref<1x!tpu.dma_semaphore, #tpu.memory_space<semaphore_mem>> -> memref<!tpu.dma_semaphore, #tpu.memory_space<semaphore_mem>>
    tpu.enqueue_indirect_dma source(%dma_start3A_42 : memref<5099x128xf32, #tpu.memory_space<hbm>>) target(%dma_start3A_36 : memref<128x128xf32, #tpu.memory_space<vmem>>) offsets(%dma_start3A_39 : memref<128xi32, #tpu.memory_space<vmem>>) semaphore(%dma_start3A_44 : memref<!tpu.dma_semaphore, #tpu.memory_space<semaphore_mem>>)
    %dma_start3A_45 = arith.constant 1 : i32
    %dma_start3A_46 = arith.constant 1 : i32
    %dma_start3A_47 = arith.constant 1 : i32
    %dma_start3A_48 = arith.constant 0 : i32
    %dma_start3A_49 = arith.constant 0 : i32
    %dma_start3A_50 = tpu.memref_slice %arg10[%dma_start3A_46, %dma_start3A_48, %dma_start3A_49] : memref<2x128x128xf32, #tpu.memory_space<vmem>> -> memref<1x128x128xf32, #tpu.memory_space<vmem>>
    %dma_start3A_51 = tpu.memref_squeeze %dma_start3A_50 : memref<1x128x128xf32, #tpu.memory_space<vmem>> -> memref<128x128xf32, #tpu.memory_space<vmem>>
    %dma_start3A_52 = arith.constant 0 : i32
    %dma_start3A_53 = tpu.memref_slice %arg8[%dma_start3A_45, %dma_start3A_52] : memref<6x128xi32, #tpu.memory_space<vmem>> -> memref<1x128xi32, #tpu.memory_space<vmem>>
    %dma_start3A_54 = tpu.memref_squeeze %dma_start3A_53 : memref<1x128xi32, #tpu.memory_space<vmem>> -> memref<128xi32, #tpu.memory_space<vmem>>
    %dma_start3A_55 = arith.constant 0 : i32
    %dma_start3A_56 = arith.constant 0 : i32
    %dma_start3A_57 = tpu.memref_slice %arg3[%dma_start3A_55, %dma_start3A_56] : memref<400x128xf32, #tpu.memory_space<hbm>> -> memref<400x128xf32, #tpu.memory_space<hbm>>
    %dma_start3A_58 = tpu.memref_slice %arg12[%dma_start3A_47] : memref<2x!tpu.dma_semaphore, #tpu.memory_space<semaphore_mem>> -> memref<1x!tpu.dma_semaphore, #tpu.memory_space<semaphore_mem>>
    %dma_start3A_59 = tpu.memref_squeeze %dma_start3A_58 : memref<1x!tpu.dma_semaphore, #tpu.memory_space<semaphore_mem>> -> memref<!tpu.dma_semaphore, #tpu.memory_space<semaphore_mem>>
    tpu.enqueue_indirect_dma source(%dma_start3A_57 : memref<400x128xf32, #tpu.memory_space<hbm>>) target(%dma_start3A_51 : memref<128x128xf32, #tpu.memory_space<vmem>>) offsets(%dma_start3A_54 : memref<128xi32, #tpu.memory_space<vmem>>) semaphore(%dma_start3A_59 : memref<!tpu.dma_semaphore, #tpu.memory_space<semaphore_mem>>)
    %dma_wait3A = arith.constant 0 : i32
    %dma_wait3A_60 = arith.constant 0 : i32
    %dma_wait3A_61 = arith.constant 0 : i32
    %dma_wait3A_62 = arith.constant 0 : i32
    %dma_wait3A_63 = arith.constant 0 : i32
    %dma_wait3A_64 = tpu.memref_slice %arg9[%dma_wait3A_60, %dma_wait3A_62, %dma_wait3A_63] : memref<2x128x128xf32, #tpu.memory_space<vmem>> -> memref<1x128x128xf32, #tpu.memory_space<vmem>>
    %dma_wait3A_65 = tpu.memref_squeeze %dma_wait3A_64 : memref<1x128x128xf32, #tpu.memory_space<vmem>> -> memref<128x128xf32, #tpu.memory_space<vmem>>
    %dma_wait3A_66 = arith.constant 0 : i32
    %dma_wait3A_67 = tpu.memref_slice %arg7[%dma_wait3A, %dma_wait3A_66] : memref<6x128xi32, #tpu.memory_space<vmem>> -> memref<1x128xi32, #tpu.memory_space<vmem>>
    %dma_wait3A_68 = tpu.memref_squeeze %dma_wait3A_67 : memref<1x128xi32, #tpu.memory_space<vmem>> -> memref<128xi32, #tpu.memory_space<vmem>>
    %dma_wait3A_69 = arith.constant 0 : i32
    %dma_wait3A_70 = arith.constant 0 : i32
    %dma_wait3A_71 = tpu.memref_slice %arg2[%dma_wait3A_69, %dma_wait3A_70] : memref<5099x128xf32, #tpu.memory_space<hbm>> -> memref<5099x128xf32, #tpu.memory_space<hbm>>
    %dma_wait3A_72 = tpu.memref_slice %arg11[%dma_wait3A_61] : memref<2x!tpu.dma_semaphore, #tpu.memory_space<semaphore_mem>> -> memref<1x!tpu.dma_semaphore, #tpu.memory_space<semaphore_mem>>
    %dma_wait3A_73 = tpu.memref_squeeze %dma_wait3A_72 : memref<1x!tpu.dma_semaphore, #tpu.memory_space<semaphore_mem>> -> memref<!tpu.dma_semaphore, #tpu.memory_space<semaphore_mem>>
    tpu.wait_indirect_dma semaphore(%dma_wait3A_73 : memref<!tpu.dma_semaphore, #tpu.memory_space<semaphore_mem>>) src(%dma_wait3A_71 : memref<5099x128xf32, #tpu.memory_space<hbm>>) dst(%dma_wait3A_65 : memref<128x128xf32, #tpu.memory_space<vmem>>)
    %dma_wait3A_74 = arith.constant 0 : i32
    %dma_wait3A_75 = arith.constant 0 : i32
    %dma_wait3A_76 = arith.constant 0 : i32
    %dma_wait3A_77 = arith.constant 0 : i32
    %dma_wait3A_78 = arith.constant 0 : i32
    %dma_wait3A_79 = tpu.memref_slice %arg10[%dma_wait3A_75, %dma_wait3A_77, %dma_wait3A_78] : memref<2x128x128xf32, #tpu.memory_space<vmem>> -> memref<1x128x128xf32, #tpu.memory_space<vmem>>
    %dma_wait3A_80 = tpu.memref_squeeze %dma_wait3A_79 : memref<1x128x128xf32, #tpu.memory_space<vmem>> -> memref<128x128xf32, #tpu.memory_space<vmem>>
    %dma_wait3A_81 = arith.constant 0 : i32
    %dma_wait3A_82 = tpu.memref_slice %arg8[%dma_wait3A_74, %dma_wait3A_81] : memref<6x128xi32, #tpu.memory_space<vmem>> -> memref<1x128xi32, #tpu.memory_space<vmem>>
    %dma_wait3A_83 = tpu.memref_squeeze %dma_wait3A_82 : memref<1x128xi32, #tpu.memory_space<vmem>> -> memref<128xi32, #tpu.memory_space<vmem>>
    %dma_wait3A_84 = arith.constant 0 : i32
    %dma_wait3A_85 = arith.constant 0 : i32
    %dma_wait3A_86 = tpu.memref_slice %arg3[%dma_wait3A_84, %dma_wait3A_85] : memref<400x128xf32, #tpu.memory_space<hbm>> -> memref<400x128xf32, #tpu.memory_space<hbm>>
    %dma_wait3A_87 = tpu.memref_slice %arg12[%dma_wait3A_76] : memref<2x!tpu.dma_semaphore, #tpu.memory_space<semaphore_mem>> -> memref<1x!tpu.dma_semaphore, #tpu.memory_space<semaphore_mem>>
    %dma_wait3A_88 = tpu.memref_squeeze %dma_wait3A_87 : memref<1x!tpu.dma_semaphore, #tpu.memory_space<semaphore_mem>> -> memref<!tpu.dma_semaphore, #tpu.memory_space<semaphore_mem>>
    tpu.wait_indirect_dma semaphore(%dma_wait3A_88 : memref<!tpu.dma_semaphore, #tpu.memory_space<semaphore_mem>>) src(%dma_wait3A_86 : memref<400x128xf32, #tpu.memory_space<hbm>>) dst(%dma_wait3A_80 : memref<128x128xf32, #tpu.memory_space<vmem>>)
    %scan3A = arith.constant 0 : i32
    %scan3A_89 = arith.constant 0 : i32
    %scan3A_90 = arith.constant 128 : i32
    %scan3A_91 = arith.addi %scan3A_89, %scan3A_90 : i32
    %scan3A_92 = arith.constant 1 : i32
    %scan3A_93 = scf.for %scan3A_405 = %scan3A_89 to %scan3A_91 step %scan3A_92 iter_args(%scan3A_406 = %scan3A) -> (i32)  : i32 {
      %get3A = arith.constant 0 : i32
      %get3A_407 = arith.index_cast %get3A : i32 to index
      %get3A_408 = arith.index_cast %scan3A_405 : i32 to index
      %get3A_409 = arith.constant 0 : index
      %get3A_410 = tpu.vector_load %arg9[%get3A_407, %get3A_408, %get3A_409] {strides = array<i32>} : memref<2x128x128xf32, #tpu.memory_space<vmem>>, vector<16xf32>,
      %get3A_411 = arith.constant 0 : i32
      %get3A_412 = arith.index_cast %get3A_411 : i32 to index
      %get3A_413 = arith.index_cast %scan3A_405 : i32 to index
      %get3A_414 = arith.constant 0 : index
      %get3A_415 = tpu.vector_load %arg10[%get3A_412, %get3A_413, %get3A_414] {strides = array<i32>} : memref<2x128x128xf32, #tpu.memory_space<vmem>>, vector<16xf32>,
      %add3A_416 = arith.addf %get3A_410, %get3A_415 : vector<16xf32>
      %swap3A = arith.constant 0 : i32
      %swap3A_417 = arith.index_cast %swap3A : i32 to index
      %swap3A_418 = arith.index_cast %scan3A_405 : i32 to index
      %swap3A_419 = arith.constant 0 : index
      %swap3A_420 = tpu.vector_load %arg9[%swap3A_417, %swap3A_418, %swap3A_419] {strides = array<i32>} : memref<2x128x128xf32, #tpu.memory_space<vmem>>, vector<16xf32>,
      tpu.vector_store %arg9[%swap3A_417, %swap3A_418, %swap3A_419], %add3A_416 {strides = array<i32>} : memref<2x128x128xf32, #tpu.memory_space<vmem>>, vector<16xf32>,
      %get3A_421 = arith.constant 0 : i32
      %get3A_422 = arith.index_cast %get3A_421 : i32 to index
      %get3A_423 = arith.index_cast %scan3A_405 : i32 to index
      %get3A_424 = arith.constant 16 : index
      %get3A_425 = tpu.vector_load %arg9[%get3A_422, %get3A_423, %get3A_424] {strides = array<i32>} : memref<2x128x128xf32, #tpu.memory_space<vmem>>, vector<16xf32>,
      %get3A_426 = arith.constant 0 : i32
      %get3A_427 = arith.index_cast %get3A_426 : i32 to index
      %get3A_428 = arith.index_cast %scan3A_405 : i32 to index
      %get3A_429 = arith.constant 16 : index
      %get3A_430 = tpu.vector_load %arg10[%get3A_427, %get3A_428, %get3A_429] {strides = array<i32>} : memref<2x128x128xf32, #tpu.memory_space<vmem>>, vector<16xf32>,
      %add3A_431 = arith.addf %get3A_425, %get3A_430 : vector<16xf32>
      %swap3A_432 = arith.constant 0 : i32
      %swap3A_433 = arith.index_cast %swap3A_432 : i32 to index
      %swap3A_434 = arith.index_cast %scan3A_405 : i32 to index
      %swap3A_435 = arith.constant 16 : index
      %swap3A_436 = tpu.vector_load %arg9[%swap3A_433, %swap3A_434, %swap3A_435] {strides = array<i32>} : memref<2x128x128xf32, #tpu.memory_space<vmem>>, vector<16xf32>,
      tpu.vector_store %arg9[%swap3A_433, %swap3A_434, %swap3A_435], %add3A_431 {strides = array<i32>} : memref<2x128x128xf32, #tpu.memory_space<vmem>>, vector<16xf32>,
      %get3A_437 = arith.constant 0 : i32
      %get3A_438 = arith.index_cast %get3A_437 : i32 to index
      %get3A_439 = arith.index_cast %scan3A_405 : i32 to index
      %get3A_440 = arith.constant 32 : index
      %get3A_441 = tpu.vector_load %arg9[%get3A_438, %get3A_439, %get3A_440] {strides = array<i32>} : memref<2x128x128xf32, #tpu.memory_space<vmem>>, vector<16xf32>,
      %get3A_442 = arith.constant 0 : i32
      %get3A_443 = arith.index_cast %get3A_442 : i32 to index
      %get3A_444 = arith.index_cast %scan3A_405 : i32 to index
      %get3A_445 = arith.constant 32 : index
      %get3A_446 = tpu.vector_load %arg10[%get3A_443, %get3A_444, %get3A_445] {strides = array<i32>} : memref<2x128x128xf32, #tpu.memory_space<vmem>>, vector<16xf32>,
      %add3A_447 = arith.addf %get3A_441, %get3A_446 : vector<16xf32>
      %swap3A_448 = arith.constant 0 : i32
      %swap3A_449 = arith.index_cast %swap3A_448 : i32 to index
      %swap3A_450 = arith.index_cast %scan3A_405 : i32 to index
      %swap3A_451 = arith.constant 32 : index
      %swap3A_452 = tpu.vector_load %arg9[%swap3A_449, %swap3A_450, %swap3A_451] {strides = array<i32>} : memref<2x128x128xf32, #tpu.memory_space<vmem>>, vector<16xf32>,
      tpu.vector_store %arg9[%swap3A_449, %swap3A_450, %swap3A_451], %add3A_447 {strides = array<i32>} : memref<2x128x128xf32, #tpu.memory_space<vmem>>, vector<16xf32>,
      %get3A_453 = arith.constant 0 : i32
      %get3A_454 = arith.index_cast %get3A_453 : i32 to index
      %get3A_455 = arith.index_cast %scan3A_405 : i32 to index
      %get3A_456 = arith.constant 48 : index
      %get3A_457 = tpu.vector_load %arg9[%get3A_454, %get3A_455, %get3A_456] {strides = array<i32>} : memref<2x128x128xf32, #tpu.memory_space<vmem>>, vector<16xf32>,
      %get3A_458 = arith.constant 0 : i32
      %get3A_459 = arith.index_cast %get3A_458 : i32 to index
      %get3A_460 = arith.index_cast %scan3A_405 : i32 to index
      %get3A_461 = arith.constant 48 : index
      %get3A_462 = tpu.vector_load %arg10[%get3A_459, %get3A_460, %get3A_461] {strides = array<i32>} : memref<2x128x128xf32, #tpu.memory_space<vmem>>, vector<16xf32>,
      %add3A_463 = arith.addf %get3A_457, %get3A_462 : vector<16xf32>
      %swap3A_464 = arith.constant 0 : i32
      %swap3A_465 = arith.index_cast %swap3A_464 : i32 to index
      %swap3A_466 = arith.index_cast %scan3A_405 : i32 to index
      %swap3A_467 = arith.constant 48 : index
      %swap3A_468 = tpu.vector_load %arg9[%swap3A_465, %swap3A_466, %swap3A_467] {strides = array<i32>} : memref<2x128x128xf32, #tpu.memory_space<vmem>>, vector<16xf32>,
      tpu.vector_store %arg9[%swap3A_465, %swap3A_466, %swap3A_467], %add3A_463 {strides = array<i32>} : memref<2x128x128xf32, #tpu.memory_space<vmem>>, vector<16xf32>,
      %get3A_469 = arith.constant 0 : i32
      %get3A_470 = arith.index_cast %get3A_469 : i32 to index
      %get3A_471 = arith.index_cast %scan3A_405 : i32 to index
      %get3A_472 = arith.constant 64 : index
      %get3A_473 = tpu.vector_load %arg9[%get3A_470, %get3A_471, %get3A_472] {strides = array<i32>} : memref<2x128x128xf32, #tpu.memory_space<vmem>>, vector<16xf32>,
      %get3A_474 = arith.constant 0 : i32
      %get3A_475 = arith.index_cast %get3A_474 : i32 to index
      %get3A_476 = arith.index_cast %scan3A_405 : i32 to index
      %get3A_477 = arith.constant 64 : index
      %get3A_478 = tpu.vector_load %arg10[%get3A_475, %get3A_476, %get3A_477] {strides = array<i32>} : memref<2x128x128xf32, #tpu.memory_space<vmem>>, vector<16xf32>,
      %add3A_479 = arith.addf %get3A_473, %get3A_478 : vector<16xf32>
      %swap3A_480 = arith.constant 0 : i32
      %swap3A_481 = arith.index_cast %swap3A_480 : i32 to index
      %swap3A_482 = arith.index_cast %scan3A_405 : i32 to index
      %swap3A_483 = arith.constant 64 : index
      %swap3A_484 = tpu.vector_load %arg9[%swap3A_481, %swap3A_482, %swap3A_483] {strides = array<i32>} : memref<2x128x128xf32, #tpu.memory_space<vmem>>, vector<16xf32>,
      tpu.vector_store %arg9[%swap3A_481, %swap3A_482, %swap3A_483], %add3A_479 {strides = array<i32>} : memref<2x128x128xf32, #tpu.memory_space<vmem>>, vector<16xf32>,
      %get3A_485 = arith.constant 0 : i32
      %get3A_486 = arith.index_cast %get3A_485 : i32 to index
      %get3A_487 = arith.index_cast %scan3A_405 : i32 to index
      %get3A_488 = arith.constant 80 : index
      %get3A_489 = tpu.vector_load %arg9[%get3A_486, %get3A_487, %get3A_488] {strides = array<i32>} : memref<2x128x128xf32, #tpu.memory_space<vmem>>, vector<16xf32>,
      %get3A_490 = arith.constant 0 : i32
      %get3A_491 = arith.index_cast %get3A_490 : i32 to index
      %get3A_492 = arith.index_cast %scan3A_405 : i32 to index
      %get3A_493 = arith.constant 80 : index
      %get3A_494 = tpu.vector_load %arg10[%get3A_491, %get3A_492, %get3A_493] {strides = array<i32>} : memref<2x128x128xf32, #tpu.memory_space<vmem>>, vector<16xf32>,
      %add3A_495 = arith.addf %get3A_489, %get3A_494 : vector<16xf32>
      %swap3A_496 = arith.constant 0 : i32
      %swap3A_497 = arith.index_cast %swap3A_496 : i32 to index
      %swap3A_498 = arith.index_cast %scan3A_405 : i32 to index
      %swap3A_499 = arith.constant 80 : index
      %swap3A_500 = tpu.vector_load %arg9[%swap3A_497, %swap3A_498, %swap3A_499] {strides = array<i32>} : memref<2x128x128xf32, #tpu.memory_space<vmem>>, vector<16xf32>,
      tpu.vector_store %arg9[%swap3A_497, %swap3A_498, %swap3A_499], %add3A_495 {strides = array<i32>} : memref<2x128x128xf32, #tpu.memory_space<vmem>>, vector<16xf32>,
      %get3A_501 = arith.constant 0 : i32
      %get3A_502 = arith.index_cast %get3A_501 : i32 to index
      %get3A_503 = arith.index_cast %scan3A_405 : i32 to index
      %get3A_504 = arith.constant 96 : index
      %get3A_505 = tpu.vector_load %arg9[%get3A_502, %get3A_503, %get3A_504] {strides = array<i32>} : memref<2x128x128xf32, #tpu.memory_space<vmem>>, vector<16xf32>,
      %get3A_506 = arith.constant 0 : i32
      %get3A_507 = arith.index_cast %get3A_506 : i32 to index
      %get3A_508 = arith.index_cast %scan3A_405 : i32 to index
      %get3A_509 = arith.constant 96 : index
      %get3A_510 = tpu.vector_load %arg10[%get3A_507, %get3A_508, %get3A_509] {strides = array<i32>} : memref<2x128x128xf32, #tpu.memory_space<vmem>>, vector<16xf32>,
      %add3A_511 = arith.addf %get3A_505, %get3A_510 : vector<16xf32>
      %swap3A_512 = arith.constant 0 : i32
      %swap3A_513 = arith.index_cast %swap3A_512 : i32 to index
      %swap3A_514 = arith.index_cast %scan3A_405 : i32 to index
      %swap3A_515 = arith.constant 96 : index
      %swap3A_516 = tpu.vector_load %arg9[%swap3A_513, %swap3A_514, %swap3A_515] {strides = array<i32>} : memref<2x128x128xf32, #tpu.memory_space<vmem>>, vector<16xf32>,
      tpu.vector_store %arg9[%swap3A_513, %swap3A_514, %swap3A_515], %add3A_511 {strides = array<i32>} : memref<2x128x128xf32, #tpu.memory_space<vmem>>, vector<16xf32>,
      %get3A_517 = arith.constant 0 : i32
      %get3A_518 = arith.index_cast %get3A_517 : i32 to index
      %get3A_519 = arith.index_cast %scan3A_405 : i32 to index
      %get3A_520 = arith.constant 112 : index
      %get3A_521 = tpu.vector_load %arg9[%get3A_518, %get3A_519, %get3A_520] {strides = array<i32>} : memref<2x128x128xf32, #tpu.memory_space<vmem>>, vector<16xf32>,
      %get3A_522 = arith.constant 0 : i32
      %get3A_523 = arith.index_cast %get3A_522 : i32 to index
      %get3A_524 = arith.index_cast %scan3A_405 : i32 to index
      %get3A_525 = arith.constant 112 : index
      %get3A_526 = tpu.vector_load %arg10[%get3A_523, %get3A_524, %get3A_525] {strides = array<i32>} : memref<2x128x128xf32, #tpu.memory_space<vmem>>, vector<16xf32>,
      %add3A_527 = arith.addf %get3A_521, %get3A_526 : vector<16xf32>
      %swap3A_528 = arith.constant 0 : i32
      %swap3A_529 = arith.index_cast %swap3A_528 : i32 to index
      %swap3A_530 = arith.index_cast %scan3A_405 : i32 to index
      %swap3A_531 = arith.constant 112 : index
      %swap3A_532 = tpu.vector_load %arg9[%swap3A_529, %swap3A_530, %swap3A_531] {strides = array<i32>} : memref<2x128x128xf32, #tpu.memory_space<vmem>>, vector<16xf32>,
      tpu.vector_store %arg9[%swap3A_529, %swap3A_530, %swap3A_531], %add3A_527 {strides = array<i32>} : memref<2x128x128xf32, #tpu.memory_space<vmem>>, vector<16xf32>,
      %scan3A_533 = arith.constant 0 : i32
      scf.yield %scan3A_533 : i32
    }
    %scan3A_94 = arith.constant 128 : i32
    %run_scoped3A = arith.constant 0 : i32
    "tpu.region"() ({
      %run_scoped3A_405 = tpu.sem_alloc : memref<!tpu.dma_semaphore, #tpu.memory_space<semaphore_mem>>
      %dma_start3A_406 = arith.constant 0 : i32
      %dma_start3A_407 = arith.constant 0 : i32
      %dma_start3A_408 = tpu.memref_slice %arg9[%run_scoped3A, %dma_start3A_406, %dma_start3A_407] : memref<2x128x128xf32, #tpu.memory_space<vmem>> -> memref<1x128x128xf32, #tpu.memory_space<vmem>>
      %dma_start3A_409 = tpu.memref_squeeze %dma_start3A_408 : memref<1x128x128xf32, #tpu.memory_space<vmem>> -> memref<128x128xf32, #tpu.memory_space<vmem>>
      %dma_start3A_410 = arith.constant 0 : i32
      %dma_start3A_411 = arith.constant 0 : i32
      %dma_start3A_412 = tpu.memref_slice %arg6[%add3A, %dma_start3A_410, %dma_start3A_411] : memref<32x768x128xf32, #tpu.memory_space<hbm>> -> memref<1x128x128xf32, #tpu.memory_space<hbm>>
      %dma_start3A_413 = tpu.memref_squeeze %dma_start3A_412 : memref<1x128x128xf32, #tpu.memory_space<hbm>> -> memref<128x128xf32, #tpu.memory_space<hbm>>
      %dma_start3A_414 = arith.constant 0 : i32
      %dma_start3A_415 = arith.constant 0 : i32
      %dma_start3A_416 = tpu.memref_slice %arg6[%add3A, %dma_start3A_414, %dma_start3A_415] : memref<32x768x128xf32, #tpu.memory_space<hbm>> -> memref<1x128x128xf32, #tpu.memory_space<hbm>>
      %dma_start3A_417 = tpu.memref_squeeze %dma_start3A_416 : memref<1x128x128xf32, #tpu.memory_space<hbm>> -> memref<128x128xf32, #tpu.memory_space<hbm>>
      %dma_start3A_418 = arith.constant 0 : i32
      %dma_start3A_419 = arith.constant 0 : i32
      %dma_start3A_420 = tpu.memref_slice %arg9[%run_scoped3A, %dma_start3A_418, %dma_start3A_419] : memref<2x128x128xf32, #tpu.memory_space<vmem>> -> memref<1x128x128xf32, #tpu.memory_space<vmem>>
      %dma_start3A_421 = tpu.memref_squeeze %dma_start3A_420 : memref<1x128x128xf32, #tpu.memory_space<vmem>> -> memref<128x128xf32, #tpu.memory_space<vmem>>
      tpu.enqueue_dma source(%dma_start3A_421 : memref<128x128xf32, #tpu.memory_space<vmem>>) target(%dma_start3A_417 : memref<128x128xf32, #tpu.memory_space<hbm>>) target_semaphore(%run_scoped3A_405 : memref<!tpu.dma_semaphore, #tpu.memory_space<semaphore_mem>>)
      %dma_wait3A_422 = arith.constant 0 : i32
      %dma_wait3A_423 = arith.constant 0 : i32
      %dma_wait3A_424 = tpu.memref_slice %arg9[%run_scoped3A, %dma_wait3A_422, %dma_wait3A_423] : memref<2x128x128xf32, #tpu.memory_space<vmem>> -> memref<1x128x128xf32, #tpu.memory_space<vmem>>
      %dma_wait3A_425 = tpu.memref_squeeze %dma_wait3A_424 : memref<1x128x128xf32, #tpu.memory_space<vmem>> -> memref<128x128xf32, #tpu.memory_space<vmem>>
      %dma_wait3A_426 = arith.constant 0 : i32
      %dma_wait3A_427 = arith.constant 0 : i32
      %dma_wait3A_428 = tpu.memref_slice %arg6[%add3A, %dma_wait3A_426, %dma_wait3A_427] : memref<32x768x128xf32, #tpu.memory_space<hbm>> -> memref<1x128x128xf32, #tpu.memory_space<hbm>>
      %dma_wait3A_429 = tpu.memref_squeeze %dma_wait3A_428 : memref<1x128x128xf32, #tpu.memory_space<hbm>> -> memref<128x128xf32, #tpu.memory_space<hbm>>
      %dma_wait3A_430 = arith.constant 0 : i32
      %dma_wait3A_431 = arith.constant 0 : i32
      %dma_wait3A_432 = tpu.memref_slice %arg6[%add3A, %dma_wait3A_430, %dma_wait3A_431] : memref<32x768x128xf32, #tpu.memory_space<hbm>> -> memref<1x128x128xf32, #tpu.memory_space<hbm>>
      %dma_wait3A_433 = tpu.memref_squeeze %dma_wait3A_432 : memref<1x128x128xf32, #tpu.memory_space<hbm>> -> memref<128x128xf32, #tpu.memory_space<hbm>>
      %dma_wait3A_434 = arith.constant 0 : i32
      %dma_wait3A_435 = arith.constant 0 : i32
      %dma_wait3A_436 = tpu.memref_slice %arg9[%run_scoped3A, %dma_wait3A_434, %dma_wait3A_435] : memref<2x128x128xf32, #tpu.memory_space<vmem>> -> memref<1x128x128xf32, #tpu.memory_space<vmem>>
      %dma_wait3A_437 = tpu.memref_squeeze %dma_wait3A_436 : memref<1x128x128xf32, #tpu.memory_space<vmem>> -> memref<128x128xf32, #tpu.memory_space<vmem>>
      tpu.wait_dma2 semaphore(%run_scoped3A_405 : memref<!tpu.dma_semaphore, #tpu.memory_space<semaphore_mem>>) src(%dma_wait3A_437 : memref<128x128xf32, #tpu.memory_space<vmem>>) dst(%dma_wait3A_433 : memref<128x128xf32, #tpu.memory_space<hbm>>)
      tpu.yield
    }) : () -> ()
    %dma_start3A_95 = arith.constant 2 : i32
    %dma_start3A_96 = arith.constant 0 : i32
    %dma_start3A_97 = arith.constant 0 : i32
    %dma_start3A_98 = arith.constant 0 : i32
    %dma_start3A_99 = arith.constant 0 : i32
    %dma_start3A_100 = tpu.memref_slice %arg9[%dma_start3A_96, %dma_start3A_98, %dma_start3A_99] : memref<2x128x128xf32, #tpu.memory_space<vmem>> -> memref<1x128x128xf32, #tpu.memory_space<vmem>>
    %dma_start3A_101 = tpu.memref_squeeze %dma_start3A_100 : memref<1x128x128xf32, #tpu.memory_space<vmem>> -> memref<128x128xf32, #tpu.memory_space<vmem>>
    %dma_start3A_102 = arith.constant 0 : i32
    %dma_start3A_103 = tpu.memref_slice %arg7[%dma_start3A_95, %dma_start3A_102] : memref<6x128xi32, #tpu.memory_space<vmem>> -> memref<1x128xi32, #tpu.memory_space<vmem>>
    %dma_start3A_104 = tpu.memref_squeeze %dma_start3A_103 : memref<1x128xi32, #tpu.memory_space<vmem>> -> memref<128xi32, #tpu.memory_space<vmem>>
    %dma_start3A_105 = arith.constant 0 : i32
    %dma_start3A_106 = arith.constant 0 : i32
    %dma_start3A_107 = tpu.memref_slice %arg2[%dma_start3A_105, %dma_start3A_106] : memref<5099x128xf32, #tpu.memory_space<hbm>> -> memref<5099x128xf32, #tpu.memory_space<hbm>>
    %dma_start3A_108 = tpu.memref_slice %arg11[%dma_start3A_97] : memref<2x!tpu.dma_semaphore, #tpu.memory_space<semaphore_mem>> -> memref<1x!tpu.dma_semaphore, #tpu.memory_space<semaphore_mem>>
    %dma_start3A_109 = tpu.memref_squeeze %dma_start3A_108 : memref<1x!tpu.dma_semaphore, #tpu.memory_space<semaphore_mem>> -> memref<!tpu.dma_semaphore, #tpu.memory_space<semaphore_mem>>
    tpu.enqueue_indirect_dma source(%dma_start3A_107 : memref<5099x128xf32, #tpu.memory_space<hbm>>) target(%dma_start3A_101 : memref<128x128xf32, #tpu.memory_space<vmem>>) offsets(%dma_start3A_104 : memref<128xi32, #tpu.memory_space<vmem>>) semaphore(%dma_start3A_109 : memref<!tpu.dma_semaphore, #tpu.memory_space<semaphore_mem>>)
    %dma_start3A_110 = arith.constant 2 : i32
    %dma_start3A_111 = arith.constant 0 : i32
    %dma_start3A_112 = arith.constant 0 : i32
    %dma_start3A_113 = arith.constant 0 : i32
    %dma_start3A_114 = arith.constant 0 : i32
    %dma_start3A_115 = tpu.memref_slice %arg10[%dma_start3A_111, %dma_start3A_113, %dma_start3A_114] : memref<2x128x128xf32, #tpu.memory_space<vmem>> -> memref<1x128x128xf32, #tpu.memory_space<vmem>>
    %dma_start3A_116 = tpu.memref_squeeze %dma_start3A_115 : memref<1x128x128xf32, #tpu.memory_space<vmem>> -> memref<128x128xf32, #tpu.memory_space<vmem>>
    %dma_start3A_117 = arith.constant 0 : i32
    %dma_start3A_118 = tpu.memref_slice %arg8[%dma_start3A_110, %dma_start3A_117] : memref<6x128xi32, #tpu.memory_space<vmem>> -> memref<1x128xi32, #tpu.memory_space<vmem>>
    %dma_start3A_119 = tpu.memref_squeeze %dma_start3A_118 : memref<1x128xi32, #tpu.memory_space<vmem>> -> memref<128xi32, #tpu.memory_space<vmem>>
    %dma_start3A_120 = arith.constant 0 : i32
    %dma_start3A_121 = arith.constant 0 : i32
    %dma_start3A_122 = tpu.memref_slice %arg3[%dma_start3A_120, %dma_start3A_121] : memref<400x128xf32, #tpu.memory_space<hbm>> -> memref<400x128xf32, #tpu.memory_space<hbm>>
    %dma_start3A_123 = tpu.memref_slice %arg12[%dma_start3A_112] : memref<2x!tpu.dma_semaphore, #tpu.memory_space<semaphore_mem>> -> memref<1x!tpu.dma_semaphore, #tpu.memory_space<semaphore_mem>>
    %dma_start3A_124 = tpu.memref_squeeze %dma_start3A_123 : memref<1x!tpu.dma_semaphore, #tpu.memory_space<semaphore_mem>> -> memref<!tpu.dma_semaphore, #tpu.memory_space<semaphore_mem>>
    tpu.enqueue_indirect_dma source(%dma_start3A_122 : memref<400x128xf32, #tpu.memory_space<hbm>>) target(%dma_start3A_116 : memref<128x128xf32, #tpu.memory_space<vmem>>) offsets(%dma_start3A_119 : memref<128xi32, #tpu.memory_space<vmem>>) semaphore(%dma_start3A_124 : memref<!tpu.dma_semaphore, #tpu.memory_space<semaphore_mem>>)
    %dma_wait3A_125 = arith.constant 1 : i32
    %dma_wait3A_126 = arith.constant 1 : i32
    %dma_wait3A_127 = arith.constant 1 : i32
    %dma_wait3A_128 = arith.constant 0 : i32
    %dma_wait3A_129 = arith.constant 0 : i32
    %dma_wait3A_130 = tpu.memref_slice %arg9[%dma_wait3A_126, %dma_wait3A_128, %dma_wait3A_129] : memref<2x128x128xf32, #tpu.memory_space<vmem>> -> memref<1x128x128xf32, #tpu.memory_space<vmem>>
    %dma_wait3A_131 = tpu.memref_squeeze %dma_wait3A_130 : memref<1x128x128xf32, #tpu.memory_space<vmem>> -> memref<128x128xf32, #tpu.memory_space<vmem>>
    %dma_wait3A_132 = arith.constant 0 : i32
    %dma_wait3A_133 = tpu.memref_slice %arg7[%dma_wait3A_125, %dma_wait3A_132] : memref<6x128xi32, #tpu.memory_space<vmem>> -> memref<1x128xi32, #tpu.memory_space<vmem>>
    %dma_wait3A_134 = tpu.memref_squeeze %dma_wait3A_133 : memref<1x128xi32, #tpu.memory_space<vmem>> -> memref<128xi32, #tpu.memory_space<vmem>>
    %dma_wait3A_135 = arith.constant 0 : i32
    %dma_wait3A_136 = arith.constant 0 : i32
    %dma_wait3A_137 = tpu.memref_slice %arg2[%dma_wait3A_135, %dma_wait3A_136] : memref<5099x128xf32, #tpu.memory_space<hbm>> -> memref<5099x128xf32, #tpu.memory_space<hbm>>
    %dma_wait3A_138 = tpu.memref_slice %arg11[%dma_wait3A_127] : memref<2x!tpu.dma_semaphore, #tpu.memory_space<semaphore_mem>> -> memref<1x!tpu.dma_semaphore, #tpu.memory_space<semaphore_mem>>
    %dma_wait3A_139 = tpu.memref_squeeze %dma_wait3A_138 : memref<1x!tpu.dma_semaphore, #tpu.memory_space<semaphore_mem>> -> memref<!tpu.dma_semaphore, #tpu.memory_space<semaphore_mem>>
    tpu.wait_indirect_dma semaphore(%dma_wait3A_139 : memref<!tpu.dma_semaphore, #tpu.memory_space<semaphore_mem>>) src(%dma_wait3A_137 : memref<5099x128xf32, #tpu.memory_space<hbm>>) dst(%dma_wait3A_131 : memref<128x128xf32, #tpu.memory_space<vmem>>)
    %dma_wait3A_140 = arith.constant 1 : i32
    %dma_wait3A_141 = arith.constant 1 : i32
    %dma_wait3A_142 = arith.constant 1 : i32
    %dma_wait3A_143 = arith.constant 0 : i32
    %dma_wait3A_144 = arith.constant 0 : i32
    %dma_wait3A_145 = tpu.memref_slice %arg10[%dma_wait3A_141, %dma_wait3A_143, %dma_wait3A_144] : memref<2x128x128xf32, #tpu.memory_space<vmem>> -> memref<1x128x128xf32, #tpu.memory_space<vmem>>
    %dma_wait3A_146 = tpu.memref_squeeze %dma_wait3A_145 : memref<1x128x128xf32, #tpu.memory_space<vmem>> -> memref<128x128xf32, #tpu.memory_space<vmem>>
    %dma_wait3A_147 = arith.constant 0 : i32
    %dma_wait3A_148 = tpu.memref_slice %arg8[%dma_wait3A_140, %dma_wait3A_147] : memref<6x128xi32, #tpu.memory_space<vmem>> -> memref<1x128xi32, #tpu.memory_space<vmem>>
    %dma_wait3A_149 = tpu.memref_squeeze %dma_wait3A_148 : memref<1x128xi32, #tpu.memory_space<vmem>> -> memref<128xi32, #tpu.memory_space<vmem>>
    %dma_wait3A_150 = arith.constant 0 : i32
    %dma_wait3A_151 = arith.constant 0 : i32
    %dma_wait3A_152 = tpu.memref_slice %arg3[%dma_wait3A_150, %dma_wait3A_151] : memref<400x128xf32, #tpu.memory_space<hbm>> -> memref<400x128xf32, #tpu.memory_space<hbm>>
    %dma_wait3A_153 = tpu.memref_slice %arg12[%dma_wait3A_142] : memref<2x!tpu.dma_semaphore, #tpu.memory_space<semaphore_mem>> -> memref<1x!tpu.dma_semaphore, #tpu.memory_space<semaphore_mem>>
    %dma_wait3A_154 = tpu.memref_squeeze %dma_wait3A_153 : memref<1x!tpu.dma_semaphore, #tpu.memory_space<semaphore_mem>> -> memref<!tpu.dma_semaphore, #tpu.memory_space<semaphore_mem>>
    tpu.wait_indirect_dma semaphore(%dma_wait3A_154 : memref<!tpu.dma_semaphore, #tpu.memory_space<semaphore_mem>>) src(%dma_wait3A_152 : memref<400x128xf32, #tpu.memory_space<hbm>>) dst(%dma_wait3A_146 : memref<128x128xf32, #tpu.memory_space<vmem>>)
    %scan3A_155 = arith.constant 0 : i32
    %scan3A_156 = arith.constant 0 : i32
    %scan3A_157 = arith.constant 128 : i32
    %scan3A_158 = arith.addi %scan3A_156, %scan3A_157 : i32
    %scan3A_159 = arith.constant 1 : i32
    %scan3A_160 = scf.for %scan3A_405 = %scan3A_156 to %scan3A_158 step %scan3A_159 iter_args(%scan3A_406 = %scan3A_155) -> (i32)  : i32 {
      %get3A = arith.constant 1 : i32
      %get3A_407 = arith.index_cast %get3A : i32 to index
      %get3A_408 = arith.index_cast %scan3A_405 : i32 to index
      %get3A_409 = arith.constant 0 : index
      %get3A_410 = tpu.vector_load %arg9[%get3A_407, %get3A_408, %get3A_409] {strides = array<i32>} : memref<2x128x128xf32, #tpu.memory_space<vmem>>, vector<16xf32>,
      %get3A_411 = arith.constant 1 : i32
      %get3A_412 = arith.index_cast %get3A_411 : i32 to index
      %get3A_413 = arith.index_cast %scan3A_405 : i32 to index
      %get3A_414 = arith.constant 0 : index
      %get3A_415 = tpu.vector_load %arg10[%get3A_412, %get3A_413, %get3A_414] {strides = array<i32>} : memref<2x128x128xf32, #tpu.memory_space<vmem>>, vector<16xf32>,
      %add3A_416 = arith.addf %get3A_410, %get3A_415 : vector<16xf32>
      %swap3A = arith.constant 1 : i32
      %swap3A_417 = arith.index_cast %swap3A : i32 to index
      %swap3A_418 = arith.index_cast %scan3A_405 : i32 to index
      %swap3A_419 = arith.constant 0 : index
      %swap3A_420 = tpu.vector_load %arg9[%swap3A_417, %swap3A_418, %swap3A_419] {strides = array<i32>} : memref<2x128x128xf32, #tpu.memory_space<vmem>>, vector<16xf32>,
      tpu.vector_store %arg9[%swap3A_417, %swap3A_418, %swap3A_419], %add3A_416 {strides = array<i32>} : memref<2x128x128xf32, #tpu.memory_space<vmem>>, vector<16xf32>,
      %get3A_421 = arith.constant 1 : i32
      %get3A_422 = arith.index_cast %get3A_421 : i32 to index
      %get3A_423 = arith.index_cast %scan3A_405 : i32 to index
      %get3A_424 = arith.constant 16 : index
      %get3A_425 = tpu.vector_load %arg9[%get3A_422, %get3A_423, %get3A_424] {strides = array<i32>} : memref<2x128x128xf32, #tpu.memory_space<vmem>>, vector<16xf32>,
      %get3A_426 = arith.constant 1 : i32
      %get3A_427 = arith.index_cast %get3A_426 : i32 to index
      %get3A_428 = arith.index_cast %scan3A_405 : i32 to index
      %get3A_429 = arith.constant 16 : index
      %get3A_430 = tpu.vector_load %arg10[%get3A_427, %get3A_428, %get3A_429] {strides = array<i32>} : memref<2x128x128xf32, #tpu.memory_space<vmem>>, vector<16xf32>,
      %add3A_431 = arith.addf %get3A_425, %get3A_430 : vector<16xf32>
      %swap3A_432 = arith.constant 1 : i32
      %swap3A_433 = arith.index_cast %swap3A_432 : i32 to index
      %swap3A_434 = arith.index_cast %scan3A_405 : i32 to index
      %swap3A_435 = arith.constant 16 : index
      %swap3A_436 = tpu.vector_load %arg9[%swap3A_433, %swap3A_434, %swap3A_435] {strides = array<i32>} : memref<2x128x128xf32, #tpu.memory_space<vmem>>, vector<16xf32>,
      tpu.vector_store %arg9[%swap3A_433, %swap3A_434, %swap3A_435], %add3A_431 {strides = array<i32>} : memref<2x128x128xf32, #tpu.memory_space<vmem>>, vector<16xf32>,
      %get3A_437 = arith.constant 1 : i32
      %get3A_438 = arith.index_cast %get3A_437 : i32 to index
      %get3A_439 = arith.index_cast %scan3A_405 : i32 to index
      %get3A_440 = arith.constant 32 : index
      %get3A_441 = tpu.vector_load %arg9[%get3A_438, %get3A_439, %get3A_440] {strides = array<i32>} : memref<2x128x128xf32, #tpu.memory_space<vmem>>, vector<16xf32>,
      %get3A_442 = arith.constant 1 : i32
      %get3A_443 = arith.index_cast %get3A_442 : i32 to index
      %get3A_444 = arith.index_cast %scan3A_405 : i32 to index
      %get3A_445 = arith.constant 32 : index
      %get3A_446 = tpu.vector_load %arg10[%get3A_443, %get3A_444, %get3A_445] {strides = array<i32>} : memref<2x128x128xf32, #tpu.memory_space<vmem>>, vector<16xf32>,
      %add3A_447 = arith.addf %get3A_441, %get3A_446 : vector<16xf32>
      %swap3A_448 = arith.constant 1 : i32
      %swap3A_449 = arith.index_cast %swap3A_448 : i32 to index
      %swap3A_450 = arith.index_cast %scan3A_405 : i32 to index
      %swap3A_451 = arith.constant 32 : index
      %swap3A_452 = tpu.vector_load %arg9[%swap3A_449, %swap3A_450, %swap3A_451] {strides = array<i32>} : memref<2x128x128xf32, #tpu.memory_space<vmem>>, vector<16xf32>,
      tpu.vector_store %arg9[%swap3A_449, %swap3A_450, %swap3A_451], %add3A_447 {strides = array<i32>} : memref<2x128x128xf32, #tpu.memory_space<vmem>>, vector<16xf32>,
      %get3A_453 = arith.constant 1 : i32
      %get3A_454 = arith.index_cast %get3A_453 : i32 to index
      %get3A_455 = arith.index_cast %scan3A_405 : i32 to index
      %get3A_456 = arith.constant 48 : index
      %get3A_457 = tpu.vector_load %arg9[%get3A_454, %get3A_455, %get3A_456] {strides = array<i32>} : memref<2x128x128xf32, #tpu.memory_space<vmem>>, vector<16xf32>,
      %get3A_458 = arith.constant 1 : i32
      %get3A_459 = arith.index_cast %get3A_458 : i32 to index
      %get3A_460 = arith.index_cast %scan3A_405 : i32 to index
      %get3A_461 = arith.constant 48 : index
      %get3A_462 = tpu.vector_load %arg10[%get3A_459, %get3A_460, %get3A_461] {strides = array<i32>} : memref<2x128x128xf32, #tpu.memory_space<vmem>>, vector<16xf32>,
      %add3A_463 = arith.addf %get3A_457, %get3A_462 : vector<16xf32>
      %swap3A_464 = arith.constant 1 : i32
      %swap3A_465 = arith.index_cast %swap3A_464 : i32 to index
      %swap3A_466 = arith.index_cast %scan3A_405 : i32 to index
      %swap3A_467 = arith.constant 48 : index
      %swap3A_468 = tpu.vector_load %arg9[%swap3A_465, %swap3A_466, %swap3A_467] {strides = array<i32>} : memref<2x128x128xf32, #tpu.memory_space<vmem>>, vector<16xf32>,
      tpu.vector_store %arg9[%swap3A_465, %swap3A_466, %swap3A_467], %add3A_463 {strides = array<i32>} : memref<2x128x128xf32, #tpu.memory_space<vmem>>, vector<16xf32>,
      %get3A_469 = arith.constant 1 : i32
      %get3A_470 = arith.index_cast %get3A_469 : i32 to index
      %get3A_471 = arith.index_cast %scan3A_405 : i32 to index
      %get3A_472 = arith.constant 64 : index
      %get3A_473 = tpu.vector_load %arg9[%get3A_470, %get3A_471, %get3A_472] {strides = array<i32>} : memref<2x128x128xf32, #tpu.memory_space<vmem>>, vector<16xf32>,
      %get3A_474 = arith.constant 1 : i32
      %get3A_475 = arith.index_cast %get3A_474 : i32 to index
      %get3A_476 = arith.index_cast %scan3A_405 : i32 to index
      %get3A_477 = arith.constant 64 : index
      %get3A_478 = tpu.vector_load %arg10[%get3A_475, %get3A_476, %get3A_477] {strides = array<i32>} : memref<2x128x128xf32, #tpu.memory_space<vmem>>, vector<16xf32>,
      %add3A_479 = arith.addf %get3A_473, %get3A_478 : vector<16xf32>
      %swap3A_480 = arith.constant 1 : i32
      %swap3A_481 = arith.index_cast %swap3A_480 : i32 to index
      %swap3A_482 = arith.index_cast %scan3A_405 : i32 to index
      %swap3A_483 = arith.constant 64 : index
      %swap3A_484 = tpu.vector_load %arg9[%swap3A_481, %swap3A_482, %swap3A_483] {strides = array<i32>} : memref<2x128x128xf32, #tpu.memory_space<vmem>>, vector<16xf32>,
      tpu.vector_store %arg9[%swap3A_481, %swap3A_482, %swap3A_483], %add3A_479 {strides = array<i32>} : memref<2x128x128xf32, #tpu.memory_space<vmem>>, vector<16xf32>,
      %get3A_485 = arith.constant 1 : i32
      %get3A_486 = arith.index_cast %get3A_485 : i32 to index
      %get3A_487 = arith.index_cast %scan3A_405 : i32 to index
      %get3A_488 = arith.constant 80 : index
      %get3A_489 = tpu.vector_load %arg9[%get3A_486, %get3A_487, %get3A_488] {strides = array<i32>} : memref<2x128x128xf32, #tpu.memory_space<vmem>>, vector<16xf32>,
      %get3A_490 = arith.constant 1 : i32
      %get3A_491 = arith.index_cast %get3A_490 : i32 to index
      %get3A_492 = arith.index_cast %scan3A_405 : i32 to index
      %get3A_493 = arith.constant 80 : index
      %get3A_494 = tpu.vector_load %arg10[%get3A_491, %get3A_492, %get3A_493] {strides = array<i32>} : memref<2x128x128xf32, #tpu.memory_space<vmem>>, vector<16xf32>,
      %add3A_495 = arith.addf %get3A_489, %get3A_494 : vector<16xf32>
      %swap3A_496 = arith.constant 1 : i32
      %swap3A_497 = arith.index_cast %swap3A_496 : i32 to index
      %swap3A_498 = arith.index_cast %scan3A_405 : i32 to index
      %swap3A_499 = arith.constant 80 : index
      %swap3A_500 = tpu.vector_load %arg9[%swap3A_497, %swap3A_498, %swap3A_499] {strides = array<i32>} : memref<2x128x128xf32, #tpu.memory_space<vmem>>, vector<16xf32>,
      tpu.vector_store %arg9[%swap3A_497, %swap3A_498, %swap3A_499], %add3A_495 {strides = array<i32>} : memref<2x128x128xf32, #tpu.memory_space<vmem>>, vector<16xf32>,
      %get3A_501 = arith.constant 1 : i32
      %get3A_502 = arith.index_cast %get3A_501 : i32 to index
      %get3A_503 = arith.index_cast %scan3A_405 : i32 to index
      %get3A_504 = arith.constant 96 : index
      %get3A_505 = tpu.vector_load %arg9[%get3A_502, %get3A_503, %get3A_504] {strides = array<i32>} : memref<2x128x128xf32, #tpu.memory_space<vmem>>, vector<16xf32>,
      %get3A_506 = arith.constant 1 : i32
      %get3A_507 = arith.index_cast %get3A_506 : i32 to index
      %get3A_508 = arith.index_cast %scan3A_405 : i32 to index
      %get3A_509 = arith.constant 96 : index
      %get3A_510 = tpu.vector_load %arg10[%get3A_507, %get3A_508, %get3A_509] {strides = array<i32>} : memref<2x128x128xf32, #tpu.memory_space<vmem>>, vector<16xf32>,
      %add3A_511 = arith.addf %get3A_505, %get3A_510 : vector<16xf32>
      %swap3A_512 = arith.constant 1 : i32
      %swap3A_513 = arith.index_cast %swap3A_512 : i32 to index
      %swap3A_514 = arith.index_cast %scan3A_405 : i32 to index
      %swap3A_515 = arith.constant 96 : index
      %swap3A_516 = tpu.vector_load %arg9[%swap3A_513, %swap3A_514, %swap3A_515] {strides = array<i32>} : memref<2x128x128xf32, #tpu.memory_space<vmem>>, vector<16xf32>,
      tpu.vector_store %arg9[%swap3A_513, %swap3A_514, %swap3A_515], %add3A_511 {strides = array<i32>} : memref<2x128x128xf32, #tpu.memory_space<vmem>>, vector<16xf32>,
      %get3A_517 = arith.constant 1 : i32
      %get3A_518 = arith.index_cast %get3A_517 : i32 to index
      %get3A_519 = arith.index_cast %scan3A_405 : i32 to index
      %get3A_520 = arith.constant 112 : index
      %get3A_521 = tpu.vector_load %arg9[%get3A_518, %get3A_519, %get3A_520] {strides = array<i32>} : memref<2x128x128xf32, #tpu.memory_space<vmem>>, vector<16xf32>,
      %get3A_522 = arith.constant 1 : i32
      %get3A_523 = arith.index_cast %get3A_522 : i32 to index
      %get3A_524 = arith.index_cast %scan3A_405 : i32 to index
      %get3A_525 = arith.constant 112 : index
      %get3A_526 = tpu.vector_load %arg10[%get3A_523, %get3A_524, %get3A_525] {strides = array<i32>} : memref<2x128x128xf32, #tpu.memory_space<vmem>>, vector<16xf32>,
      %add3A_527 = arith.addf %get3A_521, %get3A_526 : vector<16xf32>
      %swap3A_528 = arith.constant 1 : i32
      %swap3A_529 = arith.index_cast %swap3A_528 : i32 to index
      %swap3A_530 = arith.index_cast %scan3A_405 : i32 to index
      %swap3A_531 = arith.constant 112 : index
      %swap3A_532 = tpu.vector_load %arg9[%swap3A_529, %swap3A_530, %swap3A_531] {strides = array<i32>} : memref<2x128x128xf32, #tpu.memory_space<vmem>>, vector<16xf32>,
      tpu.vector_store %arg9[%swap3A_529, %swap3A_530, %swap3A_531], %add3A_527 {strides = array<i32>} : memref<2x128x128xf32, #tpu.memory_space<vmem>>, vector<16xf32>,
      %scan3A_533 = arith.constant 0 : i32
      scf.yield %scan3A_533 : i32
    }
    %scan3A_161 = arith.constant 128 : i32
    %run_scoped3A_162 = arith.constant 1 : i32
    "tpu.region"() ({
      %run_scoped3A_405 = tpu.sem_alloc : memref<!tpu.dma_semaphore, #tpu.memory_space<semaphore_mem>>
      %dma_start3A_406 = arith.constant 0 : i32
      %dma_start3A_407 = arith.constant 0 : i32
      %dma_start3A_408 = tpu.memref_slice %arg9[%run_scoped3A_162, %dma_start3A_406, %dma_start3A_407] : memref<2x128x128xf32, #tpu.memory_space<vmem>> -> memref<1x128x128xf32, #tpu.memory_space<vmem>>
      %dma_start3A_409 = tpu.memref_squeeze %dma_start3A_408 : memref<1x128x128xf32, #tpu.memory_space<vmem>> -> memref<128x128xf32, #tpu.memory_space<vmem>>
      %dma_start3A_410 = arith.constant 128 : i32
      %dma_start3A_411 = arith.constant 0 : i32
      %dma_start3A_412 = tpu.memref_slice %arg6[%add3A, %dma_start3A_410, %dma_start3A_411] : memref<32x768x128xf32, #tpu.memory_space<hbm>> -> memref<1x128x128xf32, #tpu.memory_space<hbm>>
      %dma_start3A_413 = tpu.memref_squeeze %dma_start3A_412 : memref<1x128x128xf32, #tpu.memory_space<hbm>> -> memref<128x128xf32, #tpu.memory_space<hbm>>
      %dma_start3A_414 = arith.constant 128 : i32
      %dma_start3A_415 = arith.constant 0 : i32
      %dma_start3A_416 = tpu.memref_slice %arg6[%add3A, %dma_start3A_414, %dma_start3A_415] : memref<32x768x128xf32, #tpu.memory_space<hbm>> -> memref<1x128x128xf32, #tpu.memory_space<hbm>>
      %dma_start3A_417 = tpu.memref_squeeze %dma_start3A_416 : memref<1x128x128xf32, #tpu.memory_space<hbm>> -> memref<128x128xf32, #tpu.memory_space<hbm>>
      %dma_start3A_418 = arith.constant 0 : i32
      %dma_start3A_419 = arith.constant 0 : i32
      %dma_start3A_420 = tpu.memref_slice %arg9[%run_scoped3A_162, %dma_start3A_418, %dma_start3A_419] : memref<2x128x128xf32, #tpu.memory_space<vmem>> -> memref<1x128x128xf32, #tpu.memory_space<vmem>>
      %dma_start3A_421 = tpu.memref_squeeze %dma_start3A_420 : memref<1x128x128xf32, #tpu.memory_space<vmem>> -> memref<128x128xf32, #tpu.memory_space<vmem>>
      tpu.enqueue_dma source(%dma_start3A_421 : memref<128x128xf32, #tpu.memory_space<vmem>>) target(%dma_start3A_417 : memref<128x128xf32, #tpu.memory_space<hbm>>) target_semaphore(%run_scoped3A_405 : memref<!tpu.dma_semaphore, #tpu.memory_space<semaphore_mem>>)
      %dma_wait3A_422 = arith.constant 0 : i32
      %dma_wait3A_423 = arith.constant 0 : i32
      %dma_wait3A_424 = tpu.memref_slice %arg9[%run_scoped3A_162, %dma_wait3A_422, %dma_wait3A_423] : memref<2x128x128xf32, #tpu.memory_space<vmem>> -> memref<1x128x128xf32, #tpu.memory_space<vmem>>
      %dma_wait3A_425 = tpu.memref_squeeze %dma_wait3A_424 : memref<1x128x128xf32, #tpu.memory_space<vmem>> -> memref<128x128xf32, #tpu.memory_space<vmem>>
      %dma_wait3A_426 = arith.constant 128 : i32
      %dma_wait3A_427 = arith.constant 0 : i32
      %dma_wait3A_428 = tpu.memref_slice %arg6[%add3A, %dma_wait3A_426, %dma_wait3A_427] : memref<32x768x128xf32, #tpu.memory_space<hbm>> -> memref<1x128x128xf32, #tpu.memory_space<hbm>>
      %dma_wait3A_429 = tpu.memref_squeeze %dma_wait3A_428 : memref<1x128x128xf32, #tpu.memory_space<hbm>> -> memref<128x128xf32, #tpu.memory_space<hbm>>
      %dma_wait3A_430 = arith.constant 128 : i32
      %dma_wait3A_431 = arith.constant 0 : i32
      %dma_wait3A_432 = tpu.memref_slice %arg6[%add3A, %dma_wait3A_430, %dma_wait3A_431] : memref<32x768x128xf32, #tpu.memory_space<hbm>> -> memref<1x128x128xf32, #tpu.memory_space<hbm>>
      %dma_wait3A_433 = tpu.memref_squeeze %dma_wait3A_432 : memref<1x128x128xf32, #tpu.memory_space<hbm>> -> memref<128x128xf32, #tpu.memory_space<hbm>>
      %dma_wait3A_434 = arith.constant 0 : i32
      %dma_wait3A_435 = arith.constant 0 : i32
      %dma_wait3A_436 = tpu.memref_slice %arg9[%run_scoped3A_162, %dma_wait3A_434, %dma_wait3A_435] : memref<2x128x128xf32, #tpu.memory_space<vmem>> -> memref<1x128x128xf32, #tpu.memory_space<vmem>>
      %dma_wait3A_437 = tpu.memref_squeeze %dma_wait3A_436 : memref<1x128x128xf32, #tpu.memory_space<vmem>> -> memref<128x128xf32, #tpu.memory_space<vmem>>
      tpu.wait_dma2 semaphore(%run_scoped3A_405 : memref<!tpu.dma_semaphore, #tpu.memory_space<semaphore_mem>>) src(%dma_wait3A_437 : memref<128x128xf32, #tpu.memory_space<vmem>>) dst(%dma_wait3A_433 : memref<128x128xf32, #tpu.memory_space<hbm>>)
      tpu.yield
    }) : () -> ()
    %dma_start3A_163 = arith.constant 3 : i32
    %dma_start3A_164 = arith.constant 1 : i32
    %dma_start3A_165 = arith.constant 1 : i32
    %dma_start3A_166 = arith.constant 0 : i32
    %dma_start3A_167 = arith.constant 0 : i32
    %dma_start3A_168 = tpu.memref_slice %arg9[%dma_start3A_164, %dma_start3A_166, %dma_start3A_167] : memref<2x128x128xf32, #tpu.memory_space<vmem>> -> memref<1x128x128xf32, #tpu.memory_space<vmem>>
    %dma_start3A_169 = tpu.memref_squeeze %dma_start3A_168 : memref<1x128x128xf32, #tpu.memory_space<vmem>> -> memref<128x128xf32, #tpu.memory_space<vmem>>
    %dma_start3A_170 = arith.constant 0 : i32
    %dma_start3A_171 = tpu.memref_slice %arg7[%dma_start3A_163, %dma_start3A_170] : memref<6x128xi32, #tpu.memory_space<vmem>> -> memref<1x128xi32, #tpu.memory_space<vmem>>
    %dma_start3A_172 = tpu.memref_squeeze %dma_start3A_171 : memref<1x128xi32, #tpu.memory_space<vmem>> -> memref<128xi32, #tpu.memory_space<vmem>>
    %dma_start3A_173 = arith.constant 0 : i32
    %dma_start3A_174 = arith.constant 0 : i32
    %dma_start3A_175 = tpu.memref_slice %arg2[%dma_start3A_173, %dma_start3A_174] : memref<5099x128xf32, #tpu.memory_space<hbm>> -> memref<5099x128xf32, #tpu.memory_space<hbm>>
    %dma_start3A_176 = tpu.memref_slice %arg11[%dma_start3A_165] : memref<2x!tpu.dma_semaphore, #tpu.memory_space<semaphore_mem>> -> memref<1x!tpu.dma_semaphore, #tpu.memory_space<semaphore_mem>>
    %dma_start3A_177 = tpu.memref_squeeze %dma_start3A_176 : memref<1x!tpu.dma_semaphore, #tpu.memory_space<semaphore_mem>> -> memref<!tpu.dma_semaphore, #tpu.memory_space<semaphore_mem>>
    tpu.enqueue_indirect_dma source(%dma_start3A_175 : memref<5099x128xf32, #tpu.memory_space<hbm>>) target(%dma_start3A_169 : memref<128x128xf32, #tpu.memory_space<vmem>>) offsets(%dma_start3A_172 : memref<128xi32, #tpu.memory_space<vmem>>) semaphore(%dma_start3A_177 : memref<!tpu.dma_semaphore, #tpu.memory_space<semaphore_mem>>)
    %dma_start3A_178 = arith.constant 3 : i32
    %dma_start3A_179 = arith.constant 1 : i32
    %dma_start3A_180 = arith.constant 1 : i32
    %dma_start3A_181 = arith.constant 0 : i32
    %dma_start3A_182 = arith.constant 0 : i32
    %dma_start3A_183 = tpu.memref_slice %arg10[%dma_start3A_179, %dma_start3A_181, %dma_start3A_182] : memref<2x128x128xf32, #tpu.memory_space<vmem>> -> memref<1x128x128xf32, #tpu.memory_space<vmem>>
    %dma_start3A_184 = tpu.memref_squeeze %dma_start3A_183 : memref<1x128x128xf32, #tpu.memory_space<vmem>> -> memref<128x128xf32, #tpu.memory_space<vmem>>
    %dma_start3A_185 = arith.constant 0 : i32
    %dma_start3A_186 = tpu.memref_slice %arg8[%dma_start3A_178, %dma_start3A_185] : memref<6x128xi32, #tpu.memory_space<vmem>> -> memref<1x128xi32, #tpu.memory_space<vmem>>
    %dma_start3A_187 = tpu.memref_squeeze %dma_start3A_186 : memref<1x128xi32, #tpu.memory_space<vmem>> -> memref<128xi32, #tpu.memory_space<vmem>>
    %dma_start3A_188 = arith.constant 0 : i32
    %dma_start3A_189 = arith.constant 0 : i32
    %dma_start3A_190 = tpu.memref_slice %arg3[%dma_start3A_188, %dma_start3A_189] : memref<400x128xf32, #tpu.memory_space<hbm>> -> memref<400x128xf32, #tpu.memory_space<hbm>>
    %dma_start3A_191 = tpu.memref_slice %arg12[%dma_start3A_180] : memref<2x!tpu.dma_semaphore, #tpu.memory_space<semaphore_mem>> -> memref<1x!tpu.dma_semaphore, #tpu.memory_space<semaphore_mem>>
    %dma_start3A_192 = tpu.memref_squeeze %dma_start3A_191 : memref<1x!tpu.dma_semaphore, #tpu.memory_space<semaphore_mem>> -> memref<!tpu.dma_semaphore, #tpu.memory_space<semaphore_mem>>
    tpu.enqueue_indirect_dma source(%dma_start3A_190 : memref<400x128xf32, #tpu.memory_space<hbm>>) target(%dma_start3A_184 : memref<128x128xf32, #tpu.memory_space<vmem>>) offsets(%dma_start3A_187 : memref<128xi32, #tpu.memory_space<vmem>>) semaphore(%dma_start3A_192 : memref<!tpu.dma_semaphore, #tpu.memory_space<semaphore_mem>>)
    %dma_wait3A_193 = arith.constant 2 : i32
    %dma_wait3A_194 = arith.constant 0 : i32
    %dma_wait3A_195 = arith.constant 0 : i32
    %dma_wait3A_196 = arith.constant 0 : i32
    %dma_wait3A_197 = arith.constant 0 : i32
    %dma_wait3A_198 = tpu.memref_slice %arg9[%dma_wait3A_194, %dma_wait3A_196, %dma_wait3A_197] : memref<2x128x128xf32, #tpu.memory_space<vmem>> -> memref<1x128x128xf32, #tpu.memory_space<vmem>>
    %dma_wait3A_199 = tpu.memref_squeeze %dma_wait3A_198 : memref<1x128x128xf32, #tpu.memory_space<vmem>> -> memref<128x128xf32, #tpu.memory_space<vmem>>
    %dma_wait3A_200 = arith.constant 0 : i32
    %dma_wait3A_201 = tpu.memref_slice %arg7[%dma_wait3A_193, %dma_wait3A_200] : memref<6x128xi32, #tpu.memory_space<vmem>> -> memref<1x128xi32, #tpu.memory_space<vmem>>
    %dma_wait3A_202 = tpu.memref_squeeze %dma_wait3A_201 : memref<1x128xi32, #tpu.memory_space<vmem>> -> memref<128xi32, #tpu.memory_space<vmem>>
    %dma_wait3A_203 = arith.constant 0 : i32
    %dma_wait3A_204 = arith.constant 0 : i32
    %dma_wait3A_205 = tpu.memref_slice %arg2[%dma_wait3A_203, %dma_wait3A_204] : memref<5099x128xf32, #tpu.memory_space<hbm>> -> memref<5099x128xf32, #tpu.memory_space<hbm>>
    %dma_wait3A_206 = tpu.memref_slice %arg11[%dma_wait3A_195] : memref<2x!tpu.dma_semaphore, #tpu.memory_space<semaphore_mem>> -> memref<1x!tpu.dma_semaphore, #tpu.memory_space<semaphore_mem>>
    %dma_wait3A_207 = tpu.memref_squeeze %dma_wait3A_206 : memref<1x!tpu.dma_semaphore, #tpu.memory_space<semaphore_mem>> -> memref<!tpu.dma_semaphore, #tpu.memory_space<semaphore_mem>>
    tpu.wait_indirect_dma semaphore(%dma_wait3A_207 : memref<!tpu.dma_semaphore, #tpu.memory_space<semaphore_mem>>) src(%dma_wait3A_205 : memref<5099x128xf32, #tpu.memory_space<hbm>>) dst(%dma_wait3A_199 : memref<128x128xf32, #tpu.memory_space<vmem>>)
    %dma_wait3A_208 = arith.constant 2 : i32
    %dma_wait3A_209 = arith.constant 0 : i32
    %dma_wait3A_210 = arith.constant 0 : i32
    %dma_wait3A_211 = arith.constant 0 : i32
    %dma_wait3A_212 = arith.constant 0 : i32
    %dma_wait3A_213 = tpu.memref_slice %arg10[%dma_wait3A_209, %dma_wait3A_211, %dma_wait3A_212] : memref<2x128x128xf32, #tpu.memory_space<vmem>> -> memref<1x128x128xf32, #tpu.memory_space<vmem>>
    %dma_wait3A_214 = tpu.memref_squeeze %dma_wait3A_213 : memref<1x128x128xf32, #tpu.memory_space<vmem>> -> memref<128x128xf32, #tpu.memory_space<vmem>>
    %dma_wait3A_215 = arith.constant 0 : i32
    %dma_wait3A_216 = tpu.memref_slice %arg8[%dma_wait3A_208, %dma_wait3A_215] : memref<6x128xi32, #tpu.memory_space<vmem>> -> memref<1x128xi32, #tpu.memory_space<vmem>>
    %dma_wait3A_217 = tpu.memref_squeeze %dma_wait3A_216 : memref<1x128xi32, #tpu.memory_space<vmem>> -> memref<128xi32, #tpu.memory_space<vmem>>
    %dma_wait3A_218 = arith.constant 0 : i32
    %dma_wait3A_219 = arith.constant 0 : i32
    %dma_wait3A_220 = tpu.memref_slice %arg3[%dma_wait3A_218, %dma_wait3A_219] : memref<400x128xf32, #tpu.memory_space<hbm>> -> memref<400x128xf32, #tpu.memory_space<hbm>>
    %dma_wait3A_221 = tpu.memref_slice %arg12[%dma_wait3A_210] : memref<2x!tpu.dma_semaphore, #tpu.memory_space<semaphore_mem>> -> memref<1x!tpu.dma_semaphore, #tpu.memory_space<semaphore_mem>>
    %dma_wait3A_222 = tpu.memref_squeeze %dma_wait3A_221 : memref<1x!tpu.dma_semaphore, #tpu.memory_space<semaphore_mem>> -> memref<!tpu.dma_semaphore, #tpu.memory_space<semaphore_mem>>
    tpu.wait_indirect_dma semaphore(%dma_wait3A_222 : memref<!tpu.dma_semaphore, #tpu.memory_space<semaphore_mem>>) src(%dma_wait3A_220 : memref<400x128xf32, #tpu.memory_space<hbm>>) dst(%dma_wait3A_214 : memref<128x128xf32, #tpu.memory_space<vmem>>)
    %scan3A_223 = arith.constant 0 : i32
    %scan3A_224 = arith.constant 0 : i32
    %scan3A_225 = arith.constant 128 : i32
    %scan3A_226 = arith.addi %scan3A_224, %scan3A_225 : i32
    %scan3A_227 = arith.constant 1 : i32
    %scan3A_228 = scf.for %scan3A_405 = %scan3A_224 to %scan3A_226 step %scan3A_227 iter_args(%scan3A_406 = %scan3A_223) -> (i32)  : i32 {
      %get3A = arith.constant 0 : i32
      %get3A_407 = arith.index_cast %get3A : i32 to index
      %get3A_408 = arith.index_cast %scan3A_405 : i32 to index
      %get3A_409 = arith.constant 0 : index
      %get3A_410 = tpu.vector_load %arg9[%get3A_407, %get3A_408, %get3A_409] {strides = array<i32>} : memref<2x128x128xf32, #tpu.memory_space<vmem>>, vector<16xf32>,
      %get3A_411 = arith.constant 0 : i32
      %get3A_412 = arith.index_cast %get3A_411 : i32 to index
      %get3A_413 = arith.index_cast %scan3A_405 : i32 to index
      %get3A_414 = arith.constant 0 : index
      %get3A_415 = tpu.vector_load %arg10[%get3A_412, %get3A_413, %get3A_414] {strides = array<i32>} : memref<2x128x128xf32, #tpu.memory_space<vmem>>, vector<16xf32>,
      %add3A_416 = arith.addf %get3A_410, %get3A_415 : vector<16xf32>
      %swap3A = arith.constant 0 : i32
      %swap3A_417 = arith.index_cast %swap3A : i32 to index
      %swap3A_418 = arith.index_cast %scan3A_405 : i32 to index
      %swap3A_419 = arith.constant 0 : index
      %swap3A_420 = tpu.vector_load %arg9[%swap3A_417, %swap3A_418, %swap3A_419] {strides = array<i32>} : memref<2x128x128xf32, #tpu.memory_space<vmem>>, vector<16xf32>,
      tpu.vector_store %arg9[%swap3A_417, %swap3A_418, %swap3A_419], %add3A_416 {strides = array<i32>} : memref<2x128x128xf32, #tpu.memory_space<vmem>>, vector<16xf32>,
      %get3A_421 = arith.constant 0 : i32
      %get3A_422 = arith.index_cast %get3A_421 : i32 to index
      %get3A_423 = arith.index_cast %scan3A_405 : i32 to index
      %get3A_424 = arith.constant 16 : index
      %get3A_425 = tpu.vector_load %arg9[%get3A_422, %get3A_423, %get3A_424] {strides = array<i32>} : memref<2x128x128xf32, #tpu.memory_space<vmem>>, vector<16xf32>,
      %get3A_426 = arith.constant 0 : i32
      %get3A_427 = arith.index_cast %get3A_426 : i32 to index
      %get3A_428 = arith.index_cast %scan3A_405 : i32 to index
      %get3A_429 = arith.constant 16 : index
      %get3A_430 = tpu.vector_load %arg10[%get3A_427, %get3A_428, %get3A_429] {strides = array<i32>} : memref<2x128x128xf32, #tpu.memory_space<vmem>>, vector<16xf32>,
      %add3A_431 = arith.addf %get3A_425, %get3A_430 : vector<16xf32>
      %swap3A_432 = arith.constant 0 : i32
      %swap3A_433 = arith.index_cast %swap3A_432 : i32 to index
      %swap3A_434 = arith.index_cast %scan3A_405 : i32 to index
      %swap3A_435 = arith.constant 16 : index
      %swap3A_436 = tpu.vector_load %arg9[%swap3A_433, %swap3A_434, %swap3A_435] {strides = array<i32>} : memref<2x128x128xf32, #tpu.memory_space<vmem>>, vector<16xf32>,
      tpu.vector_store %arg9[%swap3A_433, %swap3A_434, %swap3A_435], %add3A_431 {strides = array<i32>} : memref<2x128x128xf32, #tpu.memory_space<vmem>>, vector<16xf32>,
      %get3A_437 = arith.constant 0 : i32
      %get3A_438 = arith.index_cast %get3A_437 : i32 to index
      %get3A_439 = arith.index_cast %scan3A_405 : i32 to index
      %get3A_440 = arith.constant 32 : index
      %get3A_441 = tpu.vector_load %arg9[%get3A_438, %get3A_439, %get3A_440] {strides = array<i32>} : memref<2x128x128xf32, #tpu.memory_space<vmem>>, vector<16xf32>,
      %get3A_442 = arith.constant 0 : i32
      %get3A_443 = arith.index_cast %get3A_442 : i32 to index
      %get3A_444 = arith.index_cast %scan3A_405 : i32 to index
      %get3A_445 = arith.constant 32 : index
      %get3A_446 = tpu.vector_load %arg10[%get3A_443, %get3A_444, %get3A_445] {strides = array<i32>} : memref<2x128x128xf32, #tpu.memory_space<vmem>>, vector<16xf32>,
      %add3A_447 = arith.addf %get3A_441, %get3A_446 : vector<16xf32>
      %swap3A_448 = arith.constant 0 : i32
      %swap3A_449 = arith.index_cast %swap3A_448 : i32 to index
      %swap3A_450 = arith.index_cast %scan3A_405 : i32 to index
      %swap3A_451 = arith.constant 32 : index
      %swap3A_452 = tpu.vector_load %arg9[%swap3A_449, %swap3A_450, %swap3A_451] {strides = array<i32>} : memref<2x128x128xf32, #tpu.memory_space<vmem>>, vector<16xf32>,
      tpu.vector_store %arg9[%swap3A_449, %swap3A_450, %swap3A_451], %add3A_447 {strides = array<i32>} : memref<2x128x128xf32, #tpu.memory_space<vmem>>, vector<16xf32>,
      %get3A_453 = arith.constant 0 : i32
      %get3A_454 = arith.index_cast %get3A_453 : i32 to index
      %get3A_455 = arith.index_cast %scan3A_405 : i32 to index
      %get3A_456 = arith.constant 48 : index
      %get3A_457 = tpu.vector_load %arg9[%get3A_454, %get3A_455, %get3A_456] {strides = array<i32>} : memref<2x128x128xf32, #tpu.memory_space<vmem>>, vector<16xf32>,
      %get3A_458 = arith.constant 0 : i32
      %get3A_459 = arith.index_cast %get3A_458 : i32 to index
      %get3A_460 = arith.index_cast %scan3A_405 : i32 to index
      %get3A_461 = arith.constant 48 : index
      %get3A_462 = tpu.vector_load %arg10[%get3A_459, %get3A_460, %get3A_461] {strides = array<i32>} : memref<2x128x128xf32, #tpu.memory_space<vmem>>, vector<16xf32>,
      %add3A_463 = arith.addf %get3A_457, %get3A_462 : vector<16xf32>
      %swap3A_464 = arith.constant 0 : i32
      %swap3A_465 = arith.index_cast %swap3A_464 : i32 to index
      %swap3A_466 = arith.index_cast %scan3A_405 : i32 to index
      %swap3A_467 = arith.constant 48 : index
      %swap3A_468 = tpu.vector_load %arg9[%swap3A_465, %swap3A_466, %swap3A_467] {strides = array<i32>} : memref<2x128x128xf32, #tpu.memory_space<vmem>>, vector<16xf32>,
      tpu.vector_store %arg9[%swap3A_465, %swap3A_466, %swap3A_467], %add3A_463 {strides = array<i32>} : memref<2x128x128xf32, #tpu.memory_space<vmem>>, vector<16xf32>,
      %get3A_469 = arith.constant 0 : i32
      %get3A_470 = arith.index_cast %get3A_469 : i32 to index
      %get3A_471 = arith.index_cast %scan3A_405 : i32 to index
      %get3A_472 = arith.constant 64 : index
      %get3A_473 = tpu.vector_load %arg9[%get3A_470, %get3A_471, %get3A_472] {strides = array<i32>} : memref<2x128x128xf32, #tpu.memory_space<vmem>>, vector<16xf32>,
      %get3A_474 = arith.constant 0 : i32
      %get3A_475 = arith.index_cast %get3A_474 : i32 to index
      %get3A_476 = arith.index_cast %scan3A_405 : i32 to index
      %get3A_477 = arith.constant 64 : index
      %get3A_478 = tpu.vector_load %arg10[%get3A_475, %get3A_476, %get3A_477] {strides = array<i32>} : memref<2x128x128xf32, #tpu.memory_space<vmem>>, vector<16xf32>,
      %add3A_479 = arith.addf %get3A_473, %get3A_478 : vector<16xf32>
      %swap3A_480 = arith.constant 0 : i32
      %swap3A_481 = arith.index_cast %swap3A_480 : i32 to index
      %swap3A_482 = arith.index_cast %scan3A_405 : i32 to index
      %swap3A_483 = arith.constant 64 : index
      %swap3A_484 = tpu.vector_load %arg9[%swap3A_481, %swap3A_482, %swap3A_483] {strides = array<i32>} : memref<2x128x128xf32, #tpu.memory_space<vmem>>, vector<16xf32>,
      tpu.vector_store %arg9[%swap3A_481, %swap3A_482, %swap3A_483], %add3A_479 {strides = array<i32>} : memref<2x128x128xf32, #tpu.memory_space<vmem>>, vector<16xf32>,
      %get3A_485 = arith.constant 0 : i32
      %get3A_486 = arith.index_cast %get3A_485 : i32 to index
      %get3A_487 = arith.index_cast %scan3A_405 : i32 to index
      %get3A_488 = arith.constant 80 : index
      %get3A_489 = tpu.vector_load %arg9[%get3A_486, %get3A_487, %get3A_488] {strides = array<i32>} : memref<2x128x128xf32, #tpu.memory_space<vmem>>, vector<16xf32>,
      %get3A_490 = arith.constant 0 : i32
      %get3A_491 = arith.index_cast %get3A_490 : i32 to index
      %get3A_492 = arith.index_cast %scan3A_405 : i32 to index
      %get3A_493 = arith.constant 80 : index
      %get3A_494 = tpu.vector_load %arg10[%get3A_491, %get3A_492, %get3A_493] {strides = array<i32>} : memref<2x128x128xf32, #tpu.memory_space<vmem>>, vector<16xf32>,
      %add3A_495 = arith.addf %get3A_489, %get3A_494 : vector<16xf32>
      %swap3A_496 = arith.constant 0 : i32
      %swap3A_497 = arith.index_cast %swap3A_496 : i32 to index
      %swap3A_498 = arith.index_cast %scan3A_405 : i32 to index
      %swap3A_499 = arith.constant 80 : index
      %swap3A_500 = tpu.vector_load %arg9[%swap3A_497, %swap3A_498, %swap3A_499] {strides = array<i32>} : memref<2x128x128xf32, #tpu.memory_space<vmem>>, vector<16xf32>,
      tpu.vector_store %arg9[%swap3A_497, %swap3A_498, %swap3A_499], %add3A_495 {strides = array<i32>} : memref<2x128x128xf32, #tpu.memory_space<vmem>>, vector<16xf32>,
      %get3A_501 = arith.constant 0 : i32
      %get3A_502 = arith.index_cast %get3A_501 : i32 to index
      %get3A_503 = arith.index_cast %scan3A_405 : i32 to index
      %get3A_504 = arith.constant 96 : index
      %get3A_505 = tpu.vector_load %arg9[%get3A_502, %get3A_503, %get3A_504] {strides = array<i32>} : memref<2x128x128xf32, #tpu.memory_space<vmem>>, vector<16xf32>,
      %get3A_506 = arith.constant 0 : i32
      %get3A_507 = arith.index_cast %get3A_506 : i32 to index
      %get3A_508 = arith.index_cast %scan3A_405 : i32 to index
      %get3A_509 = arith.constant 96 : index
      %get3A_510 = tpu.vector_load %arg10[%get3A_507, %get3A_508, %get3A_509] {strides = array<i32>} : memref<2x128x128xf32, #tpu.memory_space<vmem>>, vector<16xf32>,
      %add3A_511 = arith.addf %get3A_505, %get3A_510 : vector<16xf32>
      %swap3A_512 = arith.constant 0 : i32
      %swap3A_513 = arith.index_cast %swap3A_512 : i32 to index
      %swap3A_514 = arith.index_cast %scan3A_405 : i32 to index
      %swap3A_515 = arith.constant 96 : index
      %swap3A_516 = tpu.vector_load %arg9[%swap3A_513, %swap3A_514, %swap3A_515] {strides = array<i32>} : memref<2x128x128xf32, #tpu.memory_space<vmem>>, vector<16xf32>,
      tpu.vector_store %arg9[%swap3A_513, %swap3A_514, %swap3A_515], %add3A_511 {strides = array<i32>} : memref<2x128x128xf32, #tpu.memory_space<vmem>>, vector<16xf32>,
      %get3A_517 = arith.constant 0 : i32
      %get3A_518 = arith.index_cast %get3A_517 : i32 to index
      %get3A_519 = arith.index_cast %scan3A_405 : i32 to index
      %get3A_520 = arith.constant 112 : index
      %get3A_521 = tpu.vector_load %arg9[%get3A_518, %get3A_519, %get3A_520] {strides = array<i32>} : memref<2x128x128xf32, #tpu.memory_space<vmem>>, vector<16xf32>,
      %get3A_522 = arith.constant 0 : i32
      %get3A_523 = arith.index_cast %get3A_522 : i32 to index
      %get3A_524 = arith.index_cast %scan3A_405 : i32 to index
      %get3A_525 = arith.constant 112 : index
      %get3A_526 = tpu.vector_load %arg10[%get3A_523, %get3A_524, %get3A_525] {strides = array<i32>} : memref<2x128x128xf32, #tpu.memory_space<vmem>>, vector<16xf32>,
      %add3A_527 = arith.addf %get3A_521, %get3A_526 : vector<16xf32>
      %swap3A_528 = arith.constant 0 : i32
      %swap3A_529 = arith.index_cast %swap3A_528 : i32 to index
      %swap3A_530 = arith.index_cast %scan3A_405 : i32 to index
      %swap3A_531 = arith.constant 112 : index
      %swap3A_532 = tpu.vector_load %arg9[%swap3A_529, %swap3A_530, %swap3A_531] {strides = array<i32>} : memref<2x128x128xf32, #tpu.memory_space<vmem>>, vector<16xf32>,
      tpu.vector_store %arg9[%swap3A_529, %swap3A_530, %swap3A_531], %add3A_527 {strides = array<i32>} : memref<2x128x128xf32, #tpu.memory_space<vmem>>, vector<16xf32>,
      %scan3A_533 = arith.constant 0 : i32
      scf.yield %scan3A_533 : i32
    }
    %scan3A_229 = arith.constant 128 : i32
    %run_scoped3A_230 = arith.constant 0 : i32
    "tpu.region"() ({
      %run_scoped3A_405 = tpu.sem_alloc : memref<!tpu.dma_semaphore, #tpu.memory_space<semaphore_mem>>
      %dma_start3A_406 = arith.constant 0 : i32
      %dma_start3A_407 = arith.constant 0 : i32
      %dma_start3A_408 = tpu.memref_slice %arg9[%run_scoped3A_230, %dma_start3A_406, %dma_start3A_407] : memref<2x128x128xf32, #tpu.memory_space<vmem>> -> memref<1x128x128xf32, #tpu.memory_space<vmem>>
      %dma_start3A_409 = tpu.memref_squeeze %dma_start3A_408 : memref<1x128x128xf32, #tpu.memory_space<vmem>> -> memref<128x128xf32, #tpu.memory_space<vmem>>
      %dma_start3A_410 = arith.constant 256 : i32
      %dma_start3A_411 = arith.constant 0 : i32
      %dma_start3A_412 = tpu.memref_slice %arg6[%add3A, %dma_start3A_410, %dma_start3A_411] : memref<32x768x128xf32, #tpu.memory_space<hbm>> -> memref<1x128x128xf32, #tpu.memory_space<hbm>>
      %dma_start3A_413 = tpu.memref_squeeze %dma_start3A_412 : memref<1x128x128xf32, #tpu.memory_space<hbm>> -> memref<128x128xf32, #tpu.memory_space<hbm>>
      %dma_start3A_414 = arith.constant 256 : i32
      %dma_start3A_415 = arith.constant 0 : i32
      %dma_start3A_416 = tpu.memref_slice %arg6[%add3A, %dma_start3A_414, %dma_start3A_415] : memref<32x768x128xf32, #tpu.memory_space<hbm>> -> memref<1x128x128xf32, #tpu.memory_space<hbm>>
      %dma_start3A_417 = tpu.memref_squeeze %dma_start3A_416 : memref<1x128x128xf32, #tpu.memory_space<hbm>> -> memref<128x128xf32, #tpu.memory_space<hbm>>
      %dma_start3A_418 = arith.constant 0 : i32
      %dma_start3A_419 = arith.constant 0 : i32
      %dma_start3A_420 = tpu.memref_slice %arg9[%run_scoped3A_230, %dma_start3A_418, %dma_start3A_419] : memref<2x128x128xf32, #tpu.memory_space<vmem>> -> memref<1x128x128xf32, #tpu.memory_space<vmem>>
      %dma_start3A_421 = tpu.memref_squeeze %dma_start3A_420 : memref<1x128x128xf32, #tpu.memory_space<vmem>> -> memref<128x128xf32, #tpu.memory_space<vmem>>
      tpu.enqueue_dma source(%dma_start3A_421 : memref<128x128xf32, #tpu.memory_space<vmem>>) target(%dma_start3A_417 : memref<128x128xf32, #tpu.memory_space<hbm>>) target_semaphore(%run_scoped3A_405 : memref<!tpu.dma_semaphore, #tpu.memory_space<semaphore_mem>>)
      %dma_wait3A_422 = arith.constant 0 : i32
      %dma_wait3A_423 = arith.constant 0 : i32
      %dma_wait3A_424 = tpu.memref_slice %arg9[%run_scoped3A_230, %dma_wait3A_422, %dma_wait3A_423] : memref<2x128x128xf32, #tpu.memory_space<vmem>> -> memref<1x128x128xf32, #tpu.memory_space<vmem>>
      %dma_wait3A_425 = tpu.memref_squeeze %dma_wait3A_424 : memref<1x128x128xf32, #tpu.memory_space<vmem>> -> memref<128x128xf32, #tpu.memory_space<vmem>>
      %dma_wait3A_426 = arith.constant 256 : i32
      %dma_wait3A_427 = arith.constant 0 : i32
      %dma_wait3A_428 = tpu.memref_slice %arg6[%add3A, %dma_wait3A_426, %dma_wait3A_427] : memref<32x768x128xf32, #tpu.memory_space<hbm>> -> memref<1x128x128xf32, #tpu.memory_space<hbm>>
      %dma_wait3A_429 = tpu.memref_squeeze %dma_wait3A_428 : memref<1x128x128xf32, #tpu.memory_space<hbm>> -> memref<128x128xf32, #tpu.memory_space<hbm>>
      %dma_wait3A_430 = arith.constant 256 : i32
      %dma_wait3A_431 = arith.constant 0 : i32
      %dma_wait3A_432 = tpu.memref_slice %arg6[%add3A, %dma_wait3A_430, %dma_wait3A_431] : memref<32x768x128xf32, #tpu.memory_space<hbm>> -> memref<1x128x128xf32, #tpu.memory_space<hbm>>
      %dma_wait3A_433 = tpu.memref_squeeze %dma_wait3A_432 : memref<1x128x128xf32, #tpu.memory_space<hbm>> -> memref<128x128xf32, #tpu.memory_space<hbm>>
      %dma_wait3A_434 = arith.constant 0 : i32
      %dma_wait3A_435 = arith.constant 0 : i32
      %dma_wait3A_436 = tpu.memref_slice %arg9[%run_scoped3A_230, %dma_wait3A_434, %dma_wait3A_435] : memref<2x128x128xf32, #tpu.memory_space<vmem>> -> memref<1x128x128xf32, #tpu.memory_space<vmem>>
      %dma_wait3A_437 = tpu.memref_squeeze %dma_wait3A_436 : memref<1x128x128xf32, #tpu.memory_space<vmem>> -> memref<128x128xf32, #tpu.memory_space<vmem>>
      tpu.wait_dma2 semaphore(%run_scoped3A_405 : memref<!tpu.dma_semaphore, #tpu.memory_space<semaphore_mem>>) src(%dma_wait3A_437 : memref<128x128xf32, #tpu.memory_space<vmem>>) dst(%dma_wait3A_433 : memref<128x128xf32, #tpu.memory_space<hbm>>)
      tpu.yield
    }) : () -> ()
    %dma_start3A_231 = arith.constant 4 : i32
    %dma_start3A_232 = arith.constant 0 : i32
    %dma_start3A_233 = arith.constant 0 : i32
    %dma_start3A_234 = arith.constant 0 : i32
    %dma_start3A_235 = arith.constant 0 : i32
    %dma_start3A_236 = tpu.memref_slice %arg9[%dma_start3A_232, %dma_start3A_234, %dma_start3A_235] : memref<2x128x128xf32, #tpu.memory_space<vmem>> -> memref<1x128x128xf32, #tpu.memory_space<vmem>>
    %dma_start3A_237 = tpu.memref_squeeze %dma_start3A_236 : memref<1x128x128xf32, #tpu.memory_space<vmem>> -> memref<128x128xf32, #tpu.memory_space<vmem>>
    %dma_start3A_238 = arith.constant 0 : i32
    %dma_start3A_239 = tpu.memref_slice %arg7[%dma_start3A_231, %dma_start3A_238] : memref<6x128xi32, #tpu.memory_space<vmem>> -> memref<1x128xi32, #tpu.memory_space<vmem>>
    %dma_start3A_240 = tpu.memref_squeeze %dma_start3A_239 : memref<1x128xi32, #tpu.memory_space<vmem>> -> memref<128xi32, #tpu.memory_space<vmem>>
    %dma_start3A_241 = arith.constant 0 : i32
    %dma_start3A_242 = arith.constant 0 : i32
    %dma_start3A_243 = tpu.memref_slice %arg2[%dma_start3A_241, %dma_start3A_242] : memref<5099x128xf32, #tpu.memory_space<hbm>> -> memref<5099x128xf32, #tpu.memory_space<hbm>>
    %dma_start3A_244 = tpu.memref_slice %arg11[%dma_start3A_233] : memref<2x!tpu.dma_semaphore, #tpu.memory_space<semaphore_mem>> -> memref<1x!tpu.dma_semaphore, #tpu.memory_space<semaphore_mem>>
    %dma_start3A_245 = tpu.memref_squeeze %dma_start3A_244 : memref<1x!tpu.dma_semaphore, #tpu.memory_space<semaphore_mem>> -> memref<!tpu.dma_semaphore, #tpu.memory_space<semaphore_mem>>
    tpu.enqueue_indirect_dma source(%dma_start3A_243 : memref<5099x128xf32, #tpu.memory_space<hbm>>) target(%dma_start3A_237 : memref<128x128xf32, #tpu.memory_space<vmem>>) offsets(%dma_start3A_240 : memref<128xi32, #tpu.memory_space<vmem>>) semaphore(%dma_start3A_245 : memref<!tpu.dma_semaphore, #tpu.memory_space<semaphore_mem>>)
    %dma_start3A_246 = arith.constant 4 : i32
    %dma_start3A_247 = arith.constant 0 : i32
    %dma_start3A_248 = arith.constant 0 : i32
    %dma_start3A_249 = arith.constant 0 : i32
    %dma_start3A_250 = arith.constant 0 : i32
    %dma_start3A_251 = tpu.memref_slice %arg10[%dma_start3A_247, %dma_start3A_249, %dma_start3A_250] : memref<2x128x128xf32, #tpu.memory_space<vmem>> -> memref<1x128x128xf32, #tpu.memory_space<vmem>>
    %dma_start3A_252 = tpu.memref_squeeze %dma_start3A_251 : memref<1x128x128xf32, #tpu.memory_space<vmem>> -> memref<128x128xf32, #tpu.memory_space<vmem>>
    %dma_start3A_253 = arith.constant 0 : i32
    %dma_start3A_254 = tpu.memref_slice %arg8[%dma_start3A_246, %dma_start3A_253] : memref<6x128xi32, #tpu.memory_space<vmem>> -> memref<1x128xi32, #tpu.memory_space<vmem>>
    %dma_start3A_255 = tpu.memref_squeeze %dma_start3A_254 : memref<1x128xi32, #tpu.memory_space<vmem>> -> memref<128xi32, #tpu.memory_space<vmem>>
    %dma_start3A_256 = arith.constant 0 : i32
    %dma_start3A_257 = arith.constant 0 : i32
    %dma_start3A_258 = tpu.memref_slice %arg3[%dma_start3A_256, %dma_start3A_257] : memref<400x128xf32, #tpu.memory_space<hbm>> -> memref<400x128xf32, #tpu.memory_space<hbm>>
    %dma_start3A_259 = tpu.memref_slice %arg12[%dma_start3A_248] : memref<2x!tpu.dma_semaphore, #tpu.memory_space<semaphore_mem>> -> memref<1x!tpu.dma_semaphore, #tpu.memory_space<semaphore_mem>>
    %dma_start3A_260 = tpu.memref_squeeze %dma_start3A_259 : memref<1x!tpu.dma_semaphore, #tpu.memory_space<semaphore_mem>> -> memref<!tpu.dma_semaphore, #tpu.memory_space<semaphore_mem>>
    tpu.enqueue_indirect_dma source(%dma_start3A_258 : memref<400x128xf32, #tpu.memory_space<hbm>>) target(%dma_start3A_252 : memref<128x128xf32, #tpu.memory_space<vmem>>) offsets(%dma_start3A_255 : memref<128xi32, #tpu.memory_space<vmem>>) semaphore(%dma_start3A_260 : memref<!tpu.dma_semaphore, #tpu.memory_space<semaphore_mem>>)
    %dma_wait3A_261 = arith.constant 3 : i32
    %dma_wait3A_262 = arith.constant 1 : i32
    %dma_wait3A_263 = arith.constant 1 : i32
    %dma_wait3A_264 = arith.constant 0 : i32
    %dma_wait3A_265 = arith.constant 0 : i32
    %dma_wait3A_266 = tpu.memref_slice %arg9[%dma_wait3A_262, %dma_wait3A_264, %dma_wait3A_265] : memref<2x128x128xf32, #tpu.memory_space<vmem>> -> memref<1x128x128xf32, #tpu.memory_space<vmem>>
    %dma_wait3A_267 = tpu.memref_squeeze %dma_wait3A_266 : memref<1x128x128xf32, #tpu.memory_space<vmem>> -> memref<128x128xf32, #tpu.memory_space<vmem>>
    %dma_wait3A_268 = arith.constant 0 : i32
    %dma_wait3A_269 = tpu.memref_slice %arg7[%dma_wait3A_261, %dma_wait3A_268] : memref<6x128xi32, #tpu.memory_space<vmem>> -> memref<1x128xi32, #tpu.memory_space<vmem>>
    %dma_wait3A_270 = tpu.memref_squeeze %dma_wait3A_269 : memref<1x128xi32, #tpu.memory_space<vmem>> -> memref<128xi32, #tpu.memory_space<vmem>>
    %dma_wait3A_271 = arith.constant 0 : i32
    %dma_wait3A_272 = arith.constant 0 : i32
    %dma_wait3A_273 = tpu.memref_slice %arg2[%dma_wait3A_271, %dma_wait3A_272] : memref<5099x128xf32, #tpu.memory_space<hbm>> -> memref<5099x128xf32, #tpu.memory_space<hbm>>
    %dma_wait3A_274 = tpu.memref_slice %arg11[%dma_wait3A_263] : memref<2x!tpu.dma_semaphore, #tpu.memory_space<semaphore_mem>> -> memref<1x!tpu.dma_semaphore, #tpu.memory_space<semaphore_mem>>
    %dma_wait3A_275 = tpu.memref_squeeze %dma_wait3A_274 : memref<1x!tpu.dma_semaphore, #tpu.memory_space<semaphore_mem>> -> memref<!tpu.dma_semaphore, #tpu.memory_space<semaphore_mem>>
    tpu.wait_indirect_dma semaphore(%dma_wait3A_275 : memref<!tpu.dma_semaphore, #tpu.memory_space<semaphore_mem>>) src(%dma_wait3A_273 : memref<5099x128xf32, #tpu.memory_space<hbm>>) dst(%dma_wait3A_267 : memref<128x128xf32, #tpu.memory_space<vmem>>)
    %dma_wait3A_276 = arith.constant 3 : i32
    %dma_wait3A_277 = arith.constant 1 : i32
    %dma_wait3A_278 = arith.constant 1 : i32
    %dma_wait3A_279 = arith.constant 0 : i32
    %dma_wait3A_280 = arith.constant 0 : i32
    %dma_wait3A_281 = tpu.memref_slice %arg10[%dma_wait3A_277, %dma_wait3A_279, %dma_wait3A_280] : memref<2x128x128xf32, #tpu.memory_space<vmem>> -> memref<1x128x128xf32, #tpu.memory_space<vmem>>
    %dma_wait3A_282 = tpu.memref_squeeze %dma_wait3A_281 : memref<1x128x128xf32, #tpu.memory_space<vmem>> -> memref<128x128xf32, #tpu.memory_space<vmem>>
    %dma_wait3A_283 = arith.constant 0 : i32
    %dma_wait3A_284 = tpu.memref_slice %arg8[%dma_wait3A_276, %dma_wait3A_283] : memref<6x128xi32, #tpu.memory_space<vmem>> -> memref<1x128xi32, #tpu.memory_space<vmem>>
    %dma_wait3A_285 = tpu.memref_squeeze %dma_wait3A_284 : memref<1x128xi32, #tpu.memory_space<vmem>> -> memref<128xi32, #tpu.memory_space<vmem>>
    %dma_wait3A_286 = arith.constant 0 : i32
    %dma_wait3A_287 = arith.constant 0 : i32
    %dma_wait3A_288 = tpu.memref_slice %arg3[%dma_wait3A_286, %dma_wait3A_287] : memref<400x128xf32, #tpu.memory_space<hbm>> -> memref<400x128xf32, #tpu.memory_space<hbm>>
    %dma_wait3A_289 = tpu.memref_slice %arg12[%dma_wait3A_278] : memref<2x!tpu.dma_semaphore, #tpu.memory_space<semaphore_mem>> -> memref<1x!tpu.dma_semaphore, #tpu.memory_space<semaphore_mem>>
    %dma_wait3A_290 = tpu.memref_squeeze %dma_wait3A_289 : memref<1x!tpu.dma_semaphore, #tpu.memory_space<semaphore_mem>> -> memref<!tpu.dma_semaphore, #tpu.memory_space<semaphore_mem>>
    tpu.wait_indirect_dma semaphore(%dma_wait3A_290 : memref<!tpu.dma_semaphore, #tpu.memory_space<semaphore_mem>>) src(%dma_wait3A_288 : memref<400x128xf32, #tpu.memory_space<hbm>>) dst(%dma_wait3A_282 : memref<128x128xf32, #tpu.memory_space<vmem>>)
    %scan3A_291 = arith.constant 0 : i32
    %scan3A_292 = arith.constant 0 : i32
    %scan3A_293 = arith.constant 128 : i32
    %scan3A_294 = arith.addi %scan3A_292, %scan3A_293 : i32
    %scan3A_295 = arith.constant 1 : i32
    %scan3A_296 = scf.for %scan3A_405 = %scan3A_292 to %scan3A_294 step %scan3A_295 iter_args(%scan3A_406 = %scan3A_291) -> (i32)  : i32 {
      %get3A = arith.constant 1 : i32
      %get3A_407 = arith.index_cast %get3A : i32 to index
      %get3A_408 = arith.index_cast %scan3A_405 : i32 to index
      %get3A_409 = arith.constant 0 : index
      %get3A_410 = tpu.vector_load %arg9[%get3A_407, %get3A_408, %get3A_409] {strides = array<i32>} : memref<2x128x128xf32, #tpu.memory_space<vmem>>, vector<16xf32>,
      %get3A_411 = arith.constant 1 : i32
      %get3A_412 = arith.index_cast %get3A_411 : i32 to index
      %get3A_413 = arith.index_cast %scan3A_405 : i32 to index
      %get3A_414 = arith.constant 0 : index
      %get3A_415 = tpu.vector_load %arg10[%get3A_412, %get3A_413, %get3A_414] {strides = array<i32>} : memref<2x128x128xf32, #tpu.memory_space<vmem>>, vector<16xf32>,
      %add3A_416 = arith.addf %get3A_410, %get3A_415 : vector<16xf32>
      %swap3A = arith.constant 1 : i32
      %swap3A_417 = arith.index_cast %swap3A : i32 to index
      %swap3A_418 = arith.index_cast %scan3A_405 : i32 to index
      %swap3A_419 = arith.constant 0 : index
      %swap3A_420 = tpu.vector_load %arg9[%swap3A_417, %swap3A_418, %swap3A_419] {strides = array<i32>} : memref<2x128x128xf32, #tpu.memory_space<vmem>>, vector<16xf32>,
      tpu.vector_store %arg9[%swap3A_417, %swap3A_418, %swap3A_419], %add3A_416 {strides = array<i32>} : memref<2x128x128xf32, #tpu.memory_space<vmem>>, vector<16xf32>,
      %get3A_421 = arith.constant 1 : i32
      %get3A_422 = arith.index_cast %get3A_421 : i32 to index
      %get3A_423 = arith.index_cast %scan3A_405 : i32 to index
      %get3A_424 = arith.constant 16 : index
      %get3A_425 = tpu.vector_load %arg9[%get3A_422, %get3A_423, %get3A_424] {strides = array<i32>} : memref<2x128x128xf32, #tpu.memory_space<vmem>>, vector<16xf32>,
      %get3A_426 = arith.constant 1 : i32
      %get3A_427 = arith.index_cast %get3A_426 : i32 to index
      %get3A_428 = arith.index_cast %scan3A_405 : i32 to index
      %get3A_429 = arith.constant 16 : index
      %get3A_430 = tpu.vector_load %arg10[%get3A_427, %get3A_428, %get3A_429] {strides = array<i32>} : memref<2x128x128xf32, #tpu.memory_space<vmem>>, vector<16xf32>,
      %add3A_431 = arith.addf %get3A_425, %get3A_430 : vector<16xf32>
      %swap3A_432 = arith.constant 1 : i32
      %swap3A_433 = arith.index_cast %swap3A_432 : i32 to index
      %swap3A_434 = arith.index_cast %scan3A_405 : i32 to index
      %swap3A_435 = arith.constant 16 : index
      %swap3A_436 = tpu.vector_load %arg9[%swap3A_433, %swap3A_434, %swap3A_435] {strides = array<i32>} : memref<2x128x128xf32, #tpu.memory_space<vmem>>, vector<16xf32>,
      tpu.vector_store %arg9[%swap3A_433, %swap3A_434, %swap3A_435], %add3A_431 {strides = array<i32>} : memref<2x128x128xf32, #tpu.memory_space<vmem>>, vector<16xf32>,
      %get3A_437 = arith.constant 1 : i32
      %get3A_438 = arith.index_cast %get3A_437 : i32 to index
      %get3A_439 = arith.index_cast %scan3A_405 : i32 to index
      %get3A_440 = arith.constant 32 : index
      %get3A_441 = tpu.vector_load %arg9[%get3A_438, %get3A_439, %get3A_440] {strides = array<i32>} : memref<2x128x128xf32, #tpu.memory_space<vmem>>, vector<16xf32>,
      %get3A_442 = arith.constant 1 : i32
      %get3A_443 = arith.index_cast %get3A_442 : i32 to index
      %get3A_444 = arith.index_cast %scan3A_405 : i32 to index
      %get3A_445 = arith.constant 32 : index
      %get3A_446 = tpu.vector_load %arg10[%get3A_443, %get3A_444, %get3A_445] {strides = array<i32>} : memref<2x128x128xf32, #tpu.memory_space<vmem>>, vector<16xf32>,
      %add3A_447 = arith.addf %get3A_441, %get3A_446 : vector<16xf32>
      %swap3A_448 = arith.constant 1 : i32
      %swap3A_449 = arith.index_cast %swap3A_448 : i32 to index
      %swap3A_450 = arith.index_cast %scan3A_405 : i32 to index
      %swap3A_451 = arith.constant 32 : index
      %swap3A_452 = tpu.vector_load %arg9[%swap3A_449, %swap3A_450, %swap3A_451] {strides = array<i32>} : memref<2x128x128xf32, #tpu.memory_space<vmem>>, vector<16xf32>,
      tpu.vector_store %arg9[%swap3A_449, %swap3A_450, %swap3A_451], %add3A_447 {strides = array<i32>} : memref<2x128x128xf32, #tpu.memory_space<vmem>>, vector<16xf32>,
      %get3A_453 = arith.constant 1 : i32
      %get3A_454 = arith.index_cast %get3A_453 : i32 to index
      %get3A_455 = arith.index_cast %scan3A_405 : i32 to index
      %get3A_456 = arith.constant 48 : index
      %get3A_457 = tpu.vector_load %arg9[%get3A_454, %get3A_455, %get3A_456] {strides = array<i32>} : memref<2x128x128xf32, #tpu.memory_space<vmem>>, vector<16xf32>,
      %get3A_458 = arith.constant 1 : i32
      %get3A_459 = arith.index_cast %get3A_458 : i32 to index
      %get3A_460 = arith.index_cast %scan3A_405 : i32 to index
      %get3A_461 = arith.constant 48 : index
      %get3A_462 = tpu.vector_load %arg10[%get3A_459, %get3A_460, %get3A_461] {strides = array<i32>} : memref<2x128x128xf32, #tpu.memory_space<vmem>>, vector<16xf32>,
      %add3A_463 = arith.addf %get3A_457, %get3A_462 : vector<16xf32>
      %swap3A_464 = arith.constant 1 : i32
      %swap3A_465 = arith.index_cast %swap3A_464 : i32 to index
      %swap3A_466 = arith.index_cast %scan3A_405 : i32 to index
      %swap3A_467 = arith.constant 48 : index
      %swap3A_468 = tpu.vector_load %arg9[%swap3A_465, %swap3A_466, %swap3A_467] {strides = array<i32>} : memref<2x128x128xf32, #tpu.memory_space<vmem>>, vector<16xf32>,
      tpu.vector_store %arg9[%swap3A_465, %swap3A_466, %swap3A_467], %add3A_463 {strides = array<i32>} : memref<2x128x128xf32, #tpu.memory_space<vmem>>, vector<16xf32>,
      %get3A_469 = arith.constant 1 : i32
      %get3A_470 = arith.index_cast %get3A_469 : i32 to index
      %get3A_471 = arith.index_cast %scan3A_405 : i32 to index
      %get3A_472 = arith.constant 64 : index
      %get3A_473 = tpu.vector_load %arg9[%get3A_470, %get3A_471, %get3A_472] {strides = array<i32>} : memref<2x128x128xf32, #tpu.memory_space<vmem>>, vector<16xf32>,
      %get3A_474 = arith.constant 1 : i32
      %get3A_475 = arith.index_cast %get3A_474 : i32 to index
      %get3A_476 = arith.index_cast %scan3A_405 : i32 to index
      %get3A_477 = arith.constant 64 : index
      %get3A_478 = tpu.vector_load %arg10[%get3A_475, %get3A_476, %get3A_477] {strides = array<i32>} : memref<2x128x128xf32, #tpu.memory_space<vmem>>, vector<16xf32>,
      %add3A_479 = arith.addf %get3A_473, %get3A_478 : vector<16xf32>
      %swap3A_480 = arith.constant 1 : i32
      %swap3A_481 = arith.index_cast %swap3A_480 : i32 to index
      %swap3A_482 = arith.index_cast %scan3A_405 : i32 to index
      %swap3A_483 = arith.constant 64 : index
      %swap3A_484 = tpu.vector_load %arg9[%swap3A_481, %swap3A_482, %swap3A_483] {strides = array<i32>} : memref<2x128x128xf32, #tpu.memory_space<vmem>>, vector<16xf32>,
      tpu.vector_store %arg9[%swap3A_481, %swap3A_482, %swap3A_483], %add3A_479 {strides = array<i32>} : memref<2x128x128xf32, #tpu.memory_space<vmem>>, vector<16xf32>,
      %get3A_485 = arith.constant 1 : i32
      %get3A_486 = arith.index_cast %get3A_485 : i32 to index
      %get3A_487 = arith.index_cast %scan3A_405 : i32 to index
      %get3A_488 = arith.constant 80 : index
      %get3A_489 = tpu.vector_load %arg9[%get3A_486, %get3A_487, %get3A_488] {strides = array<i32>} : memref<2x128x128xf32, #tpu.memory_space<vmem>>, vector<16xf32>,
      %get3A_490 = arith.constant 1 : i32
      %get3A_491 = arith.index_cast %get3A_490 : i32 to index
      %get3A_492 = arith.index_cast %scan3A_405 : i32 to index
      %get3A_493 = arith.constant 80 : index
      %get3A_494 = tpu.vector_load %arg10[%get3A_491, %get3A_492, %get3A_493] {strides = array<i32>} : memref<2x128x128xf32, #tpu.memory_space<vmem>>, vector<16xf32>,
      %add3A_495 = arith.addf %get3A_489, %get3A_494 : vector<16xf32>
      %swap3A_496 = arith.constant 1 : i32
      %swap3A_497 = arith.index_cast %swap3A_496 : i32 to index
      %swap3A_498 = arith.index_cast %scan3A_405 : i32 to index
      %swap3A_499 = arith.constant 80 : index
      %swap3A_500 = tpu.vector_load %arg9[%swap3A_497, %swap3A_498, %swap3A_499] {strides = array<i32>} : memref<2x128x128xf32, #tpu.memory_space<vmem>>, vector<16xf32>,
      tpu.vector_store %arg9[%swap3A_497, %swap3A_498, %swap3A_499], %add3A_495 {strides = array<i32>} : memref<2x128x128xf32, #tpu.memory_space<vmem>>, vector<16xf32>,
      %get3A_501 = arith.constant 1 : i32
      %get3A_502 = arith.index_cast %get3A_501 : i32 to index
      %get3A_503 = arith.index_cast %scan3A_405 : i32 to index
      %get3A_504 = arith.constant 96 : index
      %get3A_505 = tpu.vector_load %arg9[%get3A_502, %get3A_503, %get3A_504] {strides = array<i32>} : memref<2x128x128xf32, #tpu.memory_space<vmem>>, vector<16xf32>,
      %get3A_506 = arith.constant 1 : i32
      %get3A_507 = arith.index_cast %get3A_506 : i32 to index
      %get3A_508 = arith.index_cast %scan3A_405 : i32 to index
      %get3A_509 = arith.constant 96 : index
      %get3A_510 = tpu.vector_load %arg10[%get3A_507, %get3A_508, %get3A_509] {strides = array<i32>} : memref<2x128x128xf32, #tpu.memory_space<vmem>>, vector<16xf32>,
      %add3A_511 = arith.addf %get3A_505, %get3A_510 : vector<16xf32>
      %swap3A_512 = arith.constant 1 : i32
      %swap3A_513 = arith.index_cast %swap3A_512 : i32 to index
      %swap3A_514 = arith.index_cast %scan3A_405 : i32 to index
      %swap3A_515 = arith.constant 96 : index
      %swap3A_516 = tpu.vector_load %arg9[%swap3A_513, %swap3A_514, %swap3A_515] {strides = array<i32>} : memref<2x128x128xf32, #tpu.memory_space<vmem>>, vector<16xf32>,
      tpu.vector_store %arg9[%swap3A_513, %swap3A_514, %swap3A_515], %add3A_511 {strides = array<i32>} : memref<2x128x128xf32, #tpu.memory_space<vmem>>, vector<16xf32>,
      %get3A_517 = arith.constant 1 : i32
      %get3A_518 = arith.index_cast %get3A_517 : i32 to index
      %get3A_519 = arith.index_cast %scan3A_405 : i32 to index
      %get3A_520 = arith.constant 112 : index
      %get3A_521 = tpu.vector_load %arg9[%get3A_518, %get3A_519, %get3A_520] {strides = array<i32>} : memref<2x128x128xf32, #tpu.memory_space<vmem>>, vector<16xf32>,
      %get3A_522 = arith.constant 1 : i32
      %get3A_523 = arith.index_cast %get3A_522 : i32 to index
      %get3A_524 = arith.index_cast %scan3A_405 : i32 to index
      %get3A_525 = arith.constant 112 : index
      %get3A_526 = tpu.vector_load %arg10[%get3A_523, %get3A_524, %get3A_525] {strides = array<i32>} : memref<2x128x128xf32, #tpu.memory_space<vmem>>, vector<16xf32>,
      %add3A_527 = arith.addf %get3A_521, %get3A_526 : vector<16xf32>
      %swap3A_528 = arith.constant 1 : i32
      %swap3A_529 = arith.index_cast %swap3A_528 : i32 to index
      %swap3A_530 = arith.index_cast %scan3A_405 : i32 to index
      %swap3A_531 = arith.constant 112 : index
      %swap3A_532 = tpu.vector_load %arg9[%swap3A_529, %swap3A_530, %swap3A_531] {strides = array<i32>} : memref<2x128x128xf32, #tpu.memory_space<vmem>>, vector<16xf32>,
      tpu.vector_store %arg9[%swap3A_529, %swap3A_530, %swap3A_531], %add3A_527 {strides = array<i32>} : memref<2x128x128xf32, #tpu.memory_space<vmem>>, vector<16xf32>,
      %scan3A_533 = arith.constant 0 : i32
      scf.yield %scan3A_533 : i32
    }
    %scan3A_297 = arith.constant 128 : i32
    %run_scoped3A_298 = arith.constant 1 : i32
    "tpu.region"() ({
      %run_scoped3A_405 = tpu.sem_alloc : memref<!tpu.dma_semaphore, #tpu.memory_space<semaphore_mem>>
      %dma_start3A_406 = arith.constant 0 : i32
      %dma_start3A_407 = arith.constant 0 : i32
      %dma_start3A_408 = tpu.memref_slice %arg9[%run_scoped3A_298, %dma_start3A_406, %dma_start3A_407] : memref<2x128x128xf32, #tpu.memory_space<vmem>> -> memref<1x128x128xf32, #tpu.memory_space<vmem>>
      %dma_start3A_409 = tpu.memref_squeeze %dma_start3A_408 : memref<1x128x128xf32, #tpu.memory_space<vmem>> -> memref<128x128xf32, #tpu.memory_space<vmem>>
      %dma_start3A_410 = arith.constant 384 : i32
      %dma_start3A_411 = arith.constant 0 : i32
      %dma_start3A_412 = tpu.memref_slice %arg6[%add3A, %dma_start3A_410, %dma_start3A_411] : memref<32x768x128xf32, #tpu.memory_space<hbm>> -> memref<1x128x128xf32, #tpu.memory_space<hbm>>
      %dma_start3A_413 = tpu.memref_squeeze %dma_start3A_412 : memref<1x128x128xf32, #tpu.memory_space<hbm>> -> memref<128x128xf32, #tpu.memory_space<hbm>>
      %dma_start3A_414 = arith.constant 384 : i32
      %dma_start3A_415 = arith.constant 0 : i32
      %dma_start3A_416 = tpu.memref_slice %arg6[%add3A, %dma_start3A_414, %dma_start3A_415] : memref<32x768x128xf32, #tpu.memory_space<hbm>> -> memref<1x128x128xf32, #tpu.memory_space<hbm>>
      %dma_start3A_417 = tpu.memref_squeeze %dma_start3A_416 : memref<1x128x128xf32, #tpu.memory_space<hbm>> -> memref<128x128xf32, #tpu.memory_space<hbm>>
      %dma_start3A_418 = arith.constant 0 : i32
      %dma_start3A_419 = arith.constant 0 : i32
      %dma_start3A_420 = tpu.memref_slice %arg9[%run_scoped3A_298, %dma_start3A_418, %dma_start3A_419] : memref<2x128x128xf32, #tpu.memory_space<vmem>> -> memref<1x128x128xf32, #tpu.memory_space<vmem>>
      %dma_start3A_421 = tpu.memref_squeeze %dma_start3A_420 : memref<1x128x128xf32, #tpu.memory_space<vmem>> -> memref<128x128xf32, #tpu.memory_space<vmem>>
      tpu.enqueue_dma source(%dma_start3A_421 : memref<128x128xf32, #tpu.memory_space<vmem>>) target(%dma_start3A_417 : memref<128x128xf32, #tpu.memory_space<hbm>>) target_semaphore(%run_scoped3A_405 : memref<!tpu.dma_semaphore, #tpu.memory_space<semaphore_mem>>)
      %dma_wait3A_422 = arith.constant 0 : i32
      %dma_wait3A_423 = arith.constant 0 : i32
      %dma_wait3A_424 = tpu.memref_slice %arg9[%run_scoped3A_298, %dma_wait3A_422, %dma_wait3A_423] : memref<2x128x128xf32, #tpu.memory_space<vmem>> -> memref<1x128x128xf32, #tpu.memory_space<vmem>>
      %dma_wait3A_425 = tpu.memref_squeeze %dma_wait3A_424 : memref<1x128x128xf32, #tpu.memory_space<vmem>> -> memref<128x128xf32, #tpu.memory_space<vmem>>
      %dma_wait3A_426 = arith.constant 384 : i32
      %dma_wait3A_427 = arith.constant 0 : i32
      %dma_wait3A_428 = tpu.memref_slice %arg6[%add3A, %dma_wait3A_426, %dma_wait3A_427] : memref<32x768x128xf32, #tpu.memory_space<hbm>> -> memref<1x128x128xf32, #tpu.memory_space<hbm>>
      %dma_wait3A_429 = tpu.memref_squeeze %dma_wait3A_428 : memref<1x128x128xf32, #tpu.memory_space<hbm>> -> memref<128x128xf32, #tpu.memory_space<hbm>>
      %dma_wait3A_430 = arith.constant 384 : i32
      %dma_wait3A_431 = arith.constant 0 : i32
      %dma_wait3A_432 = tpu.memref_slice %arg6[%add3A, %dma_wait3A_430, %dma_wait3A_431] : memref<32x768x128xf32, #tpu.memory_space<hbm>> -> memref<1x128x128xf32, #tpu.memory_space<hbm>>
      %dma_wait3A_433 = tpu.memref_squeeze %dma_wait3A_432 : memref<1x128x128xf32, #tpu.memory_space<hbm>> -> memref<128x128xf32, #tpu.memory_space<hbm>>
      %dma_wait3A_434 = arith.constant 0 : i32
      %dma_wait3A_435 = arith.constant 0 : i32
      %dma_wait3A_436 = tpu.memref_slice %arg9[%run_scoped3A_298, %dma_wait3A_434, %dma_wait3A_435] : memref<2x128x128xf32, #tpu.memory_space<vmem>> -> memref<1x128x128xf32, #tpu.memory_space<vmem>>
      %dma_wait3A_437 = tpu.memref_squeeze %dma_wait3A_436 : memref<1x128x128xf32, #tpu.memory_space<vmem>> -> memref<128x128xf32, #tpu.memory_space<vmem>>
      tpu.wait_dma2 semaphore(%run_scoped3A_405 : memref<!tpu.dma_semaphore, #tpu.memory_space<semaphore_mem>>) src(%dma_wait3A_437 : memref<128x128xf32, #tpu.memory_space<vmem>>) dst(%dma_wait3A_433 : memref<128x128xf32, #tpu.memory_space<hbm>>)
      tpu.yield
    }) : () -> ()
    %dma_start3A_299 = arith.constant 5 : i32
    %dma_start3A_300 = arith.constant 1 : i32
    %dma_start3A_301 = arith.constant 1 : i32
    %dma_start3A_302 = arith.constant 0 : i32
    %dma_start3A_303 = arith.constant 0 : i32
    %dma_start3A_304 = tpu.memref_slice %arg9[%dma_start3A_300, %dma_start3A_302, %dma_start3A_303] : memref<2x128x128xf32, #tpu.memory_space<vmem>> -> memref<1x128x128xf32, #tpu.memory_space<vmem>>
    %dma_start3A_305 = tpu.memref_squeeze %dma_start3A_304 : memref<1x128x128xf32, #tpu.memory_space<vmem>> -> memref<128x128xf32, #tpu.memory_space<vmem>>
    %dma_start3A_306 = arith.constant 0 : i32
    %dma_start3A_307 = tpu.memref_slice %arg7[%dma_start3A_299, %dma_start3A_306] : memref<6x128xi32, #tpu.memory_space<vmem>> -> memref<1x128xi32, #tpu.memory_space<vmem>>
    %dma_start3A_308 = tpu.memref_squeeze %dma_start3A_307 : memref<1x128xi32, #tpu.memory_space<vmem>> -> memref<128xi32, #tpu.memory_space<vmem>>
    %dma_start3A_309 = arith.constant 0 : i32
    %dma_start3A_310 = arith.constant 0 : i32
    %dma_start3A_311 = tpu.memref_slice %arg2[%dma_start3A_309, %dma_start3A_310] : memref<5099x128xf32, #tpu.memory_space<hbm>> -> memref<5099x128xf32, #tpu.memory_space<hbm>>
    %dma_start3A_312 = tpu.memref_slice %arg11[%dma_start3A_301] : memref<2x!tpu.dma_semaphore, #tpu.memory_space<semaphore_mem>> -> memref<1x!tpu.dma_semaphore, #tpu.memory_space<semaphore_mem>>
    %dma_start3A_313 = tpu.memref_squeeze %dma_start3A_312 : memref<1x!tpu.dma_semaphore, #tpu.memory_space<semaphore_mem>> -> memref<!tpu.dma_semaphore, #tpu.memory_space<semaphore_mem>>
    tpu.enqueue_indirect_dma source(%dma_start3A_311 : memref<5099x128xf32, #tpu.memory_space<hbm>>) target(%dma_start3A_305 : memref<128x128xf32, #tpu.memory_space<vmem>>) offsets(%dma_start3A_308 : memref<128xi32, #tpu.memory_space<vmem>>) semaphore(%dma_start3A_313 : memref<!tpu.dma_semaphore, #tpu.memory_space<semaphore_mem>>)
    %dma_start3A_314 = arith.constant 5 : i32
    %dma_start3A_315 = arith.constant 1 : i32
    %dma_start3A_316 = arith.constant 1 : i32
    %dma_start3A_317 = arith.constant 0 : i32
    %dma_start3A_318 = arith.constant 0 : i32
    %dma_start3A_319 = tpu.memref_slice %arg10[%dma_start3A_315, %dma_start3A_317, %dma_start3A_318] : memref<2x128x128xf32, #tpu.memory_space<vmem>> -> memref<1x128x128xf32, #tpu.memory_space<vmem>>
    %dma_start3A_320 = tpu.memref_squeeze %dma_start3A_319 : memref<1x128x128xf32, #tpu.memory_space<vmem>> -> memref<128x128xf32, #tpu.memory_space<vmem>>
    %dma_start3A_321 = arith.constant 0 : i32
    %dma_start3A_322 = tpu.memref_slice %arg8[%dma_start3A_314, %dma_start3A_321] : memref<6x128xi32, #tpu.memory_space<vmem>> -> memref<1x128xi32, #tpu.memory_space<vmem>>
    %dma_start3A_323 = tpu.memref_squeeze %dma_start3A_322 : memref<1x128xi32, #tpu.memory_space<vmem>> -> memref<128xi32, #tpu.memory_space<vmem>>
    %dma_start3A_324 = arith.constant 0 : i32
    %dma_start3A_325 = arith.constant 0 : i32
    %dma_start3A_326 = tpu.memref_slice %arg3[%dma_start3A_324, %dma_start3A_325] : memref<400x128xf32, #tpu.memory_space<hbm>> -> memref<400x128xf32, #tpu.memory_space<hbm>>
    %dma_start3A_327 = tpu.memref_slice %arg12[%dma_start3A_316] : memref<2x!tpu.dma_semaphore, #tpu.memory_space<semaphore_mem>> -> memref<1x!tpu.dma_semaphore, #tpu.memory_space<semaphore_mem>>
    %dma_start3A_328 = tpu.memref_squeeze %dma_start3A_327 : memref<1x!tpu.dma_semaphore, #tpu.memory_space<semaphore_mem>> -> memref<!tpu.dma_semaphore, #tpu.memory_space<semaphore_mem>>
    tpu.enqueue_indirect_dma source(%dma_start3A_326 : memref<400x128xf32, #tpu.memory_space<hbm>>) target(%dma_start3A_320 : memref<128x128xf32, #tpu.memory_space<vmem>>) offsets(%dma_start3A_323 : memref<128xi32, #tpu.memory_space<vmem>>) semaphore(%dma_start3A_328 : memref<!tpu.dma_semaphore, #tpu.memory_space<semaphore_mem>>)
    %dma_wait3A_329 = arith.constant 4 : i32
    %dma_wait3A_330 = arith.constant 0 : i32
    %dma_wait3A_331 = arith.constant 0 : i32
    %dma_wait3A_332 = arith.constant 0 : i32
    %dma_wait3A_333 = arith.constant 0 : i32
    %dma_wait3A_334 = tpu.memref_slice %arg9[%dma_wait3A_330, %dma_wait3A_332, %dma_wait3A_333] : memref<2x128x128xf32, #tpu.memory_space<vmem>> -> memref<1x128x128xf32, #tpu.memory_space<vmem>>
    %dma_wait3A_335 = tpu.memref_squeeze %dma_wait3A_334 : memref<1x128x128xf32, #tpu.memory_space<vmem>> -> memref<128x128xf32, #tpu.memory_space<vmem>>
    %dma_wait3A_336 = arith.constant 0 : i32
    %dma_wait3A_337 = tpu.memref_slice %arg7[%dma_wait3A_329, %dma_wait3A_336] : memref<6x128xi32, #tpu.memory_space<vmem>> -> memref<1x128xi32, #tpu.memory_space<vmem>>
    %dma_wait3A_338 = tpu.memref_squeeze %dma_wait3A_337 : memref<1x128xi32, #tpu.memory_space<vmem>> -> memref<128xi32, #tpu.memory_space<vmem>>
    %dma_wait3A_339 = arith.constant 0 : i32
    %dma_wait3A_340 = arith.constant 0 : i32
    %dma_wait3A_341 = tpu.memref_slice %arg2[%dma_wait3A_339, %dma_wait3A_340] : memref<5099x128xf32, #tpu.memory_space<hbm>> -> memref<5099x128xf32, #tpu.memory_space<hbm>>
    %dma_wait3A_342 = tpu.memref_slice %arg11[%dma_wait3A_331] : memref<2x!tpu.dma_semaphore, #tpu.memory_space<semaphore_mem>> -> memref<1x!tpu.dma_semaphore, #tpu.memory_space<semaphore_mem>>
    %dma_wait3A_343 = tpu.memref_squeeze %dma_wait3A_342 : memref<1x!tpu.dma_semaphore, #tpu.memory_space<semaphore_mem>> -> memref<!tpu.dma_semaphore, #tpu.memory_space<semaphore_mem>>
    tpu.wait_indirect_dma semaphore(%dma_wait3A_343 : memref<!tpu.dma_semaphore, #tpu.memory_space<semaphore_mem>>) src(%dma_wait3A_341 : memref<5099x128xf32, #tpu.memory_space<hbm>>) dst(%dma_wait3A_335 : memref<128x128xf32, #tpu.memory_space<vmem>>)
    %dma_wait3A_344 = arith.constant 4 : i32
    %dma_wait3A_345 = arith.constant 0 : i32
    %dma_wait3A_346 = arith.constant 0 : i32
    %dma_wait3A_347 = arith.constant 0 : i32
    %dma_wait3A_348 = arith.constant 0 : i32
    %dma_wait3A_349 = tpu.memref_slice %arg10[%dma_wait3A_345, %dma_wait3A_347, %dma_wait3A_348] : memref<2x128x128xf32, #tpu.memory_space<vmem>> -> memref<1x128x128xf32, #tpu.memory_space<vmem>>
    %dma_wait3A_350 = tpu.memref_squeeze %dma_wait3A_349 : memref<1x128x128xf32, #tpu.memory_space<vmem>> -> memref<128x128xf32, #tpu.memory_space<vmem>>
    %dma_wait3A_351 = arith.constant 0 : i32
    %dma_wait3A_352 = tpu.memref_slice %arg8[%dma_wait3A_344, %dma_wait3A_351] : memref<6x128xi32, #tpu.memory_space<vmem>> -> memref<1x128xi32, #tpu.memory_space<vmem>>
    %dma_wait3A_353 = tpu.memref_squeeze %dma_wait3A_352 : memref<1x128xi32, #tpu.memory_space<vmem>> -> memref<128xi32, #tpu.memory_space<vmem>>
    %dma_wait3A_354 = arith.constant 0 : i32
    %dma_wait3A_355 = arith.constant 0 : i32
    %dma_wait3A_356 = tpu.memref_slice %arg3[%dma_wait3A_354, %dma_wait3A_355] : memref<400x128xf32, #tpu.memory_space<hbm>> -> memref<400x128xf32, #tpu.memory_space<hbm>>
    %dma_wait3A_357 = tpu.memref_slice %arg12[%dma_wait3A_346] : memref<2x!tpu.dma_semaphore, #tpu.memory_space<semaphore_mem>> -> memref<1x!tpu.dma_semaphore, #tpu.memory_space<semaphore_mem>>
    %dma_wait3A_358 = tpu.memref_squeeze %dma_wait3A_357 : memref<1x!tpu.dma_semaphore, #tpu.memory_space<semaphore_mem>> -> memref<!tpu.dma_semaphore, #tpu.memory_space<semaphore_mem>>
    tpu.wait_indirect_dma semaphore(%dma_wait3A_358 : memref<!tpu.dma_semaphore, #tpu.memory_space<semaphore_mem>>) src(%dma_wait3A_356 : memref<400x128xf32, #tpu.memory_space<hbm>>) dst(%dma_wait3A_350 : memref<128x128xf32, #tpu.memory_space<vmem>>)
    %scan3A_359 = arith.constant 0 : i32
    %scan3A_360 = arith.constant 0 : i32
    %scan3A_361 = arith.constant 128 : i32
    %scan3A_362 = arith.addi %scan3A_360, %scan3A_361 : i32
    %scan3A_363 = arith.constant 1 : i32
    %scan3A_364 = scf.for %scan3A_405 = %scan3A_360 to %scan3A_362 step %scan3A_363 iter_args(%scan3A_406 = %scan3A_359) -> (i32)  : i32 {
      %get3A = arith.constant 0 : i32
      %get3A_407 = arith.index_cast %get3A : i32 to index
      %get3A_408 = arith.index_cast %scan3A_405 : i32 to index
      %get3A_409 = arith.constant 0 : index
      %get3A_410 = tpu.vector_load %arg9[%get3A_407, %get3A_408, %get3A_409] {strides = array<i32>} : memref<2x128x128xf32, #tpu.memory_space<vmem>>, vector<16xf32>,
      %get3A_411 = arith.constant 0 : i32
      %get3A_412 = arith.index_cast %get3A_411 : i32 to index
      %get3A_413 = arith.index_cast %scan3A_405 : i32 to index
      %get3A_414 = arith.constant 0 : index
      %get3A_415 = tpu.vector_load %arg10[%get3A_412, %get3A_413, %get3A_414] {strides = array<i32>} : memref<2x128x128xf32, #tpu.memory_space<vmem>>, vector<16xf32>,
      %add3A_416 = arith.addf %get3A_410, %get3A_415 : vector<16xf32>
      %swap3A = arith.constant 0 : i32
      %swap3A_417 = arith.index_cast %swap3A : i32 to index
      %swap3A_418 = arith.index_cast %scan3A_405 : i32 to index
      %swap3A_419 = arith.constant 0 : index
      %swap3A_420 = tpu.vector_load %arg9[%swap3A_417, %swap3A_418, %swap3A_419] {strides = array<i32>} : memref<2x128x128xf32, #tpu.memory_space<vmem>>, vector<16xf32>,
      tpu.vector_store %arg9[%swap3A_417, %swap3A_418, %swap3A_419], %add3A_416 {strides = array<i32>} : memref<2x128x128xf32, #tpu.memory_space<vmem>>, vector<16xf32>,
      %get3A_421 = arith.constant 0 : i32
      %get3A_422 = arith.index_cast %get3A_421 : i32 to index
      %get3A_423 = arith.index_cast %scan3A_405 : i32 to index
      %get3A_424 = arith.constant 16 : index
      %get3A_425 = tpu.vector_load %arg9[%get3A_422, %get3A_423, %get3A_424] {strides = array<i32>} : memref<2x128x128xf32, #tpu.memory_space<vmem>>, vector<16xf32>,
      %get3A_426 = arith.constant 0 : i32
      %get3A_427 = arith.index_cast %get3A_426 : i32 to index
      %get3A_428 = arith.index_cast %scan3A_405 : i32 to index
      %get3A_429 = arith.constant 16 : index
      %get3A_430 = tpu.vector_load %arg10[%get3A_427, %get3A_428, %get3A_429] {strides = array<i32>} : memref<2x128x128xf32, #tpu.memory_space<vmem>>, vector<16xf32>,
      %add3A_431 = arith.addf %get3A_425, %get3A_430 : vector<16xf32>
      %swap3A_432 = arith.constant 0 : i32
      %swap3A_433 = arith.index_cast %swap3A_432 : i32 to index
      %swap3A_434 = arith.index_cast %scan3A_405 : i32 to index
      %swap3A_435 = arith.constant 16 : index
      %swap3A_436 = tpu.vector_load %arg9[%swap3A_433, %swap3A_434, %swap3A_435] {strides = array<i32>} : memref<2x128x128xf32, #tpu.memory_space<vmem>>, vector<16xf32>,
      tpu.vector_store %arg9[%swap3A_433, %swap3A_434, %swap3A_435], %add3A_431 {strides = array<i32>} : memref<2x128x128xf32, #tpu.memory_space<vmem>>, vector<16xf32>,
      %get3A_437 = arith.constant 0 : i32
      %get3A_438 = arith.index_cast %get3A_437 : i32 to index
      %get3A_439 = arith.index_cast %scan3A_405 : i32 to index
      %get3A_440 = arith.constant 32 : index
      %get3A_441 = tpu.vector_load %arg9[%get3A_438, %get3A_439, %get3A_440] {strides = array<i32>} : memref<2x128x128xf32, #tpu.memory_space<vmem>>, vector<16xf32>,
      %get3A_442 = arith.constant 0 : i32
      %get3A_443 = arith.index_cast %get3A_442 : i32 to index
      %get3A_444 = arith.index_cast %scan3A_405 : i32 to index
      %get3A_445 = arith.constant 32 : index
      %get3A_446 = tpu.vector_load %arg10[%get3A_443, %get3A_444, %get3A_445] {strides = array<i32>} : memref<2x128x128xf32, #tpu.memory_space<vmem>>, vector<16xf32>,
      %add3A_447 = arith.addf %get3A_441, %get3A_446 : vector<16xf32>
      %swap3A_448 = arith.constant 0 : i32
      %swap3A_449 = arith.index_cast %swap3A_448 : i32 to index
      %swap3A_450 = arith.index_cast %scan3A_405 : i32 to index
      %swap3A_451 = arith.constant 32 : index
      %swap3A_452 = tpu.vector_load %arg9[%swap3A_449, %swap3A_450, %swap3A_451] {strides = array<i32>} : memref<2x128x128xf32, #tpu.memory_space<vmem>>, vector<16xf32>,
      tpu.vector_store %arg9[%swap3A_449, %swap3A_450, %swap3A_451], %add3A_447 {strides = array<i32>} : memref<2x128x128xf32, #tpu.memory_space<vmem>>, vector<16xf32>,
      %get3A_453 = arith.constant 0 : i32
      %get3A_454 = arith.index_cast %get3A_453 : i32 to index
      %get3A_455 = arith.index_cast %scan3A_405 : i32 to index
      %get3A_456 = arith.constant 48 : index
      %get3A_457 = tpu.vector_load %arg9[%get3A_454, %get3A_455, %get3A_456] {strides = array<i32>} : memref<2x128x128xf32, #tpu.memory_space<vmem>>, vector<16xf32>,
      %get3A_458 = arith.constant 0 : i32
      %get3A_459 = arith.index_cast %get3A_458 : i32 to index
      %get3A_460 = arith.index_cast %scan3A_405 : i32 to index
      %get3A_461 = arith.constant 48 : index
      %get3A_462 = tpu.vector_load %arg10[%get3A_459, %get3A_460, %get3A_461] {strides = array<i32>} : memref<2x128x128xf32, #tpu.memory_space<vmem>>, vector<16xf32>,
      %add3A_463 = arith.addf %get3A_457, %get3A_462 : vector<16xf32>
      %swap3A_464 = arith.constant 0 : i32
      %swap3A_465 = arith.index_cast %swap3A_464 : i32 to index
      %swap3A_466 = arith.index_cast %scan3A_405 : i32 to index
      %swap3A_467 = arith.constant 48 : index
      %swap3A_468 = tpu.vector_load %arg9[%swap3A_465, %swap3A_466, %swap3A_467] {strides = array<i32>} : memref<2x128x128xf32, #tpu.memory_space<vmem>>, vector<16xf32>,
      tpu.vector_store %arg9[%swap3A_465, %swap3A_466, %swap3A_467], %add3A_463 {strides = array<i32>} : memref<2x128x128xf32, #tpu.memory_space<vmem>>, vector<16xf32>,
      %get3A_469 = arith.constant 0 : i32
      %get3A_470 = arith.index_cast %get3A_469 : i32 to index
      %get3A_471 = arith.index_cast %scan3A_405 : i32 to index
      %get3A_472 = arith.constant 64 : index
      %get3A_473 = tpu.vector_load %arg9[%get3A_470, %get3A_471, %get3A_472] {strides = array<i32>} : memref<2x128x128xf32, #tpu.memory_space<vmem>>, vector<16xf32>,
      %get3A_474 = arith.constant 0 : i32
      %get3A_475 = arith.index_cast %get3A_474 : i32 to index
      %get3A_476 = arith.index_cast %scan3A_405 : i32 to index
      %get3A_477 = arith.constant 64 : index
      %get3A_478 = tpu.vector_load %arg10[%get3A_475, %get3A_476, %get3A_477] {strides = array<i32>} : memref<2x128x128xf32, #tpu.memory_space<vmem>>, vector<16xf32>,
      %add3A_479 = arith.addf %get3A_473, %get3A_478 : vector<16xf32>
      %swap3A_480 = arith.constant 0 : i32
      %swap3A_481 = arith.index_cast %swap3A_480 : i32 to index
      %swap3A_482 = arith.index_cast %scan3A_405 : i32 to index
      %swap3A_483 = arith.constant 64 : index
      %swap3A_484 = tpu.vector_load %arg9[%swap3A_481, %swap3A_482, %swap3A_483] {strides = array<i32>} : memref<2x128x128xf32, #tpu.memory_space<vmem>>, vector<16xf32>,
      tpu.vector_store %arg9[%swap3A_481, %swap3A_482, %swap3A_483], %add3A_479 {strides = array<i32>} : memref<2x128x128xf32, #tpu.memory_space<vmem>>, vector<16xf32>,
      %get3A_485 = arith.constant 0 : i32
      %get3A_486 = arith.index_cast %get3A_485 : i32 to index
      %get3A_487 = arith.index_cast %scan3A_405 : i32 to index
      %get3A_488 = arith.constant 80 : index
      %get3A_489 = tpu.vector_load %arg9[%get3A_486, %get3A_487, %get3A_488] {strides = array<i32>} : memref<2x128x128xf32, #tpu.memory_space<vmem>>, vector<16xf32>,
      %get3A_490 = arith.constant 0 : i32
      %get3A_491 = arith.index_cast %get3A_490 : i32 to index
      %get3A_492 = arith.index_cast %scan3A_405 : i32 to index
      %get3A_493 = arith.constant 80 : index
      %get3A_494 = tpu.vector_load %arg10[%get3A_491, %get3A_492, %get3A_493] {strides = array<i32>} : memref<2x128x128xf32, #tpu.memory_space<vmem>>, vector<16xf32>,
      %add3A_495 = arith.addf %get3A_489, %get3A_494 : vector<16xf32>
      %swap3A_496 = arith.constant 0 : i32
      %swap3A_497 = arith.index_cast %swap3A_496 : i32 to index
      %swap3A_498 = arith.index_cast %scan3A_405 : i32 to index
      %swap3A_499 = arith.constant 80 : index
      %swap3A_500 = tpu.vector_load %arg9[%swap3A_497, %swap3A_498, %swap3A_499] {strides = array<i32>} : memref<2x128x128xf32, #tpu.memory_space<vmem>>, vector<16xf32>,
      tpu.vector_store %arg9[%swap3A_497, %swap3A_498, %swap3A_499], %add3A_495 {strides = array<i32>} : memref<2x128x128xf32, #tpu.memory_space<vmem>>, vector<16xf32>,
      %get3A_501 = arith.constant 0 : i32
      %get3A_502 = arith.index_cast %get3A_501 : i32 to index
      %get3A_503 = arith.index_cast %scan3A_405 : i32 to index
      %get3A_504 = arith.constant 96 : index
      %get3A_505 = tpu.vector_load %arg9[%get3A_502, %get3A_503, %get3A_504] {strides = array<i32>} : memref<2x128x128xf32, #tpu.memory_space<vmem>>, vector<16xf32>,
      %get3A_506 = arith.constant 0 : i32
      %get3A_507 = arith.index_cast %get3A_506 : i32 to index
      %get3A_508 = arith.index_cast %scan3A_405 : i32 to index
      %get3A_509 = arith.constant 96 : index
      %get3A_510 = tpu.vector_load %arg10[%get3A_507, %get3A_508, %get3A_509] {strides = array<i32>} : memref<2x128x128xf32, #tpu.memory_space<vmem>>, vector<16xf32>,
      %add3A_511 = arith.addf %get3A_505, %get3A_510 : vector<16xf32>
      %swap3A_512 = arith.constant 0 : i32
      %swap3A_513 = arith.index_cast %swap3A_512 : i32 to index
      %swap3A_514 = arith.index_cast %scan3A_405 : i32 to index
      %swap3A_515 = arith.constant 96 : index
      %swap3A_516 = tpu.vector_load %arg9[%swap3A_513, %swap3A_514, %swap3A_515] {strides = array<i32>} : memref<2x128x128xf32, #tpu.memory_space<vmem>>, vector<16xf32>,
      tpu.vector_store %arg9[%swap3A_513, %swap3A_514, %swap3A_515], %add3A_511 {strides = array<i32>} : memref<2x128x128xf32, #tpu.memory_space<vmem>>, vector<16xf32>,
      %get3A_517 = arith.constant 0 : i32
      %get3A_518 = arith.index_cast %get3A_517 : i32 to index
      %get3A_519 = arith.index_cast %scan3A_405 : i32 to index
      %get3A_520 = arith.constant 112 : index
      %get3A_521 = tpu.vector_load %arg9[%get3A_518, %get3A_519, %get3A_520] {strides = array<i32>} : memref<2x128x128xf32, #tpu.memory_space<vmem>>, vector<16xf32>,
      %get3A_522 = arith.constant 0 : i32
      %get3A_523 = arith.index_cast %get3A_522 : i32 to index
      %get3A_524 = arith.index_cast %scan3A_405 : i32 to index
      %get3A_525 = arith.constant 112 : index
      %get3A_526 = tpu.vector_load %arg10[%get3A_523, %get3A_524, %get3A_525] {strides = array<i32>} : memref<2x128x128xf32, #tpu.memory_space<vmem>>, vector<16xf32>,
      %add3A_527 = arith.addf %get3A_521, %get3A_526 : vector<16xf32>
      %swap3A_528 = arith.constant 0 : i32
      %swap3A_529 = arith.index_cast %swap3A_528 : i32 to index
      %swap3A_530 = arith.index_cast %scan3A_405 : i32 to index
      %swap3A_531 = arith.constant 112 : index
      %swap3A_532 = tpu.vector_load %arg9[%swap3A_529, %swap3A_530, %swap3A_531] {strides = array<i32>} : memref<2x128x128xf32, #tpu.memory_space<vmem>>, vector<16xf32>,
      tpu.vector_store %arg9[%swap3A_529, %swap3A_530, %swap3A_531], %add3A_527 {strides = array<i32>} : memref<2x128x128xf32, #tpu.memory_space<vmem>>, vector<16xf32>,
      %scan3A_533 = arith.constant 0 : i32
      scf.yield %scan3A_533 : i32
    }
    %scan3A_365 = arith.constant 128 : i32
    %run_scoped3A_366 = arith.constant 0 : i32
    "tpu.region"() ({
      %run_scoped3A_405 = tpu.sem_alloc : memref<!tpu.dma_semaphore, #tpu.memory_space<semaphore_mem>>
      %dma_start3A_406 = arith.constant 0 : i32
      %dma_start3A_407 = arith.constant 0 : i32
      %dma_start3A_408 = tpu.memref_slice %arg9[%run_scoped3A_366, %dma_start3A_406, %dma_start3A_407] : memref<2x128x128xf32, #tpu.memory_space<vmem>> -> memref<1x128x128xf32, #tpu.memory_space<vmem>>
      %dma_start3A_409 = tpu.memref_squeeze %dma_start3A_408 : memref<1x128x128xf32, #tpu.memory_space<vmem>> -> memref<128x128xf32, #tpu.memory_space<vmem>>
      %dma_start3A_410 = arith.constant 512 : i32
      %dma_start3A_411 = arith.constant 0 : i32
      %dma_start3A_412 = tpu.memref_slice %arg6[%add3A, %dma_start3A_410, %dma_start3A_411] : memref<32x768x128xf32, #tpu.memory_space<hbm>> -> memref<1x128x128xf32, #tpu.memory_space<hbm>>
      %dma_start3A_413 = tpu.memref_squeeze %dma_start3A_412 : memref<1x128x128xf32, #tpu.memory_space<hbm>> -> memref<128x128xf32, #tpu.memory_space<hbm>>
      %dma_start3A_414 = arith.constant 512 : i32
      %dma_start3A_415 = arith.constant 0 : i32
      %dma_start3A_416 = tpu.memref_slice %arg6[%add3A, %dma_start3A_414, %dma_start3A_415] : memref<32x768x128xf32, #tpu.memory_space<hbm>> -> memref<1x128x128xf32, #tpu.memory_space<hbm>>
      %dma_start3A_417 = tpu.memref_squeeze %dma_start3A_416 : memref<1x128x128xf32, #tpu.memory_space<hbm>> -> memref<128x128xf32, #tpu.memory_space<hbm>>
      %dma_start3A_418 = arith.constant 0 : i32
      %dma_start3A_419 = arith.constant 0 : i32
      %dma_start3A_420 = tpu.memref_slice %arg9[%run_scoped3A_366, %dma_start3A_418, %dma_start3A_419] : memref<2x128x128xf32, #tpu.memory_space<vmem>> -> memref<1x128x128xf32, #tpu.memory_space<vmem>>
      %dma_start3A_421 = tpu.memref_squeeze %dma_start3A_420 : memref<1x128x128xf32, #tpu.memory_space<vmem>> -> memref<128x128xf32, #tpu.memory_space<vmem>>
      tpu.enqueue_dma source(%dma_start3A_421 : memref<128x128xf32, #tpu.memory_space<vmem>>) target(%dma_start3A_417 : memref<128x128xf32, #tpu.memory_space<hbm>>) target_semaphore(%run_scoped3A_405 : memref<!tpu.dma_semaphore, #tpu.memory_space<semaphore_mem>>)
      %dma_wait3A_422 = arith.constant 0 : i32
      %dma_wait3A_423 = arith.constant 0 : i32
      %dma_wait3A_424 = tpu.memref_slice %arg9[%run_scoped3A_366, %dma_wait3A_422, %dma_wait3A_423] : memref<2x128x128xf32, #tpu.memory_space<vmem>> -> memref<1x128x128xf32, #tpu.memory_space<vmem>>
      %dma_wait3A_425 = tpu.memref_squeeze %dma_wait3A_424 : memref<1x128x128xf32, #tpu.memory_space<vmem>> -> memref<128x128xf32, #tpu.memory_space<vmem>>
      %dma_wait3A_426 = arith.constant 512 : i32
      %dma_wait3A_427 = arith.constant 0 : i32
      %dma_wait3A_428 = tpu.memref_slice %arg6[%add3A, %dma_wait3A_426, %dma_wait3A_427] : memref<32x768x128xf32, #tpu.memory_space<hbm>> -> memref<1x128x128xf32, #tpu.memory_space<hbm>>
      %dma_wait3A_429 = tpu.memref_squeeze %dma_wait3A_428 : memref<1x128x128xf32, #tpu.memory_space<hbm>> -> memref<128x128xf32, #tpu.memory_space<hbm>>
      %dma_wait3A_430 = arith.constant 512 : i32
      %dma_wait3A_431 = arith.constant 0 : i32
      %dma_wait3A_432 = tpu.memref_slice %arg6[%add3A, %dma_wait3A_430, %dma_wait3A_431] : memref<32x768x128xf32, #tpu.memory_space<hbm>> -> memref<1x128x128xf32, #tpu.memory_space<hbm>>
      %dma_wait3A_433 = tpu.memref_squeeze %dma_wait3A_432 : memref<1x128x128xf32, #tpu.memory_space<hbm>> -> memref<128x128xf32, #tpu.memory_space<hbm>>
      %dma_wait3A_434 = arith.constant 0 : i32
      %dma_wait3A_435 = arith.constant 0 : i32
      %dma_wait3A_436 = tpu.memref_slice %arg9[%run_scoped3A_366, %dma_wait3A_434, %dma_wait3A_435] : memref<2x128x128xf32, #tpu.memory_space<vmem>> -> memref<1x128x128xf32, #tpu.memory_space<vmem>>
      %dma_wait3A_437 = tpu.memref_squeeze %dma_wait3A_436 : memref<1x128x128xf32, #tpu.memory_space<vmem>> -> memref<128x128xf32, #tpu.memory_space<vmem>>
      tpu.wait_dma2 semaphore(%run_scoped3A_405 : memref<!tpu.dma_semaphore, #tpu.memory_space<semaphore_mem>>) src(%dma_wait3A_437 : memref<128x128xf32, #tpu.memory_space<vmem>>) dst(%dma_wait3A_433 : memref<128x128xf32, #tpu.memory_space<hbm>>)
      tpu.yield
    }) : () -> ()
    %dma_wait3A_367 = arith.constant 5 : i32
    %dma_wait3A_368 = arith.constant 1 : i32
    %dma_wait3A_369 = arith.constant 1 : i32
    %dma_wait3A_370 = arith.constant 0 : i32
    %dma_wait3A_371 = arith.constant 0 : i32
    %dma_wait3A_372 = tpu.memref_slice %arg9[%dma_wait3A_368, %dma_wait3A_370, %dma_wait3A_371] : memref<2x128x128xf32, #tpu.memory_space<vmem>> -> memref<1x128x128xf32, #tpu.memory_space<vmem>>
    %dma_wait3A_373 = tpu.memref_squeeze %dma_wait3A_372 : memref<1x128x128xf32, #tpu.memory_space<vmem>> -> memref<128x128xf32, #tpu.memory_space<vmem>>
    %dma_wait3A_374 = arith.constant 0 : i32
    %dma_wait3A_375 = tpu.memref_slice %arg7[%dma_wait3A_367, %dma_wait3A_374] : memref<6x128xi32, #tpu.memory_space<vmem>> -> memref<1x128xi32, #tpu.memory_space<vmem>>
    %dma_wait3A_376 = tpu.memref_squeeze %dma_wait3A_375 : memref<1x128xi32, #tpu.memory_space<vmem>> -> memref<128xi32, #tpu.memory_space<vmem>>
    %dma_wait3A_377 = arith.constant 0 : i32
    %dma_wait3A_378 = arith.constant 0 : i32
    %dma_wait3A_379 = tpu.memref_slice %arg2[%dma_wait3A_377, %dma_wait3A_378] : memref<5099x128xf32, #tpu.memory_space<hbm>> -> memref<5099x128xf32, #tpu.memory_space<hbm>>
    %dma_wait3A_380 = tpu.memref_slice %arg11[%dma_wait3A_369] : memref<2x!tpu.dma_semaphore, #tpu.memory_space<semaphore_mem>> -> memref<1x!tpu.dma_semaphore, #tpu.memory_space<semaphore_mem>>
    %dma_wait3A_381 = tpu.memref_squeeze %dma_wait3A_380 : memref<1x!tpu.dma_semaphore, #tpu.memory_space<semaphore_mem>> -> memref<!tpu.dma_semaphore, #tpu.memory_space<semaphore_mem>>
    tpu.wait_indirect_dma semaphore(%dma_wait3A_381 : memref<!tpu.dma_semaphore, #tpu.memory_space<semaphore_mem>>) src(%dma_wait3A_379 : memref<5099x128xf32, #tpu.memory_space<hbm>>) dst(%dma_wait3A_373 : memref<128x128xf32, #tpu.memory_space<vmem>>)
    %dma_wait3A_382 = arith.constant 5 : i32
    %dma_wait3A_383 = arith.constant 1 : i32
    %dma_wait3A_384 = arith.constant 1 : i32
    %dma_wait3A_385 = arith.constant 0 : i32
    %dma_wait3A_386 = arith.constant 0 : i32
    %dma_wait3A_387 = tpu.memref_slice %arg10[%dma_wait3A_383, %dma_wait3A_385, %dma_wait3A_386] : memref<2x128x128xf32, #tpu.memory_space<vmem>> -> memref<1x128x128xf32, #tpu.memory_space<vmem>>
    %dma_wait3A_388 = tpu.memref_squeeze %dma_wait3A_387 : memref<1x128x128xf32, #tpu.memory_space<vmem>> -> memref<128x128xf32, #tpu.memory_space<vmem>>
    %dma_wait3A_389 = arith.constant 0 : i32
    %dma_wait3A_390 = tpu.memref_slice %arg8[%dma_wait3A_382, %dma_wait3A_389] : memref<6x128xi32, #tpu.memory_space<vmem>> -> memref<1x128xi32, #tpu.memory_space<vmem>>
    %dma_wait3A_391 = tpu.memref_squeeze %dma_wait3A_390 : memref<1x128xi32, #tpu.memory_space<vmem>> -> memref<128xi32, #tpu.memory_space<vmem>>
    %dma_wait3A_392 = arith.constant 0 : i32
    %dma_wait3A_393 = arith.constant 0 : i32
    %dma_wait3A_394 = tpu.memref_slice %arg3[%dma_wait3A_392, %dma_wait3A_393] : memref<400x128xf32, #tpu.memory_space<hbm>> -> memref<400x128xf32, #tpu.memory_space<hbm>>
    %dma_wait3A_395 = tpu.memref_slice %arg12[%dma_wait3A_384] : memref<2x!tpu.dma_semaphore, #tpu.memory_space<semaphore_mem>> -> memref<1x!tpu.dma_semaphore, #tpu.memory_space<semaphore_mem>>
    %dma_wait3A_396 = tpu.memref_squeeze %dma_wait3A_395 : memref<1x!tpu.dma_semaphore, #tpu.memory_space<semaphore_mem>> -> memref<!tpu.dma_semaphore, #tpu.memory_space<semaphore_mem>>
    tpu.wait_indirect_dma semaphore(%dma_wait3A_396 : memref<!tpu.dma_semaphore, #tpu.memory_space<semaphore_mem>>) src(%dma_wait3A_394 : memref<400x128xf32, #tpu.memory_space<hbm>>) dst(%dma_wait3A_388 : memref<128x128xf32, #tpu.memory_space<vmem>>)
    %scan3A_397 = arith.constant 0 : i32
    %scan3A_398 = arith.constant 0 : i32
    %scan3A_399 = arith.constant 128 : i32
    %scan3A_400 = arith.addi %scan3A_398, %scan3A_399 : i32
    %scan3A_401 = arith.constant 1 : i32
    %scan3A_402 = scf.for %scan3A_405 = %scan3A_398 to %scan3A_400 step %scan3A_401 iter_args(%scan3A_406 = %scan3A_397) -> (i32)  : i32 {
      %get3A = arith.constant 1 : i32
      %get3A_407 = arith.index_cast %get3A : i32 to index
      %get3A_408 = arith.index_cast %scan3A_405 : i32 to index
      %get3A_409 = arith.constant 0 : index
      %get3A_410 = tpu.vector_load %arg9[%get3A_407, %get3A_408, %get3A_409] {strides = array<i32>} : memref<2x128x128xf32, #tpu.memory_space<vmem>>, vector<16xf32>,
      %get3A_411 = arith.constant 1 : i32
      %get3A_412 = arith.index_cast %get3A_411 : i32 to index
      %get3A_413 = arith.index_cast %scan3A_405 : i32 to index
      %get3A_414 = arith.constant 0 : index
      %get3A_415 = tpu.vector_load %arg10[%get3A_412, %get3A_413, %get3A_414] {strides = array<i32>} : memref<2x128x128xf32, #tpu.memory_space<vmem>>, vector<16xf32>,
      %add3A_416 = arith.addf %get3A_410, %get3A_415 : vector<16xf32>
      %swap3A = arith.constant 1 : i32
      %swap3A_417 = arith.index_cast %swap3A : i32 to index
      %swap3A_418 = arith.index_cast %scan3A_405 : i32 to index
      %swap3A_419 = arith.constant 0 : index
      %swap3A_420 = tpu.vector_load %arg9[%swap3A_417, %swap3A_418, %swap3A_419] {strides = array<i32>} : memref<2x128x128xf32, #tpu.memory_space<vmem>>, vector<16xf32>,
      tpu.vector_store %arg9[%swap3A_417, %swap3A_418, %swap3A_419], %add3A_416 {strides = array<i32>} : memref<2x128x128xf32, #tpu.memory_space<vmem>>, vector<16xf32>,
      %get3A_421 = arith.constant 1 : i32
      %get3A_422 = arith.index_cast %get3A_421 : i32 to index
      %get3A_423 = arith.index_cast %scan3A_405 : i32 to index
      %get3A_424 = arith.constant 16 : index
      %get3A_425 = tpu.vector_load %arg9[%get3A_422, %get3A_423, %get3A_424] {strides = array<i32>} : memref<2x128x128xf32, #tpu.memory_space<vmem>>, vector<16xf32>,
      %get3A_426 = arith.constant 1 : i32
      %get3A_427 = arith.index_cast %get3A_426 : i32 to index
      %get3A_428 = arith.index_cast %scan3A_405 : i32 to index
      %get3A_429 = arith.constant 16 : index
      %get3A_430 = tpu.vector_load %arg10[%get3A_427, %get3A_428, %get3A_429] {strides = array<i32>} : memref<2x128x128xf32, #tpu.memory_space<vmem>>, vector<16xf32>,
      %add3A_431 = arith.addf %get3A_425, %get3A_430 : vector<16xf32>
      %swap3A_432 = arith.constant 1 : i32
      %swap3A_433 = arith.index_cast %swap3A_432 : i32 to index
      %swap3A_434 = arith.index_cast %scan3A_405 : i32 to index
      %swap3A_435 = arith.constant 16 : index
      %swap3A_436 = tpu.vector_load %arg9[%swap3A_433, %swap3A_434, %swap3A_435] {strides = array<i32>} : memref<2x128x128xf32, #tpu.memory_space<vmem>>, vector<16xf32>,
      tpu.vector_store %arg9[%swap3A_433, %swap3A_434, %swap3A_435], %add3A_431 {strides = array<i32>} : memref<2x128x128xf32, #tpu.memory_space<vmem>>, vector<16xf32>,
      %get3A_437 = arith.constant 1 : i32
      %get3A_438 = arith.index_cast %get3A_437 : i32 to index
      %get3A_439 = arith.index_cast %scan3A_405 : i32 to index
      %get3A_440 = arith.constant 32 : index
      %get3A_441 = tpu.vector_load %arg9[%get3A_438, %get3A_439, %get3A_440] {strides = array<i32>} : memref<2x128x128xf32, #tpu.memory_space<vmem>>, vector<16xf32>,
      %get3A_442 = arith.constant 1 : i32
      %get3A_443 = arith.index_cast %get3A_442 : i32 to index
      %get3A_444 = arith.index_cast %scan3A_405 : i32 to index
      %get3A_445 = arith.constant 32 : index
      %get3A_446 = tpu.vector_load %arg10[%get3A_443, %get3A_444, %get3A_445] {strides = array<i32>} : memref<2x128x128xf32, #tpu.memory_space<vmem>>, vector<16xf32>,
      %add3A_447 = arith.addf %get3A_441, %get3A_446 : vector<16xf32>
      %swap3A_448 = arith.constant 1 : i32
      %swap3A_449 = arith.index_cast %swap3A_448 : i32 to index
      %swap3A_450 = arith.index_cast %scan3A_405 : i32 to index
      %swap3A_451 = arith.constant 32 : index
      %swap3A_452 = tpu.vector_load %arg9[%swap3A_449, %swap3A_450, %swap3A_451] {strides = array<i32>} : memref<2x128x128xf32, #tpu.memory_space<vmem>>, vector<16xf32>,
      tpu.vector_store %arg9[%swap3A_449, %swap3A_450, %swap3A_451], %add3A_447 {strides = array<i32>} : memref<2x128x128xf32, #tpu.memory_space<vmem>>, vector<16xf32>,
      %get3A_453 = arith.constant 1 : i32
      %get3A_454 = arith.index_cast %get3A_453 : i32 to index
      %get3A_455 = arith.index_cast %scan3A_405 : i32 to index
      %get3A_456 = arith.constant 48 : index
      %get3A_457 = tpu.vector_load %arg9[%get3A_454, %get3A_455, %get3A_456] {strides = array<i32>} : memref<2x128x128xf32, #tpu.memory_space<vmem>>, vector<16xf32>,
      %get3A_458 = arith.constant 1 : i32
      %get3A_459 = arith.index_cast %get3A_458 : i32 to index
      %get3A_460 = arith.index_cast %scan3A_405 : i32 to index
      %get3A_461 = arith.constant 48 : index
      %get3A_462 = tpu.vector_load %arg10[%get3A_459, %get3A_460, %get3A_461] {strides = array<i32>} : memref<2x128x128xf32, #tpu.memory_space<vmem>>, vector<16xf32>,
      %add3A_463 = arith.addf %get3A_457, %get3A_462 : vector<16xf32>
      %swap3A_464 = arith.constant 1 : i32
      %swap3A_465 = arith.index_cast %swap3A_464 : i32 to index
      %swap3A_466 = arith.index_cast %scan3A_405 : i32 to index
      %swap3A_467 = arith.constant 48 : index
      %swap3A_468 = tpu.vector_load %arg9[%swap3A_465, %swap3A_466, %swap3A_467] {strides = array<i32>} : memref<2x128x128xf32, #tpu.memory_space<vmem>>, vector<16xf32>,
      tpu.vector_store %arg9[%swap3A_465, %swap3A_466, %swap3A_467], %add3A_463 {strides = array<i32>} : memref<2x128x128xf32, #tpu.memory_space<vmem>>, vector<16xf32>,
      %get3A_469 = arith.constant 1 : i32
      %get3A_470 = arith.index_cast %get3A_469 : i32 to index
      %get3A_471 = arith.index_cast %scan3A_405 : i32 to index
      %get3A_472 = arith.constant 64 : index
      %get3A_473 = tpu.vector_load %arg9[%get3A_470, %get3A_471, %get3A_472] {strides = array<i32>} : memref<2x128x128xf32, #tpu.memory_space<vmem>>, vector<16xf32>,
      %get3A_474 = arith.constant 1 : i32
      %get3A_475 = arith.index_cast %get3A_474 : i32 to index
      %get3A_476 = arith.index_cast %scan3A_405 : i32 to index
      %get3A_477 = arith.constant 64 : index
      %get3A_478 = tpu.vector_load %arg10[%get3A_475, %get3A_476, %get3A_477] {strides = array<i32>} : memref<2x128x128xf32, #tpu.memory_space<vmem>>, vector<16xf32>,
      %add3A_479 = arith.addf %get3A_473, %get3A_478 : vector<16xf32>
      %swap3A_480 = arith.constant 1 : i32
      %swap3A_481 = arith.index_cast %swap3A_480 : i32 to index
      %swap3A_482 = arith.index_cast %scan3A_405 : i32 to index
      %swap3A_483 = arith.constant 64 : index
      %swap3A_484 = tpu.vector_load %arg9[%swap3A_481, %swap3A_482, %swap3A_483] {strides = array<i32>} : memref<2x128x128xf32, #tpu.memory_space<vmem>>, vector<16xf32>,
      tpu.vector_store %arg9[%swap3A_481, %swap3A_482, %swap3A_483], %add3A_479 {strides = array<i32>} : memref<2x128x128xf32, #tpu.memory_space<vmem>>, vector<16xf32>,
      %get3A_485 = arith.constant 1 : i32
      %get3A_486 = arith.index_cast %get3A_485 : i32 to index
      %get3A_487 = arith.index_cast %scan3A_405 : i32 to index
      %get3A_488 = arith.constant 80 : index
      %get3A_489 = tpu.vector_load %arg9[%get3A_486, %get3A_487, %get3A_488] {strides = array<i32>} : memref<2x128x128xf32, #tpu.memory_space<vmem>>, vector<16xf32>,
      %get3A_490 = arith.constant 1 : i32
      %get3A_491 = arith.index_cast %get3A_490 : i32 to index
      %get3A_492 = arith.index_cast %scan3A_405 : i32 to index
      %get3A_493 = arith.constant 80 : index
      %get3A_494 = tpu.vector_load %arg10[%get3A_491, %get3A_492, %get3A_493] {strides = array<i32>} : memref<2x128x128xf32, #tpu.memory_space<vmem>>, vector<16xf32>,
      %add3A_495 = arith.addf %get3A_489, %get3A_494 : vector<16xf32>
      %swap3A_496 = arith.constant 1 : i32
      %swap3A_497 = arith.index_cast %swap3A_496 : i32 to index
      %swap3A_498 = arith.index_cast %scan3A_405 : i32 to index
      %swap3A_499 = arith.constant 80 : index
      %swap3A_500 = tpu.vector_load %arg9[%swap3A_497, %swap3A_498, %swap3A_499] {strides = array<i32>} : memref<2x128x128xf32, #tpu.memory_space<vmem>>, vector<16xf32>,
      tpu.vector_store %arg9[%swap3A_497, %swap3A_498, %swap3A_499], %add3A_495 {strides = array<i32>} : memref<2x128x128xf32, #tpu.memory_space<vmem>>, vector<16xf32>,
      %get3A_501 = arith.constant 1 : i32
      %get3A_502 = arith.index_cast %get3A_501 : i32 to index
      %get3A_503 = arith.index_cast %scan3A_405 : i32 to index
      %get3A_504 = arith.constant 96 : index
      %get3A_505 = tpu.vector_load %arg9[%get3A_502, %get3A_503, %get3A_504] {strides = array<i32>} : memref<2x128x128xf32, #tpu.memory_space<vmem>>, vector<16xf32>,
      %get3A_506 = arith.constant 1 : i32
      %get3A_507 = arith.index_cast %get3A_506 : i32 to index
      %get3A_508 = arith.index_cast %scan3A_405 : i32 to index
      %get3A_509 = arith.constant 96 : index
      %get3A_510 = tpu.vector_load %arg10[%get3A_507, %get3A_508, %get3A_509] {strides = array<i32>} : memref<2x128x128xf32, #tpu.memory_space<vmem>>, vector<16xf32>,
      %add3A_511 = arith.addf %get3A_505, %get3A_510 : vector<16xf32>
      %swap3A_512 = arith.constant 1 : i32
      %swap3A_513 = arith.index_cast %swap3A_512 : i32 to index
      %swap3A_514 = arith.index_cast %scan3A_405 : i32 to index
      %swap3A_515 = arith.constant 96 : index
      %swap3A_516 = tpu.vector_load %arg9[%swap3A_513, %swap3A_514, %swap3A_515] {strides = array<i32>} : memref<2x128x128xf32, #tpu.memory_space<vmem>>, vector<16xf32>,
      tpu.vector_store %arg9[%swap3A_513, %swap3A_514, %swap3A_515], %add3A_511 {strides = array<i32>} : memref<2x128x128xf32, #tpu.memory_space<vmem>>, vector<16xf32>,
      %get3A_517 = arith.constant 1 : i32
      %get3A_518 = arith.index_cast %get3A_517 : i32 to index
      %get3A_519 = arith.index_cast %scan3A_405 : i32 to index
      %get3A_520 = arith.constant 112 : index
      %get3A_521 = tpu.vector_load %arg9[%get3A_518, %get3A_519, %get3A_520] {strides = array<i32>} : memref<2x128x128xf32, #tpu.memory_space<vmem>>, vector<16xf32>,
      %get3A_522 = arith.constant 1 : i32
      %get3A_523 = arith.index_cast %get3A_522 : i32 to index
      %get3A_524 = arith.index_cast %scan3A_405 : i32 to index
      %get3A_525 = arith.constant 112 : index
      %get3A_526 = tpu.vector_load %arg10[%get3A_523, %get3A_524, %get3A_525] {strides = array<i32>} : memref<2x128x128xf32, #tpu.memory_space<vmem>>, vector<16xf32>,
      %add3A_527 = arith.addf %get3A_521, %get3A_526 : vector<16xf32>
      %swap3A_528 = arith.constant 1 : i32
      %swap3A_529 = arith.index_cast %swap3A_528 : i32 to index
      %swap3A_530 = arith.index_cast %scan3A_405 : i32 to index
      %swap3A_531 = arith.constant 112 : index
      %swap3A_532 = tpu.vector_load %arg9[%swap3A_529, %swap3A_530, %swap3A_531] {strides = array<i32>} : memref<2x128x128xf32, #tpu.memory_space<vmem>>, vector<16xf32>,
      tpu.vector_store %arg9[%swap3A_529, %swap3A_530, %swap3A_531], %add3A_527 {strides = array<i32>} : memref<2x128x128xf32, #tpu.memory_space<vmem>>, vector<16xf32>,
      %scan3A_533 = arith.constant 0 : i32
      scf.yield %scan3A_533 : i32
    }
    %scan3A_403 = arith.constant 128 : i32
    %run_scoped3A_404 = arith.constant 1 : i32
    "tpu.region"() ({
      %run_scoped3A_405 = tpu.sem_alloc : memref<!tpu.dma_semaphore, #tpu.memory_space<semaphore_mem>>
      %dma_start3A_406 = arith.constant 0 : i32
      %dma_start3A_407 = arith.constant 0 : i32
      %dma_start3A_408 = tpu.memref_slice %arg9[%run_scoped3A_404, %dma_start3A_406, %dma_start3A_407] : memref<2x128x128xf32, #tpu.memory_space<vmem>> -> memref<1x128x128xf32, #tpu.memory_space<vmem>>
      %dma_start3A_409 = tpu.memref_squeeze %dma_start3A_408 : memref<1x128x128xf32, #tpu.memory_space<vmem>> -> memref<128x128xf32, #tpu.memory_space<vmem>>
      %dma_start3A_410 = arith.constant 640 : i32
      %dma_start3A_411 = arith.constant 0 : i32
      %dma_start3A_412 = tpu.memref_slice %arg6[%add3A, %dma_start3A_410, %dma_start3A_411] : memref<32x768x128xf32, #tpu.memory_space<hbm>> -> memref<1x128x128xf32, #tpu.memory_space<hbm>>
      %dma_start3A_413 = tpu.memref_squeeze %dma_start3A_412 : memref<1x128x128xf32, #tpu.memory_space<hbm>> -> memref<128x128xf32, #tpu.memory_space<hbm>>
      %dma_start3A_414 = arith.constant 640 : i32
      %dma_start3A_415 = arith.constant 0 : i32
      %dma_start3A_416 = tpu.memref_slice %arg6[%add3A, %dma_start3A_414, %dma_start3A_415] : memref<32x768x128xf32, #tpu.memory_space<hbm>> -> memref<1x128x128xf32, #tpu.memory_space<hbm>>
      %dma_start3A_417 = tpu.memref_squeeze %dma_start3A_416 : memref<1x128x128xf32, #tpu.memory_space<hbm>> -> memref<128x128xf32, #tpu.memory_space<hbm>>
      %dma_start3A_418 = arith.constant 0 : i32
      %dma_start3A_419 = arith.constant 0 : i32
      %dma_start3A_420 = tpu.memref_slice %arg9[%run_scoped3A_404, %dma_start3A_418, %dma_start3A_419] : memref<2x128x128xf32, #tpu.memory_space<vmem>> -> memref<1x128x128xf32, #tpu.memory_space<vmem>>
      %dma_start3A_421 = tpu.memref_squeeze %dma_start3A_420 : memref<1x128x128xf32, #tpu.memory_space<vmem>> -> memref<128x128xf32, #tpu.memory_space<vmem>>
      tpu.enqueue_dma source(%dma_start3A_421 : memref<128x128xf32, #tpu.memory_space<vmem>>) target(%dma_start3A_417 : memref<128x128xf32, #tpu.memory_space<hbm>>) target_semaphore(%run_scoped3A_405 : memref<!tpu.dma_semaphore, #tpu.memory_space<semaphore_mem>>)
      %dma_wait3A_422 = arith.constant 0 : i32
      %dma_wait3A_423 = arith.constant 0 : i32
      %dma_wait3A_424 = tpu.memref_slice %arg9[%run_scoped3A_404, %dma_wait3A_422, %dma_wait3A_423] : memref<2x128x128xf32, #tpu.memory_space<vmem>> -> memref<1x128x128xf32, #tpu.memory_space<vmem>>
      %dma_wait3A_425 = tpu.memref_squeeze %dma_wait3A_424 : memref<1x128x128xf32, #tpu.memory_space<vmem>> -> memref<128x128xf32, #tpu.memory_space<vmem>>
      %dma_wait3A_426 = arith.constant 640 : i32
      %dma_wait3A_427 = arith.constant 0 : i32
      %dma_wait3A_428 = tpu.memref_slice %arg6[%add3A, %dma_wait3A_426, %dma_wait3A_427] : memref<32x768x128xf32, #tpu.memory_space<hbm>> -> memref<1x128x128xf32, #tpu.memory_space<hbm>>
      %dma_wait3A_429 = tpu.memref_squeeze %dma_wait3A_428 : memref<1x128x128xf32, #tpu.memory_space<hbm>> -> memref<128x128xf32, #tpu.memory_space<hbm>>
      %dma_wait3A_430 = arith.constant 640 : i32
      %dma_wait3A_431 = arith.constant 0 : i32
      %dma_wait3A_432 = tpu.memref_slice %arg6[%add3A, %dma_wait3A_430, %dma_wait3A_431] : memref<32x768x128xf32, #tpu.memory_space<hbm>> -> memref<1x128x128xf32, #tpu.memory_space<hbm>>
      %dma_wait3A_433 = tpu.memref_squeeze %dma_wait3A_432 : memref<1x128x128xf32, #tpu.memory_space<hbm>> -> memref<128x128xf32, #tpu.memory_space<hbm>>
      %dma_wait3A_434 = arith.constant 0 : i32
      %dma_wait3A_435 = arith.constant 0 : i32
      %dma_wait3A_436 = tpu.memref_slice %arg9[%run_scoped3A_404, %dma_wait3A_434, %dma_wait3A_435] : memref<2x128x128xf32, #tpu.memory_space<vmem>> -> memref<1x128x128xf32, #tpu.memory_space<vmem>>
      %dma_wait3A_437 = tpu.memref_squeeze %dma_wait3A_436 : memref<1x128x128xf32, #tpu.memory_space<vmem>> -> memref<128x128xf32, #tpu.memory_space<vmem>>
      tpu.wait_dma2 semaphore(%run_scoped3A_405 : memref<!tpu.dma_semaphore, #tpu.memory_space<semaphore_mem>>) src(%dma_wait3A_437 : memref<128x128xf32, #tpu.memory_space<vmem>>) dst(%dma_wait3A_433 : memref<128x128xf32, #tpu.memory_space<hbm>>)
      tpu.yield
    }) : () -> ()
    return
  }
}

module attributes {stable_mosaic.version = 14 : i64} {
  func.func @_proj_body(%arg0: memref<5099x300xf32, #tpu.memory_space<vmem>>, %arg1: memref<300x128xf32, #tpu.memory_space<vmem>>, %arg2: memref<400x100xf32, #tpu.memory_space<vmem>>, %arg3: memref<100x128xf32, #tpu.memory_space<vmem>>, %arg4: memref<5099x128xf32, #tpu.memory_space<vmem>>, %arg5: memref<400x128xf32, #tpu.memory_space<vmem>>) attributes {dimension_semantics = [], scalar_prefetch = 0 : i64, scratch_operands = 0 : i64, tpu.core_type = #tpu.core_type<tc>} {
    %get3A = arith.constant 0 : index
    %get3A_0 = arith.constant 0 : index
    %get3A_1 = vector.load %arg0[%get3A, %get3A_0] : memref<5099x300xf32, #tpu.memory_space<vmem>>, vector<5099x300xf32>
    %get3A_2 = arith.constant 0 : index
    %get3A_3 = arith.constant 0 : index
    %get3A_4 = vector.load %arg1[%get3A_2, %get3A_3] : memref<300x128xf32, #tpu.memory_space<vmem>>, vector<300x128xf32>
    %convert_element_type3A = arith.truncf %get3A_1 : vector<5099x300xf32> to vector<5099x300xbf16>
    %convert_element_type3A_5 = arith.truncf %get3A_4 : vector<300x128xf32> to vector<300x128xbf16>
    %dot_general3A = arith.constant dense<0.000000e+00> : vector<5099x128xf32>
    %dot_general3A_6 = tpu.matmul %convert_element_type3A, %convert_element_type3A_5, %dot_general3A {dimension_numbers = #tpu.dot_dimension_numbers<[1], [0], [0], [1], [0, 0, 1, 1], [], []>, transpose_lhs_hint = false} : vector<5099x300xbf16>, vector<300x128xbf16>, vector<5099x128xf32> -> vector<5099x128xf32>
    %swap3A = arith.constant 0 : index
    %swap3A_7 = arith.constant 0 : index
    %swap3A_8 = vector.load %arg4[%swap3A, %swap3A_7] : memref<5099x128xf32, #tpu.memory_space<vmem>>, vector<5099x128xf32>
    tpu.vector_store %arg4[%swap3A, %swap3A_7], %dot_general3A_6 {strides = array<i32>} : memref<5099x128xf32, #tpu.memory_space<vmem>>, vector<5099x128xf32>,
    %get3A_9 = arith.constant 0 : index
    %get3A_10 = arith.constant 0 : index
    %get3A_11 = vector.load %arg2[%get3A_9, %get3A_10] : memref<400x100xf32, #tpu.memory_space<vmem>>, vector<400x100xf32>
    %get3A_12 = arith.constant 0 : index
    %get3A_13 = arith.constant 0 : index
    %get3A_14 = vector.load %arg3[%get3A_12, %get3A_13] : memref<100x128xf32, #tpu.memory_space<vmem>>, vector<100x128xf32>
    %convert_element_type3A_15 = arith.truncf %get3A_11 : vector<400x100xf32> to vector<400x100xbf16>
    %convert_element_type3A_16 = arith.truncf %get3A_14 : vector<100x128xf32> to vector<100x128xbf16>
    %dot_general3A_17 = arith.constant dense<0.000000e+00> : vector<400x128xf32>
    %dot_general3A_18 = tpu.matmul %convert_element_type3A_15, %convert_element_type3A_16, %dot_general3A_17 {dimension_numbers = #tpu.dot_dimension_numbers<[1], [0], [0], [1], [0, 0, 1, 1], [], []>, transpose_lhs_hint = false} : vector<400x100xbf16>, vector<100x128xbf16>, vector<400x128xf32> -> vector<400x128xf32>
    %swap3A_19 = arith.constant 0 : index
    %swap3A_20 = arith.constant 0 : index
    %swap3A_21 = vector.load %arg5[%swap3A_19, %swap3A_20] : memref<400x128xf32, #tpu.memory_space<vmem>>, vector<400x128xf32>
    tpu.vector_store %arg5[%swap3A_19, %swap3A_20], %dot_general3A_18 {strides = array<i32>} : memref<400x128xf32, #tpu.memory_space<vmem>>, vector<400x128xf32>,
    return
  }
}

module attributes {stable_mosaic.version = 14 : i64} {
  func.func @_conv_body(%arg0: i32, %arg1: memref<1x768x768xf32, #tpu.memory_space<vmem>>, %arg2: memref<1x768x128xf32, #tpu.memory_space<vmem>>, %arg3: memref<1x768x8xf32, #tpu.memory_space<vmem>>, %arg4: memref<8x128xf32, #tpu.memory_space<vmem>>, %arg5: memref<1x128xf32, #tpu.memory_space<vmem>>, %arg6: memref<3x128x128xf32, #tpu.memory_space<vmem>>, %arg7: memref<3x128xf32, #tpu.memory_space<vmem>>, %arg8: memref<1x128xf32, #tpu.memory_space<vmem>>, %arg9: memref<1x128xf32, #tpu.memory_space<vmem>>, %arg10: memref<768x128xf32, #tpu.memory_space<vmem>>, %arg11: memref<1x128xf32, #tpu.memory_space<vmem>>, %arg12: memref<128x5099xf32, #tpu.memory_space<vmem>>, %arg13: memref<1x5099xf32, #tpu.memory_space<vmem>>, %arg14: memref<32x5099xf32, #tpu.memory_space<vmem>>, %arg15: memref<32x768xf32, #tpu.memory_space<vmem>>) attributes {dimension_semantics = [#tpu.dimension_semantics<arbitrary>], iteration_bounds = array<i64: 32>, scalar_prefetch = 0 : i64, scratch_operands = 1 : i64, tpu.core_type = #tpu.core_type<tc>, window_params = [{transform_indices = @transform_0, window_bounds = array<i64: 1, 768, 768>}, {transform_indices = @transform_1, window_bounds = array<i64: 1, 768, 128>}, {transform_indices = @transform_2, window_bounds = array<i64: 1, 768, 8>}, {pipeline_mode = #tpu.pipeline_mode<synchronous>, transform_indices = @transform_3, window_bounds = array<i64: 8, 128>}, {pipeline_mode = #tpu.pipeline_mode<synchronous>, transform_indices = @transform_4, window_bounds = array<i64: 1, 128>}, {pipeline_mode = #tpu.pipeline_mode<synchronous>, transform_indices = @transform_5, window_bounds = array<i64: 3, 128, 128>}, {pipeline_mode = #tpu.pipeline_mode<synchronous>, transform_indices = @transform_6, window_bounds = array<i64: 3, 128>}, {pipeline_mode = #tpu.pipeline_mode<synchronous>, transform_indices = @transform_7, window_bounds = array<i64: 1, 128>}, {pipeline_mode = #tpu.pipeline_mode<synchronous>, transform_indices = @transform_8, window_bounds = array<i64: 1, 128>}, {pipeline_mode = #tpu.pipeline_mode<synchronous>, transform_indices = @transform_9, window_bounds = array<i64: 768, 128>}, {pipeline_mode = #tpu.pipeline_mode<synchronous>, transform_indices = @transform_10, window_bounds = array<i64: 1, 128>}, {pipeline_mode = #tpu.pipeline_mode<synchronous>, transform_indices = @transform_11, window_bounds = array<i64: 128, 5099>}, {pipeline_mode = #tpu.pipeline_mode<synchronous>, transform_indices = @transform_12, window_bounds = array<i64: 1, 5099>}, {pipeline_mode = #tpu.pipeline_mode<synchronous>, transform_indices = @transform_13, window_bounds = array<i64: 32, 5099>}]} {
    %get3A = arith.constant 0 : index
    %get3A_0 = arith.constant 0 : index
    %get3A_1 = arith.constant 0 : index
    %get3A_2 = vector.load %arg1[%get3A, %get3A_0, %get3A_1] : memref<1x768x768xf32, #tpu.memory_space<vmem>>, vector<1x768x768xf32>
    %get3A_3 = vector.shape_cast %get3A_2 : vector<1x768x768xf32> to vector<768x768xf32>
    %convert_element_type3A = arith.truncf %get3A_3 : vector<768x768xf32> to vector<768x768xbf16>
    %reduce_sum3A = arith.constant dense<0.000000e+00> : vector<768xf32>
    %reduce_sum3A_4 = vector.multi_reduction <add>, %get3A_3, %reduce_sum3A [1] : vector<768x768xf32> to vector<768xf32>
    %add3A = arith.constant 1.000000e+00 : f32
    %add3A_5 = vector.broadcast %add3A : f32 to vector<768xf32>
    %add3A_6 = arith.addf %reduce_sum3A_4, %add3A_5 : vector<768xf32>
    %rsqrt3A = math.rsqrt %add3A_6 : vector<768xf32>
    %broadcast_in_dim3A = vector.shape_cast %rsqrt3A : vector<768xf32> to vector<768x1xf32>
    %get3A_7 = arith.constant 0 : index
    %get3A_8 = arith.constant 0 : index
    %get3A_9 = arith.constant 0 : index
    %get3A_10 = vector.load %arg2[%get3A_7, %get3A_8, %get3A_9] : memref<1x768x128xf32, #tpu.memory_space<vmem>>, vector<1x768x128xf32>
    %get3A_11 = vector.shape_cast %get3A_10 : vector<1x768x128xf32> to vector<768x128xf32>
    %get3A_12 = arith.constant 0 : index
    %get3A_13 = arith.constant 0 : index
    %get3A_14 = arith.constant 0 : index
    %get3A_15 = vector.load %arg3[%get3A_12, %get3A_13, %get3A_14] : memref<1x768x8xf32, #tpu.memory_space<vmem>>, vector<1x768x8xf32>
    %get3A_16 = vector.shape_cast %get3A_15 : vector<1x768x8xf32> to vector<768x8xf32>
    %get3A_17 = arith.constant 0 : index
    %get3A_18 = arith.constant 0 : index
    %get3A_19 = vector.load %arg4[%get3A_17, %get3A_18] : memref<8x128xf32, #tpu.memory_space<vmem>>, vector<8x128xf32>
    %convert_element_type3A_20 = arith.truncf %get3A_16 : vector<768x8xf32> to vector<768x8xbf16>
    %convert_element_type3A_21 = arith.truncf %get3A_19 : vector<8x128xf32> to vector<8x128xbf16>
    %dot_general3A = arith.constant dense<0.000000e+00> : vector<768x128xf32>
    %dot_general3A_22 = tpu.matmul %convert_element_type3A_20, %convert_element_type3A_21, %dot_general3A {dimension_numbers = #tpu.dot_dimension_numbers<[1], [0], [0], [1], [0, 0, 1, 1], [], []>, transpose_lhs_hint = false} : vector<768x8xbf16>, vector<8x128xbf16>, vector<768x128xf32> -> vector<768x128xf32>
    %add3A_23 = arith.addf %get3A_11, %dot_general3A_22 : vector<768x128xf32>
    %mul3A = vector.broadcast %broadcast_in_dim3A : vector<768x1xf32> to vector<768x128xf32>
    %mul3A_24 = arith.mulf %add3A_23, %mul3A : vector<768x128xf32>
    %convert_element_type3A_25 = arith.truncf %mul3A_24 : vector<768x128xf32> to vector<768x128xbf16>
    %convert_element_type3A_26 = arith.extf %convert_element_type3A_25 : vector<768x128xbf16> to vector<768x128xf32>
    %sub3A = arith.subf %mul3A_24, %convert_element_type3A_26 : vector<768x128xf32>
    %convert_element_type3A_27 = arith.truncf %sub3A : vector<768x128xf32> to vector<768x128xbf16>
    %convert_element_type3A_28 = arith.extf %convert_element_type3A_27 : vector<768x128xbf16> to vector<768x128xf32>
    %sub3A_29 = arith.subf %sub3A, %convert_element_type3A_28 : vector<768x128xf32>
    %convert_element_type3A_30 = arith.truncf %sub3A_29 : vector<768x128xf32> to vector<768x128xbf16>
    %dot_general3A_31 = arith.constant dense<0.000000e+00> : vector<768x128xf32>
    %dot_general3A_32 = tpu.matmul %convert_element_type3A, %convert_element_type3A_25, %dot_general3A_31 {dimension_numbers = #tpu.dot_dimension_numbers<[1], [0], [0], [1], [0, 0, 1, 1], [], []>, transpose_lhs_hint = false} : vector<768x768xbf16>, vector<768x128xbf16>, vector<768x128xf32> -> vector<768x128xf32>
    %dot_general3A_33 = arith.constant dense<0.000000e+00> : vector<768x128xf32>
    %dot_general3A_34 = tpu.matmul %convert_element_type3A, %convert_element_type3A_27, %dot_general3A_33 {dimension_numbers = #tpu.dot_dimension_numbers<[1], [0], [0], [1], [0, 0, 1, 1], [], []>, transpose_lhs_hint = false} : vector<768x768xbf16>, vector<768x128xbf16>, vector<768x128xf32> -> vector<768x128xf32>
    %add3A_35 = arith.addf %dot_general3A_32, %dot_general3A_34 : vector<768x128xf32>
    %dot_general3A_36 = arith.constant dense<0.000000e+00> : vector<768x128xf32>
    %dot_general3A_37 = tpu.matmul %convert_element_type3A, %convert_element_type3A_30, %dot_general3A_36 {dimension_numbers = #tpu.dot_dimension_numbers<[1], [0], [0], [1], [0, 0, 1, 1], [], []>, transpose_lhs_hint = false} : vector<768x768xbf16>, vector<768x128xbf16>, vector<768x128xf32> -> vector<768x128xf32>
    %add3A_38 = arith.addf %add3A_35, %dot_general3A_37 : vector<768x128xf32>
    %add3A_39 = arith.addf %add3A_38, %mul3A_24 : vector<768x128xf32>
    %mul3A_40 = vector.broadcast %broadcast_in_dim3A : vector<768x1xf32> to vector<768x128xf32>
    %mul3A_41 = arith.mulf %add3A_39, %mul3A_40 : vector<768x128xf32>
    %get3A_42 = arith.constant 0 : index
    %get3A_43 = arith.constant 0 : index
    %get3A_44 = vector.load %arg5[%get3A_42, %get3A_43] : memref<1x128xf32, #tpu.memory_space<vmem>>, vector<1x128xf32>
    %add3A_45 = vector.broadcast %get3A_44 : vector<1x128xf32> to vector<768x128xf32>
    %add3A_46 = arith.addf %mul3A_41, %add3A_45 : vector<768x128xf32>
    %ge3A = arith.constant 0.000000e+00 : f32
    %ge3A_47 = vector.broadcast %ge3A : f32 to vector<768x128xf32>
    %ge3A_48 = arith.cmpf oge, %add3A_46, %ge3A_47 : vector<768x128xf32>
    %mul3A_49 = arith.constant 0.00999999977 : f32
    %mul3A_50 = vector.broadcast %mul3A_49 : f32 to vector<768x128xf32>
    %mul3A_51 = arith.mulf %mul3A_50, %add3A_46 : vector<768x128xf32>
    %select_n3A = arith.select %ge3A_48, %add3A_46, %mul3A_51 : vector<768x128xi1>, vector<768x128xf32>
    %get3A_52 = arith.constant 0 : index
    %get3A_53 = arith.constant 0 : index
    %get3A_54 = arith.constant 0 : index
    %get3A_55 = vector.load %arg6[%get3A_52, %get3A_53, %get3A_54] : memref<3x128x128xf32, #tpu.memory_space<vmem>>, vector<1x128x128xf32>
    %get3A_56 = vector.shape_cast %get3A_55 : vector<1x128x128xf32> to vector<128x128xf32>
    %convert_element_type3A_57 = arith.truncf %select_n3A : vector<768x128xf32> to vector<768x128xbf16>
    %convert_element_type3A_58 = arith.truncf %get3A_56 : vector<128x128xf32> to vector<128x128xbf16>
    %dot_general3A_59 = arith.constant dense<0.000000e+00> : vector<768x128xf32>
    %dot_general3A_60 = tpu.matmul %convert_element_type3A_57, %convert_element_type3A_58, %dot_general3A_59 {dimension_numbers = #tpu.dot_dimension_numbers<[1], [0], [0], [1], [0, 0, 1, 1], [], []>, transpose_lhs_hint = false} : vector<768x128xbf16>, vector<128x128xbf16>, vector<768x128xf32> -> vector<768x128xf32>
    %mul3A_61 = vector.broadcast %broadcast_in_dim3A : vector<768x1xf32> to vector<768x128xf32>
    %mul3A_62 = arith.mulf %dot_general3A_60, %mul3A_61 : vector<768x128xf32>
    %convert_element_type3A_63 = arith.truncf %mul3A_62 : vector<768x128xf32> to vector<768x128xbf16>
    %convert_element_type3A_64 = arith.extf %convert_element_type3A_63 : vector<768x128xbf16> to vector<768x128xf32>
    %sub3A_65 = arith.subf %mul3A_62, %convert_element_type3A_64 : vector<768x128xf32>
    %convert_element_type3A_66 = arith.truncf %sub3A_65 : vector<768x128xf32> to vector<768x128xbf16>
    %convert_element_type3A_67 = arith.extf %convert_element_type3A_66 : vector<768x128xbf16> to vector<768x128xf32>
    %sub3A_68 = arith.subf %sub3A_65, %convert_element_type3A_67 : vector<768x128xf32>
    %convert_element_type3A_69 = arith.truncf %sub3A_68 : vector<768x128xf32> to vector<768x128xbf16>
    %dot_general3A_70 = arith.constant dense<0.000000e+00> : vector<768x128xf32>
    %dot_general3A_71 = tpu.matmul %convert_element_type3A, %convert_element_type3A_63, %dot_general3A_70 {dimension_numbers = #tpu.dot_dimension_numbers<[1], [0], [0], [1], [0, 0, 1, 1], [], []>, transpose_lhs_hint = false} : vector<768x768xbf16>, vector<768x128xbf16>, vector<768x128xf32> -> vector<768x128xf32>
    %dot_general3A_72 = arith.constant dense<0.000000e+00> : vector<768x128xf32>
    %dot_general3A_73 = tpu.matmul %convert_element_type3A, %convert_element_type3A_66, %dot_general3A_72 {dimension_numbers = #tpu.dot_dimension_numbers<[1], [0], [0], [1], [0, 0, 1, 1], [], []>, transpose_lhs_hint = false} : vector<768x768xbf16>, vector<768x128xbf16>, vector<768x128xf32> -> vector<768x128xf32>
    %add3A_74 = arith.addf %dot_general3A_71, %dot_general3A_73 : vector<768x128xf32>
    %dot_general3A_75 = arith.constant dense<0.000000e+00> : vector<768x128xf32>
    %dot_general3A_76 = tpu.matmul %convert_element_type3A, %convert_element_type3A_69, %dot_general3A_75 {dimension_numbers = #tpu.dot_dimension_numbers<[1], [0], [0], [1], [0, 0, 1, 1], [], []>, transpose_lhs_hint = false} : vector<768x768xbf16>, vector<768x128xbf16>, vector<768x128xf32> -> vector<768x128xf32>
    %add3A_77 = arith.addf %add3A_74, %dot_general3A_76 : vector<768x128xf32>
    %add3A_78 = arith.addf %add3A_77, %mul3A_62 : vector<768x128xf32>
    %mul3A_79 = vector.broadcast %broadcast_in_dim3A : vector<768x1xf32> to vector<768x128xf32>
    %mul3A_80 = arith.mulf %add3A_78, %mul3A_79 : vector<768x128xf32>
    %get3A_81 = arith.constant 0 : index
    %get3A_82 = arith.constant 0 : index
    %get3A_83 = vector.load %arg7[%get3A_81, %get3A_82] : memref<3x128xf32, #tpu.memory_space<vmem>>, vector<1x128xf32>
    %get3A_84 = vector.shape_cast %get3A_83 : vector<1x128xf32> to vector<128xf32>
    %broadcast_in_dim3A_85 = vector.shape_cast %get3A_84 : vector<128xf32> to vector<1x128xf32>
    %add3A_86 = vector.broadcast %broadcast_in_dim3A_85 : vector<1x128xf32> to vector<768x128xf32>
    %add3A_87 = arith.addf %mul3A_80, %add3A_86 : vector<768x128xf32>
    %ge3A_88 = arith.constant 0.000000e+00 : f32
    %ge3A_89 = vector.broadcast %ge3A_88 : f32 to vector<768x128xf32>
    %ge3A_90 = arith.cmpf oge, %add3A_87, %ge3A_89 : vector<768x128xf32>
    %mul3A_91 = arith.constant 0.00999999977 : f32
    %mul3A_92 = vector.broadcast %mul3A_91 : f32 to vector<768x128xf32>
    %mul3A_93 = arith.mulf %mul3A_92, %add3A_87 : vector<768x128xf32>
    %select_n3A_94 = arith.select %ge3A_90, %add3A_87, %mul3A_93 : vector<768x128xi1>, vector<768x128xf32>
    %add3A_95 = arith.addf %select_n3A_94, %add3A_87 : vector<768x128xf32>
    %get3A_96 = arith.constant 1 : index
    %get3A_97 = arith.constant 0 : index
    %get3A_98 = arith.constant 0 : index
    %get3A_99 = vector.load %arg6[%get3A_96, %get3A_97, %get3A_98] : memref<3x128x128xf32, #tpu.memory_space<vmem>>, vector<1x128x128xf32>
    %get3A_100 = vector.shape_cast %get3A_99 : vector<1x128x128xf32> to vector<128x128xf32>
    %convert_element_type3A_101 = arith.truncf %add3A_95 : vector<768x128xf32> to vector<768x128xbf16>
    %convert_element_type3A_102 = arith.truncf %get3A_100 : vector<128x128xf32> to vector<128x128xbf16>
    %dot_general3A_103 = arith.constant dense<0.000000e+00> : vector<768x128xf32>
    %dot_general3A_104 = tpu.matmul %convert_element_type3A_101, %convert_element_type3A_102, %dot_general3A_103 {dimension_numbers = #tpu.dot_dimension_numbers<[1], [0], [0], [1], [0, 0, 1, 1], [], []>, transpose_lhs_hint = false} : vector<768x128xbf16>, vector<128x128xbf16>, vector<768x128xf32> -> vector<768x128xf32>
    %mul3A_105 = vector.broadcast %broadcast_in_dim3A : vector<768x1xf32> to vector<768x128xf32>
    %mul3A_106 = arith.mulf %dot_general3A_104, %mul3A_105 : vector<768x128xf32>
    %convert_element_type3A_107 = arith.truncf %mul3A_106 : vector<768x128xf32> to vector<768x128xbf16>
    %convert_element_type3A_108 = arith.extf %convert_element_type3A_107 : vector<768x128xbf16> to vector<768x128xf32>
    %sub3A_109 = arith.subf %mul3A_106, %convert_element_type3A_108 : vector<768x128xf32>
    %convert_element_type3A_110 = arith.truncf %sub3A_109 : vector<768x128xf32> to vector<768x128xbf16>
    %convert_element_type3A_111 = arith.extf %convert_element_type3A_110 : vector<768x128xbf16> to vector<768x128xf32>
    %sub3A_112 = arith.subf %sub3A_109, %convert_element_type3A_111 : vector<768x128xf32>
    %convert_element_type3A_113 = arith.truncf %sub3A_112 : vector<768x128xf32> to vector<768x128xbf16>
    %dot_general3A_114 = arith.constant dense<0.000000e+00> : vector<768x128xf32>
    %dot_general3A_115 = tpu.matmul %convert_element_type3A, %convert_element_type3A_107, %dot_general3A_114 {dimension_numbers = #tpu.dot_dimension_numbers<[1], [0], [0], [1], [0, 0, 1, 1], [], []>, transpose_lhs_hint = false} : vector<768x768xbf16>, vector<768x128xbf16>, vector<768x128xf32> -> vector<768x128xf32>
    %dot_general3A_116 = arith.constant dense<0.000000e+00> : vector<768x128xf32>
    %dot_general3A_117 = tpu.matmul %convert_element_type3A, %convert_element_type3A_110, %dot_general3A_116 {dimension_numbers = #tpu.dot_dimension_numbers<[1], [0], [0], [1], [0, 0, 1, 1], [], []>, transpose_lhs_hint = false} : vector<768x768xbf16>, vector<768x128xbf16>, vector<768x128xf32> -> vector<768x128xf32>
    %add3A_118 = arith.addf %dot_general3A_115, %dot_general3A_117 : vector<768x128xf32>
    %dot_general3A_119 = arith.constant dense<0.000000e+00> : vector<768x128xf32>
    %dot_general3A_120 = tpu.matmul %convert_element_type3A, %convert_element_type3A_113, %dot_general3A_119 {dimension_numbers = #tpu.dot_dimension_numbers<[1], [0], [0], [1], [0, 0, 1, 1], [], []>, transpose_lhs_hint = false} : vector<768x768xbf16>, vector<768x128xbf16>, vector<768x128xf32> -> vector<768x128xf32>
    %add3A_121 = arith.addf %add3A_118, %dot_general3A_120 : vector<768x128xf32>
    %add3A_122 = arith.addf %add3A_121, %mul3A_106 : vector<768x128xf32>
    %mul3A_123 = vector.broadcast %broadcast_in_dim3A : vector<768x1xf32> to vector<768x128xf32>
    %mul3A_124 = arith.mulf %add3A_122, %mul3A_123 : vector<768x128xf32>
    %get3A_125 = arith.constant 1 : index
    %get3A_126 = arith.constant 0 : index
    %get3A_127 = vector.load %arg7[%get3A_125, %get3A_126] : memref<3x128xf32, #tpu.memory_space<vmem>>, vector<1x128xf32>
    %get3A_128 = vector.shape_cast %get3A_127 : vector<1x128xf32> to vector<128xf32>
    %broadcast_in_dim3A_129 = vector.shape_cast %get3A_128 : vector<128xf32> to vector<1x128xf32>
    %add3A_130 = vector.broadcast %broadcast_in_dim3A_129 : vector<1x128xf32> to vector<768x128xf32>
    %add3A_131 = arith.addf %mul3A_124, %add3A_130 : vector<768x128xf32>
    %ge3A_132 = arith.constant 0.000000e+00 : f32
    %ge3A_133 = vector.broadcast %ge3A_132 : f32 to vector<768x128xf32>
    %ge3A_134 = arith.cmpf oge, %add3A_131, %ge3A_133 : vector<768x128xf32>
    %mul3A_135 = arith.constant 0.00999999977 : f32
    %mul3A_136 = vector.broadcast %mul3A_135 : f32 to vector<768x128xf32>
    %mul3A_137 = arith.mulf %mul3A_136, %add3A_131 : vector<768x128xf32>
    %select_n3A_138 = arith.select %ge3A_134, %add3A_131, %mul3A_137 : vector<768x128xi1>, vector<768x128xf32>
    %add3A_139 = arith.addf %select_n3A_138, %add3A_131 : vector<768x128xf32>
    %get3A_140 = arith.constant 2 : index
    %get3A_141 = arith.constant 0 : index
    %get3A_142 = arith.constant 0 : index
    %get3A_143 = vector.load %arg6[%get3A_140, %get3A_141, %get3A_142] : memref<3x128x128xf32, #tpu.memory_space<vmem>>, vector<1x128x128xf32>
    %get3A_144 = vector.shape_cast %get3A_143 : vector<1x128x128xf32> to vector<128x128xf32>
    %convert_element_type3A_145 = arith.truncf %add3A_139 : vector<768x128xf32> to vector<768x128xbf16>
    %convert_element_type3A_146 = arith.truncf %get3A_144 : vector<128x128xf32> to vector<128x128xbf16>
    %dot_general3A_147 = arith.constant dense<0.000000e+00> : vector<768x128xf32>
    %dot_general3A_148 = tpu.matmul %convert_element_type3A_145, %convert_element_type3A_146, %dot_general3A_147 {dimension_numbers = #tpu.dot_dimension_numbers<[1], [0], [0], [1], [0, 0, 1, 1], [], []>, transpose_lhs_hint = false} : vector<768x128xbf16>, vector<128x128xbf16>, vector<768x128xf32> -> vector<768x128xf32>
    %mul3A_149 = vector.broadcast %broadcast_in_dim3A : vector<768x1xf32> to vector<768x128xf32>
    %mul3A_150 = arith.mulf %dot_general3A_148, %mul3A_149 : vector<768x128xf32>
    %convert_element_type3A_151 = arith.truncf %mul3A_150 : vector<768x128xf32> to vector<768x128xbf16>
    %convert_element_type3A_152 = arith.extf %convert_element_type3A_151 : vector<768x128xbf16> to vector<768x128xf32>
    %sub3A_153 = arith.subf %mul3A_150, %convert_element_type3A_152 : vector<768x128xf32>
    %convert_element_type3A_154 = arith.truncf %sub3A_153 : vector<768x128xf32> to vector<768x128xbf16>
    %convert_element_type3A_155 = arith.extf %convert_element_type3A_154 : vector<768x128xbf16> to vector<768x128xf32>
    %sub3A_156 = arith.subf %sub3A_153, %convert_element_type3A_155 : vector<768x128xf32>
    %convert_element_type3A_157 = arith.truncf %sub3A_156 : vector<768x128xf32> to vector<768x128xbf16>
    %dot_general3A_158 = arith.constant dense<0.000000e+00> : vector<768x128xf32>
    %dot_general3A_159 = tpu.matmul %convert_element_type3A, %convert_element_type3A_151, %dot_general3A_158 {dimension_numbers = #tpu.dot_dimension_numbers<[1], [0], [0], [1], [0, 0, 1, 1], [], []>, transpose_lhs_hint = false} : vector<768x768xbf16>, vector<768x128xbf16>, vector<768x128xf32> -> vector<768x128xf32>
    %dot_general3A_160 = arith.constant dense<0.000000e+00> : vector<768x128xf32>
    %dot_general3A_161 = tpu.matmul %convert_element_type3A, %convert_element_type3A_154, %dot_general3A_160 {dimension_numbers = #tpu.dot_dimension_numbers<[1], [0], [0], [1], [0, 0, 1, 1], [], []>, transpose_lhs_hint = false} : vector<768x768xbf16>, vector<768x128xbf16>, vector<768x128xf32> -> vector<768x128xf32>
    %add3A_162 = arith.addf %dot_general3A_159, %dot_general3A_161 : vector<768x128xf32>
    %dot_general3A_163 = arith.constant dense<0.000000e+00> : vector<768x128xf32>
    %dot_general3A_164 = tpu.matmul %convert_element_type3A, %convert_element_type3A_157, %dot_general3A_163 {dimension_numbers = #tpu.dot_dimension_numbers<[1], [0], [0], [1], [0, 0, 1, 1], [], []>, transpose_lhs_hint = false} : vector<768x768xbf16>, vector<768x128xbf16>, vector<768x128xf32> -> vector<768x128xf32>
    %add3A_165 = arith.addf %add3A_162, %dot_general3A_164 : vector<768x128xf32>
    %add3A_166 = arith.addf %add3A_165, %mul3A_150 : vector<768x128xf32>
    %mul3A_167 = vector.broadcast %broadcast_in_dim3A : vector<768x1xf32> to vector<768x128xf32>
    %mul3A_168 = arith.mulf %add3A_166, %mul3A_167 : vector<768x128xf32>
    %get3A_169 = arith.constant 2 : index
    %get3A_170 = arith.constant 0 : index
    %get3A_171 = vector.load %arg7[%get3A_169, %get3A_170] : memref<3x128xf32, #tpu.memory_space<vmem>>, vector<1x128xf32>
    %get3A_172 = vector.shape_cast %get3A_171 : vector<1x128xf32> to vector<128xf32>
    %broadcast_in_dim3A_173 = vector.shape_cast %get3A_172 : vector<128xf32> to vector<1x128xf32>
    %add3A_174 = vector.broadcast %broadcast_in_dim3A_173 : vector<1x128xf32> to vector<768x128xf32>
    %add3A_175 = arith.addf %mul3A_168, %add3A_174 : vector<768x128xf32>
    %ge3A_176 = arith.constant 0.000000e+00 : f32
    %ge3A_177 = vector.broadcast %ge3A_176 : f32 to vector<768x128xf32>
    %ge3A_178 = arith.cmpf oge, %add3A_175, %ge3A_177 : vector<768x128xf32>
    %mul3A_179 = arith.constant 0.00999999977 : f32
    %mul3A_180 = vector.broadcast %mul3A_179 : f32 to vector<768x128xf32>
    %mul3A_181 = arith.mulf %mul3A_180, %add3A_175 : vector<768x128xf32>
    %select_n3A_182 = arith.select %ge3A_178, %add3A_175, %mul3A_181 : vector<768x128xi1>, vector<768x128xf32>
    %add3A_183 = arith.addf %select_n3A_182, %add3A_175 : vector<768x128xf32>
    %get3A_184 = arith.constant 0 : index
    %get3A_185 = arith.constant 0 : index
    %get3A_186 = vector.load %arg8[%get3A_184, %get3A_185] : memref<1x128xf32, #tpu.memory_space<vmem>>, vector<1x128xf32>
    %mul3A_187 = vector.broadcast %get3A_186 : vector<1x128xf32> to vector<768x128xf32>
    %mul3A_188 = arith.mulf %add3A_183, %mul3A_187 : vector<768x128xf32>
    %reduce_sum3A_189 = arith.constant dense<0.000000e+00> : vector<768xf32>
    %reduce_sum3A_190 = vector.multi_reduction <add>, %mul3A_188, %reduce_sum3A_189 [1] : vector<768x128xf32> to vector<768xf32>
    %mul3A_191 = arith.mulf %reduce_sum3A_190, %rsqrt3A : vector<768xf32>
    %broadcast_in_dim3A_192 = vector.shape_cast %mul3A_191 : vector<768xf32> to vector<1x768xf32>
    %mul3A_193 = vector.broadcast %broadcast_in_dim3A_192 : vector<1x768xf32> to vector<768x768xf32>
    %mul3A_194 = arith.mulf %get3A_3, %mul3A_193 : vector<768x768xf32>
    %reduce_sum3A_195 = arith.constant dense<0.000000e+00> : vector<768xf32>
    %reduce_sum3A_196 = vector.multi_reduction <add>, %mul3A_194, %reduce_sum3A_195 [1] : vector<768x768xf32> to vector<768xf32>
    %add3A_197 = arith.addf %reduce_sum3A_196, %mul3A_191 : vector<768xf32>
    %get3A_198 = arith.constant 0 : index
    %get3A_199 = arith.constant 0 : index
    %get3A_200 = vector.load %arg9[%get3A_198, %get3A_199] : memref<1x128xf32, #tpu.memory_space<vmem>>, vector<1x128xf32>
    %reduce_sum3A_201 = vector.shape_cast %get3A_200 : vector<1x128xf32> to vector<1x1x128xf32>
    %reduce_sum3A_202 = arith.constant dense<0.000000e+00> : vector<1xf32>
    %reduce_sum3A_203 = vector.multi_reduction <add>, %reduce_sum3A_201, %reduce_sum3A_202 [1, 2] : vector<1x1x128xf32> to vector<1xf32>
    %reduce_sum3A_204 = vector.shape_cast %reduce_sum3A_203 : vector<1xf32> to vector<1x1x1xf32>
    %reduce_sum3A_205 = vector.extract %reduce_sum3A_204[0, 0, 0] : f32 from vector<1x1x1xf32>
    %mul3A_206 = arith.mulf %add3A_197, %rsqrt3A : vector<768xf32>
    %add3A_207 = vector.broadcast %reduce_sum3A_205 : f32 to vector<768xf32>
    %add3A_208 = arith.addf %mul3A_206, %add3A_207 : vector<768xf32>
    %ge3A_209 = arith.constant 0.000000e+00 : f32
    %ge3A_210 = vector.broadcast %ge3A_209 : f32 to vector<768xf32>
    %ge3A_211 = arith.cmpf oge, %add3A_208, %ge3A_210 : vector<768xf32>
    %mul3A_212 = arith.constant 0.00999999977 : f32
    %mul3A_213 = vector.broadcast %mul3A_212 : f32 to vector<768xf32>
    %mul3A_214 = arith.mulf %mul3A_213, %add3A_208 : vector<768xf32>
    %select_n3A_215 = arith.select %ge3A_211, %add3A_208, %mul3A_214 : vector<768xi1>, vector<768xf32>
    %broadcast_in_dim3A_216 = vector.shape_cast %select_n3A_215 : vector<768xf32> to vector<1x768xf32>
    %swap3A = arith.index_cast %arg0 : i32 to index
    %swap3A_217 = arith.constant 0 : index
    %swap3A_218 = vector.load %arg15[%swap3A, %swap3A_217] : memref<32x768xf32, #tpu.memory_space<vmem>>, vector<1x768xf32>
    tpu.vector_store %arg15[%swap3A, %swap3A_217], %broadcast_in_dim3A_216 {strides = array<i32>} : memref<32x768xf32, #tpu.memory_space<vmem>>, vector<1x768xf32>,
    %eq3A = arith.constant 31 : i32
    %eq3A_219 = arith.cmpi eq, %arg0, %eq3A : i32
    %convert_element_type3A_220 = arith.extui %eq3A_219 : i1 to i32
    %cond3A = arith.constant 0 : i32
    %cond3A_221 = arith.cmpi ne, %convert_element_type3A_220, %cond3A : i32
    scf.if %cond3A_221 {
      %get3A_222 = arith.constant 0 : index
      %get3A_223 = arith.constant 0 : index
      %get3A_224 = vector.load %arg15[%get3A_222, %get3A_223] : memref<32x768xf32, #tpu.memory_space<vmem>>, vector<32x768xf32>
      %get3A_225 = arith.constant 0 : index
      %get3A_226 = arith.constant 0 : index
      %get3A_227 = vector.load %arg10[%get3A_225, %get3A_226] : memref<768x128xf32, #tpu.memory_space<vmem>>, vector<768x128xf32>
      %convert_element_type3A_228 = arith.truncf %get3A_224 : vector<32x768xf32> to vector<32x768xbf16>
      %convert_element_type3A_229 = arith.truncf %get3A_227 : vector<768x128xf32> to vector<768x128xbf16>
      %dot_general3A_230 = arith.constant dense<0.000000e+00> : vector<32x128xf32>
      %dot_general3A_231 = tpu.matmul %convert_element_type3A_228, %convert_element_type3A_229, %dot_general3A_230 {dimension_numbers = #tpu.dot_dimension_numbers<[1], [0], [0], [1], [0, 0, 1, 1], [], []>, transpose_lhs_hint = false} : vector<32x768xbf16>, vector<768x128xbf16>, vector<32x128xf32> -> vector<32x128xf32>
      %get3A_232 = arith.constant 0 : index
      %get3A_233 = arith.constant 0 : index
      %get3A_234 = vector.load %arg11[%get3A_232, %get3A_233] : memref<1x128xf32, #tpu.memory_space<vmem>>, vector<1x128xf32>
      %add3A_235 = vector.broadcast %get3A_234 : vector<1x128xf32> to vector<32x128xf32>
      %add3A_236 = arith.addf %dot_general3A_231, %add3A_235 : vector<32x128xf32>
      %max3A = arith.constant 0.000000e+00 : f32
      %max3A_237 = vector.broadcast %max3A : f32 to vector<32x128xf32>
      %max3A_238 = arith.maximumf %add3A_236, %max3A_237 : vector<32x128xf32>
      %get3A_239 = arith.constant 0 : index
      %get3A_240 = arith.constant 0 : index
      %get3A_241 = vector.load %arg12[%get3A_239, %get3A_240] : memref<128x5099xf32, #tpu.memory_space<vmem>>, vector<128x5099xf32>
      %convert_element_type3A_242 = arith.truncf %max3A_238 : vector<32x128xf32> to vector<32x128xbf16>
      %convert_element_type3A_243 = arith.truncf %get3A_241 : vector<128x5099xf32> to vector<128x5099xbf16>
      %dot_general3A_244 = arith.constant dense<0.000000e+00> : vector<32x5099xf32>
      %dot_general3A_245 = tpu.matmul %convert_element_type3A_242, %convert_element_type3A_243, %dot_general3A_244 {dimension_numbers = #tpu.dot_dimension_numbers<[1], [0], [0], [1], [0, 0, 1, 1], [], []>, transpose_lhs_hint = false} : vector<32x128xbf16>, vector<128x5099xbf16>, vector<32x5099xf32> -> vector<32x5099xf32>
      %get3A_246 = arith.constant 0 : index
      %get3A_247 = arith.constant 0 : index
      %get3A_248 = vector.load %arg13[%get3A_246, %get3A_247] : memref<1x5099xf32, #tpu.memory_space<vmem>>, vector<1x5099xf32>
      %add3A_249 = vector.broadcast %get3A_248 : vector<1x5099xf32> to vector<32x5099xf32>
      %add3A_250 = arith.addf %dot_general3A_245, %add3A_249 : vector<32x5099xf32>
      %max3A_251 = arith.constant 0.000000e+00 : f32
      %max3A_252 = vector.broadcast %max3A_251 : f32 to vector<32x5099xf32>
      %max3A_253 = arith.maximumf %add3A_250, %max3A_252 : vector<32x5099xf32>
      %swap3A_254 = arith.constant 0 : index
      %swap3A_255 = arith.constant 0 : index
      %swap3A_256 = vector.load %arg14[%swap3A_254, %swap3A_255] : memref<32x5099xf32, #tpu.memory_space<vmem>>, vector<32x5099xf32>
      tpu.vector_store %arg14[%swap3A_254, %swap3A_255], %max3A_253 {strides = array<i32>} : memref<32x5099xf32, #tpu.memory_space<vmem>>, vector<32x5099xf32>,
    } else {
    }
    return
  }
  func.func @transform_0(%arg0: i32) -> (i32, i32, i32) {
    %c0_i32 = arith.constant 0 : i32
    %c0_i32_0 = arith.constant 0 : i32
    %c0_i32_1 = arith.constant 0 : i32
    return %arg0, %c0_i32, %c0_i32_0 : i32, i32, i32
  }
  func.func @transform_1(%arg0: i32) -> (i32, i32, i32) {
    %c0_i32 = arith.constant 0 : i32
    %c0_i32_0 = arith.constant 0 : i32
    %c0_i32_1 = arith.constant 0 : i32
    return %arg0, %c0_i32, %c0_i32_0 : i32, i32, i32
  }
  func.func @transform_2(%arg0: i32) -> (i32, i32, i32) {
    %c0_i32 = arith.constant 0 : i32
    %c0_i32_0 = arith.constant 0 : i32
    %c0_i32_1 = arith.constant 0 : i32
    return %arg0, %c0_i32, %c0_i32_0 : i32, i32, i32
  }
  func.func @transform_3(%arg0: i32) -> (i32, i32) {
    %c0_i32 = arith.constant 0 : i32
    %c0_i32_0 = arith.constant 0 : i32
    %c0_i32_1 = arith.constant 0 : i32
    return %c0_i32, %c0_i32_0 : i32, i32
  }
  func.func @transform_4(%arg0: i32) -> (i32, i32) {
    %c0_i32 = arith.constant 0 : i32
    %c0_i32_0 = arith.constant 0 : i32
    %c0_i32_1 = arith.constant 0 : i32
    return %c0_i32, %c0_i32_0 : i32, i32
  }
  func.func @transform_5(%arg0: i32) -> (i32, i32, i32) {
    %c0_i32 = arith.constant 0 : i32
    %c0_i32_0 = arith.constant 0 : i32
    %c0_i32_1 = arith.constant 0 : i32
    %c0_i32_2 = arith.constant 0 : i32
    return %c0_i32, %c0_i32_0, %c0_i32_1 : i32, i32, i32
  }
  func.func @transform_6(%arg0: i32) -> (i32, i32) {
    %c0_i32 = arith.constant 0 : i32
    %c0_i32_0 = arith.constant 0 : i32
    %c0_i32_1 = arith.constant 0 : i32
    return %c0_i32, %c0_i32_0 : i32, i32
  }
  func.func @transform_7(%arg0: i32) -> (i32, i32) {
    %c0_i32 = arith.constant 0 : i32
    %c0_i32_0 = arith.constant 0 : i32
    %c0_i32_1 = arith.constant 0 : i32
    return %c0_i32, %c0_i32_0 : i32, i32
  }
  func.func @transform_8(%arg0: i32) -> (i32, i32) {
    %c0_i32 = arith.constant 0 : i32
    %c0_i32_0 = arith.constant 0 : i32
    %c0_i32_1 = arith.constant 0 : i32
    return %c0_i32, %c0_i32_0 : i32, i32
  }
  func.func @transform_9(%arg0: i32) -> (i32, i32) {
    %c0_i32 = arith.constant 0 : i32
    %c0_i32_0 = arith.constant 0 : i32
    %c0_i32_1 = arith.constant 0 : i32
    return %c0_i32, %c0_i32_0 : i32, i32
  }
  func.func @transform_10(%arg0: i32) -> (i32, i32) {
    %c0_i32 = arith.constant 0 : i32
    %c0_i32_0 = arith.constant 0 : i32
    %c0_i32_1 = arith.constant 0 : i32
    return %c0_i32, %c0_i32_0 : i32, i32
  }
  func.func @transform_11(%arg0: i32) -> (i32, i32) {
    %c0_i32 = arith.constant 0 : i32
    %c0_i32_0 = arith.constant 0 : i32
    %c0_i32_1 = arith.constant 0 : i32
    return %c0_i32, %c0_i32_0 : i32, i32
  }
  func.func @transform_12(%arg0: i32) -> (i32, i32) {
    %c0_i32 = arith.constant 0 : i32
    %c0_i32_0 = arith.constant 0 : i32
    %c0_i32_1 = arith.constant 0 : i32
    return %c0_i32, %c0_i32_0 : i32, i32
  }
  func.func @transform_13(%arg0: i32) -> (i32, i32) {
    %c0_i32 = arith.constant 0 : i32
    %c0_i32_0 = arith.constant 0 : i32
    %c0_i32_1 = arith.constant 0 : i32
    return %c0_i32, %c0_i32_0 : i32, i32
  }
}

</mosaic_0001>

<sc_bundles>
// kernel: kernel.6.cloned.1.call-start
scs
__scs_entry_jumppad:
0x0: {  	(pc) =	sbr.rel $0x88, $3  }
0x1: {  	(tag) =	ssettag $0x0;
	lr =	simm.s32 $0x1  }
0x2: {  	[smem:$0x3F93] =	sst lr;
	_ =	strace $0xD0000000  }
0x3: {  	_ = 	snop  }
0x4: {  	_ = 	snop  }
0x5: {  	_ = 	snop  }
0x6: {  	_ = 	snop  }
0x7: {  	_ = 	snop  }
__scs_overlays_trampoline_lowered:
0x8: {  	[smem:$0x3FA2] =	sst s0  }
0x9: {  	[smem:$0x3FA3] =	sst s1  }
0xa: {  	[smem:$0x3FA4] =	sst s2  }
0xb: {  	[smem:$0x3FA5] =	sst s3  }
0xc: {  	[smem:$0x3FA6] =	sst s4  }
0xd: {  	[smem:$0x3FA7] =	sst s5  }
0xe: {  	[smem:$0x3FA8] =	sst s6  }
0xf: {  	[smem:$0x3FA9] =	sst s7  }
0x10: {  	[smem:$0x3FAA] =	sst s8  }
0x11: {  	[smem:$0x3FAB] =	sst s9;
	s0 =	simm.s32 @!p0 $0x0  }
0x12: {  	s1 =	sld [smem:$0x3F91];
	s0 =	simm.s32 @p0 $0x1  }
0x13: {  	[smem:$0x3FAC] =	sst s0;
	s0 =	simm.s32 @!p1 $0x0  }
0x14: {  	s2 =	sld [smem:$0x3F90];
	s0 =	simm.s32 @p1 $0x1  }
0x15: {  	[smem:$0x3FAD] =	sst s0;
	s0 =	simm.s32 @!p2 $0x0  }
0x16: {  	s3 =	sld [smem:$0x3FDB];
	s0 =	simm.s32 @p2 $0x1  }
0x17: {  	s4 =	simm.s32 $0x1BF5;
	[smem:$0x3FAF] =	sst s0  }
0x18: {  	s0 =	sld [smem:$0x3F92];
	_ =	swait.ge [sflag:s4], $0x0  }
0x19: {  	s7 =	sld [smem:$0x3F93]  }
0x1a: {  	s8 =	sadd.s32 $0xFFFFE003, lr  }
0x1b: {  	s9 =	sadd.s32 $0xFFFFFEF7, lr;
	s5 =	simm.s32 $0xFFFFFFFF;
	p2 =	slt.u32 s8, $0xFFFFF086  }
0x1c: {  	p1 =	slt.u32 s9, $0xF7A;
	s5 =	simm.s32 @!p2 $0x0  }
0x1d: {  	s5 =	simm.s32 @p1 $0x1;
	p0 =	seq.s32 s7, s2  }
0x1e: {  	s7 =	smul.u32 @!p0 $0xF7A, s2;
	p2 =	seq.s32 @!p0 s5, $0x0  }
0x1f: {  	s9 =	smul.u32 $0xF7A, s1;
	s8 =	simm.s32 @!p0 $0x1BF5;
	p2 =	por !p2, p0  }
0x20: {  	[sflag:s8] =	ssyncset.s32 @!p0 $0xFFFFF086;
	s6 =	sadd.s32 @!p0 s3, s7;
	s7 =	simm.s32 @!p0 $0x108  }
0x21: {  	s3 =	sadd.s32 s3, s9;
	s6 =	sadd.s32 @!p0 $0x88, s6;
	s7 =	simm.s32 @p2 $0x1082  }
0x22: {  	[simem:s7], [sflag:s8] =	dma.local @!p0 [hbm:s6], $0xF7A  }
0x23: {  	s9 =	sor.u32 $0xD0000000, s2;
	s6 =	simm.s32 $0x108;
	_ =	swait.ge @!p0 [sflag:s8], $0x0  }
0x24: {  	s3 =	sadd.s32 $0x88, s3;
	s6 =	simm.s32 @!p1 $0x1082;
	[sflag:s4] =	ssyncset.s32 $0xFFFFF086  }
0x25: {  	[simem:s6], [sflag:s4] =	dma.local [hbm:s3], $0xF7A  }
0x26: {  	[smem:$0x3F93] =	sst s1;
	(tag) =	ssettag s2;
	_ =	strace s9  }
0x27: {  	s1 =	sld [smem:$0x3FA3]  }
0x28: {  	s2 =	sld [smem:$0x3FA4]  }
0x29: {  	s4 =	sld [smem:$0x3FA6]  }
0x2a: {  	p0 =	seq.s32 s5, $0x0;
	s5 =	sld [smem:$0x3FA7]  }
0x2b: {  	s6 =	sld [smem:$0x3FA8]  }
0x2c: {  	s7 =	sld [smem:$0x3FA9]  }
0x2d: {  	s3 =	simm.s32 $0x108;
	s8 =	sld [smem:$0x3FAA]  }
0x2e: {  	s3 =	simm.s32 @!p0 $0x1082;
	s9 =	sld [smem:$0x3FAB]  }
0x2f: {  	lr =	sadd.s32 s0, s3;
	s0 =	sld [smem:$0x3FA2]  }
0x30: {  	s3 =	sld [smem:$0x3FA5]  }
0x31: {  	[smem:$0x3FAE] =	sst s10  }
0x32: {  	s10 =	sld [smem:$0x3FAC];
	_ =	sdelay $0x3  }
0x33: {  	p0 =	seq.s32 s10, $0x1;
	s10 =	sld [smem:$0x3FAE];
	_ =	sdelay $0x3  }
0x34: {  	[smem:$0x3FAE] =	sst s10  }
0x35: {  	s10 =	sld [smem:$0x3FAD];
	_ =	sdelay $0x3  }
0x36: {  	p1 =	seq.s32 s10, $0x1;
	s10 =	sld [smem:$0x3FAE];
	_ =	sdelay $0x3  }
0x37: {  	[smem:$0x3FAE] =	sst s10  }
0x38: {  	s10 =	sld [smem:$0x3FAF]  }
0x39: {  	_ = 	snop;
	(pc) =	sbr.ind lr, $3  }
0x3a: {  	_ = 	snop  }
0x3b: {  	_ = 	snop  }
0x3c: {  	p2 =	seq.s32 s10, $0x1;
	s10 =	sld [smem:$0x3FAE]  }
0x3d: {  	_ =	shalt  }
0x3e: {  	_ =	shalt  }
0x3f: {  	_ =	shalt  }
0x40: {  	_ =	shalt  }
0x41: {  	_ =	shalt  }
0x42: {  	_ =	shalt  }
0x43: {  	_ =	shalt  }
0x44: {  	_ =	shalt  }
0x45: {  	_ =	shalt  }
0x46: {  	_ =	shalt  }
0x47: {  	_ =	shalt  }
0x48: {  	_ =	shalt  }
0x49: {  	_ =	shalt  }
0x4a: {  	_ =	shalt  }
0x4b: {  	_ =	shalt  }
0x4c: {  	_ =	shalt  }
0x4d: {  	_ =	shalt  }
0x4e: {  	_ =	shalt  }
0x4f: {  	_ =	shalt  }
0x50: {  	_ =	shalt  }
0x51: {  	_ =	shalt  }
0x52: {  	_ =	shalt  }
0x53: {  	_ =	shalt  }
0x54: {  	_ =	shalt  }
0x55: {  	_ =	shalt  }
0x56: {  	_ =	shalt  }
0x57: {  	_ =	shalt  }
0x58: {  	_ =	shalt  }
0x59: {  	_ =	shalt  }
0x5a: {  	_ =	shalt  }
0x5b: {  	_ =	shalt  }
0x5c: {  	_ =	shalt  }
0x5d: {  	_ =	shalt  }
0x5e: {  	_ =	shalt  }
0x5f: {  	_ =	shalt  }
0x60: {  	_ =	shalt  }
0x61: {  	_ =	shalt  }
0x62: {  	_ =	shalt  }
0x63: {  	_ =	shalt  }
0x64: {  	_ =	shalt  }
0x65: {  	_ =	shalt  }
0x66: {  	_ =	shalt  }
0x67: {  	_ =	shalt  }
0x68: {  	_ =	shalt  }
0x69: {  	_ =	shalt  }
0x6a: {  	_ =	shalt  }
0x6b: {  	_ =	shalt  }
0x6c: {  	_ =	shalt  }
0x6d: {  	_ =	shalt  }
0x6e: {  	_ =	shalt  }
0x6f: {  	_ =	shalt  }
0x70: {  	_ =	shalt  }
0x71: {  	_ =	shalt  }
0x72: {  	_ =	shalt  }
0x73: {  	_ =	shalt  }
0x74: {  	_ =	shalt  }
0x75: {  	_ =	shalt  }
0x76: {  	_ =	shalt  }
0x77: {  	_ =	shalt  }
0x78: {  	_ =	shalt  }
0x79: {  	_ =	shalt  }
0x7a: {  	_ =	shalt  }
0x7b: {  	_ =	shalt  }
0x7c: {  	_ =	shalt  }
0x7d: {  	_ =	shalt  }
0x7e: {  	_ =	shalt  }
0x7f: {  	_ =	shalt  }
0x80: {  	_ =	shalt  }
0x81: {  	_ =	shalt  }
0x82: {  	_ =	shalt  }
0x83: {  	_ =	shalt  }
0x84: {  	_ =	shalt  }
0x85: {  	_ =	shalt  }
0x86: {  	_ =	shalt  }
0x87: {  	_ =	shalt  }
.Lfunc_end0:
.L_simem_size_0:
called_computation_lowered:
.L_overlay_start_0:
0x88: {  	s2 =	sld [smem:$0x3FD9]  }
0x89: {  	s3 =	sld [smem:$0x3FFE];
	_ =	sdelay $0x1  }
0x8a: {  	s1 =	srdreg.scid  }
0x8b: {  	s0 =	sand.u32 $0x1, s1  }
0x8c: {  	s17 =	sshll.u32 s0, $0xA;
	s2 =	sadd.s32 s3, s2  }
0x8d: {  	s2 =	sadd.s32 s2, s17  }
0x8e: {  	[smem:$0x3FBA] =	sst s2  }
0x8f: {  	_ = 	snop  }
0x90: {  	s18 =	sld [smem:$0x3FC8];
	(tm) =	ssettm $0x1  }
0x91: {  	s19 =	sld [smem:$0x3FFB];
	_ =	sdelay $0x3  }
0x92: {  	_ =	strace s19  }
0x93: {  	s2 =	sld [smem:$0x3FFC];
	_ =	sdelay $0x3  }
0x94: {  	_ =	strace s2  }
0x95: {  	s2 =	sld [smem:$0x3FFD];
	_ =	sdelay $0x3  }
0x96: {  	_ =	strace s2  }
0x97: {  	_ =	strace $0x8FFFFFFF  }
0x98: {  	s20 =	sld [smem:$0x3FDB];
	_ =	sdelay $0x1  }
0x99: {  	s4 =	simm.s32 $_scs_section_size  }
0x9a: {  	s5 =	simm.s32 $_size__tile_overlayer_lowered;
	s6 =	simm.s32 $_tile_overlayer_lowered  }
0x9b: {  	s7 =	simm.s32 $0x1BFF;
	s21 =	sshll.u32 s6, $0x1;
	s4 =	sadd.s32 s4, s20  }
0x9c: {  	s22 =	simm.s32 $0x0;
	s5 =	sshll.u32 s5, $0x1;
	s6 =	sadd.s32 s21, s4  }
0x9d: {  	[timem:s22], [sflag:s7] =	dma.local [hbm:s6], s5  }
0x9e: {  	_ =	swait.ge [sflag:s7], s5  }
0x9f: {  	s5 =	ssub.s32 $0x0, s5;
	[sflag:s7] =	ssyncset.done $0x0  }
0xa0: {  	[sflag:s7] =	ssyncadd.s32 s5;
	_ =	sdelay $0x1  }
0xa1: {  	s23 =	simm.s32 $0x1B8B  }
0xa2: {  	_ =	swait.ge [sflag:s23], $0x1  }
0xa3: {  	[sflag:s23] =	ssyncset.done $0x0  }
0xa4: {  	[sflag:s23] =	ssyncadd.s32 $0xFFFFFFFF  }
0xa5: {  	s5 =	sld [smem:$0x0]  }
0xa6: {  	s6 =	sand.u32 $0xFFFFFFFE, s1  }
0xa7: {  	p0 =	sne.s32 s1, s6  }
0xa8: {  	s6 =	sshll.u32 @p0 s6, $0xE  }
0xa9: {  	s6 =	sadd.s32 @p0 $0x11B8D, s6;
	s7 =	sshll.u32 @p0 s5, $0x11  }
0xaa: {  	s6 =	sor.u32 @p0 s7, s6  }
0xab: {  	[sflag:s6] =	ssyncadd.remote.s32 @p0 $0x1;
	_ =	sdelay $0x1  }
0xac: {  	s6 =	simm.s32 @p0 $0x1B8D  }
0xad: {  	_ =	swait.eq @p0 [sflag:s6], $0x1  }
0xae: {  	[sflag:s6] =	ssyncadd.s32 @p0 $0xFFFFFFFF  }
0xaf: {  	s7 =	sshll.u32 @!p0 s1, $0xE  }
0xb0: {  	s7 =	sor.u32 @!p0 $0x4000, s7;
	s6 =	simm.s32 @!p0 $0x1B8D  }
0xb1: {  	s5 =	sshll.u32 @!p0 s5, $0x11;
	s7 =	sadd.s32 @!p0 $0x11B8D, s7;
	_ =	swait.eq @!p0 [sflag:s6], $0x1  }
0xb2: {  	s5 =	sor.u32 @!p0 s5, s7;
	[sflag:s6] =	ssyncadd.s32 @!p0 $0xFFFFFFFF  }
0xb3: {  	s25 =	simm.s32 $0x1B8E;
	s24 =	sld [smem:$0x3FFE];
	[sflag:s5] =	ssyncadd.remote.s32 @!p0 $0x1  }
0xb4: {  	s26 =	simm.s32 $execute0_lowered;
	[smem:$0x3FD2] =	sst s25  }
0xb5: {  	s6 =	sshll.u32 s26, $0x1;
	_ =	strace $0x80000049;
	[dreg:$0x1] =	wrdreg $0xFFFFFFFF  }
0xb6: {  	s28 =	simm.s32 $_size_execute0_lowered;
	s4 =	sadd.s32 s4, s6;
	[dreg:$0x0] =	wrdreg $0x0  }
0xb7: {  	s6 =	sshll.u32 s28, $0x1;
	[dreg:$0x2] =	wrdreg s4  }
0xb8: {  	[dreg:$0x3] =	wrdreg s6  }
0xb9: {  	[dreg:$0x4] =	wrdreg $0xC0  }
0xba: {  	_ =	task [dreg:s22], $0x5FFFF  }
0xbb: {  	[dreg:$0x1] =	wrdreg $0xFFFFFFFF  }
0xbc: {  	[dreg:$0x0] =	wrdreg $0x60  }
0xbd: {  	[dreg:$0x2] =	wrdreg s18  }
0xbe: {  	[dreg:$0x3] =	wrdreg s24  }
0xbf: {  	[dreg:$0x4] =	wrdreg $0x9  }
0xc0: {  	_ =	task.clear_ibuf [dreg:s22], $0x5FFFF;
	_ =	strace $0x90000049  }
0xc1: {  	s29 =	simm.s32 $0x9;
	_ =	strace $0x8000004B  }
0xc2: {  	_ =	swait.ge [sflag:s29], $0x1  }
0xc3: {  	[sflag:s29] =	ssyncadd.s32 $0xFFFFFFFF  }
0xc4: {  	_ =	strace $0x9000004B  }
0xc5: {  	_ =	sfence  }
0xc6: {  	s30 =	sld [smem:$0x0];
	_ =	sdelay $0x2  }
0xc7: {  	s31 =	sshll.u32 s1, $0xD;
	s1 =	sshrl.u32 s1, $0x2  }
0xc8: {  	s4 =	sand.u32 $0x4000, s31;
	s1 =	sadd.s32 s1, s30  }
0xc9: {  	s0 =	sor.u32 s4, s0;
	s1 =	sshll.u32 s1, $0x11  }
0xca: {  	s0 =	sor.u32 s1, s0  }
0xcb: {  	s0 =	sadd.s32 $0x8F2B, s0  }
0xcc: {  	[sflag:s0] =	ssyncadd.remote.s32 $0x1  }
0xcd: {  	_ =	sfence.sel $0xFFFF  }
0xce: {  	[dreg:$0x0] =	wrdreg $0xFFFFFFFF;
	(pc) =	sbr.abs _section_cstart, $3  }
0xcf: {  	[dreg:$0x1] =	wrdreg $0xFFFFFFFF  }
0xd0: {  	_ =	task.clear_ibuf [dreg:s22], $0x2FFFF;
	_ =	strace $0x9FFFFFFF  }
0xd1: {  	(tm) =	ssettm $0x7FFFFFFF  }
tec
execute0_lowered:
.L_overlay_start_1:
0x0: {  	(tag) =	ssettag $0x1  }
0x1: {  	s1 =	srdreg.scid;
	s3 =	rddreg [dreg:$0x0]  }
0x2: {  	s0 =	stileid.u32;
	s5 =	rddreg [dreg:$0x1];
	s2 =	simm.s32 $0x0  }
0x3: {  	s14 =	simm.s32 $0x80;
	s15 =	simm.s32 $0x100;
	s16 =	simm.s32 $0x1  }
0x4: {  	s17 =	simm.s32 $0x2D00;
	s4 =	sand.u32 $0x1, s1;
	s31 =	sshll.u32 s0, $0x1  }
0x5: {  	s18 =	simm.s32 $0x5A00;
	s19 =	simm.s32 $0x0;
	s6 =	sor.u32 s4, s31  }
0x6: {  	s1 =	rddreg [dreg:$0x2];
	s4 =	ssub.s32 $0x2, s4;
	s7 =	smul.u32 $0x90000, s6  }
0x7: {  	[smem:$0x7FF] =	sst s2;
	s6 =	smul.u32 $0xB40, s6;
	s8 =	sshrl.u32 s4, $0x1  }
0x8: {  	_ =	strace $0x8000004A;
	s13 =	ssub.s32 s4, s8;
	s7 =	sshrl.u32 s7, $0x3  }
0x9: {  	s3 =	sadd.s32 s3, s6;
	s13 =	smax.u32 s13, $0x1;
	s12 =	sadd.s32 s7, s5  }
0xa: {  	s4 =	sadd.s32 $0x10, s3;
	s5 =	sadd.s32 $0x78C00, s12;
	s6 =	sadd.s32 $0x7B000, s12  }
0xb: {  	s7 =	sadd.s32 $0x7D400, s12;
	s8 =	sadd.s32 $0x7F800, s12;
	s9 =	sadd.s32 $0x81C00, s12  }
0xc: {  	v0 =	vimm.f32 $0.0e+00;
	v1 =	vimm.f32 $1.000000000e+00;
	s10 =	sadd.s32 $0x84000, s12;
	s11 =	sadd.s32 $0x86400, s12;
	s12 =	sadd.s32 $0x88800, s12  }
.LBB2_1:
0xd: {  	[tilespmem:s2], [sflag:$0x1] =	stream.strided.gather [hbm4b:s3+s14], $0x2D00, s15, s14, $0x38;
	[tilespmem:$0x17A00] =	vst v63  }
0xe: {  	_ =	swait.ge [sflag:s16], $0x2D00  }
0xf: {  	s20 =	simm.s32 $0x0;
	[sflag:s16] =	ssyncset.done $0x0  }
0x10: {  	s20 =	smul.u32 $0x6000, s20;
	[sflag:s16] =	ssyncadd.s32 $0xFFFFD300  }
0x11: {  	[tilespmem:s17], [sflag:$0x1] =	stream.strided.gather [hbm4b:s4+s14], $0x2D00, s15, s14, $0x38;
	[tilespmem:$0x17A00] =	vst v63  }
0x12: {  	s20 =	sshra.s32 s20, $0x2;
	_ =	swait.ge [sflag:s16], $0x2D00  }
0x13: {  	s21 =	sand.u32 $0x300, s2;
	s22 =	sadd.s32 $0x5A00, s20;
	[sflag:s16] =	ssyncset.done $0x0  }
0x14: {  	s23 =	sadd.s32 s21, s22;
	[sflag:s16] =	ssyncadd.s32 $0xFFFFD300  }
0x15: {  	[tilespmem:s23+$0x470] =	vst v0  }
0x16: {  	[tilespmem:s23+$0x460] =	vst v0  }
0x17: {  	[tilespmem:s23+$0x450] =	vst v0  }
0x18: {  	[tilespmem:s23+$0x440] =	vst v0  }
0x19: {  	[tilespmem:s23+$0x430] =	vst v0  }
0x1a: {  	[tilespmem:s23+$0x420] =	vst v0  }
0x1b: {  	[tilespmem:s23+$0x400] =	vst v0  }
0x1c: {  	[tilespmem:s23+$0x410] =	vst v0  }
0x1d: {  	[tilespmem:s23+$0x60] =	vst v0  }
0x1e: {  	[tilespmem:s23+$0x50] =	vst v0  }
0x1f: {  	[tilespmem:s23+$0x40] =	vst v0  }
0x20: {  	[tilespmem:s23+$0x30] =	vst v0  }
0x21: {  	[tilespmem:s23+$0x20] =	vst v0  }
0x22: {  	[tilespmem:s23+$0x10] =	vst v0  }
0x23: {  	s24 =	sadd.s32 $0x6200, s20;
	[tilespmem:s23+$0x70] =	vst v0  }
0x24: {  	s29 =	sadd.s32 s21, s24;
	[tilespmem:s23+$0x0] =	vst v0  }
0x25: {  	[tilespmem:s29+$0x70] =	vst v0  }
0x26: {  	[tilespmem:s29+$0x60] =	vst v0  }
0x27: {  	[tilespmem:s29+$0x30] =	vst v0  }
0x28: {  	[tilespmem:s29+$0x20] =	vst v0  }
0x29: {  	[tilespmem:s29+$0x10] =	vst v0  }
0x2a: {  	[tilespmem:s29+$0x40] =	vst v0  }
0x2b: {  	s25 =	sadd.s32 $0x6600, s20;
	[tilespmem:s29+$0x50] =	vst v0  }
0x2c: {  	s30 =	sadd.s32 s21, s25;
	[tilespmem:s29+$0x0] =	vst v0  }
0x2d: {  	[tilespmem:s30+$0x70] =	vst v0  }
0x2e: {  	[tilespmem:s30+$0x60] =	vst v0  }
0x2f: {  	[tilespmem:s30+$0x40] =	vst v0  }
0x30: {  	[tilespmem:s30+$0x50] =	vst v0  }
0x31: {  	[tilespmem:s30+$0x10] =	vst v0  }
0x32: {  	[tilespmem:s30+$0x20] =	vst v0  }
0x33: {  	s26 =	sadd.s32 $0x6A00, s20;
	[tilespmem:s30+$0x30] =	vst v0  }
0x34: {  	s31 =	sadd.s32 s21, s26;
	[tilespmem:s30+$0x0] =	vst v0  }
0x35: {  	[tilespmem:s31+$0x70] =	vst v0  }
0x36: {  	[tilespmem:s31+$0x60] =	vst v0  }
0x37: {  	[tilespmem:s31+$0x20] =	vst v0  }
0x38: {  	[tilespmem:s31+$0x10] =	vst v0  }
0x39: {  	[tilespmem:s31+$0x30] =	vst v0  }
0x3a: {  	[tilespmem:s31+$0x50] =	vst v0  }
0x3b: {  	s20 =	sadd.s32 $0x6E00, s20;
	[tilespmem:s31+$0x0] =	vst v0  }
0x3c: {  	s28 =	sadd.s32 s21, s20;
	[tilespmem:s31+$0x40] =	vst v0  }
0x3d: {  	[tilespmem:s28+$0x60] =	vst v0  }
0x3e: {  	[tilespmem:s28+$0x70] =	vst v0  }
0x3f: {  	[tilespmem:s28+$0x10] =	vst v0  }
0x40: {  	[tilespmem:s28+$0x20] =	vst v0  }
0x41: {  	[tilespmem:s28+$0x30] =	vst v0  }
0x42: {  	[tilespmem:s28+$0x50] =	vst v0  }
0x43: {  	s21 =	sor.u32 $0x80, s21;
	[tilespmem:s28+$0x40] =	vst v0  }
0x44: {  	s22 =	sadd.s32 s21, s22;
	[tilespmem:s28+$0x0] =	vst v0  }
0x45: {  	[tilespmem:s22+$0x460] =	vst v0  }
0x46: {  	[tilespmem:s22+$0x470] =	vst v0  }
0x47: {  	[tilespmem:s22+$0x450] =	vst v0  }
0x48: {  	[tilespmem:s22+$0x440] =	vst v0  }
0x49: {  	[tilespmem:s22+$0x430] =	vst v0  }
0x4a: {  	[tilespmem:s22+$0x420] =	vst v0  }
0x4b: {  	[tilespmem:s22+$0x410] =	vst v0  }
0x4c: {  	[tilespmem:s22+$0x400] =	vst v0  }
0x4d: {  	[tilespmem:s22+$0x70] =	vst v0  }
0x4e: {  	[tilespmem:s22+$0x40] =	vst v0  }
0x4f: {  	[tilespmem:s22+$0x30] =	vst v0  }
0x50: {  	[tilespmem:s22+$0x50] =	vst v0  }
0x51: {  	[tilespmem:s22+$0x20] =	vst v0  }
0x52: {  	[tilespmem:s22+$0x60] =	vst v0  }
0x53: {  	[tilespmem:s22+$0x10] =	vst v0  }
0x54: {  	s29 =	sadd.s32 s21, s24;
	[tilespmem:s22+$0x0] =	vst v0  }
0x55: {  	[tilespmem:s29+$0x70] =	vst v0  }
0x56: {  	[tilespmem:s29+$0x60] =	vst v0  }
0x57: {  	[tilespmem:s29+$0x50] =	vst v0  }
0x58: {  	[tilespmem:s29+$0x20] =	vst v0  }
0x59: {  	[tilespmem:s29+$0x10] =	vst v0  }
0x5a: {  	[tilespmem:s29+$0x40] =	vst v0  }
0x5b: {  	[tilespmem:s29+$0x30] =	vst v0  }
0x5c: {  	s30 =	sadd.s32 s21, s25;
	[tilespmem:s29+$0x0] =	vst v0  }
0x5d: {  	[tilespmem:s30+$0x70] =	vst v0  }
0x5e: {  	[tilespmem:s30+$0x60] =	vst v0  }
0x5f: {  	[tilespmem:s30+$0x20] =	vst v0  }
0x60: {  	[tilespmem:s30+$0x10] =	vst v0  }
0x61: {  	[tilespmem:s30+$0x50] =	vst v0  }
0x62: {  	[tilespmem:s30+$0x40] =	vst v0  }
0x63: {  	[tilespmem:s30+$0x30] =	vst v0  }
0x64: {  	s31 =	sadd.s32 s21, s26;
	[tilespmem:s30+$0x0] =	vst v0  }
0x65: {  	[tilespmem:s31+$0x70] =	vst v0  }
0x66: {  	[tilespmem:s31+$0x30] =	vst v0  }
0x67: {  	[tilespmem:s31+$0x60] =	vst v0  }
0x68: {  	[tilespmem:s31+$0x50] =	vst v0  }
0x69: {  	[tilespmem:s31+$0x10] =	vst v0  }
0x6a: {  	[tilespmem:s31+$0x20] =	vst v0  }
0x6b: {  	[tilespmem:s31+$0x40] =	vst v0  }
0x6c: {  	s22 =	sadd.s32 s21, s20;
	[tilespmem:s31+$0x0] =	vst v0  }
0x6d: {  	[tilespmem:s22+$0x70] =	vst v0  }
0x6e: {  	s23 =	simm.s32 $0x1;
	s20 =	simm.s32 $0x0;
	[tilespmem:s22+$0x60] =	vst v0  }
.LBB2_2:
0x6f: {  	s21 =	smov.u32 s23  }
0x70: {  	s24 =	sshrl.u32 s23, $0x2;
	[tilespmem:s22+$0x30] =	vst v0;
	s20 =	sadd.s32 $0x100, s20;
	s21 =	sadd.s32 $0x1, s23  }
0x71: {  	p0 =	sne.s32 s23, $0x2F;
	s24 =	smul.u32 $0x6000, s24;
	[tilespmem:s22+$0x50] =	vst v0  }
0x72: {  	[tilespmem:s22+$0x20] =	vst v0  }
0x73: {  	s23 =	sshra.s32 s24, $0x2;
	[tilespmem:s22+$0x10] =	vst v0  }
0x74: {  	s29 =	sand.u32 $0x300, s20;
	s28 =	sadd.s32 $0x5A00, s23;
	s26 =	sadd.s32 $0x6200, s23;
	[tilespmem:s22+$0x0] =	vst v0  }
0x75: {  	s25 =	sadd.s32 $0x6600, s23;
	s24 =	sadd.s32 $0x6A00, s23;
	s30 =	sadd.s32 s29, s28;
	[tilespmem:s22+$0x40] =	vst v0  }
0x76: {  	s22 =	sadd.s32 $0x6E00, s23;
	s23 =	sor.u32 $0x80, s29;
	[tilespmem:s30+$0x470] =	vst v0  }
0x77: {  	[tilespmem:s30+$0x460] =	vst v0  }
0x78: {  	[tilespmem:s30+$0x450] =	vst v0  }
0x79: {  	[tilespmem:s30+$0x440] =	vst v0  }
0x7a: {  	[tilespmem:s30+$0x430] =	vst v0  }
0x7b: {  	[tilespmem:s30+$0x420] =	vst v0  }
0x7c: {  	[tilespmem:s30+$0x400] =	vst v0  }
0x7d: {  	[tilespmem:s30+$0x410] =	vst v0  }
0x7e: {  	[tilespmem:s30+$0x60] =	vst v0  }
0x7f: {  	[tilespmem:s30+$0x50] =	vst v0  }
0x80: {  	[tilespmem:s30+$0x40] =	vst v0  }
0x81: {  	[tilespmem:s30+$0x30] =	vst v0  }
0x82: {  	[tilespmem:s30+$0x20] =	vst v0  }
0x83: {  	[tilespmem:s30+$0x10] =	vst v0  }
0x84: {  	[tilespmem:s30+$0x70] =	vst v0  }
0x85: {  	[tilespmem:s30+$0x0] =	vst v0;
	s30 =	sadd.s32 s29, s26  }
0x86: {  	[tilespmem:s30+$0x70] =	vst v0  }
0x87: {  	[tilespmem:s30+$0x60] =	vst v0  }
0x88: {  	[tilespmem:s30+$0x30] =	vst v0  }
0x89: {  	[tilespmem:s30+$0x20] =	vst v0  }
0x8a: {  	[tilespmem:s30+$0x10] =	vst v0  }
0x8b: {  	[tilespmem:s30+$0x40] =	vst v0  }
0x8c: {  	[tilespmem:s30+$0x50] =	vst v0  }
0x8d: {  	[tilespmem:s30+$0x0] =	vst v0;
	s30 =	sadd.s32 s29, s25  }
0x8e: {  	[tilespmem:s30+$0x70] =	vst v0  }
0x8f: {  	[tilespmem:s30+$0x60] =	vst v0  }
0x90: {  	[tilespmem:s30+$0x40] =	vst v0  }
0x91: {  	[tilespmem:s30+$0x50] =	vst v0  }
0x92: {  	[tilespmem:s30+$0x10] =	vst v0  }
0x93: {  	[tilespmem:s30+$0x20] =	vst v0  }
0x94: {  	[tilespmem:s30+$0x30] =	vst v0  }
0x95: {  	[tilespmem:s30+$0x0] =	vst v0;
	s30 =	sadd.s32 s29, s24  }
0x96: {  	[tilespmem:s30+$0x70] =	vst v0  }
0x97: {  	[tilespmem:s30+$0x60] =	vst v0  }
0x98: {  	[tilespmem:s30+$0x20] =	vst v0  }
0x99: {  	[tilespmem:s30+$0x10] =	vst v0  }
0x9a: {  	[tilespmem:s30+$0x30] =	vst v0  }
0x9b: {  	[tilespmem:s30+$0x50] =	vst v0  }
0x9c: {  	[tilespmem:s30+$0x0] =	vst v0  }
0x9d: {  	s29 =	sadd.s32 s29, s22;
	[tilespmem:s30+$0x40] =	vst v0  }
0x9e: {  	[tilespmem:s29+$0x60] =	vst v0  }
0x9f: {  	[tilespmem:s29+$0x70] =	vst v0  }
0xa0: {  	[tilespmem:s29+$0x10] =	vst v0  }
0xa1: {  	[tilespmem:s29+$0x20] =	vst v0  }
0xa2: {  	[tilespmem:s29+$0x30] =	vst v0  }
0xa3: {  	[tilespmem:s29+$0x50] =	vst v0  }
0xa4: {  	[tilespmem:s29+$0x40] =	vst v0  }
0xa5: {  	s28 =	sadd.s32 s23, s28;
	[tilespmem:s29+$0x0] =	vst v0  }
0xa6: {  	[tilespmem:s28+$0x460] =	vst v0  }
0xa7: {  	[tilespmem:s28+$0x470] =	vst v0  }
0xa8: {  	[tilespmem:s28+$0x450] =	vst v0  }
0xa9: {  	[tilespmem:s28+$0x440] =	vst v0  }
0xaa: {  	[tilespmem:s28+$0x430] =	vst v0  }
0xab: {  	[tilespmem:s28+$0x420] =	vst v0  }
0xac: {  	[tilespmem:s28+$0x410] =	vst v0  }
0xad: {  	[tilespmem:s28+$0x400] =	vst v0  }
0xae: {  	[tilespmem:s28+$0x70] =	vst v0  }
0xaf: {  	[tilespmem:s28+$0x40] =	vst v0  }
0xb0: {  	[tilespmem:s28+$0x30] =	vst v0  }
0xb1: {  	[tilespmem:s28+$0x50] =	vst v0  }
0xb2: {  	[tilespmem:s28+$0x20] =	vst v0  }
0xb3: {  	[tilespmem:s28+$0x60] =	vst v0  }
0xb4: {  	[tilespmem:s28+$0x10] =	vst v0  }
0xb5: {  	s26 =	sadd.s32 s23, s26;
	[tilespmem:s28+$0x0] =	vst v0  }
0xb6: {  	[tilespmem:s26+$0x70] =	vst v0  }
0xb7: {  	[tilespmem:s26+$0x60] =	vst v0  }
0xb8: {  	[tilespmem:s26+$0x50] =	vst v0  }
0xb9: {  	[tilespmem:s26+$0x20] =	vst v0  }
0xba: {  	[tilespmem:s26+$0x10] =	vst v0  }
0xbb: {  	[tilespmem:s26+$0x40] =	vst v0  }
0xbc: {  	[tilespmem:s26+$0x30] =	vst v0  }
0xbd: {  	s25 =	sadd.s32 s23, s25;
	[tilespmem:s26+$0x0] =	vst v0  }
0xbe: {  	[tilespmem:s25+$0x70] =	vst v0  }
0xbf: {  	[tilespmem:s25+$0x60] =	vst v0  }
0xc0: {  	[tilespmem:s25+$0x20] =	vst v0  }
0xc1: {  	[tilespmem:s25+$0x10] =	vst v0  }
0xc2: {  	[tilespmem:s25+$0x50] =	vst v0  }
0xc3: {  	[tilespmem:s25+$0x40] =	vst v0  }
0xc4: {  	[tilespmem:s25+$0x30] =	vst v0  }
0xc5: {  	s24 =	sadd.s32 s23, s24;
	[tilespmem:s25+$0x0] =	vst v0  }
0xc6: {  	[tilespmem:s24+$0x70] =	vst v0  }
0xc7: {  	[tilespmem:s24+$0x30] =	vst v0  }
0xc8: {  	[tilespmem:s24+$0x60] =	vst v0  }
0xc9: {  	[tilespmem:s24+$0x50] =	vst v0  }
0xca: {  	[tilespmem:s24+$0x10] =	vst v0  }
.Ltmp0:
0xcb: {  	[tilespmem:s24+$0x20] =	vst v0;
	(pc) =	sbr.rel @p0 .LBB2_2-.Ltmp0, $4  }
0xcc: {  	[tilespmem:s24+$0x40] =	vst v0  }
0xcd: {  	s22 =	sadd.s32 s23, s22;
	[tilespmem:s24+$0x0] =	vst v0  }
0xce: {  	[tilespmem:s22+$0x70] =	vst v0  }
0xcf: {  	s23 =	smov.u32 s21;
	[tilespmem:s22+$0x60] =	vst v0  }
0xd0: {  	[tilespmem:s22+$0x30] =	vst v0  }
0xd1: {  	[tilespmem:s22+$0x50] =	vst v0  }
0xd2: {  	[tilespmem:s22+$0x20] =	vst v0  }
0xd3: {  	[tilespmem:s22+$0x10] =	vst v0  }
0xd4: {  	[tilespmem:s22+$0x0] =	vst v0  }
0xd5: {  	[tilespmem:s22+$0x40] =	vst v0;
	s20 =	simm.s32 $0x0  }
.LBB2_4:
0xd6: {  	s21 =	sshra.s32 s20, $0x2  }
0xd7: {  	v2 =	vld [tilespmem:s21+$0x2D00];
	_ =	sdelay $0x2  }
0xd8: {  	v3 =	vld [tilespmem:s21+$0x0];
	_ =	sdelay $0x1  }
0xd9: {  	vm0 =	vlt.u32 v2, $0x60  }
0xda: {  	v2 =	vnsel vm0, $0x0, v2  }
0xdb: {  	v4 =	vshrl.u32 v2, $0x3  }
0xdc: {  	v5 =	vshll.u32 v3, $0x3;
	v4 =	vmul.u32 $0x1800, v4  }
0xdd: {  	v5 =	vand.u32 $0xFFFFFC00, v5;
	v2 =	vshll.u32 v2, $0x7  }
0xde: {  	v2 =	vand.u32 $0x380, v2;
	v4 =	vadd.s32 v5, v4  }
0xdf: {  	v3 =	vand.u32 $0x7F, v3;
	v2 =	vor.u32 v2, v4  }
0xe0: {  	v2 =	vor.u32 v3, v2;
	_ =	sdelay $0x4  }
0xe1: {  	[tilespmem:v2+s18+$0x0] =	vst.idx.add.f32.msk vm0, v1  }
0xe2: {  	v2 =	vld [tilespmem:s21+$0x2D10];
	_ =	sdelay $0x2  }
0xe3: {  	v3 =	vld [tilespmem:s21+$0x10];
	_ =	sdelay $0x1  }
0xe4: {  	vm15 =	vlt.u32 v2, $0x60  }
0xe5: {  	v2 =	vnsel vm15, $0x0, v2  }
0xe6: {  	v62 =	vshrl.u32 v2, $0x3  }
0xe7: {  	v63 =	vshll.u32 v3, $0x3;
	v4 =	vmul.u32 $0x1800, v62  }
0xe8: {  	v5 =	vand.u32 $0xFFFFFC00, v63;
	v2 =	vshll.u32 v2, $0x7  }
0xe9: {  	v2 =	vand.u32 $0x380, v2;
	v4 =	vadd.s32 v5, v4  }
0xea: {  	v3 =	vand.u32 $0x7F, v3;
	v2 =	vor.u32 v2, v4  }
0xeb: {  	p0 =	sne.s32 s20, $0xB200;
	v2 =	vor.u32 v3, v2  }
.Ltmp1:
0xec: {  	_ = 	snop;
	(pc) =	sbr.rel @p0 .LBB2_4-.Ltmp1, $2  }
0xed: {  	_ =	sdelay $0x2  }
0xee: {  	s20 =	sadd.s32 $0x80, s20;
	[tilespmem:v2+s18+$0x0] =	vst.idx.add.f32.msk vm15, v1  }
0xef: {  	s20 =	simm.s32 $0x0  }
0xf0: {  	[hbm4b:s5+s20] =	stream.linear.scatter [tilespmem:s18], [sflag:$0x1], $0x12000, $0x38;
	[tilespmem:$0x17A00] =	vst v63  }
0xf1: {  	_ =	swait.ge [sflag:s16], $0x12000  }
0xf2: {  	[sflag:s16] =	ssyncset.done $0x0  }
0xf3: {  	s21 =	simm.s32 $0x0;
	[sflag:s16] =	ssyncadd.s32 $0xFFFEE000  }
.LBB2_6:
0xf4: {  	s22 =	sshra.s32 s21, $0x2  }
0xf5: {  	v2 =	vld [tilespmem:s22+$0x2D00];
	_ =	sdelay $0x2  }
0xf6: {  	v3 =	vld [tilespmem:s22+$0x0];
	_ =	sdelay $0x1  }
0xf7: {  	vm0 =	vlt.u32 v2, $0x60  }
0xf8: {  	v2 =	vnsel vm0, $0x0, v2  }
0xf9: {  	v4 =	vshrl.u32 v2, $0x3  }
0xfa: {  	v5 =	vshll.u32 v3, $0x3;
	v4 =	vmul.u32 $0x1800, v4  }
0xfb: {  	v5 =	vand.u32 $0xFFFFFC00, v5;
	v2 =	vshll.u32 v2, $0x7  }
0xfc: {  	v2 =	vand.u32 $0x380, v2;
	v4 =	vadd.s32 v5, v4  }
0xfd: {  	v3 =	vand.u32 $0x7F, v3;
	v2 =	vor.u32 v2, v4  }
0xfe: {  	v2 =	vor.u32 v3, v2;
	_ =	sdelay $0x4  }
0xff: {  	[tilespmem:v2+s18+$0x0] =	vst.idx.msk vm0, v0  }
0x100: {  	v2 =	vld [tilespmem:s22+$0x2D10];
	_ =	sdelay $0x2  }
0x101: {  	v3 =	vld [tilespmem:s22+$0x10];
	_ =	sdelay $0x1  }
0x102: {  	vm15 =	vlt.u32 v2, $0x60  }
0x103: {  	v2 =	vnsel vm15, $0x0, v2  }
0x104: {  	v62 =	vshrl.u32 v2, $0x3  }
0x105: {  	v63 =	vshll.u32 v3, $0x3;
	v4 =	vmul.u32 $0x1800, v62  }
0x106: {  	v5 =	vand.u32 $0xFFFFFC00, v63;
	v2 =	vshll.u32 v2, $0x7  }
0x107: {  	v2 =	vand.u32 $0x380, v2;
	v4 =	vadd.s32 v5, v4  }
0x108: {  	v3 =	vand.u32 $0x7F, v3;
	v2 =	vor.u32 v2, v4  }
0x109: {  	p0 =	sne.s32 s21, $0xB200;
	v2 =	vor.u32 v3, v2  }
.Ltmp2:
0x10a: {  	_ = 	snop;
	(pc) =	sbr.rel @p0 .LBB2_6-.Ltmp2, $2  }
0x10b: {  	_ =	sdelay $0x2  }
0x10c: {  	s21 =	sadd.s32 $0x80, s21;
	[tilespmem:v2+s18+$0x0] =	vst.idx.msk vm15, v0  }
.LBB2_7:
0x10d: {  	s21 =	sshra.s32 s20, $0x2  }
0x10e: {  	v2 =	vld [tilespmem:s21+$0x2D00];
	_ =	sdelay $0x3  }
0x10f: {  	v3 =	vld [tilespmem:s21+$0x0]  }
0x110: {  	v2 =	vadd.s32 $0xFFFFFFA0, v2  }
0x111: {  	vm0 =	vlt.u32 v2, $0x60  }
0x112: {  	v2 =	vnsel vm0, $0x0, v2  }
0x113: {  	v4 =	vshrl.u32 v2, $0x3  }
0x114: {  	v5 =	vshll.u32 v3, $0x3;
	v4 =	vmul.u32 $0x1800, v4  }
0x115: {  	v5 =	vand.u32 $0xFFFFFC00, v5;
	v2 =	vshll.u32 v2, $0x7  }
0x116: {  	v2 =	vand.u32 $0x380, v2;
	v4 =	vadd.s32 v5, v4  }
0x117: {  	v3 =	vand.u32 $0x7F, v3;
	v2 =	vor.u32 v2, v4  }
0x118: {  	v2 =	vor.u32 v3, v2;
	_ =	sdelay $0x4  }
0x119: {  	[tilespmem:v2+s18+$0x0] =	vst.idx.add.f32.msk vm0, v1  }
0x11a: {  	v2 =	vld [tilespmem:s21+$0x2D10];
	_ =	sdelay $0x3  }
0x11b: {  	v3 =	vld [tilespmem:s21+$0x10]  }
0x11c: {  	v2 =	vadd.s32 $0xFFFFFFA0, v2  }
0x11d: {  	vm15 =	vlt.u32 v2, $0x60  }
0x11e: {  	v2 =	vnsel vm15, $0x0, v2  }
0x11f: {  	v62 =	vshrl.u32 v2, $0x3  }
0x120: {  	v63 =	vshll.u32 v3, $0x3;
	v4 =	vmul.u32 $0x1800, v62  }
0x121: {  	v5 =	vand.u32 $0xFFFFFC00, v63;
	v2 =	vshll.u32 v2, $0x7  }
0x122: {  	v2 =	vand.u32 $0x380, v2;
	v4 =	vadd.s32 v5, v4  }
0x123: {  	v3 =	vand.u32 $0x7F, v3;
	v2 =	vor.u32 v2, v4  }
0x124: {  	p0 =	sne.s32 s20, $0xB200;
	v2 =	vor.u32 v3, v2  }
.Ltmp3:
0x125: {  	_ = 	snop;
	(pc) =	sbr.rel @p0 .LBB2_7-.Ltmp3, $2  }
0x126: {  	_ =	sdelay $0x2  }
0x127: {  	s20 =	sadd.s32 $0x80, s20;
	[tilespmem:v2+s18+$0x0] =	vst.idx.add.f32.msk vm15, v1  }
0x128: {  	s20 =	simm.s32 $0x0  }
0x129: {  	[hbm4b:s6+s20] =	stream.linear.scatter [tilespmem:s18], [sflag:$0x1], $0x12000, $0x38;
	[tilespmem:$0x17A00] =	vst v63  }
0x12a: {  	_ =	swait.ge [sflag:s16], $0x12000  }
0x12b: {  	[sflag:s16] =	ssyncset.done $0x0  }
0x12c: {  	s21 =	simm.s32 $0x0;
	[sflag:s16] =	ssyncadd.s32 $0xFFFEE000  }
.LBB2_9:
0x12d: {  	s22 =	sshra.s32 s21, $0x2  }
0x12e: {  	v2 =	vld [tilespmem:s22+$0x2D00];
	_ =	sdelay $0x3  }
0x12f: {  	v3 =	vld [tilespmem:s22+$0x0]  }
0x130: {  	v2 =	vadd.s32 $0xFFFFFFA0, v2  }
0x131: {  	vm0 =	vlt.u32 v2, $0x60  }
0x132: {  	v2 =	vnsel vm0, $0x0, v2  }
0x133: {  	v4 =	vshrl.u32 v2, $0x3  }
0x134: {  	v5 =	vshll.u32 v3, $0x3;
	v4 =	vmul.u32 $0x1800, v4  }
0x135: {  	v5 =	vand.u32 $0xFFFFFC00, v5;
	v2 =	vshll.u32 v2, $0x7  }
0x136: {  	v2 =	vand.u32 $0x380, v2;
	v4 =	vadd.s32 v5, v4  }
0x137: {  	v3 =	vand.u32 $0x7F, v3;
	v2 =	vor.u32 v2, v4  }
0x138: {  	v2 =	vor.u32 v3, v2;
	_ =	sdelay $0x4  }
0x139: {  	[tilespmem:v2+s18+$0x0] =	vst.idx.msk vm0, v0  }
0x13a: {  	v2 =	vld [tilespmem:s22+$0x2D10];
	_ =	sdelay $0x3  }
0x13b: {  	v3 =	vld [tilespmem:s22+$0x10]  }
0x13c: {  	v2 =	vadd.s32 $0xFFFFFFA0, v2  }
0x13d: {  	vm15 =	vlt.u32 v2, $0x60  }
0x13e: {  	v2 =	vnsel vm15, $0x0, v2  }
0x13f: {  	v62 =	vshrl.u32 v2, $0x3  }
0x140: {  	v63 =	vshll.u32 v3, $0x3;
	v4 =	vmul.u32 $0x1800, v62  }
0x141: {  	v5 =	vand.u32 $0xFFFFFC00, v63;
	v2 =	vshll.u32 v2, $0x7  }
0x142: {  	v2 =	vand.u32 $0x380, v2;
	v4 =	vadd.s32 v5, v4  }
0x143: {  	v3 =	vand.u32 $0x7F, v3;
	v2 =	vor.u32 v2, v4  }
0x144: {  	p0 =	sne.s32 s21, $0xB200;
	v2 =	vor.u32 v3, v2  }
.Ltmp4:
0x145: {  	_ = 	snop;
	(pc) =	sbr.rel @p0 .LBB2_9-.Ltmp4, $2  }
0x146: {  	_ =	sdelay $0x2  }
0x147: {  	s21 =	sadd.s32 $0x80, s21;
	[tilespmem:v2+s18+$0x0] =	vst.idx.msk vm15, v0  }
.LBB2_10:
0x148: {  	s21 =	sshra.s32 s20, $0x2  }
0x149: {  	v2 =	vld [tilespmem:s21+$0x2D00];
	_ =	sdelay $0x3  }
0x14a: {  	v3 =	vld [tilespmem:s21+$0x0]  }
0x14b: {  	v2 =	vadd.s32 $0xFFFFFF40, v2  }
0x14c: {  	vm0 =	vlt.u32 v2, $0x60  }
0x14d: {  	v2 =	vnsel vm0, $0x0, v2  }
0x14e: {  	v4 =	vshrl.u32 v2, $0x3  }
0x14f: {  	v5 =	vshll.u32 v3, $0x3;
	v4 =	vmul.u32 $0x1800, v4  }
0x150: {  	v5 =	vand.u32 $0xFFFFFC00, v5;
	v2 =	vshll.u32 v2, $0x7  }
0x151: {  	v2 =	vand.u32 $0x380, v2;
	v4 =	vadd.s32 v5, v4  }
0x152: {  	v3 =	vand.u32 $0x7F, v3;
	v2 =	vor.u32 v2, v4  }
0x153: {  	v2 =	vor.u32 v3, v2;
	_ =	sdelay $0x4  }
0x154: {  	[tilespmem:v2+s18+$0x0] =	vst.idx.add.f32.msk vm0, v1  }
0x155: {  	v2 =	vld [tilespmem:s21+$0x2D10];
	_ =	sdelay $0x3  }
0x156: {  	v3 =	vld [tilespmem:s21+$0x10]  }
0x157: {  	v2 =	vadd.s32 $0xFFFFFF40, v2  }
0x158: {  	vm15 =	vlt.u32 v2, $0x60  }
0x159: {  	v2 =	vnsel vm15, $0x0, v2  }
0x15a: {  	v62 =	vshrl.u32 v2, $0x3  }
0x15b: {  	v63 =	vshll.u32 v3, $0x3;
	v4 =	vmul.u32 $0x1800, v62  }
0x15c: {  	v5 =	vand.u32 $0xFFFFFC00, v63;
	v2 =	vshll.u32 v2, $0x7  }
0x15d: {  	v2 =	vand.u32 $0x380, v2;
	v4 =	vadd.s32 v5, v4  }
0x15e: {  	v3 =	vand.u32 $0x7F, v3;
	v2 =	vor.u32 v2, v4  }
0x15f: {  	p0 =	sne.s32 s20, $0xB200;
	v2 =	vor.u32 v3, v2  }
.Ltmp5:
0x160: {  	_ = 	snop;
	(pc) =	sbr.rel @p0 .LBB2_10-.Ltmp5, $2  }
0x161: {  	_ =	sdelay $0x2  }
0x162: {  	s20 =	sadd.s32 $0x80, s20;
	[tilespmem:v2+s18+$0x0] =	vst.idx.add.f32.msk vm15, v1  }
0x163: {  	s20 =	simm.s32 $0x0  }
0x164: {  	[hbm4b:s7+s20] =	stream.linear.scatter [tilespmem:s18], [sflag:$0x1], $0x12000, $0x38;
	[tilespmem:$0x17A00] =	vst v63  }
0x165: {  	_ =	swait.ge [sflag:s16], $0x12000  }
0x166: {  	[sflag:s16] =	ssyncset.done $0x0  }
0x167: {  	s21 =	simm.s32 $0x0;
	[sflag:s16] =	ssyncadd.s32 $0xFFFEE000  }
.LBB2_12:
0x168: {  	s22 =	sshra.s32 s21, $0x2  }
0x169: {  	v2 =	vld [tilespmem:s22+$0x2D00];
	_ =	sdelay $0x3  }
0x16a: {  	v3 =	vld [tilespmem:s22+$0x0]  }
0x16b: {  	v2 =	vadd.s32 $0xFFFFFF40, v2  }
0x16c: {  	vm0 =	vlt.u32 v2, $0x60  }
0x16d: {  	v2 =	vnsel vm0, $0x0, v2  }
0x16e: {  	v4 =	vshrl.u32 v2, $0x3  }
0x16f: {  	v5 =	vshll.u32 v3, $0x3;
	v4 =	vmul.u32 $0x1800, v4  }
0x170: {  	v5 =	vand.u32 $0xFFFFFC00, v5;
	v2 =	vshll.u32 v2, $0x7  }
0x171: {  	v2 =	vand.u32 $0x380, v2;
	v4 =	vadd.s32 v5, v4  }
0x172: {  	v3 =	vand.u32 $0x7F, v3;
	v2 =	vor.u32 v2, v4  }
0x173: {  	v2 =	vor.u32 v3, v2;
	_ =	sdelay $0x4  }
0x174: {  	[tilespmem:v2+s18+$0x0] =	vst.idx.msk vm0, v0  }
0x175: {  	v2 =	vld [tilespmem:s22+$0x2D10];
	_ =	sdelay $0x3  }
0x176: {  	v3 =	vld [tilespmem:s22+$0x10]  }
0x177: {  	v2 =	vadd.s32 $0xFFFFFF40, v2  }
0x178: {  	vm15 =	vlt.u32 v2, $0x60  }
0x179: {  	v2 =	vnsel vm15, $0x0, v2  }
0x17a: {  	v62 =	vshrl.u32 v2, $0x3  }
0x17b: {  	v63 =	vshll.u32 v3, $0x3;
	v4 =	vmul.u32 $0x1800, v62  }
0x17c: {  	v5 =	vand.u32 $0xFFFFFC00, v63;
	v2 =	vshll.u32 v2, $0x7  }
0x17d: {  	v2 =	vand.u32 $0x380, v2;
	v4 =	vadd.s32 v5, v4  }
0x17e: {  	v3 =	vand.u32 $0x7F, v3;
	v2 =	vor.u32 v2, v4  }
0x17f: {  	p0 =	sne.s32 s21, $0xB200;
	v2 =	vor.u32 v3, v2  }
.Ltmp6:
0x180: {  	_ = 	snop;
	(pc) =	sbr.rel @p0 .LBB2_12-.Ltmp6, $2  }
0x181: {  	_ =	sdelay $0x2  }
0x182: {  	s21 =	sadd.s32 $0x80, s21;
	[tilespmem:v2+s18+$0x0] =	vst.idx.msk vm15, v0  }
.LBB2_13:
0x183: {  	s21 =	sshra.s32 s20, $0x2  }
0x184: {  	v2 =	vld [tilespmem:s21+$0x2D00];
	_ =	sdelay $0x3  }
0x185: {  	v3 =	vld [tilespmem:s21+$0x0]  }
0x186: {  	v2 =	vadd.s32 $0xFFFFFEE0, v2  }
0x187: {  	vm0 =	vlt.u32 v2, $0x60  }
0x188: {  	v2 =	vnsel vm0, $0x0, v2  }
0x189: {  	v4 =	vshrl.u32 v2, $0x3  }
0x18a: {  	v5 =	vshll.u32 v3, $0x3;
	v4 =	vmul.u32 $0x1800, v4  }
0x18b: {  	v5 =	vand.u32 $0xFFFFFC00, v5;
	v2 =	vshll.u32 v2, $0x7  }
0x18c: {  	v2 =	vand.u32 $0x380, v2;
	v4 =	vadd.s32 v5, v4  }
0x18d: {  	v3 =	vand.u32 $0x7F, v3;
	v2 =	vor.u32 v2, v4  }
0x18e: {  	v2 =	vor.u32 v3, v2;
	_ =	sdelay $0x4  }
0x18f: {  	[tilespmem:v2+s18+$0x0] =	vst.idx.add.f32.msk vm0, v1  }
0x190: {  	v2 =	vld [tilespmem:s21+$0x2D10];
	_ =	sdelay $0x3  }
0x191: {  	v3 =	vld [tilespmem:s21+$0x10]  }
0x192: {  	v2 =	vadd.s32 $0xFFFFFEE0, v2  }
0x193: {  	vm15 =	vlt.u32 v2, $0x60  }
0x194: {  	v2 =	vnsel vm15, $0x0, v2  }
0x195: {  	v62 =	vshrl.u32 v2, $0x3  }
0x196: {  	v63 =	vshll.u32 v3, $0x3;
	v4 =	vmul.u32 $0x1800, v62  }
0x197: {  	v5 =	vand.u32 $0xFFFFFC00, v63;
	v2 =	vshll.u32 v2, $0x7  }
0x198: {  	v2 =	vand.u32 $0x380, v2;
	v4 =	vadd.s32 v5, v4  }
0x199: {  	v3 =	vand.u32 $0x7F, v3;
	v2 =	vor.u32 v2, v4  }
0x19a: {  	p0 =	sne.s32 s20, $0xB200;
	v2 =	vor.u32 v3, v2  }
.Ltmp7:
0x19b: {  	_ = 	snop;
	(pc) =	sbr.rel @p0 .LBB2_13-.Ltmp7, $2  }
0x19c: {  	_ =	sdelay $0x2  }
0x19d: {  	s20 =	sadd.s32 $0x80, s20;
	[tilespmem:v2+s18+$0x0] =	vst.idx.add.f32.msk vm15, v1  }
0x19e: {  	s20 =	simm.s32 $0x0  }
0x19f: {  	[hbm4b:s8+s20] =	stream.linear.scatter [tilespmem:s18], [sflag:$0x1], $0x12000, $0x38;
	[tilespmem:$0x17A00] =	vst v63  }
0x1a0: {  	_ =	swait.ge [sflag:s16], $0x12000  }
0x1a1: {  	[sflag:s16] =	ssyncset.done $0x0  }
0x1a2: {  	s21 =	simm.s32 $0x0;
	[sflag:s16] =	ssyncadd.s32 $0xFFFEE000  }
.LBB2_15:
0x1a3: {  	s22 =	sshra.s32 s21, $0x2  }
0x1a4: {  	v2 =	vld [tilespmem:s22+$0x2D00];
	_ =	sdelay $0x3  }
0x1a5: {  	v3 =	vld [tilespmem:s22+$0x0]  }
0x1a6: {  	v2 =	vadd.s32 $0xFFFFFEE0, v2  }
0x1a7: {  	vm0 =	vlt.u32 v2, $0x60  }
0x1a8: {  	v2 =	vnsel vm0, $0x0, v2  }
0x1a9: {  	v4 =	vshrl.u32 v2, $0x3  }
0x1aa: {  	v5 =	vshll.u32 v3, $0x3;
	v4 =	vmul.u32 $0x1800, v4  }
0x1ab: {  	v5 =	vand.u32 $0xFFFFFC00, v5;
	v2 =	vshll.u32 v2, $0x7  }
0x1ac: {  	v2 =	vand.u32 $0x380, v2;
	v4 =	vadd.s32 v5, v4  }
0x1ad: {  	v3 =	vand.u32 $0x7F, v3;
	v2 =	vor.u32 v2, v4  }
0x1ae: {  	v2 =	vor.u32 v3, v2;
	_ =	sdelay $0x4  }
0x1af: {  	[tilespmem:v2+s18+$0x0] =	vst.idx.msk vm0, v0  }
0x1b0: {  	v2 =	vld [tilespmem:s22+$0x2D10];
	_ =	sdelay $0x3  }
0x1b1: {  	v3 =	vld [tilespmem:s22+$0x10]  }
0x1b2: {  	v2 =	vadd.s32 $0xFFFFFEE0, v2  }
0x1b3: {  	vm15 =	vlt.u32 v2, $0x60  }
0x1b4: {  	v2 =	vnsel vm15, $0x0, v2  }
0x1b5: {  	v62 =	vshrl.u32 v2, $0x3  }
0x1b6: {  	v63 =	vshll.u32 v3, $0x3;
	v4 =	vmul.u32 $0x1800, v62  }
0x1b7: {  	v5 =	vand.u32 $0xFFFFFC00, v63;
	v2 =	vshll.u32 v2, $0x7  }
0x1b8: {  	v2 =	vand.u32 $0x380, v2;
	v4 =	vadd.s32 v5, v4  }
0x1b9: {  	v3 =	vand.u32 $0x7F, v3;
	v2 =	vor.u32 v2, v4  }
0x1ba: {  	p0 =	sne.s32 s21, $0xB200;
	v2 =	vor.u32 v3, v2  }
.Ltmp8:
0x1bb: {  	_ = 	snop;
	(pc) =	sbr.rel @p0 .LBB2_15-.Ltmp8, $2  }
0x1bc: {  	_ =	sdelay $0x2  }
0x1bd: {  	s21 =	sadd.s32 $0x80, s21;
	[tilespmem:v2+s18+$0x0] =	vst.idx.msk vm15, v0  }
.LBB2_16:
0x1be: {  	s21 =	sshra.s32 s20, $0x2  }
0x1bf: {  	v2 =	vld [tilespmem:s21+$0x2D00];
	_ =	sdelay $0x3  }
0x1c0: {  	v3 =	vld [tilespmem:s21+$0x0]  }
0x1c1: {  	v2 =	vadd.s32 $0xFFFFFE80, v2  }
0x1c2: {  	vm0 =	vlt.u32 v2, $0x60  }
0x1c3: {  	v2 =	vnsel vm0, $0x0, v2  }
0x1c4: {  	v4 =	vshrl.u32 v2, $0x3  }
0x1c5: {  	v5 =	vshll.u32 v3, $0x3;
	v4 =	vmul.u32 $0x1800, v4  }
0x1c6: {  	v5 =	vand.u32 $0xFFFFFC00, v5;
	v2 =	vshll.u32 v2, $0x7  }
0x1c7: {  	v2 =	vand.u32 $0x380, v2;
	v4 =	vadd.s32 v5, v4  }
0x1c8: {  	v3 =	vand.u32 $0x7F, v3;
	v2 =	vor.u32 v2, v4  }
0x1c9: {  	v2 =	vor.u32 v3, v2;
	_ =	sdelay $0x4  }
0x1ca: {  	[tilespmem:v2+s18+$0x0] =	vst.idx.add.f32.msk vm0, v1  }
0x1cb: {  	v2 =	vld [tilespmem:s21+$0x2D10];
	_ =	sdelay $0x3  }
0x1cc: {  	v3 =	vld [tilespmem:s21+$0x10]  }
0x1cd: {  	v2 =	vadd.s32 $0xFFFFFE80, v2  }
0x1ce: {  	vm15 =	vlt.u32 v2, $0x60  }
0x1cf: {  	v2 =	vnsel vm15, $0x0, v2  }
0x1d0: {  	v62 =	vshrl.u32 v2, $0x3  }
0x1d1: {  	v63 =	vshll.u32 v3, $0x3;
	v4 =	vmul.u32 $0x1800, v62  }
0x1d2: {  	v5 =	vand.u32 $0xFFFFFC00, v63;
	v2 =	vshll.u32 v2, $0x7  }
0x1d3: {  	v2 =	vand.u32 $0x380, v2;
	v4 =	vadd.s32 v5, v4  }
0x1d4: {  	v3 =	vand.u32 $0x7F, v3;
	v2 =	vor.u32 v2, v4  }
0x1d5: {  	p0 =	sne.s32 s20, $0xB200;
	v2 =	vor.u32 v3, v2  }
.Ltmp9:
0x1d6: {  	_ = 	snop;
	(pc) =	sbr.rel @p0 .LBB2_16-.Ltmp9, $2  }
0x1d7: {  	_ =	sdelay $0x2  }
0x1d8: {  	s20 =	sadd.s32 $0x80, s20;
	[tilespmem:v2+s18+$0x0] =	vst.idx.add.f32.msk vm15, v1  }
0x1d9: {  	s20 =	simm.s32 $0x0  }
0x1da: {  	[hbm4b:s9+s20] =	stream.linear.scatter [tilespmem:s18], [sflag:$0x1], $0x12000, $0x38;
	[tilespmem:$0x17A00] =	vst v63  }
0x1db: {  	_ =	swait.ge [sflag:s16], $0x12000  }
0x1dc: {  	[sflag:s16] =	ssyncset.done $0x0  }
0x1dd: {  	s21 =	simm.s32 $0x0;
	[sflag:s16] =	ssyncadd.s32 $0xFFFEE000  }
.LBB2_18:
0x1de: {  	s22 =	sshra.s32 s21, $0x2  }
0x1df: {  	v2 =	vld [tilespmem:s22+$0x2D00];
	_ =	sdelay $0x3  }
0x1e0: {  	v3 =	vld [tilespmem:s22+$0x0]  }
0x1e1: {  	v2 =	vadd.s32 $0xFFFFFE80, v2  }
0x1e2: {  	vm0 =	vlt.u32 v2, $0x60  }
0x1e3: {  	v2 =	vnsel vm0, $0x0, v2  }
0x1e4: {  	v4 =	vshrl.u32 v2, $0x3  }
0x1e5: {  	v5 =	vshll.u32 v3, $0x3;
	v4 =	vmul.u32 $0x1800, v4  }
0x1e6: {  	v5 =	vand.u32 $0xFFFFFC00, v5;
	v2 =	vshll.u32 v2, $0x7  }
0x1e7: {  	v2 =	vand.u32 $0x380, v2;
	v4 =	vadd.s32 v5, v4  }
0x1e8: {  	v3 =	vand.u32 $0x7F, v3;
	v2 =	vor.u32 v2, v4  }
0x1e9: {  	v2 =	vor.u32 v3, v2;
	_ =	sdelay $0x4  }
0x1ea: {  	[tilespmem:v2+s18+$0x0] =	vst.idx.msk vm0, v0  }
0x1eb: {  	v2 =	vld [tilespmem:s22+$0x2D10];
	_ =	sdelay $0x3  }
0x1ec: {  	v3 =	vld [tilespmem:s22+$0x10]  }
0x1ed: {  	v2 =	vadd.s32 $0xFFFFFE80, v2  }
0x1ee: {  	vm15 =	vlt.u32 v2, $0x60  }
0x1ef: {  	v2 =	vnsel vm15, $0x0, v2  }
0x1f0: {  	v62 =	vshrl.u32 v2, $0x3  }
0x1f1: {  	v63 =	vshll.u32 v3, $0x3;
	v4 =	vmul.u32 $0x1800, v62  }
0x1f2: {  	v5 =	vand.u32 $0xFFFFFC00, v63;
	v2 =	vshll.u32 v2, $0x7  }
0x1f3: {  	v2 =	vand.u32 $0x380, v2;
	v4 =	vadd.s32 v5, v4  }
0x1f4: {  	v3 =	vand.u32 $0x7F, v3;
	v2 =	vor.u32 v2, v4  }
0x1f5: {  	p0 =	sne.s32 s21, $0xB200;
	v2 =	vor.u32 v3, v2  }
.Ltmp10:
0x1f6: {  	_ = 	snop;
	(pc) =	sbr.rel @p0 .LBB2_18-.Ltmp10, $2  }
0x1f7: {  	_ =	sdelay $0x2  }
0x1f8: {  	s21 =	sadd.s32 $0x80, s21;
	[tilespmem:v2+s18+$0x0] =	vst.idx.msk vm15, v0  }
.LBB2_19:
0x1f9: {  	s21 =	sshra.s32 s20, $0x2  }
0x1fa: {  	v2 =	vld [tilespmem:s21+$0x2D00];
	_ =	sdelay $0x3  }
0x1fb: {  	v3 =	vld [tilespmem:s21+$0x0]  }
0x1fc: {  	v2 =	vadd.s32 $0xFFFFFE20, v2  }
0x1fd: {  	vm0 =	vlt.u32 v2, $0x60  }
0x1fe: {  	v2 =	vnsel vm0, $0x0, v2  }
0x1ff: {  	v4 =	vshrl.u32 v2, $0x3  }
0x200: {  	v5 =	vshll.u32 v3, $0x3;
	v4 =	vmul.u32 $0x1800, v4  }
0x201: {  	v5 =	vand.u32 $0xFFFFFC00, v5;
	v2 =	vshll.u32 v2, $0x7  }
0x202: {  	v2 =	vand.u32 $0x380, v2;
	v4 =	vadd.s32 v5, v4  }
0x203: {  	v3 =	vand.u32 $0x7F, v3;
	v2 =	vor.u32 v2, v4  }
0x204: {  	v2 =	vor.u32 v3, v2;
	_ =	sdelay $0x4  }
0x205: {  	[tilespmem:v2+s18+$0x0] =	vst.idx.add.f32.msk vm0, v1  }
0x206: {  	v2 =	vld [tilespmem:s21+$0x2D10];
	_ =	sdelay $0x3  }
0x207: {  	v3 =	vld [tilespmem:s21+$0x10]  }
0x208: {  	v2 =	vadd.s32 $0xFFFFFE20, v2  }
0x209: {  	vm15 =	vlt.u32 v2, $0x60  }
0x20a: {  	v2 =	vnsel vm15, $0x0, v2  }
0x20b: {  	v62 =	vshrl.u32 v2, $0x3  }
0x20c: {  	v63 =	vshll.u32 v3, $0x3;
	v4 =	vmul.u32 $0x1800, v62  }
0x20d: {  	v5 =	vand.u32 $0xFFFFFC00, v63;
	v2 =	vshll.u32 v2, $0x7  }
0x20e: {  	v2 =	vand.u32 $0x380, v2;
	v4 =	vadd.s32 v5, v4  }
0x20f: {  	v3 =	vand.u32 $0x7F, v3;
	v2 =	vor.u32 v2, v4  }
0x210: {  	p0 =	sne.s32 s20, $0xB200;
	v2 =	vor.u32 v3, v2  }
.Ltmp11:
0x211: {  	_ = 	snop;
	(pc) =	sbr.rel @p0 .LBB2_19-.Ltmp11, $2  }
0x212: {  	_ =	sdelay $0x2  }
0x213: {  	s20 =	sadd.s32 $0x80, s20;
	[tilespmem:v2+s18+$0x0] =	vst.idx.add.f32.msk vm15, v1  }
0x214: {  	s20 =	simm.s32 $0x0  }
0x215: {  	[hbm4b:s10+s20] =	stream.linear.scatter [tilespmem:s18], [sflag:$0x1], $0x12000, $0x38;
	[tilespmem:$0x17A00] =	vst v63  }
0x216: {  	_ =	swait.ge [sflag:s16], $0x12000  }
0x217: {  	[sflag:s16] =	ssyncset.done $0x0  }
0x218: {  	s21 =	simm.s32 $0x0;
	[sflag:s16] =	ssyncadd.s32 $0xFFFEE000  }
.LBB2_21:
0x219: {  	s22 =	sshra.s32 s21, $0x2  }
0x21a: {  	v2 =	vld [tilespmem:s22+$0x2D00];
	_ =	sdelay $0x3  }
0x21b: {  	v3 =	vld [tilespmem:s22+$0x0]  }
0x21c: {  	v2 =	vadd.s32 $0xFFFFFE20, v2  }
0x21d: {  	vm0 =	vlt.u32 v2, $0x60  }
0x21e: {  	v2 =	vnsel vm0, $0x0, v2  }
0x21f: {  	v4 =	vshrl.u32 v2, $0x3  }
0x220: {  	v5 =	vshll.u32 v3, $0x3;
	v4 =	vmul.u32 $0x1800, v4  }
0x221: {  	v5 =	vand.u32 $0xFFFFFC00, v5;
	v2 =	vshll.u32 v2, $0x7  }
0x222: {  	v2 =	vand.u32 $0x380, v2;
	v4 =	vadd.s32 v5, v4  }
0x223: {  	v3 =	vand.u32 $0x7F, v3;
	v2 =	vor.u32 v2, v4  }
0x224: {  	v2 =	vor.u32 v3, v2;
	_ =	sdelay $0x4  }
0x225: {  	[tilespmem:v2+s18+$0x0] =	vst.idx.msk vm0, v0  }
0x226: {  	v2 =	vld [tilespmem:s22+$0x2D10];
	_ =	sdelay $0x3  }
0x227: {  	v3 =	vld [tilespmem:s22+$0x10]  }
0x228: {  	v2 =	vadd.s32 $0xFFFFFE20, v2  }
0x229: {  	vm15 =	vlt.u32 v2, $0x60  }
0x22a: {  	v2 =	vnsel vm15, $0x0, v2  }
0x22b: {  	v62 =	vshrl.u32 v2, $0x3  }
0x22c: {  	v63 =	vshll.u32 v3, $0x3;
	v4 =	vmul.u32 $0x1800, v62  }
0x22d: {  	v5 =	vand.u32 $0xFFFFFC00, v63;
	v2 =	vshll.u32 v2, $0x7  }
0x22e: {  	v2 =	vand.u32 $0x380, v2;
	v4 =	vadd.s32 v5, v4  }
0x22f: {  	v3 =	vand.u32 $0x7F, v3;
	v2 =	vor.u32 v2, v4  }
0x230: {  	p0 =	sne.s32 s21, $0xB200;
	v2 =	vor.u32 v3, v2  }
.Ltmp12:
0x231: {  	_ = 	snop;
	(pc) =	sbr.rel @p0 .LBB2_21-.Ltmp12, $2  }
0x232: {  	_ =	sdelay $0x2  }
0x233: {  	s21 =	sadd.s32 $0x80, s21;
	[tilespmem:v2+s18+$0x0] =	vst.idx.msk vm15, v0  }
.LBB2_22:
0x234: {  	s21 =	sshra.s32 s20, $0x2  }
0x235: {  	v2 =	vld [tilespmem:s21+$0x2D00];
	_ =	sdelay $0x3  }
0x236: {  	v3 =	vld [tilespmem:s21+$0x0]  }
0x237: {  	v2 =	vadd.s32 $0xFFFFFDC0, v2  }
0x238: {  	vm0 =	vlt.u32 v2, $0x60  }
0x239: {  	v2 =	vnsel vm0, $0x0, v2  }
0x23a: {  	v4 =	vshrl.u32 v2, $0x3  }
0x23b: {  	v5 =	vshll.u32 v3, $0x3;
	v4 =	vmul.u32 $0x1800, v4  }
0x23c: {  	v5 =	vand.u32 $0xFFFFFC00, v5;
	v2 =	vshll.u32 v2, $0x7  }
0x23d: {  	v2 =	vand.u32 $0x380, v2;
	v4 =	vadd.s32 v5, v4  }
0x23e: {  	v3 =	vand.u32 $0x7F, v3;
	v2 =	vor.u32 v2, v4  }
0x23f: {  	v2 =	vor.u32 v3, v2;
	_ =	sdelay $0x4  }
0x240: {  	[tilespmem:v2+s18+$0x0] =	vst.idx.add.f32.msk vm0, v1  }
0x241: {  	v2 =	vld [tilespmem:s21+$0x2D10];
	_ =	sdelay $0x3  }
0x242: {  	v3 =	vld [tilespmem:s21+$0x10]  }
0x243: {  	v2 =	vadd.s32 $0xFFFFFDC0, v2  }
0x244: {  	vm15 =	vlt.u32 v2, $0x60  }
0x245: {  	v2 =	vnsel vm15, $0x0, v2  }
0x246: {  	v62 =	vshrl.u32 v2, $0x3  }
0x247: {  	v63 =	vshll.u32 v3, $0x3;
	v4 =	vmul.u32 $0x1800, v62  }
0x248: {  	v5 =	vand.u32 $0xFFFFFC00, v63;
	v2 =	vshll.u32 v2, $0x7  }
0x249: {  	v2 =	vand.u32 $0x380, v2;
	v4 =	vadd.s32 v5, v4  }
0x24a: {  	v3 =	vand.u32 $0x7F, v3;
	v2 =	vor.u32 v2, v4  }
0x24b: {  	p0 =	sne.s32 s20, $0xB200;
	v2 =	vor.u32 v3, v2  }
.Ltmp13:
0x24c: {  	_ = 	snop;
	(pc) =	sbr.rel @p0 .LBB2_22-.Ltmp13, $2  }
0x24d: {  	_ =	sdelay $0x2  }
0x24e: {  	s20 =	sadd.s32 $0x80, s20;
	[tilespmem:v2+s18+$0x0] =	vst.idx.add.f32.msk vm15, v1  }
0x24f: {  	s20 =	simm.s32 $0x0  }
0x250: {  	[hbm4b:s11+s20] =	stream.linear.scatter [tilespmem:s18], [sflag:$0x1], $0x12000, $0x38;
	[tilespmem:$0x17A00] =	vst v63  }
0x251: {  	_ =	swait.ge [sflag:s16], $0x12000  }
0x252: {  	[sflag:s16] =	ssyncset.done $0x0  }
0x253: {  	s21 =	simm.s32 $0x0;
	[sflag:s16] =	ssyncadd.s32 $0xFFFEE000  }
.LBB2_24:
0x254: {  	s22 =	sshra.s32 s21, $0x2  }
0x255: {  	v2 =	vld [tilespmem:s22+$0x2D00];
	_ =	sdelay $0x3  }
0x256: {  	v3 =	vld [tilespmem:s22+$0x0]  }
0x257: {  	v2 =	vadd.s32 $0xFFFFFDC0, v2  }
0x258: {  	vm0 =	vlt.u32 v2, $0x60  }
0x259: {  	v2 =	vnsel vm0, $0x0, v2  }
0x25a: {  	v4 =	vshrl.u32 v2, $0x3  }
0x25b: {  	v5 =	vshll.u32 v3, $0x3;
	v4 =	vmul.u32 $0x1800, v4  }
0x25c: {  	v5 =	vand.u32 $0xFFFFFC00, v5;
	v2 =	vshll.u32 v2, $0x7  }
0x25d: {  	v2 =	vand.u32 $0x380, v2;
	v4 =	vadd.s32 v5, v4  }
0x25e: {  	v3 =	vand.u32 $0x7F, v3;
	v2 =	vor.u32 v2, v4  }
0x25f: {  	v2 =	vor.u32 v3, v2;
	_ =	sdelay $0x4  }
0x260: {  	[tilespmem:v2+s18+$0x0] =	vst.idx.msk vm0, v0  }
0x261: {  	v2 =	vld [tilespmem:s22+$0x2D10];
	_ =	sdelay $0x3  }
0x262: {  	v3 =	vld [tilespmem:s22+$0x10]  }
0x263: {  	v2 =	vadd.s32 $0xFFFFFDC0, v2  }
0x264: {  	vm15 =	vlt.u32 v2, $0x60  }
0x265: {  	v2 =	vnsel vm15, $0x0, v2  }
0x266: {  	v62 =	vshrl.u32 v2, $0x3  }
0x267: {  	v63 =	vshll.u32 v3, $0x3;
	v4 =	vmul.u32 $0x1800, v62  }
0x268: {  	v5 =	vand.u32 $0xFFFFFC00, v63;
	v2 =	vshll.u32 v2, $0x7  }
0x269: {  	v2 =	vand.u32 $0x380, v2;
	v4 =	vadd.s32 v5, v4  }
0x26a: {  	v3 =	vand.u32 $0x7F, v3;
	v2 =	vor.u32 v2, v4  }
0x26b: {  	p0 =	sne.s32 s21, $0xB200;
	v2 =	vor.u32 v3, v2  }
.Ltmp14:
0x26c: {  	_ = 	snop;
	(pc) =	sbr.rel @p0 .LBB2_24-.Ltmp14, $2  }
0x26d: {  	_ =	sdelay $0x2  }
0x26e: {  	s21 =	sadd.s32 $0x80, s21;
	[tilespmem:v2+s18+$0x0] =	vst.idx.msk vm15, v0  }
.LBB2_25:
0x26f: {  	s21 =	sshra.s32 s20, $0x2  }
0x270: {  	v2 =	vld [tilespmem:s21+$0x2D00];
	_ =	sdelay $0x3  }
0x271: {  	v3 =	vld [tilespmem:s21+$0x0]  }
0x272: {  	v2 =	vadd.s32 $0xFFFFFD60, v2  }
0x273: {  	vm0 =	vlt.u32 v2, $0x60  }
0x274: {  	v2 =	vnsel vm0, $0x0, v2  }
0x275: {  	v4 =	vshrl.u32 v2, $0x3  }
0x276: {  	v5 =	vshll.u32 v3, $0x3;
	v4 =	vmul.u32 $0x1800, v4  }
0x277: {  	v5 =	vand.u32 $0xFFFFFC00, v5;
	v2 =	vshll.u32 v2, $0x7  }
0x278: {  	v2 =	vand.u32 $0x380, v2;
	v4 =	vadd.s32 v5, v4  }
0x279: {  	v3 =	vand.u32 $0x7F, v3;
	v2 =	vor.u32 v2, v4  }
0x27a: {  	v2 =	vor.u32 v3, v2;
	_ =	sdelay $0x4  }
0x27b: {  	[tilespmem:v2+s18+$0x0] =	vst.idx.add.f32.msk vm0, v1  }
0x27c: {  	v2 =	vld [tilespmem:s21+$0x2D10];
	_ =	sdelay $0x3  }
0x27d: {  	v3 =	vld [tilespmem:s21+$0x10]  }
0x27e: {  	v2 =	vadd.s32 $0xFFFFFD60, v2  }
0x27f: {  	vm15 =	vlt.u32 v2, $0x60  }
0x280: {  	v2 =	vnsel vm15, $0x0, v2  }
0x281: {  	v62 =	vshrl.u32 v2, $0x3  }
0x282: {  	v63 =	vshll.u32 v3, $0x3;
	v4 =	vmul.u32 $0x1800, v62  }
0x283: {  	v5 =	vand.u32 $0xFFFFFC00, v63;
	v2 =	vshll.u32 v2, $0x7  }
0x284: {  	v2 =	vand.u32 $0x380, v2;
	v4 =	vadd.s32 v5, v4  }
0x285: {  	v3 =	vand.u32 $0x7F, v3;
	v2 =	vor.u32 v2, v4  }
0x286: {  	p0 =	sne.s32 s20, $0xB200;
	v2 =	vor.u32 v3, v2  }
.Ltmp15:
0x287: {  	_ = 	snop;
	(pc) =	sbr.rel @p0 .LBB2_25-.Ltmp15, $2  }
0x288: {  	_ =	sdelay $0x2  }
0x289: {  	s20 =	sadd.s32 $0x80, s20;
	[tilespmem:v2+s18+$0x0] =	vst.idx.add.f32.msk vm15, v1  }
0x28a: {  	s19 =	sadd.s32 $0x1, s19  }
0x28b: {  	p0 =	sne.s32 s19, s13  }
.Ltmp16:
0x28c: {  	_ = 	snop;
	(pc) =	sbr.rel @p0 .LBB2_1-.Ltmp16, $4  }
0x28d: {  	[hbm4b:s12+s2] =	stream.linear.scatter [tilespmem:s18], [sflag:$0x1], $0x12000, $0x38;
	[tilespmem:$0x17A00] =	vst v63  }
0x28e: {  	_ =	swait.ge [sflag:s16], $0x12000  }
0x28f: {  	[sflag:s16] =	ssyncset.done $0x0  }
0x290: {  	[sflag:s16] =	ssyncadd.s32 $0xFFFEE000  }
0x291: {  	_ =	sfence.sel $0x180000  }
0x292: {  	[bflag:$0x0] =	sbarrier.arrive $0xFFFF  }
0x293: {  	p0 =	sne.s32 s0, $0x0;
	_ =	strace $0x9000004A  }
0x294: {  	s0 =	sadd.s32 @!p0 $0x100000, s1;
	[bflag:$0x2] =	sbarrier.arrive $0xFFFF  }
0x295: {  	[sflag:s0] =	ssyncadd.tile.s32 @!p0 $0x1;
	_ =	shalt  }
.Lfunc_end2:
_tile_overlayer_lowered:
.L_overlay_start_2:
0x296: {  	(tag) =	ssettag $0x2  }
0x297: {  	s0 =	rddreg [dreg:$0x0];
	s2 =	stileid.u32  }
0x298: {  	s1 =	rddreg [dreg:$0x1];
	p0 =	sne.s32 s2, $0x0  }
0x299: {  	s3 =	rddreg [dreg:$0x2];
	[bflag:$0x3] =	sbarrier.arrive $0xFFFF;
	s2 =	simm.s32 @!p0 $0x1C01  }
0x29a: {  	[timem:s3], [sflag:s2] =	dma.local @!p0 [hbm:s0], s1  }
0x29b: {  	s0 =	simm.s32 @!p0 $0x1  }
0x29c: {  	_ =	swait.ge @!p0 [sflag:s0], s1  }
0x29d: {  	s1 =	ssub.s32 @!p0 $0x0, s1;
	[sflag:s0] =	ssyncset.done @!p0 $0x0  }
0x29e: {  	[sflag:s0] =	ssyncadd.s32 @!p0 s1  }
0x29f: {  	[bflag:$0x3] =	sbarrier.arrive $0xFFFF  }
0x2a0: {  	_ =	shalt  }

// kernel: kernel.9.cloned.1.call-start
scs
__scs_entry_jumppad:
0x0: {  	(pc) =	sbr.rel $0x88, $3  }
0x1: {  	(tag) =	ssettag $0x0;
	lr =	simm.s32 $0x1  }
0x2: {  	[smem:$0x3F93] =	sst lr;
	_ =	strace $0xD0000000  }
0x3: {  	_ = 	snop  }
0x4: {  	_ = 	snop  }
0x5: {  	_ = 	snop  }
0x6: {  	_ = 	snop  }
0x7: {  	_ = 	snop  }
__scs_overlays_trampoline_lowered:
0x8: {  	[smem:$0x3FA2] =	sst s0  }
0x9: {  	[smem:$0x3FA3] =	sst s1  }
0xa: {  	[smem:$0x3FA4] =	sst s2  }
0xb: {  	[smem:$0x3FA5] =	sst s3  }
0xc: {  	[smem:$0x3FA6] =	sst s4  }
0xd: {  	[smem:$0x3FA7] =	sst s5  }
0xe: {  	[smem:$0x3FA8] =	sst s6  }
0xf: {  	[smem:$0x3FA9] =	sst s7  }
0x10: {  	[smem:$0x3FAA] =	sst s8  }
0x11: {  	[smem:$0x3FAB] =	sst s9;
	s0 =	simm.s32 @!p0 $0x0  }
0x12: {  	s1 =	sld [smem:$0x3F91];
	s0 =	simm.s32 @p0 $0x1  }
0x13: {  	[smem:$0x3FAC] =	sst s0;
	s0 =	simm.s32 @!p1 $0x0  }
0x14: {  	s2 =	sld [smem:$0x3F90];
	s0 =	simm.s32 @p1 $0x1  }
0x15: {  	[smem:$0x3FAD] =	sst s0;
	s0 =	simm.s32 @!p2 $0x0  }
0x16: {  	s3 =	sld [smem:$0x3FDB];
	s0 =	simm.s32 @p2 $0x1  }
0x17: {  	s4 =	simm.s32 $0x1BF5;
	[smem:$0x3FAF] =	sst s0  }
0x18: {  	s0 =	sld [smem:$0x3F92];
	_ =	swait.ge [sflag:s4], $0x0  }
0x19: {  	s7 =	sld [smem:$0x3F93]  }
0x1a: {  	s8 =	sadd.s32 $0xFFFFE003, lr  }
0x1b: {  	s9 =	sadd.s32 $0xFFFFFEF7, lr;
	s5 =	simm.s32 $0xFFFFFFFF;
	p2 =	slt.u32 s8, $0xFFFFF086  }
0x1c: {  	p1 =	slt.u32 s9, $0xF7A;
	s5 =	simm.s32 @!p2 $0x0  }
0x1d: {  	s5 =	simm.s32 @p1 $0x1;
	p0 =	seq.s32 s7, s2  }
0x1e: {  	s7 =	smul.u32 @!p0 $0xF7A, s2;
	p2 =	seq.s32 @!p0 s5, $0x0  }
0x1f: {  	s9 =	smul.u32 $0xF7A, s1;
	s8 =	simm.s32 @!p0 $0x1BF5;
	p2 =	por !p2, p0  }
0x20: {  	[sflag:s8] =	ssyncset.s32 @!p0 $0xFFFFF086;
	s6 =	sadd.s32 @!p0 s3, s7;
	s7 =	simm.s32 @!p0 $0x108  }
0x21: {  	s3 =	sadd.s32 s3, s9;
	s6 =	sadd.s32 @!p0 $0x88, s6;
	s7 =	simm.s32 @p2 $0x1082  }
0x22: {  	[simem:s7], [sflag:s8] =	dma.local @!p0 [hbm:s6], $0xF7A  }
0x23: {  	s9 =	sor.u32 $0xD0000000, s2;
	s6 =	simm.s32 $0x108;
	_ =	swait.ge @!p0 [sflag:s8], $0x0  }
0x24: {  	s3 =	sadd.s32 $0x88, s3;
	s6 =	simm.s32 @!p1 $0x1082;
	[sflag:s4] =	ssyncset.s32 $0xFFFFF086  }
0x25: {  	[simem:s6], [sflag:s4] =	dma.local [hbm:s3], $0xF7A  }
0x26: {  	[smem:$0x3F93] =	sst s1;
	(tag) =	ssettag s2;
	_ =	strace s9  }
0x27: {  	s1 =	sld [smem:$0x3FA3]  }
0x28: {  	s2 =	sld [smem:$0x3FA4]  }
0x29: {  	s4 =	sld [smem:$0x3FA6]  }
0x2a: {  	p0 =	seq.s32 s5, $0x0;
	s5 =	sld [smem:$0x3FA7]  }
0x2b: {  	s6 =	sld [smem:$0x3FA8]  }
0x2c: {  	s7 =	sld [smem:$0x3FA9]  }
0x2d: {  	s3 =	simm.s32 $0x108;
	s8 =	sld [smem:$0x3FAA]  }
0x2e: {  	s3 =	simm.s32 @!p0 $0x1082;
	s9 =	sld [smem:$0x3FAB]  }
0x2f: {  	lr =	sadd.s32 s0, s3;
	s0 =	sld [smem:$0x3FA2]  }
0x30: {  	s3 =	sld [smem:$0x3FA5]  }
0x31: {  	[smem:$0x3FAE] =	sst s10  }
0x32: {  	s10 =	sld [smem:$0x3FAC];
	_ =	sdelay $0x3  }
0x33: {  	p0 =	seq.s32 s10, $0x1;
	s10 =	sld [smem:$0x3FAE];
	_ =	sdelay $0x3  }
0x34: {  	[smem:$0x3FAE] =	sst s10  }
0x35: {  	s10 =	sld [smem:$0x3FAD];
	_ =	sdelay $0x3  }
0x36: {  	p1 =	seq.s32 s10, $0x1;
	s10 =	sld [smem:$0x3FAE];
	_ =	sdelay $0x3  }
0x37: {  	[smem:$0x3FAE] =	sst s10  }
0x38: {  	s10 =	sld [smem:$0x3FAF]  }
0x39: {  	_ = 	snop;
	(pc) =	sbr.ind lr, $3  }
0x3a: {  	_ = 	snop  }
0x3b: {  	_ = 	snop  }
0x3c: {  	p2 =	seq.s32 s10, $0x1;
	s10 =	sld [smem:$0x3FAE]  }
0x3d: {  	_ =	shalt  }
0x3e: {  	_ =	shalt  }
0x3f: {  	_ =	shalt  }
0x40: {  	_ =	shalt  }
0x41: {  	_ =	shalt  }
0x42: {  	_ =	shalt  }
0x43: {  	_ =	shalt  }
0x44: {  	_ =	shalt  }
0x45: {  	_ =	shalt  }
0x46: {  	_ =	shalt  }
0x47: {  	_ =	shalt  }
0x48: {  	_ =	shalt  }
0x49: {  	_ =	shalt  }
0x4a: {  	_ =	shalt  }
0x4b: {  	_ =	shalt  }
0x4c: {  	_ =	shalt  }
0x4d: {  	_ =	shalt  }
0x4e: {  	_ =	shalt  }
0x4f: {  	_ =	shalt  }
0x50: {  	_ =	shalt  }
0x51: {  	_ =	shalt  }
0x52: {  	_ =	shalt  }
0x53: {  	_ =	shalt  }
0x54: {  	_ =	shalt  }
0x55: {  	_ =	shalt  }
0x56: {  	_ =	shalt  }
0x57: {  	_ =	shalt  }
0x58: {  	_ =	shalt  }
0x59: {  	_ =	shalt  }
0x5a: {  	_ =	shalt  }
0x5b: {  	_ =	shalt  }
0x5c: {  	_ =	shalt  }
0x5d: {  	_ =	shalt  }
0x5e: {  	_ =	shalt  }
0x5f: {  	_ =	shalt  }
0x60: {  	_ =	shalt  }
0x61: {  	_ =	shalt  }
0x62: {  	_ =	shalt  }
0x63: {  	_ =	shalt  }
0x64: {  	_ =	shalt  }
0x65: {  	_ =	shalt  }
0x66: {  	_ =	shalt  }
0x67: {  	_ =	shalt  }
0x68: {  	_ =	shalt  }
0x69: {  	_ =	shalt  }
0x6a: {  	_ =	shalt  }
0x6b: {  	_ =	shalt  }
0x6c: {  	_ =	shalt  }
0x6d: {  	_ =	shalt  }
0x6e: {  	_ =	shalt  }
0x6f: {  	_ =	shalt  }
0x70: {  	_ =	shalt  }
0x71: {  	_ =	shalt  }
0x72: {  	_ =	shalt  }
0x73: {  	_ =	shalt  }
0x74: {  	_ =	shalt  }
0x75: {  	_ =	shalt  }
0x76: {  	_ =	shalt  }
0x77: {  	_ =	shalt  }
0x78: {  	_ =	shalt  }
0x79: {  	_ =	shalt  }
0x7a: {  	_ =	shalt  }
0x7b: {  	_ =	shalt  }
0x7c: {  	_ =	shalt  }
0x7d: {  	_ =	shalt  }
0x7e: {  	_ =	shalt  }
0x7f: {  	_ =	shalt  }
0x80: {  	_ =	shalt  }
0x81: {  	_ =	shalt  }
0x82: {  	_ =	shalt  }
0x83: {  	_ =	shalt  }
0x84: {  	_ =	shalt  }
0x85: {  	_ =	shalt  }
0x86: {  	_ =	shalt  }
0x87: {  	_ =	shalt  }
.Lfunc_end0:
.L_simem_size_0:
called_computation.1_lowered:
.L_overlay_start_0:
0x88: {  	s2 =	sld [smem:$0x3FD9]  }
0x89: {  	s3 =	sld [smem:$0x3FFE];
	_ =	sdelay $0x1  }
0x8a: {  	s1 =	srdreg.scid  }
0x8b: {  	s0 =	sand.u32 $0x1, s1  }
0x8c: {  	s17 =	sshll.u32 s0, $0xA;
	s2 =	sadd.s32 s3, s2  }
0x8d: {  	s2 =	sadd.s32 s2, s17  }
0x8e: {  	[smem:$0x3FBA] =	sst s2  }
0x8f: {  	_ = 	snop  }
0x90: {  	s2 =	sld [smem:$0x3FD0];
	(tm) =	ssettm $0x1  }
0x91: {  	s18 =	sld [smem:$0x3FFB];
	_ =	sdelay $0x3  }
0x92: {  	_ =	strace s18  }
0x93: {  	s3 =	sld [smem:$0x3FFC];
	_ =	sdelay $0x3  }
0x94: {  	_ =	strace s3  }
0x95: {  	s3 =	sld [smem:$0x3FFD];
	_ =	sdelay $0x3  }
0x96: {  	_ =	strace s3  }
0x97: {  	_ =	strace $0x8FFFFFFF  }
0x98: {  	s19 =	sld [smem:$0x3FDB];
	_ =	sdelay $0x1  }
0x99: {  	s4 =	simm.s32 $_scs_section_size  }
0x9a: {  	s5 =	simm.s32 $_size__tile_overlayer_lowered;
	s6 =	simm.s32 $_tile_overlayer_lowered  }
0x9b: {  	s22 =	simm.s32 $0x1BFF;
	s21 =	sshll.u32 s6, $0x1;
	s3 =	sadd.s32 s4, s19  }
0x9c: {  	s7 =	simm.s32 $0x0;
	s20 =	sshll.u32 s5, $0x1;
	s5 =	sadd.s32 s21, s3  }
0x9d: {  	[timem:s7], [sflag:s22] =	dma.local [hbm:s5], s20  }
0x9e: {  	_ =	swait.ge [sflag:s22], s20  }
0x9f: {  	s4 =	ssub.s32 $0x0, s20;
	[sflag:s22] =	ssyncset.done $0x0  }
0xa0: {  	[sflag:s22] =	ssyncadd.s32 s4;
	_ =	sdelay $0x1  }
0xa1: {  	s23 =	simm.s32 $0x1B8B  }
0xa2: {  	_ =	swait.ge [sflag:s23], $0x1  }
0xa3: {  	[sflag:s23] =	ssyncset.done $0x0  }
0xa4: {  	s25 =	simm.s32 $0x1B8E;
	s24 =	sld [smem:$0x3FFE];
	[sflag:s23] =	ssyncadd.s32 $0xFFFFFFFF  }
0xa5: {  	s26 =	simm.s32 $execute0_lowered;
	[smem:$0x3FD2] =	sst s25  }
0xa6: {  	s5 =	sshll.u32 s26, $0x1;
	_ =	strace $0x80000046;
	[dreg:$0x1] =	wrdreg $0xFFFFFFFF  }
0xa7: {  	s28 =	simm.s32 $_size_execute0_lowered;
	s3 =	sadd.s32 s3, s5;
	[dreg:$0x0] =	wrdreg $0x0  }
0xa8: {  	s5 =	sshll.u32 s28, $0x1;
	[dreg:$0x2] =	wrdreg s3  }
0xa9: {  	[dreg:$0x3] =	wrdreg s5  }
0xaa: {  	[dreg:$0x4] =	wrdreg $0xC0  }
0xab: {  	_ =	task [dreg:s7], $0x5FFFF  }
0xac: {  	[dreg:$0x1] =	wrdreg $0xFFFFFFFF  }
0xad: {  	[dreg:$0x0] =	wrdreg $0x60  }
0xae: {  	[dreg:$0x2] =	wrdreg s24  }
0xaf: {  	[dreg:$0x3] =	wrdreg s2  }
0xb0: {  	[dreg:$0x4] =	wrdreg $0xA  }
0xb1: {  	_ =	task.clear_ibuf [dreg:s7], $0x5FFFF;
	_ =	strace $0x90000046  }
0xb2: {  	s29 =	simm.s32 $0xA;
	_ =	strace $0x80000048  }
0xb3: {  	_ =	swait.ge [sflag:s29], $0x1  }
0xb4: {  	[sflag:s29] =	ssyncadd.s32 $0xFFFFFFFF  }
0xb5: {  	_ =	strace $0x90000048  }
0xb6: {  	_ =	sfence  }
0xb7: {  	s30 =	sld [smem:$0x0];
	_ =	sdelay $0x2  }
0xb8: {  	s31 =	sshll.u32 s1, $0xD;
	s1 =	sshrl.u32 s1, $0x2  }
0xb9: {  	s3 =	sand.u32 $0x4000, s31;
	s1 =	sadd.s32 s1, s30  }
0xba: {  	s0 =	sor.u32 s3, s0;
	s1 =	sshll.u32 s1, $0x11  }
0xbb: {  	s0 =	sor.u32 s1, s0  }
0xbc: {  	s0 =	sadd.s32 $0x8F2B, s0  }
0xbd: {  	[sflag:s0] =	ssyncadd.remote.s32 $0x1  }
0xbe: {  	_ =	sfence.sel $0xFFFF  }
0xbf: {  	[dreg:$0x0] =	wrdreg $0xFFFFFFFF;
	(pc) =	sbr.abs _section_cstart, $3  }
0xc0: {  	[dreg:$0x1] =	wrdreg $0xFFFFFFFF  }
0xc1: {  	_ =	task.clear_ibuf [dreg:s7], $0x2FFFF;
	_ =	strace $0x9FFFFFFF  }
0xc2: {  	(tm) =	ssettm $0x7FFFFFFF  }
0xc3: {  	_ =	shalt  }
tec
execute0_lowered:
.L_overlay_start_1:
0x0: {  	(tag) =	ssettag $0x1  }
0x1: {  	s0 =	rddreg [dreg:$0x0];
	s1 =	srdreg.scid  }
0x2: {  	s3 =	stileid.u32;
	s2 =	rddreg [dreg:$0x1];
	s14 =	simm.s32 $0x5  }
0x3: {  	s15 =	simm.s32 $0x400;
	s16 =	simm.s32 $0x80;
	s17 =	simm.s32 $0x800  }
0x4: {  	s18 =	simm.s32 $0x8800;
	s19 =	simm.s32 $0x4800;
	s21 =	simm.s32 $0xC800  }
0x5: {  	s22 =	simm.s32 $0x1;
	s23 =	simm.s32 $0x3;
	s26 =	simm.s32 $0x2  }
0x6: {  	s28 =	simm.s32 $0x4;
	s31 =	simm.s32 $0x200;
	s20 =	simm.s32 $0x680  }
0x7: {  	s1 =	sand.u32 $0x1, s1;
	s4 =	sshll.u32 s3, $0x1;
	s3 =	simm.s32 $0x0  }
0x8: {  	s24 =	simm.s32 $0x0;
	s5 =	sor.u32 s1, s4;
	[smem:$0x7FF] =	sst s3  }
0x9: {  	s4 =	sadd.s32 $0x4C00, s0;
	s1 =	ssub.s32 $0x2, s1;
	s6 =	smul.u32 $0x18000, s5  }
0xa: {  	_ =	strace $0x80000047;
	s5 =	sshll.u32 s5, $0x7;
	s7 =	sshrl.u32 s1, $0x1  }
0xb: {  	s8 =	sadd.s32 s5, s0;
	s1 =	ssub.s32 s1, s7;
	s6 =	sshrl.u32 s6, $0x3  }
0xc: {  	s5 =	sadd.s32 $0x2C00, s8;
	s13 =	smax.u32 s1, $0x1;
	s0 =	sadd.s32 s6, s0  }
0xd: {  	s1 =	simm.s32 $0x600;
	s6 =	sadd.s32 $0x3C00, s8;
	s7 =	sadd.s32 $0x18C00, s0  }
0xe: {  	s8 =	sadd.s32 $0x19400, s0;
	s9 =	sadd.s32 $0x19C00, s0;
	s10 =	sadd.s32 $0x1A400, s0  }
0xf: {  	s11 =	sadd.s32 $0x1AC00, s0;
	s12 =	sadd.s32 $0x1B400, s0;
	s0 =	simm.s32 $0x280  }
.LBB2_1:
0x10: {  	[tilespmem:s3], [sflag:$0x5] =	stream.linear.gather [hbm4b:s5+s3], $0x300, $0x38;
	[tilespmem:$0x10800] =	vst v63  }
0x11: {  	_ =	swait.ge [sflag:s14], $0x300  }
0x12: {  	[sflag:s14] =	ssyncset.done $0x0  }
0x13: {  	[sflag:s14] =	ssyncadd.s32 $0xFFFFFD00  }
0x14: {  	[tilespmem:s15], [sflag:$0x5] =	stream.linear.gather [hbm4b:s6+s3], $0x300, $0x38;
	[tilespmem:$0x10800] =	vst v63  }
0x15: {  	_ =	swait.ge [sflag:s14], $0x300  }
0x16: {  	[sflag:s14] =	ssyncset.done $0x0  }
0x17: {  	[sflag:s14] =	ssyncadd.s32 $0xFFFFFD00  }
0x18: {  	[tilespmem:s17], [sflag:$0x1] =	stream.indirect.gather [hbm4b:s4+s16], $0x80, s3, s16, $0xb8;
	[tilespmem:$0x10800] =	vst v63  }
0x19: {  	_ = 	snop  }
0x1a: {  	[tilespmem:s18], [sflag:$0x3] =	stream.indirect.gather [hbm4b:s2+s16], $0x80, s15, s16, $0xb8;
	[tilespmem:$0x10800] =	vst v63  }
0x1b: {  	_ = 	snop  }
0x1c: {  	[tilespmem:s19], [sflag:$0x2] =	stream.indirect.gather [hbm4b:s4+s16], $0x80, s16, s16, $0xb8;
	[tilespmem:$0x10800] =	vst v63  }
0x1d: {  	s25 =	simm.s32 $0x480  }
0x1e: {  	[tilespmem:s21], [sflag:$0x4] =	stream.indirect.gather [hbm4b:s2+s16], $0x80, s25, s16, $0xb8;
	[tilespmem:$0x10800] =	vst v63  }
0x1f: {  	_ =	swait.ge [sflag:s22], $0x4000  }
0x20: {  	[sflag:s22] =	ssyncset.done $0x0  }
0x21: {  	[sflag:s22] =	ssyncadd.s32 $0xFFFFC000  }
0x22: {  	_ =	swait.ge [sflag:s23], $0x4000  }
0x23: {  	[sflag:s23] =	ssyncset.done $0x0  }
0x24: {  	s25 =	simm.s32 $0x0;
	[sflag:s23] =	ssyncadd.s32 $0xFFFFC000  }
0x25: {  	v7 =	vld [tilespmem:s25+$0x8800]  }
0x26: {  	v11 =	vld [tilespmem:s25+$0x8810]  }
0x27: {  	v5 =	vld [tilespmem:s25+$0x8820]  }
0x28: {  	v4 =	vld [tilespmem:s25+$0x8830]  }
0x29: {  	v3 =	vld [tilespmem:s25+$0x8840]  }
0x2a: {  	v2 =	vld [tilespmem:s25+$0x8850]  }
0x2b: {  	v1 =	vld [tilespmem:s25+$0x8860]  }
0x2c: {  	v0 =	vld [tilespmem:s25+$0x8870]  }
0x2d: {  	v12 =	vld [tilespmem:s25+$0x800]  }
0x2e: {  	v13 =	vld [tilespmem:s25+$0x810]  }
0x2f: {  	v10 =	vld [tilespmem:s25+$0x820]  }
0x30: {  	v9 =	vld [tilespmem:s25+$0x830]  }
0x31: {  	v8 =	vld [tilespmem:s25+$0x840]  }
0x32: {  	v6 =	vld [tilespmem:s25+$0x850];
	v12 =	vadd.f32 v7, v12  }
0x33: {  	s29 =	simm.s32 $0x200;
	v11 =	vadd.f32 v11, v13;
	v7 =	vld [tilespmem:s25+$0x860]  }
.LBB2_2:
0x34: {  	s30 =	sshra.s32 s29, $0x2;
	p0 =	sne.s32 s29, $0xFE00;
	[tilespmem:s25+$0x800] =	vst v12;
	v5 =	vadd.f32 v5, v10;
	v10 =	vld [tilespmem:s25+$0x870]  }
0x35: {  	v12 =	vld [tilespmem:s30+$0x8800];
	[tilespmem:s25+$0x810] =	vst v11;
	v4 =	vadd.f32 v4, v9  }
0x36: {  	v11 =	vld [tilespmem:s30+$0x8810];
	[tilespmem:s25+$0x820] =	vst v5;
	v3 =	vadd.f32 v3, v8  }
0x37: {  	v5 =	vld [tilespmem:s30+$0x8820];
	[tilespmem:s25+$0x830] =	vst v4;
	v2 =	vadd.f32 v2, v6  }
0x38: {  	v4 =	vld [tilespmem:s30+$0x8830];
	[tilespmem:s25+$0x840] =	vst v3;
	v1 =	vadd.f32 v1, v7  }
0x39: {  	v3 =	vld [tilespmem:s30+$0x8840];
	[tilespmem:s25+$0x850] =	vst v2;
	v0 =	vadd.f32 v0, v10  }
0x3a: {  	v2 =	vld [tilespmem:s30+$0x8850];
	[tilespmem:s25+$0x860] =	vst v1  }
0x3b: {  	v1 =	vld [tilespmem:s30+$0x8860];
	[tilespmem:s25+$0x870] =	vst v0;
	s25 =	smov.u32 s30  }
0x3c: {  	v0 =	vld [tilespmem:s25+$0x8870]  }
0x3d: {  	v6 =	vld [tilespmem:s25+$0x800]  }
0x3e: {  	v7 =	vld [tilespmem:s25+$0x810]  }
.Ltmp0:
0x3f: {  	v10 =	vld [tilespmem:s25+$0x820];
	(pc) =	sbr.rel @p0 .LBB2_2-.Ltmp0, $4  }
0x40: {  	v9 =	vld [tilespmem:s25+$0x830]  }
0x41: {  	v8 =	vld [tilespmem:s25+$0x840]  }
0x42: {  	v12 =	vadd.f32 v12, v6;
	v6 =	vld [tilespmem:s25+$0x850]  }
0x43: {  	s29 =	sadd.s32 $0x200, s29;
	v11 =	vadd.f32 v11, v7;
	v7 =	vld [tilespmem:s25+$0x860]  }
0x44: {  	[tilespmem:s25+$0x800] =	vst v12;
	v5 =	vadd.f32 v5, v10;
	v10 =	vld [tilespmem:s25+$0x870]  }
0x45: {  	[tilespmem:s25+$0x810] =	vst v11;
	v4 =	vadd.f32 v4, v9  }
0x46: {  	[tilespmem:s25+$0x820] =	vst v5;
	v3 =	vadd.f32 v3, v8  }
0x47: {  	[tilespmem:s25+$0x830] =	vst v4;
	v2 =	vadd.f32 v2, v6  }
0x48: {  	[tilespmem:s25+$0x840] =	vst v3;
	v1 =	vadd.f32 v1, v7  }
0x49: {  	[tilespmem:s25+$0x850] =	vst v2;
	v0 =	vadd.f32 v0, v10  }
0x4a: {  	[tilespmem:s25+$0x860] =	vst v1  }
0x4b: {  	s30 =	simm.s32 $0x0;
	[tilespmem:s25+$0x870] =	vst v0  }
0x4c: {  	[hbm4b:s7+s30] =	stream.linear.scatter [tilespmem:s17], [sflag:$0x5], $0x4000, $0x38;
	[tilespmem:$0x10800] =	vst v63  }
0x4d: {  	_ =	swait.ge [sflag:s14], $0x4000  }
0x4e: {  	[sflag:s14] =	ssyncset.done $0x0  }
0x4f: {  	s30 =	simm.s32 $0x100;
	[sflag:s14] =	ssyncadd.s32 $0xFFFFC000  }
0x50: {  	[tilespmem:s17], [sflag:$0x1] =	stream.indirect.gather [hbm4b:s4+s16], $0x80, s30, s16, $0xb8;
	[tilespmem:$0x10800] =	vst v63  }
0x51: {  	s30 =	simm.s32 $0x500  }
0x52: {  	[tilespmem:s18], [sflag:$0x3] =	stream.indirect.gather [hbm4b:s2+s16], $0x80, s30, s16, $0xb8;
	[tilespmem:$0x10800] =	vst v63  }
0x53: {  	_ =	swait.ge [sflag:s26], $0x4000  }
0x54: {  	[sflag:s26] =	ssyncset.done $0x0  }
0x55: {  	[sflag:s26] =	ssyncadd.s32 $0xFFFFC000  }
0x56: {  	_ =	swait.ge [sflag:s28], $0x4000  }
0x57: {  	[sflag:s28] =	ssyncset.done $0x0  }
0x58: {  	s25 =	simm.s32 $0x0;
	[sflag:s28] =	ssyncadd.s32 $0xFFFFC000  }
0x59: {  	v7 =	vld [tilespmem:s25+$0xC800]  }
0x5a: {  	v11 =	vld [tilespmem:s25+$0xC810]  }
0x5b: {  	v5 =	vld [tilespmem:s25+$0xC820]  }
0x5c: {  	v4 =	vld [tilespmem:s25+$0xC830]  }
0x5d: {  	v3 =	vld [tilespmem:s25+$0xC840]  }
0x5e: {  	v2 =	vld [tilespmem:s25+$0xC850]  }
0x5f: {  	v1 =	vld [tilespmem:s25+$0xC860]  }
0x60: {  	v0 =	vld [tilespmem:s25+$0xC870]  }
0x61: {  	v12 =	vld [tilespmem:s25+$0x4800]  }
0x62: {  	v13 =	vld [tilespmem:s25+$0x4810]  }
0x63: {  	v10 =	vld [tilespmem:s25+$0x4820]  }
0x64: {  	v9 =	vld [tilespmem:s25+$0x4830]  }
0x65: {  	v8 =	vld [tilespmem:s25+$0x4840]  }
0x66: {  	v6 =	vld [tilespmem:s25+$0x4850];
	v12 =	vadd.f32 v7, v12  }
0x67: {  	s29 =	simm.s32 $0x200;
	v11 =	vadd.f32 v11, v13;
	v7 =	vld [tilespmem:s25+$0x4860]  }
.LBB2_4:
0x68: {  	s30 =	sshra.s32 s29, $0x2;
	p0 =	sne.s32 s29, $0xFE00;
	[tilespmem:s25+$0x4800] =	vst v12;
	v5 =	vadd.f32 v5, v10;
	v10 =	vld [tilespmem:s25+$0x4870]  }
0x69: {  	v12 =	vld [tilespmem:s30+$0xC800];
	[tilespmem:s25+$0x4810] =	vst v11;
	v4 =	vadd.f32 v4, v9  }
0x6a: {  	v11 =	vld [tilespmem:s30+$0xC810];
	[tilespmem:s25+$0x4820] =	vst v5;
	v3 =	vadd.f32 v3, v8  }
0x6b: {  	v5 =	vld [tilespmem:s30+$0xC820];
	[tilespmem:s25+$0x4830] =	vst v4;
	v2 =	vadd.f32 v2, v6  }
0x6c: {  	v4 =	vld [tilespmem:s30+$0xC830];
	[tilespmem:s25+$0x4840] =	vst v3;
	v1 =	vadd.f32 v1, v7  }
0x6d: {  	v3 =	vld [tilespmem:s30+$0xC840];
	[tilespmem:s25+$0x4850] =	vst v2;
	v0 =	vadd.f32 v0, v10  }
0x6e: {  	v2 =	vld [tilespmem:s30+$0xC850];
	[tilespmem:s25+$0x4860] =	vst v1  }
0x6f: {  	v1 =	vld [tilespmem:s30+$0xC860];
	[tilespmem:s25+$0x4870] =	vst v0;
	s25 =	smov.u32 s30  }
0x70: {  	v0 =	vld [tilespmem:s25+$0xC870]  }
0x71: {  	v6 =	vld [tilespmem:s25+$0x4800]  }
0x72: {  	v7 =	vld [tilespmem:s25+$0x4810]  }
.Ltmp1:
0x73: {  	v10 =	vld [tilespmem:s25+$0x4820];
	(pc) =	sbr.rel @p0 .LBB2_4-.Ltmp1, $4  }
0x74: {  	v9 =	vld [tilespmem:s25+$0x4830]  }
0x75: {  	v8 =	vld [tilespmem:s25+$0x4840]  }
0x76: {  	v12 =	vadd.f32 v12, v6;
	v6 =	vld [tilespmem:s25+$0x4850]  }
0x77: {  	s29 =	sadd.s32 $0x200, s29;
	v11 =	vadd.f32 v11, v7;
	v7 =	vld [tilespmem:s25+$0x4860]  }
0x78: {  	[tilespmem:s25+$0x4800] =	vst v12;
	v5 =	vadd.f32 v5, v10;
	v10 =	vld [tilespmem:s25+$0x4870]  }
0x79: {  	[tilespmem:s25+$0x4810] =	vst v11;
	v4 =	vadd.f32 v4, v9  }
0x7a: {  	[tilespmem:s25+$0x4820] =	vst v5;
	v3 =	vadd.f32 v3, v8  }
0x7b: {  	[tilespmem:s25+$0x4830] =	vst v4;
	v2 =	vadd.f32 v2, v6  }
0x7c: {  	[tilespmem:s25+$0x4840] =	vst v3;
	v1 =	vadd.f32 v1, v7  }
0x7d: {  	[tilespmem:s25+$0x4850] =	vst v2;
	v0 =	vadd.f32 v0, v10  }
0x7e: {  	[tilespmem:s25+$0x4860] =	vst v1  }
0x7f: {  	s30 =	simm.s32 $0x0;
	[tilespmem:s25+$0x4870] =	vst v0  }
0x80: {  	[hbm4b:s8+s30] =	stream.linear.scatter [tilespmem:s19], [sflag:$0x5], $0x4000, $0x38;
	[tilespmem:$0x10800] =	vst v63  }
0x81: {  	_ =	swait.ge [sflag:s14], $0x4000  }
0x82: {  	[sflag:s14] =	ssyncset.done $0x0  }
0x83: {  	s30 =	simm.s32 $0x180;
	[sflag:s14] =	ssyncadd.s32 $0xFFFFC000  }
0x84: {  	[tilespmem:s19], [sflag:$0x2] =	stream.indirect.gather [hbm4b:s4+s16], $0x80, s30, s16, $0xb8;
	[tilespmem:$0x10800] =	vst v63  }
0x85: {  	s30 =	simm.s32 $0x580  }
0x86: {  	[tilespmem:s21], [sflag:$0x4] =	stream.indirect.gather [hbm4b:s2+s16], $0x80, s30, s16, $0xb8;
	[tilespmem:$0x10800] =	vst v63  }
0x87: {  	_ =	swait.ge [sflag:s22], $0x4000  }
0x88: {  	[sflag:s22] =	ssyncset.done $0x0  }
0x89: {  	[sflag:s22] =	ssyncadd.s32 $0xFFFFC000  }
0x8a: {  	_ =	swait.ge [sflag:s23], $0x4000  }
0x8b: {  	[sflag:s23] =	ssyncset.done $0x0  }
0x8c: {  	s25 =	simm.s32 $0x0;
	[sflag:s23] =	ssyncadd.s32 $0xFFFFC000  }
0x8d: {  	v7 =	vld [tilespmem:s25+$0x8800]  }
0x8e: {  	v11 =	vld [tilespmem:s25+$0x8810]  }
0x8f: {  	v5 =	vld [tilespmem:s25+$0x8820]  }
0x90: {  	v4 =	vld [tilespmem:s25+$0x8830]  }
0x91: {  	v3 =	vld [tilespmem:s25+$0x8840]  }
0x92: {  	v2 =	vld [tilespmem:s25+$0x8850]  }
0x93: {  	v1 =	vld [tilespmem:s25+$0x8860]  }
0x94: {  	v0 =	vld [tilespmem:s25+$0x8870]  }
0x95: {  	v12 =	vld [tilespmem:s25+$0x800]  }
0x96: {  	v13 =	vld [tilespmem:s25+$0x810]  }
0x97: {  	v10 =	vld [tilespmem:s25+$0x820]  }
0x98: {  	v9 =	vld [tilespmem:s25+$0x830]  }
0x99: {  	v8 =	vld [tilespmem:s25+$0x840]  }
0x9a: {  	v6 =	vld [tilespmem:s25+$0x850];
	v12 =	vadd.f32 v7, v12  }
0x9b: {  	s29 =	simm.s32 $0x200;
	v11 =	vadd.f32 v11, v13;
	v7 =	vld [tilespmem:s25+$0x860]  }
.LBB2_6:
0x9c: {  	s30 =	sshra.s32 s29, $0x2;
	p0 =	sne.s32 s29, $0xFE00;
	[tilespmem:s25+$0x800] =	vst v12;
	v5 =	vadd.f32 v5, v10;
	v10 =	vld [tilespmem:s25+$0x870]  }
0x9d: {  	v12 =	vld [tilespmem:s30+$0x8800];
	[tilespmem:s25+$0x810] =	vst v11;
	v4 =	vadd.f32 v4, v9  }
0x9e: {  	v11 =	vld [tilespmem:s30+$0x8810];
	[tilespmem:s25+$0x820] =	vst v5;
	v3 =	vadd.f32 v3, v8  }
0x9f: {  	v5 =	vld [tilespmem:s30+$0x8820];
	[tilespmem:s25+$0x830] =	vst v4;
	v2 =	vadd.f32 v2, v6  }
0xa0: {  	v4 =	vld [tilespmem:s30+$0x8830];
	[tilespmem:s25+$0x840] =	vst v3;
	v1 =	vadd.f32 v1, v7  }
0xa1: {  	v3 =	vld [tilespmem:s30+$0x8840];
	[tilespmem:s25+$0x850] =	vst v2;
	v0 =	vadd.f32 v0, v10  }
0xa2: {  	v2 =	vld [tilespmem:s30+$0x8850];
	[tilespmem:s25+$0x860] =	vst v1  }
0xa3: {  	v1 =	vld [tilespmem:s30+$0x8860];
	[tilespmem:s25+$0x870] =	vst v0;
	s25 =	smov.u32 s30  }
0xa4: {  	v0 =	vld [tilespmem:s25+$0x8870]  }
0xa5: {  	v6 =	vld [tilespmem:s25+$0x800]  }
0xa6: {  	v7 =	vld [tilespmem:s25+$0x810]  }
.Ltmp2:
0xa7: {  	v10 =	vld [tilespmem:s25+$0x820];
	(pc) =	sbr.rel @p0 .LBB2_6-.Ltmp2, $4  }
0xa8: {  	v9 =	vld [tilespmem:s25+$0x830]  }
0xa9: {  	v8 =	vld [tilespmem:s25+$0x840]  }
0xaa: {  	v12 =	vadd.f32 v12, v6;
	v6 =	vld [tilespmem:s25+$0x850]  }
0xab: {  	s29 =	sadd.s32 $0x200, s29;
	v11 =	vadd.f32 v11, v7;
	v7 =	vld [tilespmem:s25+$0x860]  }
0xac: {  	[tilespmem:s25+$0x800] =	vst v12;
	v5 =	vadd.f32 v5, v10;
	v10 =	vld [tilespmem:s25+$0x870]  }
0xad: {  	[tilespmem:s25+$0x810] =	vst v11;
	v4 =	vadd.f32 v4, v9  }
0xae: {  	[tilespmem:s25+$0x820] =	vst v5;
	v3 =	vadd.f32 v3, v8  }
0xaf: {  	[tilespmem:s25+$0x830] =	vst v4;
	v2 =	vadd.f32 v2, v6  }
0xb0: {  	[tilespmem:s25+$0x840] =	vst v3;
	v1 =	vadd.f32 v1, v7  }
0xb1: {  	[tilespmem:s25+$0x850] =	vst v2;
	v0 =	vadd.f32 v0, v10  }
0xb2: {  	[tilespmem:s25+$0x860] =	vst v1  }
0xb3: {  	s30 =	simm.s32 $0x0;
	[tilespmem:s25+$0x870] =	vst v0  }
0xb4: {  	[hbm4b:s9+s30] =	stream.linear.scatter [tilespmem:s17], [sflag:$0x5], $0x4000, $0x38;
	[tilespmem:$0x10800] =	vst v63  }
0xb5: {  	_ =	swait.ge [sflag:s14], $0x4000  }
0xb6: {  	[sflag:s14] =	ssyncset.done $0x0  }
0xb7: {  	[sflag:s14] =	ssyncadd.s32 $0xFFFFC000  }
0xb8: {  	[tilespmem:s17], [sflag:$0x1] =	stream.indirect.gather [hbm4b:s4+s16], $0x80, s31, s16, $0xb8;
	[tilespmem:$0x10800] =	vst v63  }
0xb9: {  	_ = 	snop  }
0xba: {  	[tilespmem:s18], [sflag:$0x3] =	stream.indirect.gather [hbm4b:s2+s16], $0x80, s1, s16, $0xb8;
	[tilespmem:$0x10800] =	vst v63  }
0xbb: {  	_ =	swait.ge [sflag:s26], $0x4000  }
0xbc: {  	[sflag:s26] =	ssyncset.done $0x0  }
0xbd: {  	[sflag:s26] =	ssyncadd.s32 $0xFFFFC000  }
0xbe: {  	_ =	swait.ge [sflag:s28], $0x4000  }
0xbf: {  	[sflag:s28] =	ssyncset.done $0x0  }
0xc0: {  	s25 =	simm.s32 $0x0;
	[sflag:s28] =	ssyncadd.s32 $0xFFFFC000  }
0xc1: {  	v7 =	vld [tilespmem:s25+$0xC800]  }
0xc2: {  	v11 =	vld [tilespmem:s25+$0xC810]  }
0xc3: {  	v5 =	vld [tilespmem:s25+$0xC820]  }
0xc4: {  	v4 =	vld [tilespmem:s25+$0xC830]  }
0xc5: {  	v3 =	vld [tilespmem:s25+$0xC840]  }
0xc6: {  	v2 =	vld [tilespmem:s25+$0xC850]  }
0xc7: {  	v1 =	vld [tilespmem:s25+$0xC860]  }
0xc8: {  	v0 =	vld [tilespmem:s25+$0xC870]  }
0xc9: {  	v12 =	vld [tilespmem:s25+$0x4800]  }
0xca: {  	v13 =	vld [tilespmem:s25+$0x4810]  }
0xcb: {  	v10 =	vld [tilespmem:s25+$0x4820]  }
0xcc: {  	v9 =	vld [tilespmem:s25+$0x4830]  }
0xcd: {  	v8 =	vld [tilespmem:s25+$0x4840]  }
0xce: {  	v6 =	vld [tilespmem:s25+$0x4850];
	v12 =	vadd.f32 v7, v12  }
0xcf: {  	s29 =	simm.s32 $0x200;
	v11 =	vadd.f32 v11, v13;
	v7 =	vld [tilespmem:s25+$0x4860]  }
.LBB2_8:
0xd0: {  	s30 =	sshra.s32 s29, $0x2;
	p0 =	sne.s32 s29, $0xFE00;
	[tilespmem:s25+$0x4800] =	vst v12;
	v5 =	vadd.f32 v5, v10;
	v10 =	vld [tilespmem:s25+$0x4870]  }
0xd1: {  	v12 =	vld [tilespmem:s30+$0xC800];
	[tilespmem:s25+$0x4810] =	vst v11;
	v4 =	vadd.f32 v4, v9  }
0xd2: {  	v11 =	vld [tilespmem:s30+$0xC810];
	[tilespmem:s25+$0x4820] =	vst v5;
	v3 =	vadd.f32 v3, v8  }
0xd3: {  	v5 =	vld [tilespmem:s30+$0xC820];
	[tilespmem:s25+$0x4830] =	vst v4;
	v2 =	vadd.f32 v2, v6  }
0xd4: {  	v4 =	vld [tilespmem:s30+$0xC830];
	[tilespmem:s25+$0x4840] =	vst v3;
	v1 =	vadd.f32 v1, v7  }
0xd5: {  	v3 =	vld [tilespmem:s30+$0xC840];
	[tilespmem:s25+$0x4850] =	vst v2;
	v0 =	vadd.f32 v0, v10  }
0xd6: {  	v2 =	vld [tilespmem:s30+$0xC850];
	[tilespmem:s25+$0x4860] =	vst v1  }
0xd7: {  	v1 =	vld [tilespmem:s30+$0xC860];
	[tilespmem:s25+$0x4870] =	vst v0;
	s25 =	smov.u32 s30  }
0xd8: {  	v0 =	vld [tilespmem:s25+$0xC870]  }
0xd9: {  	v6 =	vld [tilespmem:s25+$0x4800]  }
0xda: {  	v7 =	vld [tilespmem:s25+$0x4810]  }
.Ltmp3:
0xdb: {  	v10 =	vld [tilespmem:s25+$0x4820];
	(pc) =	sbr.rel @p0 .LBB2_8-.Ltmp3, $4  }
0xdc: {  	v9 =	vld [tilespmem:s25+$0x4830]  }
0xdd: {  	v8 =	vld [tilespmem:s25+$0x4840]  }
0xde: {  	v12 =	vadd.f32 v12, v6;
	v6 =	vld [tilespmem:s25+$0x4850]  }
0xdf: {  	s29 =	sadd.s32 $0x200, s29;
	v11 =	vadd.f32 v11, v7;
	v7 =	vld [tilespmem:s25+$0x4860]  }
0xe0: {  	[tilespmem:s25+$0x4800] =	vst v12;
	v5 =	vadd.f32 v5, v10;
	v10 =	vld [tilespmem:s25+$0x4870]  }
0xe1: {  	[tilespmem:s25+$0x4810] =	vst v11;
	v4 =	vadd.f32 v4, v9  }
0xe2: {  	[tilespmem:s25+$0x4820] =	vst v5;
	v3 =	vadd.f32 v3, v8  }
0xe3: {  	[tilespmem:s25+$0x4830] =	vst v4;
	v2 =	vadd.f32 v2, v6  }
0xe4: {  	[tilespmem:s25+$0x4840] =	vst v3;
	v1 =	vadd.f32 v1, v7  }
0xe5: {  	[tilespmem:s25+$0x4850] =	vst v2;
	v0 =	vadd.f32 v0, v10  }
0xe6: {  	[tilespmem:s25+$0x4860] =	vst v1  }
0xe7: {  	s30 =	simm.s32 $0x0;
	[tilespmem:s25+$0x4870] =	vst v0  }
0xe8: {  	[hbm4b:s10+s30] =	stream.linear.scatter [tilespmem:s19], [sflag:$0x5], $0x4000, $0x38;
	[tilespmem:$0x10800] =	vst v63  }
0xe9: {  	_ =	swait.ge [sflag:s14], $0x4000  }
0xea: {  	[sflag:s14] =	ssyncset.done $0x0  }
0xeb: {  	[sflag:s14] =	ssyncadd.s32 $0xFFFFC000  }
0xec: {  	[tilespmem:s19], [sflag:$0x2] =	stream.indirect.gather [hbm4b:s4+s16], $0x80, s0, s16, $0xb8;
	[tilespmem:$0x10800] =	vst v63  }
0xed: {  	_ = 	snop  }
0xee: {  	[tilespmem:s21], [sflag:$0x4] =	stream.indirect.gather [hbm4b:s2+s16], $0x80, s20, s16, $0xb8;
	[tilespmem:$0x10800] =	vst v63  }
0xef: {  	_ =	swait.ge [sflag:s22], $0x4000  }
0xf0: {  	[sflag:s22] =	ssyncset.done $0x0  }
0xf1: {  	[sflag:s22] =	ssyncadd.s32 $0xFFFFC000  }
0xf2: {  	_ =	swait.ge [sflag:s23], $0x4000  }
0xf3: {  	[sflag:s23] =	ssyncset.done $0x0  }
0xf4: {  	s25 =	simm.s32 $0x0;
	[sflag:s23] =	ssyncadd.s32 $0xFFFFC000  }
0xf5: {  	v7 =	vld [tilespmem:s25+$0x8800]  }
0xf6: {  	v11 =	vld [tilespmem:s25+$0x8810]  }
0xf7: {  	v5 =	vld [tilespmem:s25+$0x8820]  }
0xf8: {  	v4 =	vld [tilespmem:s25+$0x8830]  }
0xf9: {  	v3 =	vld [tilespmem:s25+$0x8840]  }
0xfa: {  	v2 =	vld [tilespmem:s25+$0x8850]  }
0xfb: {  	v1 =	vld [tilespmem:s25+$0x8860]  }
0xfc: {  	v0 =	vld [tilespmem:s25+$0x8870]  }
0xfd: {  	v12 =	vld [tilespmem:s25+$0x800]  }
0xfe: {  	v13 =	vld [tilespmem:s25+$0x810]  }
0xff: {  	v10 =	vld [tilespmem:s25+$0x820]  }
0x100: {  	v9 =	vld [tilespmem:s25+$0x830]  }
0x101: {  	v8 =	vld [tilespmem:s25+$0x840]  }
0x102: {  	v6 =	vld [tilespmem:s25+$0x850];
	v12 =	vadd.f32 v7, v12  }
0x103: {  	s29 =	simm.s32 $0x200;
	v11 =	vadd.f32 v11, v13;
	v7 =	vld [tilespmem:s25+$0x860]  }
.LBB2_10:
0x104: {  	s30 =	sshra.s32 s29, $0x2;
	p0 =	sne.s32 s29, $0xFE00;
	[tilespmem:s25+$0x800] =	vst v12;
	v5 =	vadd.f32 v5, v10;
	v10 =	vld [tilespmem:s25+$0x870]  }
0x105: {  	v12 =	vld [tilespmem:s30+$0x8800];
	[tilespmem:s25+$0x810] =	vst v11;
	v4 =	vadd.f32 v4, v9  }
0x106: {  	v11 =	vld [tilespmem:s30+$0x8810];
	[tilespmem:s25+$0x820] =	vst v5;
	v3 =	vadd.f32 v3, v8  }
0x107: {  	v5 =	vld [tilespmem:s30+$0x8820];
	[tilespmem:s25+$0x830] =	vst v4;
	v2 =	vadd.f32 v2, v6  }
0x108: {  	v4 =	vld [tilespmem:s30+$0x8830];
	[tilespmem:s25+$0x840] =	vst v3;
	v1 =	vadd.f32 v1, v7  }
0x109: {  	v3 =	vld [tilespmem:s30+$0x8840];
	[tilespmem:s25+$0x850] =	vst v2;
	v0 =	vadd.f32 v0, v10  }
0x10a: {  	v2 =	vld [tilespmem:s30+$0x8850];
	[tilespmem:s25+$0x860] =	vst v1  }
0x10b: {  	v1 =	vld [tilespmem:s30+$0x8860];
	[tilespmem:s25+$0x870] =	vst v0;
	s25 =	smov.u32 s30  }
0x10c: {  	v0 =	vld [tilespmem:s25+$0x8870]  }
0x10d: {  	v6 =	vld [tilespmem:s25+$0x800]  }
0x10e: {  	v7 =	vld [tilespmem:s25+$0x810]  }
.Ltmp4:
0x10f: {  	v10 =	vld [tilespmem:s25+$0x820];
	(pc) =	sbr.rel @p0 .LBB2_10-.Ltmp4, $4  }
0x110: {  	v9 =	vld [tilespmem:s25+$0x830]  }
0x111: {  	v8 =	vld [tilespmem:s25+$0x840]  }
0x112: {  	v12 =	vadd.f32 v12, v6;
	v6 =	vld [tilespmem:s25+$0x850]  }
0x113: {  	s29 =	sadd.s32 $0x200, s29;
	v11 =	vadd.f32 v11, v7;
	v7 =	vld [tilespmem:s25+$0x860]  }
0x114: {  	[tilespmem:s25+$0x800] =	vst v12;
	v5 =	vadd.f32 v5, v10;
	v10 =	vld [tilespmem:s25+$0x870]  }
0x115: {  	[tilespmem:s25+$0x810] =	vst v11;
	v4 =	vadd.f32 v4, v9  }
0x116: {  	[tilespmem:s25+$0x820] =	vst v5;
	v3 =	vadd.f32 v3, v8  }
0x117: {  	[tilespmem:s25+$0x830] =	vst v4;
	v2 =	vadd.f32 v2, v6  }
0x118: {  	[tilespmem:s25+$0x840] =	vst v3;
	v1 =	vadd.f32 v1, v7  }
0x119: {  	[tilespmem:s25+$0x850] =	vst v2;
	v0 =	vadd.f32 v0, v10  }
0x11a: {  	[tilespmem:s25+$0x860] =	vst v1  }
0x11b: {  	s30 =	simm.s32 $0x0;
	[tilespmem:s25+$0x870] =	vst v0  }
0x11c: {  	[hbm4b:s11+s30] =	stream.linear.scatter [tilespmem:s17], [sflag:$0x5], $0x4000, $0x38;
	[tilespmem:$0x10800] =	vst v63  }
0x11d: {  	_ =	swait.ge [sflag:s14], $0x4000  }
0x11e: {  	[sflag:s14] =	ssyncset.done $0x0  }
0x11f: {  	[sflag:s14] =	ssyncadd.s32 $0xFFFFC000  }
0x120: {  	_ =	swait.ge [sflag:s26], $0x4000  }
0x121: {  	[sflag:s26] =	ssyncset.done $0x0  }
0x122: {  	[sflag:s26] =	ssyncadd.s32 $0xFFFFC000  }
0x123: {  	_ =	swait.ge [sflag:s28], $0x4000  }
0x124: {  	[sflag:s28] =	ssyncset.done $0x0  }
0x125: {  	s25 =	simm.s32 $0x0;
	[sflag:s28] =	ssyncadd.s32 $0xFFFFC000  }
0x126: {  	v7 =	vld [tilespmem:s25+$0xC800]  }
0x127: {  	v11 =	vld [tilespmem:s25+$0xC810]  }
0x128: {  	v5 =	vld [tilespmem:s25+$0xC820]  }
0x129: {  	v4 =	vld [tilespmem:s25+$0xC830]  }
0x12a: {  	v3 =	vld [tilespmem:s25+$0xC840]  }
0x12b: {  	v2 =	vld [tilespmem:s25+$0xC850]  }
0x12c: {  	v1 =	vld [tilespmem:s25+$0xC860]  }
0x12d: {  	v0 =	vld [tilespmem:s25+$0xC870]  }
0x12e: {  	v12 =	vld [tilespmem:s25+$0x4800]  }
0x12f: {  	v13 =	vld [tilespmem:s25+$0x4810]  }
0x130: {  	v10 =	vld [tilespmem:s25+$0x4820]  }
0x131: {  	v9 =	vld [tilespmem:s25+$0x4830]  }
0x132: {  	v8 =	vld [tilespmem:s25+$0x4840]  }
0x133: {  	v6 =	vld [tilespmem:s25+$0x4850];
	v12 =	vadd.f32 v7, v12  }
0x134: {  	s29 =	simm.s32 $0x200;
	v11 =	vadd.f32 v11, v13;
	v7 =	vld [tilespmem:s25+$0x4860]  }
.LBB2_12:
0x135: {  	s30 =	sshra.s32 s29, $0x2;
	p0 =	sne.s32 s29, $0xFE00;
	[tilespmem:s25+$0x4800] =	vst v12;
	v5 =	vadd.f32 v5, v10;
	v10 =	vld [tilespmem:s25+$0x4870]  }
0x136: {  	v12 =	vld [tilespmem:s30+$0xC800];
	[tilespmem:s25+$0x4810] =	vst v11;
	v4 =	vadd.f32 v4, v9  }
0x137: {  	v11 =	vld [tilespmem:s30+$0xC810];
	[tilespmem:s25+$0x4820] =	vst v5;
	v3 =	vadd.f32 v3, v8  }
0x138: {  	v5 =	vld [tilespmem:s30+$0xC820];
	[tilespmem:s25+$0x4830] =	vst v4;
	v2 =	vadd.f32 v2, v6  }
0x139: {  	v4 =	vld [tilespmem:s30+$0xC830];
	[tilespmem:s25+$0x4840] =	vst v3;
	v1 =	vadd.f32 v1, v7  }
0x13a: {  	v3 =	vld [tilespmem:s30+$0xC840];
	[tilespmem:s25+$0x4850] =	vst v2;
	v0 =	vadd.f32 v0, v10  }
0x13b: {  	v2 =	vld [tilespmem:s30+$0xC850];
	[tilespmem:s25+$0x4860] =	vst v1  }
0x13c: {  	v1 =	vld [tilespmem:s30+$0xC860];
	[tilespmem:s25+$0x4870] =	vst v0;
	s25 =	smov.u32 s30  }
0x13d: {  	v0 =	vld [tilespmem:s25+$0xC870]  }
0x13e: {  	v6 =	vld [tilespmem:s25+$0x4800]  }
0x13f: {  	v7 =	vld [tilespmem:s25+$0x4810]  }
.Ltmp5:
0x140: {  	v10 =	vld [tilespmem:s25+$0x4820];
	(pc) =	sbr.rel @p0 .LBB2_12-.Ltmp5, $4  }
0x141: {  	v9 =	vld [tilespmem:s25+$0x4830]  }
0x142: {  	v8 =	vld [tilespmem:s25+$0x4840]  }
0x143: {  	v12 =	vadd.f32 v12, v6;
	v6 =	vld [tilespmem:s25+$0x4850]  }
0x144: {  	s29 =	sadd.s32 $0x200, s29;
	v11 =	vadd.f32 v11, v7;
	v7 =	vld [tilespmem:s25+$0x4860]  }
0x145: {  	[tilespmem:s25+$0x4800] =	vst v12;
	v5 =	vadd.f32 v5, v10;
	v63 =	vld [tilespmem:s25+$0x4870]  }
0x146: {  	[tilespmem:s25+$0x4810] =	vst v11;
	v4 =	vadd.f32 v4, v9  }
0x147: {  	[tilespmem:s25+$0x4820] =	vst v5;
	v3 =	vadd.f32 v3, v8  }
0x148: {  	[tilespmem:s25+$0x4830] =	vst v4;
	v2 =	vadd.f32 v2, v6  }
0x149: {  	[tilespmem:s25+$0x4840] =	vst v3;
	v1 =	vadd.f32 v1, v7  }
0x14a: {  	s24 =	sadd.s32 $0x1, s24;
	[tilespmem:s25+$0x4850] =	vst v2;
	v0 =	vadd.f32 v0, v63  }
0x14b: {  	p0 =	sne.s32 s24, s13;
	[tilespmem:s25+$0x4860] =	vst v1  }
.Ltmp6:
0x14c: {  	[tilespmem:s25+$0x4870] =	vst v0;
	(pc) =	sbr.rel @p0 .LBB2_1-.Ltmp6, $4  }
0x14d: {  	[hbm4b:s12+s3] =	stream.linear.scatter [tilespmem:s19], [sflag:$0x5], $0x4000, $0x38;
	[tilespmem:$0x10800] =	vst v63  }
0x14e: {  	_ =	swait.ge [sflag:s14], $0x4000  }
0x14f: {  	[sflag:s14] =	ssyncset.done $0x0  }
0x150: {  	[sflag:s14] =	ssyncadd.s32 $0xFFFFC000  }
0x151: {  	_ =	sfence.sel $0x180000  }
0x152: {  	[bflag:$0x0] =	sbarrier.arrive $0xFFFF  }
0x153: {  	_ =	strace $0x90000047  }
0x154: {  	s0 =	stileid.u32;
	[bflag:$0x2] =	sbarrier.arrive $0xFFFF  }
0x155: {  	p0 =	sne.s32 s0, $0x0;
	s0 =	rddreg [dreg:$0x2]  }
0x156: {  	s0 =	sadd.s32 @!p0 $0x100000, s0  }
0x157: {  	[sflag:s0] =	ssyncadd.tile.s32 @!p0 $0x1;
	_ =	shalt  }
.Lfunc_end2:
_tile_overlayer_lowered:
.L_overlay_start_2:
0x158: {  	(tag) =	ssettag $0x2  }
0x159: {  	s0 =	rddreg [dreg:$0x0];
	s2 =	stileid.u32  }
0x15a: {  	s1 =	rddreg [dreg:$0x1];
	p0 =	sne.s32 s2, $0x0  }
0x15b: {  	s3 =	rddreg [dreg:$0x2];
	[bflag:$0x3] =	sbarrier.arrive $0xFFFF;
	s2 =	simm.s32 @!p0 $0x1C05  }
0x15c: {  	[timem:s3], [sflag:s2] =	dma.local @!p0 [hbm:s0], s1  }
0x15d: {  	s0 =	simm.s32 @!p0 $0x5  }
0x15e: {  	_ =	swait.ge @!p0 [sflag:s0], s1  }
0x15f: {  	s1 =	ssub.s32 @!p0 $0x0, s1;
	[sflag:s0] =	ssyncset.done @!p0 $0x0  }
0x160: {  	[sflag:s0] =	ssyncadd.s32 @!p0 s1  }
0x161: {  	[bflag:$0x3] =	sbarrier.arrive $0xFFFF  }
0x162: {  	_ =	shalt  }

</sc_bundles>
